<compile_context>
chip_gen: v7x
topology: tpu7x:2x2x1
jax: 0.10.2.dev20260603
libtpu: 0.0.44.dev20260713+nightly
codegen_flags: <defaults>
</compile_context>

<pallas_src>
import functools

import jax
import jax.numpy as jnp
from jax import lax
from jax.experimental import pallas as pl
from jax.experimental.pallas import tpu as pltpu
from jax.experimental.pallas import tpu_sc as plsc

N_NODES = 50000
HALF = 25000
DIM = 64
PH = 25088
ROWS_PER_SUB = PH // 16
CHUNK = 128
N_SUB = 16
N_CORE = 2
EP = 802816
CHUNKS_PER_SUB = EP // (N_SUB * CHUNK)
DUMMY = HALF


def _layer_kernel(hpad, gidx, colloc, a_e, bpad, out, idx_v, cidx_v, a_v,
                  rows_v, shared, sem):
  cid = lax.axis_index("c")
  sid = lax.axis_index("s")

  my_rows = sid * ROWS_PER_SUB
  pltpu.sync_copy(bpad.at[pl.ds(cid * PH + my_rows, ROWS_PER_SUB)],
                  shared.at[pl.ds(my_rows, ROWS_PER_SUB)])
  plsc.subcore_barrier()

  def chunk_body(c, _):
    base = (sid * CHUNKS_PER_SUB + c) * CHUNK
    pltpu.sync_copy(gidx.at[pl.ds(base, CHUNK)], idx_v)
    pltpu.sync_copy(colloc.at[cid, pl.ds(base, CHUNK)], cidx_v)
    pltpu.sync_copy(a_e.at[pl.ds(base, CHUNK)], a_v)
    pltpu.async_copy(hpad.at[idx_v], rows_v, sem).wait()

    def group_body(g, _):
      av16 = a_v[pl.ds(g * 16, 16)]
      for j in range(16):
        e = g * 16 + j
        for d in range(DIM // 16):
          sl = pl.ds(d * 16, 16)
          rows_v[e, sl] = rows_v[e, sl] * av16[j]
      return 0

    lax.fori_loop(0, CHUNK // 16, group_body, 0)
    pltpu.sync_copy(rows_v, shared.at[cidx_v], add=True)
    return 0

  lax.fori_loop(0, CHUNKS_PER_SUB, chunk_body, 0)
  plsc.subcore_barrier()

  pltpu.sync_copy(shared.at[pl.ds(my_rows, ROWS_PER_SUB)],
                  out.at[pl.ds(cid * PH + my_rows, ROWS_PER_SUB)])


_layer = functools.partial(
    pl.kernel,
    out_type=jax.ShapeDtypeStruct((2 * PH, DIM), jnp.float32),
    mesh=plsc.VectorSubcoreMesh(core_axis_name="c", subcore_axis_name="s"),
    compiler_params=pltpu.CompilerParams(use_tc_tiling_on_sc=False),
    scratch_types=[
        pltpu.VMEM((CHUNK,), jnp.int32),
        pltpu.VMEM((CHUNK,), jnp.int32),
        pltpu.VMEM((CHUNK,), jnp.float32),
        pltpu.VMEM((CHUNK, DIM), jnp.float32),
        pltpu.VMEM_SHARED((PH, DIM), jnp.float32),
        pltpu.SemaphoreType.DMA,
    ],
)(_layer_kernel)


@jax.jit
def kernel(edge_index, edge_weight, edge_type, embeddings, edge_type_emb):
  row = edge_index[0].astype(jnp.int32)
  col = edge_index[1].astype(jnp.int32)
  n = embeddings.shape[0]
  x0 = embeddings

  deg = jnp.zeros((n,), jnp.float32).at[row].add(1.0)
  dsi = jnp.where(deg > 0, lax.rsqrt(jnp.where(deg > 0, deg, 1.0)), 0.0)
  a = edge_weight * dsi[row] * dsi[col]

  s = jnp.zeros((n, 3), jnp.float32).at[col, edge_type].add(a)
  b = 0.1 * (s @ edge_type_emb)

  gidx = jnp.where(row < HALF, row, row - HALF + PH)
  colloc = jnp.stack([
      jnp.where(col < HALF, col, DUMMY),
      jnp.where(col >= HALF, col - HALF, DUMMY),
  ])
  pad_e = EP - row.shape[0]
  gidx = jnp.concatenate([gidx, jnp.zeros((pad_e,), jnp.int32)])
  colloc = jnp.concatenate(
      [colloc, jnp.full((2, pad_e), DUMMY, jnp.int32)], axis=1)
  a_pad = jnp.concatenate([a, jnp.zeros((pad_e,), jnp.float32)])

  zpad = jnp.zeros((PH - HALF, DIM), jnp.float32)
  bpad = jnp.concatenate([b[:HALF], zpad, b[HALF:], zpad])
  hpad = jnp.concatenate([x0[:HALF], zpad, x0[HALF:], zpad])

  out = x0 / 4.0
  for _ in range(3):
    hpad = _layer(hpad, gidx, colloc, a_pad, bpad)
    out = out + jnp.concatenate([hpad[:HALF], hpad[PH:PH + HALF]]) / 4.0
  return out

# --- scband reference (transcript-rebuilt; emitter-appended) ---
"""Pipeline reference for scband-enhanced-light-gcn-37091337568956 (READ-ONLY COPY).

The authoritative reference and input builder live on the scoring server;
editing this copy changes nothing except your own understanding.
"""

import jax, jax.numpy as jnp
import numpy as np

NUM_USERS = 25000
NUM_ITEMS = 25000
NUM_NODES = NUM_USERS + NUM_ITEMS
EMBED_DIM = 64
NUM_LAYERS = 3
NUM_EDGE_TYPES = 3
NUM_EDGES = 800000


def setup_inputs(seed: int = 0) -> dict:
    key = jax.random.key(seed)
    k1, k2, k3, k4, k5 = jax.random.split(key, 5)
    edge_index = jax.random.randint(k1, (2, NUM_EDGES), 0, NUM_NODES, dtype=jnp.int64) if jax.config.jax_enable_x64 else jax.random.randint(k1, (2, NUM_EDGES), 0, NUM_NODES, dtype=jnp.int32)
    edge_weight = jax.random.uniform(k2, (NUM_EDGES,), dtype=jnp.float32)
    edge_type = jax.random.randint(k3, (NUM_EDGES,), 0, NUM_EDGE_TYPES, dtype=jnp.int32)
    # learned parameters (xavier-ish scale)
    emb_scale = float(np.sqrt(6.0 / (NUM_NODES + EMBED_DIM)))
    et_scale = float(np.sqrt(6.0 / (NUM_EDGE_TYPES + EMBED_DIM)))
    embeddings = jax.random.uniform(k4, (NUM_NODES, EMBED_DIM), dtype=jnp.float32, minval=-emb_scale, maxval=emb_scale)
    edge_type_emb = jax.random.uniform(k5, (NUM_EDGE_TYPES, EMBED_DIM), dtype=jnp.float32, minval=-et_scale, maxval=et_scale)
    return {
        "edge_index": edge_index,
        "edge_weight": edge_weight,
        "edge_type": edge_type,
        "embeddings": embeddings,
        "edge_type_emb": edge_type_emb,
    }


def reference(edge_index, edge_weight, edge_type, embeddings, edge_type_emb):
    x0 = embeddings
    row = edge_index[0]
    col = edge_index[1]
    n = x0.shape[0]
    # degree of row (source) nodes
    deg = jnp.zeros((n,), dtype=x0.dtype).at[row].add(1.0)
    deg_sqrt_inv = jnp.where(deg > 0, jax.lax.rsqrt(jnp.where(deg > 0, deg, 1.0)), 0.0)
    H_l = x0
    out = x0 / (NUM_LAYERS + 1)
    norm = (deg_sqrt_inv[row] * deg_sqrt_inv[col])[:, None]
    edge_influence = edge_type_emb[edge_type] * 0.1
    w = edge_weight[:, None]
    for _ in range(NUM_LAYERS):
        msg = H_l[row] + edge_influence
        msg = msg * w
        msg = msg * norm
        H_l = jnp.zeros((n, x0.shape[1]), dtype=x0.dtype).at[col].add(msg)
        out = out + H_l / (NUM_LAYERS + 1)
    return out

if __name__ == "__main__":
    import jax
    _d = setup_inputs()
    print(jax.jit(kernel)(*tuple(_d.values())))

</pallas_src>

<mosaic_0001>
#map = affine_map<(d0, d1) -> (0, 0)>
#map1 = affine_map<(d0, d1) -> (0)>
module attributes {stable_mosaic.version = 14 : i64} {
  func.func @_layer_kernel(%arg0: i32, %arg1: i32, %arg2: memref<50176x64xf32, #tpu.memory_space<hbm>>, %arg3: memref<802816xi32, #tpu.memory_space<hbm>>, %arg4: memref<2x802816xi32, #tpu.memory_space<hbm>>, %arg5: memref<802816xf32, #tpu.memory_space<hbm>>, %arg6: memref<50176x64xf32, #tpu.memory_space<hbm>>, %arg7: memref<50176x64xf32, #tpu.memory_space<hbm>>, %arg8: memref<128xi32, #tpu.memory_space<vmem>>, %arg9: memref<128xi32, #tpu.memory_space<vmem>>, %arg10: memref<128xf32, #tpu.memory_space<vmem>>, %arg11: memref<128x64xf32, #tpu.memory_space<vmem>>, %arg12: memref<25088x64xf32, #tpu.memory_space<vmem_shared>>, %arg13: memref<!tpu.dma_semaphore, #tpu.memory_space<semaphore_mem>>) attributes {dimension_semantics = [#tpu.dimension_semantics<core_parallel>, #tpu.dimension_semantics<subcore_parallel>], iteration_bounds = array<i64: 2, 16>, scalar_prefetch = 0 : i64, scratch_operands = 6 : i64, tpu.core_type = #tpu.core_type<sc_vector_subcore>, window_params = [{transform_indices = #map}, {transform_indices = #map1}, {transform_indices = #map}, {transform_indices = #map1}, {transform_indices = #map}, {transform_indices = #map}]} {
    %mul3A = arith.constant 1568 : i32
    %mul3A_0 = arith.muli %arg1, %mul3A : i32
    %mul3A_1 = arith.constant 25088 : i32
    %mul3A_2 = arith.muli %arg0, %mul3A_1 : i32
    %add3A = arith.addi %mul3A_2, %mul3A_0 : i32
    "tpu.region"() ({
      %run_scoped3A = tpu.sem_alloc : memref<!tpu.dma_semaphore, #tpu.memory_space<semaphore_mem>>
      %dma_start3A = arith.constant 0 : i32
      %dma_start3A_13 = tpu.memref_slice %arg12[%mul3A_0, %dma_start3A] : memref<25088x64xf32, #tpu.memory_space<vmem_shared>> -> memref<1568x64xf32, #tpu.memory_space<vmem_shared>>
      %dma_start3A_14 = arith.constant 0 : i32
      %dma_start3A_15 = tpu.memref_slice %arg6[%add3A, %dma_start3A_14] : memref<50176x64xf32, #tpu.memory_space<hbm>> -> memref<1568x64xf32, #tpu.memory_space<hbm>>
      tpu.enqueue_dma source(%dma_start3A_15 : memref<1568x64xf32, #tpu.memory_space<hbm>>) target(%dma_start3A_13 : memref<1568x64xf32, #tpu.memory_space<vmem_shared>>) target_semaphore(%run_scoped3A : memref<!tpu.dma_semaphore, #tpu.memory_space<semaphore_mem>>)
      %dma_wait3A = arith.constant 0 : i32
      %dma_wait3A_16 = tpu.memref_slice %arg12[%mul3A_0, %dma_wait3A] : memref<25088x64xf32, #tpu.memory_space<vmem_shared>> -> memref<1568x64xf32, #tpu.memory_space<vmem_shared>>
      %dma_wait3A_17 = arith.constant 0 : i32
      %dma_wait3A_18 = tpu.memref_slice %arg6[%add3A, %dma_wait3A_17] : memref<50176x64xf32, #tpu.memory_space<hbm>> -> memref<1568x64xf32, #tpu.memory_space<hbm>>
      tpu.wait_dma2 semaphore(%run_scoped3A : memref<!tpu.dma_semaphore, #tpu.memory_space<semaphore_mem>>) src(%dma_wait3A_18 : memref<1568x64xf32, #tpu.memory_space<hbm>>) dst(%dma_wait3A_16 : memref<1568x64xf32, #tpu.memory_space<vmem_shared>>)
      tpu.yield
    }) : () -> ()
    %barrier3A = arith.constant 0 : index
    tpu.barrier barrier_id(%barrier3A)
    %scan3A = arith.constant 0 : i32
    %scan3A_3 = arith.constant 0 : i32
    %scan3A_4 = arith.constant 392 : i32
    %scan3A_5 = arith.addi %scan3A_3, %scan3A_4 : i32
    %scan3A_6 = arith.constant 1 : i32
    %scan3A_7 = scf.for %scan3A_13 = %scan3A_3 to %scan3A_5 step %scan3A_6 iter_args(%scan3A_14 = %scan3A) -> (i32)  : i32 {
      %mul3A_15 = arith.constant 392 : i32
      %mul3A_16 = arith.muli %arg1, %mul3A_15 : i32
      %add3A_17 = arith.addi %mul3A_16, %scan3A_13 : i32
      %mul3A_18 = arith.constant 128 : i32
      %mul3A_19 = arith.muli %add3A_17, %mul3A_18 : i32
      "tpu.region"() ({
        %run_scoped3A = tpu.sem_alloc : memref<!tpu.dma_semaphore, #tpu.memory_space<semaphore_mem>>
        %dma_start3A_32 = tpu.memref_slice %arg3[%mul3A_19] : memref<802816xi32, #tpu.memory_space<hbm>> -> memref<128xi32, #tpu.memory_space<hbm>>
        %dma_start3A_33 = tpu.memref_slice %arg3[%mul3A_19] : memref<802816xi32, #tpu.memory_space<hbm>> -> memref<128xi32, #tpu.memory_space<hbm>>
        tpu.enqueue_dma source(%dma_start3A_33 : memref<128xi32, #tpu.memory_space<hbm>>) target(%arg8 : memref<128xi32, #tpu.memory_space<vmem>>) target_semaphore(%run_scoped3A : memref<!tpu.dma_semaphore, #tpu.memory_space<semaphore_mem>>)
        %dma_wait3A_34 = tpu.memref_slice %arg3[%mul3A_19] : memref<802816xi32, #tpu.memory_space<hbm>> -> memref<128xi32, #tpu.memory_space<hbm>>
        %dma_wait3A_35 = tpu.memref_slice %arg3[%mul3A_19] : memref<802816xi32, #tpu.memory_space<hbm>> -> memref<128xi32, #tpu.memory_space<hbm>>
        tpu.wait_dma2 semaphore(%run_scoped3A : memref<!tpu.dma_semaphore, #tpu.memory_space<semaphore_mem>>) src(%dma_wait3A_35 : memref<128xi32, #tpu.memory_space<hbm>>) dst(%arg8 : memref<128xi32, #tpu.memory_space<vmem>>)
        tpu.yield
      }) : () -> ()
      "tpu.region"() ({
        %run_scoped3A = tpu.sem_alloc : memref<!tpu.dma_semaphore, #tpu.memory_space<semaphore_mem>>
        %dma_start3A_32 = tpu.memref_slice %arg4[%arg0, %mul3A_19] : memref<2x802816xi32, #tpu.memory_space<hbm>> -> memref<1x128xi32, #tpu.memory_space<hbm>>
        %dma_start3A_33 = tpu.memref_squeeze %dma_start3A_32 : memref<1x128xi32, #tpu.memory_space<hbm>> -> memref<128xi32, #tpu.memory_space<hbm>>
        %dma_start3A_34 = tpu.memref_slice %arg4[%arg0, %mul3A_19] : memref<2x802816xi32, #tpu.memory_space<hbm>> -> memref<1x128xi32, #tpu.memory_space<hbm>>
        %dma_start3A_35 = tpu.memref_squeeze %dma_start3A_34 : memref<1x128xi32, #tpu.memory_space<hbm>> -> memref<128xi32, #tpu.memory_space<hbm>>
        tpu.enqueue_dma source(%dma_start3A_35 : memref<128xi32, #tpu.memory_space<hbm>>) target(%arg9 : memref<128xi32, #tpu.memory_space<vmem>>) target_semaphore(%run_scoped3A : memref<!tpu.dma_semaphore, #tpu.memory_space<semaphore_mem>>)
        %dma_wait3A_36 = tpu.memref_slice %arg4[%arg0, %mul3A_19] : memref<2x802816xi32, #tpu.memory_space<hbm>> -> memref<1x128xi32, #tpu.memory_space<hbm>>
        %dma_wait3A_37 = tpu.memref_squeeze %dma_wait3A_36 : memref<1x128xi32, #tpu.memory_space<hbm>> -> memref<128xi32, #tpu.memory_space<hbm>>
        %dma_wait3A_38 = tpu.memref_slice %arg4[%arg0, %mul3A_19] : memref<2x802816xi32, #tpu.memory_space<hbm>> -> memref<1x128xi32, #tpu.memory_space<hbm>>
        %dma_wait3A_39 = tpu.memref_squeeze %dma_wait3A_38 : memref<1x128xi32, #tpu.memory_space<hbm>> -> memref<128xi32, #tpu.memory_space<hbm>>
        tpu.wait_dma2 semaphore(%run_scoped3A : memref<!tpu.dma_semaphore, #tpu.memory_space<semaphore_mem>>) src(%dma_wait3A_39 : memref<128xi32, #tpu.memory_space<hbm>>) dst(%arg9 : memref<128xi32, #tpu.memory_space<vmem>>)
        tpu.yield
      }) : () -> ()
      "tpu.region"() ({
        %run_scoped3A = tpu.sem_alloc : memref<!tpu.dma_semaphore, #tpu.memory_space<semaphore_mem>>
        %dma_start3A_32 = tpu.memref_slice %arg5[%mul3A_19] : memref<802816xf32, #tpu.memory_space<hbm>> -> memref<128xf32, #tpu.memory_space<hbm>>
        %dma_start3A_33 = tpu.memref_slice %arg5[%mul3A_19] : memref<802816xf32, #tpu.memory_space<hbm>> -> memref<128xf32, #tpu.memory_space<hbm>>
        tpu.enqueue_dma source(%dma_start3A_33 : memref<128xf32, #tpu.memory_space<hbm>>) target(%arg10 : memref<128xf32, #tpu.memory_space<vmem>>) target_semaphore(%run_scoped3A : memref<!tpu.dma_semaphore, #tpu.memory_space<semaphore_mem>>)
        %dma_wait3A_34 = tpu.memref_slice %arg5[%mul3A_19] : memref<802816xf32, #tpu.memory_space<hbm>> -> memref<128xf32, #tpu.memory_space<hbm>>
        %dma_wait3A_35 = tpu.memref_slice %arg5[%mul3A_19] : memref<802816xf32, #tpu.memory_space<hbm>> -> memref<128xf32, #tpu.memory_space<hbm>>
        tpu.wait_dma2 semaphore(%run_scoped3A : memref<!tpu.dma_semaphore, #tpu.memory_space<semaphore_mem>>) src(%dma_wait3A_35 : memref<128xf32, #tpu.memory_space<hbm>>) dst(%arg10 : memref<128xf32, #tpu.memory_space<vmem>>)
        tpu.yield
      }) : () -> ()
      %dma_start3A = arith.constant 0 : i32
      %dma_start3A_20 = arith.constant 0 : i32
      %dma_start3A_21 = tpu.memref_slice %arg2[%dma_start3A, %dma_start3A_20] : memref<50176x64xf32, #tpu.memory_space<hbm>> -> memref<50176x64xf32, #tpu.memory_space<hbm>>
      tpu.enqueue_indirect_dma source(%dma_start3A_21 : memref<50176x64xf32, #tpu.memory_space<hbm>>) target(%arg11 : memref<128x64xf32, #tpu.memory_space<vmem>>) offsets(%arg8 : memref<128xi32, #tpu.memory_space<vmem>>) semaphore(%arg13 : memref<!tpu.dma_semaphore, #tpu.memory_space<semaphore_mem>>)
      %dma_wait3A = arith.constant 0 : i32
      %dma_wait3A_22 = arith.constant 0 : i32
      %dma_wait3A_23 = tpu.memref_slice %arg2[%dma_wait3A, %dma_wait3A_22] : memref<50176x64xf32, #tpu.memory_space<hbm>> -> memref<50176x64xf32, #tpu.memory_space<hbm>>
      tpu.wait_indirect_dma semaphore(%arg13 : memref<!tpu.dma_semaphore, #tpu.memory_space<semaphore_mem>>) src(%dma_wait3A_23 : memref<50176x64xf32, #tpu.memory_space<hbm>>) dst(%arg11 : memref<128x64xf32, #tpu.memory_space<vmem>>)
      %scan3A_24 = arith.constant 0 : i32
      %scan3A_25 = arith.constant 0 : i32
      %scan3A_26 = arith.constant 8 : i32
      %scan3A_27 = arith.addi %scan3A_25, %scan3A_26 : i32
      %scan3A_28 = arith.constant 1 : i32
      %scan3A_29 = scf.for %scan3A_32 = %scan3A_25 to %scan3A_27 step %scan3A_28 iter_args(%scan3A_33 = %scan3A_24) -> (i32)  : i32 {
        %mul3A_34 = arith.constant 16 : i32
        %mul3A_35 = arith.muli %scan3A_32, %mul3A_34 : i32
        %get3A = arith.index_cast %mul3A_35 : i32 to index
        %get3A_36 = tpu.vector_load %arg10[%get3A] {strides = array<i32>} : memref<128xf32, #tpu.memory_space<vmem>>, vector<16xf32>,
        %get3A_37 = vector.shape_cast %get3A_36 : vector<16xf32> to vector<16xf32>
        %mul3A_38 = arith.constant 16 : i32
        %mul3A_39 = arith.muli %scan3A_32, %mul3A_38 : i32
        %add3A_40 = arith.constant 0 : i32
        %add3A_41 = arith.addi %mul3A_39, %add3A_40 : i32
        %get3A_42 = arith.index_cast %add3A_41 : i32 to index
        %get3A_43 = arith.constant 0 : index
        %get3A_44 = tpu.vector_load %arg11[%get3A_42, %get3A_43] {strides = array<i32>} : memref<128x64xf32, #tpu.memory_space<vmem>>, vector<1x16xf32>,
        %get3A_45 = vector.shape_cast %get3A_44 : vector<1x16xf32> to vector<16xf32>
        %slice3A = vector.extract_strided_slice %get3A_37 {offsets = [0], sizes = [1], strides = [1]} : vector<16xf32> to vector<1xf32>
        %squeeze3A = vector.extract %slice3A[0] : f32 from vector<1xf32>
        %mul3A_46 = vector.broadcast %squeeze3A : f32 to vector<16xf32>
        %mul3A_47 = arith.mulf %get3A_45, %mul3A_46 : vector<16xf32>
        %swap3A = arith.index_cast %add3A_41 : i32 to index
        %swap3A_48 = arith.constant 0 : index
        %swap3A_49 = tpu.vector_load %arg11[%swap3A, %swap3A_48] {strides = array<i32>} : memref<128x64xf32, #tpu.memory_space<vmem>>, vector<1x16xf32>,
        %swap3A_50 = vector.shape_cast %swap3A_49 : vector<1x16xf32> to vector<16xf32>
        %swap3A_51 = vector.shape_cast %mul3A_47 : vector<16xf32> to vector<1x16xf32>
        tpu.vector_store %arg11[%swap3A, %swap3A_48], %swap3A_51 {strides = array<i32>} : memref<128x64xf32, #tpu.memory_space<vmem>>, vector<1x16xf32>,
        %get3A_52 = arith.index_cast %add3A_41 : i32 to index
        %get3A_53 = arith.constant 16 : index
        %get3A_54 = tpu.vector_load %arg11[%get3A_52, %get3A_53] {strides = array<i32>} : memref<128x64xf32, #tpu.memory_space<vmem>>, vector<1x16xf32>,
        %get3A_55 = vector.shape_cast %get3A_54 : vector<1x16xf32> to vector<16xf32>
        %slice3A_56 = vector.extract_strided_slice %get3A_37 {offsets = [0], sizes = [1], strides = [1]} : vector<16xf32> to vector<1xf32>
        %squeeze3A_57 = vector.extract %slice3A_56[0] : f32 from vector<1xf32>
        %mul3A_58 = vector.broadcast %squeeze3A_57 : f32 to vector<16xf32>
        %mul3A_59 = arith.mulf %get3A_55, %mul3A_58 : vector<16xf32>
        %swap3A_60 = arith.index_cast %add3A_41 : i32 to index
        %swap3A_61 = arith.constant 16 : index
        %swap3A_62 = tpu.vector_load %arg11[%swap3A_60, %swap3A_61] {strides = array<i32>} : memref<128x64xf32, #tpu.memory_space<vmem>>, vector<1x16xf32>,
        %swap3A_63 = vector.shape_cast %swap3A_62 : vector<1x16xf32> to vector<16xf32>
        %swap3A_64 = vector.shape_cast %mul3A_59 : vector<16xf32> to vector<1x16xf32>
        tpu.vector_store %arg11[%swap3A_60, %swap3A_61], %swap3A_64 {strides = array<i32>} : memref<128x64xf32, #tpu.memory_space<vmem>>, vector<1x16xf32>,
        %get3A_65 = arith.index_cast %add3A_41 : i32 to index
        %get3A_66 = arith.constant 32 : index
        %get3A_67 = tpu.vector_load %arg11[%get3A_65, %get3A_66] {strides = array<i32>} : memref<128x64xf32, #tpu.memory_space<vmem>>, vector<1x16xf32>,
        %get3A_68 = vector.shape_cast %get3A_67 : vector<1x16xf32> to vector<16xf32>
        %slice3A_69 = vector.extract_strided_slice %get3A_37 {offsets = [0], sizes = [1], strides = [1]} : vector<16xf32> to vector<1xf32>
        %squeeze3A_70 = vector.extract %slice3A_69[0] : f32 from vector<1xf32>
        %mul3A_71 = vector.broadcast %squeeze3A_70 : f32 to vector<16xf32>
        %mul3A_72 = arith.mulf %get3A_68, %mul3A_71 : vector<16xf32>
        %swap3A_73 = arith.index_cast %add3A_41 : i32 to index
        %swap3A_74 = arith.constant 32 : index
        %swap3A_75 = tpu.vector_load %arg11[%swap3A_73, %swap3A_74] {strides = array<i32>} : memref<128x64xf32, #tpu.memory_space<vmem>>, vector<1x16xf32>,
        %swap3A_76 = vector.shape_cast %swap3A_75 : vector<1x16xf32> to vector<16xf32>
        %swap3A_77 = vector.shape_cast %mul3A_72 : vector<16xf32> to vector<1x16xf32>
        tpu.vector_store %arg11[%swap3A_73, %swap3A_74], %swap3A_77 {strides = array<i32>} : memref<128x64xf32, #tpu.memory_space<vmem>>, vector<1x16xf32>,
        %get3A_78 = arith.index_cast %add3A_41 : i32 to index
        %get3A_79 = arith.constant 48 : index
        %get3A_80 = tpu.vector_load %arg11[%get3A_78, %get3A_79] {strides = array<i32>} : memref<128x64xf32, #tpu.memory_space<vmem>>, vector<1x16xf32>,
        %get3A_81 = vector.shape_cast %get3A_80 : vector<1x16xf32> to vector<16xf32>
        %slice3A_82 = vector.extract_strided_slice %get3A_37 {offsets = [0], sizes = [1], strides = [1]} : vector<16xf32> to vector<1xf32>
        %squeeze3A_83 = vector.extract %slice3A_82[0] : f32 from vector<1xf32>
        %mul3A_84 = vector.broadcast %squeeze3A_83 : f32 to vector<16xf32>
        %mul3A_85 = arith.mulf %get3A_81, %mul3A_84 : vector<16xf32>
        %swap3A_86 = arith.index_cast %add3A_41 : i32 to index
        %swap3A_87 = arith.constant 48 : index
        %swap3A_88 = tpu.vector_load %arg11[%swap3A_86, %swap3A_87] {strides = array<i32>} : memref<128x64xf32, #tpu.memory_space<vmem>>, vector<1x16xf32>,
        %swap3A_89 = vector.shape_cast %swap3A_88 : vector<1x16xf32> to vector<16xf32>
        %swap3A_90 = vector.shape_cast %mul3A_85 : vector<16xf32> to vector<1x16xf32>
        tpu.vector_store %arg11[%swap3A_86, %swap3A_87], %swap3A_90 {strides = array<i32>} : memref<128x64xf32, #tpu.memory_space<vmem>>, vector<1x16xf32>,
        %mul3A_91 = arith.constant 16 : i32
        %mul3A_92 = arith.muli %scan3A_32, %mul3A_91 : i32
        %add3A_93 = arith.constant 1 : i32
        %add3A_94 = arith.addi %mul3A_92, %add3A_93 : i32
        %get3A_95 = arith.index_cast %add3A_94 : i32 to index
        %get3A_96 = arith.constant 0 : index
        %get3A_97 = tpu.vector_load %arg11[%get3A_95, %get3A_96] {strides = array<i32>} : memref<128x64xf32, #tpu.memory_space<vmem>>, vector<1x16xf32>,
        %get3A_98 = vector.shape_cast %get3A_97 : vector<1x16xf32> to vector<16xf32>
        %slice3A_99 = vector.extract_strided_slice %get3A_37 {offsets = [1], sizes = [1], strides = [1]} : vector<16xf32> to vector<1xf32>
        %squeeze3A_100 = vector.extract %slice3A_99[0] : f32 from vector<1xf32>
        %mul3A_101 = vector.broadcast %squeeze3A_100 : f32 to vector<16xf32>
        %mul3A_102 = arith.mulf %get3A_98, %mul3A_101 : vector<16xf32>
        %swap3A_103 = arith.index_cast %add3A_94 : i32 to index
        %swap3A_104 = arith.constant 0 : index
        %swap3A_105 = tpu.vector_load %arg11[%swap3A_103, %swap3A_104] {strides = array<i32>} : memref<128x64xf32, #tpu.memory_space<vmem>>, vector<1x16xf32>,
        %swap3A_106 = vector.shape_cast %swap3A_105 : vector<1x16xf32> to vector<16xf32>
        %swap3A_107 = vector.shape_cast %mul3A_102 : vector<16xf32> to vector<1x16xf32>
        tpu.vector_store %arg11[%swap3A_103, %swap3A_104], %swap3A_107 {strides = array<i32>} : memref<128x64xf32, #tpu.memory_space<vmem>>, vector<1x16xf32>,
        %get3A_108 = arith.index_cast %add3A_94 : i32 to index
        %get3A_109 = arith.constant 16 : index
        %get3A_110 = tpu.vector_load %arg11[%get3A_108, %get3A_109] {strides = array<i32>} : memref<128x64xf32, #tpu.memory_space<vmem>>, vector<1x16xf32>,
        %get3A_111 = vector.shape_cast %get3A_110 : vector<1x16xf32> to vector<16xf32>
        %slice3A_112 = vector.extract_strided_slice %get3A_37 {offsets = [1], sizes = [1], strides = [1]} : vector<16xf32> to vector<1xf32>
        %squeeze3A_113 = vector.extract %slice3A_112[0] : f32 from vector<1xf32>
        %mul3A_114 = vector.broadcast %squeeze3A_113 : f32 to vector<16xf32>
        %mul3A_115 = arith.mulf %get3A_111, %mul3A_114 : vector<16xf32>
        %swap3A_116 = arith.index_cast %add3A_94 : i32 to index
        %swap3A_117 = arith.constant 16 : index
        %swap3A_118 = tpu.vector_load %arg11[%swap3A_116, %swap3A_117] {strides = array<i32>} : memref<128x64xf32, #tpu.memory_space<vmem>>, vector<1x16xf32>,
        %swap3A_119 = vector.shape_cast %swap3A_118 : vector<1x16xf32> to vector<16xf32>
        %swap3A_120 = vector.shape_cast %mul3A_115 : vector<16xf32> to vector<1x16xf32>
        tpu.vector_store %arg11[%swap3A_116, %swap3A_117], %swap3A_120 {strides = array<i32>} : memref<128x64xf32, #tpu.memory_space<vmem>>, vector<1x16xf32>,
        %get3A_121 = arith.index_cast %add3A_94 : i32 to index
        %get3A_122 = arith.constant 32 : index
        %get3A_123 = tpu.vector_load %arg11[%get3A_121, %get3A_122] {strides = array<i32>} : memref<128x64xf32, #tpu.memory_space<vmem>>, vector<1x16xf32>,
        %get3A_124 = vector.shape_cast %get3A_123 : vector<1x16xf32> to vector<16xf32>
        %slice3A_125 = vector.extract_strided_slice %get3A_37 {offsets = [1], sizes = [1], strides = [1]} : vector<16xf32> to vector<1xf32>
        %squeeze3A_126 = vector.extract %slice3A_125[0] : f32 from vector<1xf32>
        %mul3A_127 = vector.broadcast %squeeze3A_126 : f32 to vector<16xf32>
        %mul3A_128 = arith.mulf %get3A_124, %mul3A_127 : vector<16xf32>
        %swap3A_129 = arith.index_cast %add3A_94 : i32 to index
        %swap3A_130 = arith.constant 32 : index
        %swap3A_131 = tpu.vector_load %arg11[%swap3A_129, %swap3A_130] {strides = array<i32>} : memref<128x64xf32, #tpu.memory_space<vmem>>, vector<1x16xf32>,
        %swap3A_132 = vector.shape_cast %swap3A_131 : vector<1x16xf32> to vector<16xf32>
        %swap3A_133 = vector.shape_cast %mul3A_128 : vector<16xf32> to vector<1x16xf32>
        tpu.vector_store %arg11[%swap3A_129, %swap3A_130], %swap3A_133 {strides = array<i32>} : memref<128x64xf32, #tpu.memory_space<vmem>>, vector<1x16xf32>,
        %get3A_134 = arith.index_cast %add3A_94 : i32 to index
        %get3A_135 = arith.constant 48 : index
        %get3A_136 = tpu.vector_load %arg11[%get3A_134, %get3A_135] {strides = array<i32>} : memref<128x64xf32, #tpu.memory_space<vmem>>, vector<1x16xf32>,
        %get3A_137 = vector.shape_cast %get3A_136 : vector<1x16xf32> to vector<16xf32>
        %slice3A_138 = vector.extract_strided_slice %get3A_37 {offsets = [1], sizes = [1], strides = [1]} : vector<16xf32> to vector<1xf32>
        %squeeze3A_139 = vector.extract %slice3A_138[0] : f32 from vector<1xf32>
        %mul3A_140 = vector.broadcast %squeeze3A_139 : f32 to vector<16xf32>
        %mul3A_141 = arith.mulf %get3A_137, %mul3A_140 : vector<16xf32>
        %swap3A_142 = arith.index_cast %add3A_94 : i32 to index
        %swap3A_143 = arith.constant 48 : index
        %swap3A_144 = tpu.vector_load %arg11[%swap3A_142, %swap3A_143] {strides = array<i32>} : memref<128x64xf32, #tpu.memory_space<vmem>>, vector<1x16xf32>,
        %swap3A_145 = vector.shape_cast %swap3A_144 : vector<1x16xf32> to vector<16xf32>
        %swap3A_146 = vector.shape_cast %mul3A_141 : vector<16xf32> to vector<1x16xf32>
        tpu.vector_store %arg11[%swap3A_142, %swap3A_143], %swap3A_146 {strides = array<i32>} : memref<128x64xf32, #tpu.memory_space<vmem>>, vector<1x16xf32>,
        %mul3A_147 = arith.constant 16 : i32
        %mul3A_148 = arith.muli %scan3A_32, %mul3A_147 : i32
        %add3A_149 = arith.constant 2 : i32
        %add3A_150 = arith.addi %mul3A_148, %add3A_149 : i32
        %get3A_151 = arith.index_cast %add3A_150 : i32 to index
        %get3A_152 = arith.constant 0 : index
        %get3A_153 = tpu.vector_load %arg11[%get3A_151, %get3A_152] {strides = array<i32>} : memref<128x64xf32, #tpu.memory_space<vmem>>, vector<1x16xf32>,
        %get3A_154 = vector.shape_cast %get3A_153 : vector<1x16xf32> to vector<16xf32>
        %slice3A_155 = vector.extract_strided_slice %get3A_37 {offsets = [2], sizes = [1], strides = [1]} : vector<16xf32> to vector<1xf32>
        %squeeze3A_156 = vector.extract %slice3A_155[0] : f32 from vector<1xf32>
        %mul3A_157 = vector.broadcast %squeeze3A_156 : f32 to vector<16xf32>
        %mul3A_158 = arith.mulf %get3A_154, %mul3A_157 : vector<16xf32>
        %swap3A_159 = arith.index_cast %add3A_150 : i32 to index
        %swap3A_160 = arith.constant 0 : index
        %swap3A_161 = tpu.vector_load %arg11[%swap3A_159, %swap3A_160] {strides = array<i32>} : memref<128x64xf32, #tpu.memory_space<vmem>>, vector<1x16xf32>,
        %swap3A_162 = vector.shape_cast %swap3A_161 : vector<1x16xf32> to vector<16xf32>
        %swap3A_163 = vector.shape_cast %mul3A_158 : vector<16xf32> to vector<1x16xf32>
        tpu.vector_store %arg11[%swap3A_159, %swap3A_160], %swap3A_163 {strides = array<i32>} : memref<128x64xf32, #tpu.memory_space<vmem>>, vector<1x16xf32>,
        %get3A_164 = arith.index_cast %add3A_150 : i32 to index
        %get3A_165 = arith.constant 16 : index
        %get3A_166 = tpu.vector_load %arg11[%get3A_164, %get3A_165] {strides = array<i32>} : memref<128x64xf32, #tpu.memory_space<vmem>>, vector<1x16xf32>,
        %get3A_167 = vector.shape_cast %get3A_166 : vector<1x16xf32> to vector<16xf32>
        %slice3A_168 = vector.extract_strided_slice %get3A_37 {offsets = [2], sizes = [1], strides = [1]} : vector<16xf32> to vector<1xf32>
        %squeeze3A_169 = vector.extract %slice3A_168[0] : f32 from vector<1xf32>
        %mul3A_170 = vector.broadcast %squeeze3A_169 : f32 to vector<16xf32>
        %mul3A_171 = arith.mulf %get3A_167, %mul3A_170 : vector<16xf32>
        %swap3A_172 = arith.index_cast %add3A_150 : i32 to index
        %swap3A_173 = arith.constant 16 : index
        %swap3A_174 = tpu.vector_load %arg11[%swap3A_172, %swap3A_173] {strides = array<i32>} : memref<128x64xf32, #tpu.memory_space<vmem>>, vector<1x16xf32>,
        %swap3A_175 = vector.shape_cast %swap3A_174 : vector<1x16xf32> to vector<16xf32>
        %swap3A_176 = vector.shape_cast %mul3A_171 : vector<16xf32> to vector<1x16xf32>
        tpu.vector_store %arg11[%swap3A_172, %swap3A_173], %swap3A_176 {strides = array<i32>} : memref<128x64xf32, #tpu.memory_space<vmem>>, vector<1x16xf32>,
        %get3A_177 = arith.index_cast %add3A_150 : i32 to index
        %get3A_178 = arith.constant 32 : index
        %get3A_179 = tpu.vector_load %arg11[%get3A_177, %get3A_178] {strides = array<i32>} : memref<128x64xf32, #tpu.memory_space<vmem>>, vector<1x16xf32>,
        %get3A_180 = vector.shape_cast %get3A_179 : vector<1x16xf32> to vector<16xf32>
        %slice3A_181 = vector.extract_strided_slice %get3A_37 {offsets = [2], sizes = [1], strides = [1]} : vector<16xf32> to vector<1xf32>
        %squeeze3A_182 = vector.extract %slice3A_181[0] : f32 from vector<1xf32>
        %mul3A_183 = vector.broadcast %squeeze3A_182 : f32 to vector<16xf32>
        %mul3A_184 = arith.mulf %get3A_180, %mul3A_183 : vector<16xf32>
        %swap3A_185 = arith.index_cast %add3A_150 : i32 to index
        %swap3A_186 = arith.constant 32 : index
        %swap3A_187 = tpu.vector_load %arg11[%swap3A_185, %swap3A_186] {strides = array<i32>} : memref<128x64xf32, #tpu.memory_space<vmem>>, vector<1x16xf32>,
        %swap3A_188 = vector.shape_cast %swap3A_187 : vector<1x16xf32> to vector<16xf32>
        %swap3A_189 = vector.shape_cast %mul3A_184 : vector<16xf32> to vector<1x16xf32>
        tpu.vector_store %arg11[%swap3A_185, %swap3A_186], %swap3A_189 {strides = array<i32>} : memref<128x64xf32, #tpu.memory_space<vmem>>, vector<1x16xf32>,
        %get3A_190 = arith.index_cast %add3A_150 : i32 to index
        %get3A_191 = arith.constant 48 : index
        %get3A_192 = tpu.vector_load %arg11[%get3A_190, %get3A_191] {strides = array<i32>} : memref<128x64xf32, #tpu.memory_space<vmem>>, vector<1x16xf32>,
        %get3A_193 = vector.shape_cast %get3A_192 : vector<1x16xf32> to vector<16xf32>
        %slice3A_194 = vector.extract_strided_slice %get3A_37 {offsets = [2], sizes = [1], strides = [1]} : vector<16xf32> to vector<1xf32>
        %squeeze3A_195 = vector.extract %slice3A_194[0] : f32 from vector<1xf32>
        %mul3A_196 = vector.broadcast %squeeze3A_195 : f32 to vector<16xf32>
        %mul3A_197 = arith.mulf %get3A_193, %mul3A_196 : vector<16xf32>
        %swap3A_198 = arith.index_cast %add3A_150 : i32 to index
        %swap3A_199 = arith.constant 48 : index
        %swap3A_200 = tpu.vector_load %arg11[%swap3A_198, %swap3A_199] {strides = array<i32>} : memref<128x64xf32, #tpu.memory_space<vmem>>, vector<1x16xf32>,
        %swap3A_201 = vector.shape_cast %swap3A_200 : vector<1x16xf32> to vector<16xf32>
        %swap3A_202 = vector.shape_cast %mul3A_197 : vector<16xf32> to vector<1x16xf32>
        tpu.vector_store %arg11[%swap3A_198, %swap3A_199], %swap3A_202 {strides = array<i32>} : memref<128x64xf32, #tpu.memory_space<vmem>>, vector<1x16xf32>,
        %mul3A_203 = arith.constant 16 : i32
        %mul3A_204 = arith.muli %scan3A_32, %mul3A_203 : i32
        %add3A_205 = arith.constant 3 : i32
        %add3A_206 = arith.addi %mul3A_204, %add3A_205 : i32
        %get3A_207 = arith.index_cast %add3A_206 : i32 to index
        %get3A_208 = arith.constant 0 : index
        %get3A_209 = tpu.vector_load %arg11[%get3A_207, %get3A_208] {strides = array<i32>} : memref<128x64xf32, #tpu.memory_space<vmem>>, vector<1x16xf32>,
        %get3A_210 = vector.shape_cast %get3A_209 : vector<1x16xf32> to vector<16xf32>
        %slice3A_211 = vector.extract_strided_slice %get3A_37 {offsets = [3], sizes = [1], strides = [1]} : vector<16xf32> to vector<1xf32>
        %squeeze3A_212 = vector.extract %slice3A_211[0] : f32 from vector<1xf32>
        %mul3A_213 = vector.broadcast %squeeze3A_212 : f32 to vector<16xf32>
        %mul3A_214 = arith.mulf %get3A_210, %mul3A_213 : vector<16xf32>
        %swap3A_215 = arith.index_cast %add3A_206 : i32 to index
        %swap3A_216 = arith.constant 0 : index
        %swap3A_217 = tpu.vector_load %arg11[%swap3A_215, %swap3A_216] {strides = array<i32>} : memref<128x64xf32, #tpu.memory_space<vmem>>, vector<1x16xf32>,
        %swap3A_218 = vector.shape_cast %swap3A_217 : vector<1x16xf32> to vector<16xf32>
        %swap3A_219 = vector.shape_cast %mul3A_214 : vector<16xf32> to vector<1x16xf32>
        tpu.vector_store %arg11[%swap3A_215, %swap3A_216], %swap3A_219 {strides = array<i32>} : memref<128x64xf32, #tpu.memory_space<vmem>>, vector<1x16xf32>,
        %get3A_220 = arith.index_cast %add3A_206 : i32 to index
        %get3A_221 = arith.constant 16 : index
        %get3A_222 = tpu.vector_load %arg11[%get3A_220, %get3A_221] {strides = array<i32>} : memref<128x64xf32, #tpu.memory_space<vmem>>, vector<1x16xf32>,
        %get3A_223 = vector.shape_cast %get3A_222 : vector<1x16xf32> to vector<16xf32>
        %slice3A_224 = vector.extract_strided_slice %get3A_37 {offsets = [3], sizes = [1], strides = [1]} : vector<16xf32> to vector<1xf32>
        %squeeze3A_225 = vector.extract %slice3A_224[0] : f32 from vector<1xf32>
        %mul3A_226 = vector.broadcast %squeeze3A_225 : f32 to vector<16xf32>
        %mul3A_227 = arith.mulf %get3A_223, %mul3A_226 : vector<16xf32>
        %swap3A_228 = arith.index_cast %add3A_206 : i32 to index
        %swap3A_229 = arith.constant 16 : index
        %swap3A_230 = tpu.vector_load %arg11[%swap3A_228, %swap3A_229] {strides = array<i32>} : memref<128x64xf32, #tpu.memory_space<vmem>>, vector<1x16xf32>,
        %swap3A_231 = vector.shape_cast %swap3A_230 : vector<1x16xf32> to vector<16xf32>
        %swap3A_232 = vector.shape_cast %mul3A_227 : vector<16xf32> to vector<1x16xf32>
        tpu.vector_store %arg11[%swap3A_228, %swap3A_229], %swap3A_232 {strides = array<i32>} : memref<128x64xf32, #tpu.memory_space<vmem>>, vector<1x16xf32>,
        %get3A_233 = arith.index_cast %add3A_206 : i32 to index
        %get3A_234 = arith.constant 32 : index
        %get3A_235 = tpu.vector_load %arg11[%get3A_233, %get3A_234] {strides = array<i32>} : memref<128x64xf32, #tpu.memory_space<vmem>>, vector<1x16xf32>,
        %get3A_236 = vector.shape_cast %get3A_235 : vector<1x16xf32> to vector<16xf32>
        %slice3A_237 = vector.extract_strided_slice %get3A_37 {offsets = [3], sizes = [1], strides = [1]} : vector<16xf32> to vector<1xf32>
        %squeeze3A_238 = vector.extract %slice3A_237[0] : f32 from vector<1xf32>
        %mul3A_239 = vector.broadcast %squeeze3A_238 : f32 to vector<16xf32>
        %mul3A_240 = arith.mulf %get3A_236, %mul3A_239 : vector<16xf32>
        %swap3A_241 = arith.index_cast %add3A_206 : i32 to index
        %swap3A_242 = arith.constant 32 : index
        %swap3A_243 = tpu.vector_load %arg11[%swap3A_241, %swap3A_242] {strides = array<i32>} : memref<128x64xf32, #tpu.memory_space<vmem>>, vector<1x16xf32>,
        %swap3A_244 = vector.shape_cast %swap3A_243 : vector<1x16xf32> to vector<16xf32>
        %swap3A_245 = vector.shape_cast %mul3A_240 : vector<16xf32> to vector<1x16xf32>
        tpu.vector_store %arg11[%swap3A_241, %swap3A_242], %swap3A_245 {strides = array<i32>} : memref<128x64xf32, #tpu.memory_space<vmem>>, vector<1x16xf32>,
        %get3A_246 = arith.index_cast %add3A_206 : i32 to index
        %get3A_247 = arith.constant 48 : index
        %get3A_248 = tpu.vector_load %arg11[%get3A_246, %get3A_247] {strides = array<i32>} : memref<128x64xf32, #tpu.memory_space<vmem>>, vector<1x16xf32>,
        %get3A_249 = vector.shape_cast %get3A_248 : vector<1x16xf32> to vector<16xf32>
        %slice3A_250 = vector.extract_strided_slice %get3A_37 {offsets = [3], sizes = [1], strides = [1]} : vector<16xf32> to vector<1xf32>
        %squeeze3A_251 = vector.extract %slice3A_250[0] : f32 from vector<1xf32>
        %mul3A_252 = vector.broadcast %squeeze3A_251 : f32 to vector<16xf32>
        %mul3A_253 = arith.mulf %get3A_249, %mul3A_252 : vector<16xf32>
        %swap3A_254 = arith.index_cast %add3A_206 : i32 to index
        %swap3A_255 = arith.constant 48 : index
        %swap3A_256 = tpu.vector_load %arg11[%swap3A_254, %swap3A_255] {strides = array<i32>} : memref<128x64xf32, #tpu.memory_space<vmem>>, vector<1x16xf32>,
        %swap3A_257 = vector.shape_cast %swap3A_256 : vector<1x16xf32> to vector<16xf32>
        %swap3A_258 = vector.shape_cast %mul3A_253 : vector<16xf32> to vector<1x16xf32>
        tpu.vector_store %arg11[%swap3A_254, %swap3A_255], %swap3A_258 {strides = array<i32>} : memref<128x64xf32, #tpu.memory_space<vmem>>, vector<1x16xf32>,
        %mul3A_259 = arith.constant 16 : i32
        %mul3A_260 = arith.muli %scan3A_32, %mul3A_259 : i32
        %add3A_261 = arith.constant 4 : i32
        %add3A_262 = arith.addi %mul3A_260, %add3A_261 : i32
        %get3A_263 = arith.index_cast %add3A_262 : i32 to index
        %get3A_264 = arith.constant 0 : index
        %get3A_265 = tpu.vector_load %arg11[%get3A_263, %get3A_264] {strides = array<i32>} : memref<128x64xf32, #tpu.memory_space<vmem>>, vector<1x16xf32>,
        %get3A_266 = vector.shape_cast %get3A_265 : vector<1x16xf32> to vector<16xf32>
        %slice3A_267 = vector.extract_strided_slice %get3A_37 {offsets = [4], sizes = [1], strides = [1]} : vector<16xf32> to vector<1xf32>
        %squeeze3A_268 = vector.extract %slice3A_267[0] : f32 from vector<1xf32>
        %mul3A_269 = vector.broadcast %squeeze3A_268 : f32 to vector<16xf32>
        %mul3A_270 = arith.mulf %get3A_266, %mul3A_269 : vector<16xf32>
        %swap3A_271 = arith.index_cast %add3A_262 : i32 to index
        %swap3A_272 = arith.constant 0 : index
        %swap3A_273 = tpu.vector_load %arg11[%swap3A_271, %swap3A_272] {strides = array<i32>} : memref<128x64xf32, #tpu.memory_space<vmem>>, vector<1x16xf32>,
        %swap3A_274 = vector.shape_cast %swap3A_273 : vector<1x16xf32> to vector<16xf32>
        %swap3A_275 = vector.shape_cast %mul3A_270 : vector<16xf32> to vector<1x16xf32>
        tpu.vector_store %arg11[%swap3A_271, %swap3A_272], %swap3A_275 {strides = array<i32>} : memref<128x64xf32, #tpu.memory_space<vmem>>, vector<1x16xf32>,
        %get3A_276 = arith.index_cast %add3A_262 : i32 to index
        %get3A_277 = arith.constant 16 : index
        %get3A_278 = tpu.vector_load %arg11[%get3A_276, %get3A_277] {strides = array<i32>} : memref<128x64xf32, #tpu.memory_space<vmem>>, vector<1x16xf32>,
        %get3A_279 = vector.shape_cast %get3A_278 : vector<1x16xf32> to vector<16xf32>
        %slice3A_280 = vector.extract_strided_slice %get3A_37 {offsets = [4], sizes = [1], strides = [1]} : vector<16xf32> to vector<1xf32>
        %squeeze3A_281 = vector.extract %slice3A_280[0] : f32 from vector<1xf32>
        %mul3A_282 = vector.broadcast %squeeze3A_281 : f32 to vector<16xf32>
        %mul3A_283 = arith.mulf %get3A_279, %mul3A_282 : vector<16xf32>
        %swap3A_284 = arith.index_cast %add3A_262 : i32 to index
        %swap3A_285 = arith.constant 16 : index
        %swap3A_286 = tpu.vector_load %arg11[%swap3A_284, %swap3A_285] {strides = array<i32>} : memref<128x64xf32, #tpu.memory_space<vmem>>, vector<1x16xf32>,
        %swap3A_287 = vector.shape_cast %swap3A_286 : vector<1x16xf32> to vector<16xf32>
        %swap3A_288 = vector.shape_cast %mul3A_283 : vector<16xf32> to vector<1x16xf32>
        tpu.vector_store %arg11[%swap3A_284, %swap3A_285], %swap3A_288 {strides = array<i32>} : memref<128x64xf32, #tpu.memory_space<vmem>>, vector<1x16xf32>,
        %get3A_289 = arith.index_cast %add3A_262 : i32 to index
        %get3A_290 = arith.constant 32 : index
        %get3A_291 = tpu.vector_load %arg11[%get3A_289, %get3A_290] {strides = array<i32>} : memref<128x64xf32, #tpu.memory_space<vmem>>, vector<1x16xf32>,
        %get3A_292 = vector.shape_cast %get3A_291 : vector<1x16xf32> to vector<16xf32>
        %slice3A_293 = vector.extract_strided_slice %get3A_37 {offsets = [4], sizes = [1], strides = [1]} : vector<16xf32> to vector<1xf32>
        %squeeze3A_294 = vector.extract %slice3A_293[0] : f32 from vector<1xf32>
        %mul3A_295 = vector.broadcast %squeeze3A_294 : f32 to vector<16xf32>
        %mul3A_296 = arith.mulf %get3A_292, %mul3A_295 : vector<16xf32>
        %swap3A_297 = arith.index_cast %add3A_262 : i32 to index
        %swap3A_298 = arith.constant 32 : index
        %swap3A_299 = tpu.vector_load %arg11[%swap3A_297, %swap3A_298] {strides = array<i32>} : memref<128x64xf32, #tpu.memory_space<vmem>>, vector<1x16xf32>,
        %swap3A_300 = vector.shape_cast %swap3A_299 : vector<1x16xf32> to vector<16xf32>
        %swap3A_301 = vector.shape_cast %mul3A_296 : vector<16xf32> to vector<1x16xf32>
        tpu.vector_store %arg11[%swap3A_297, %swap3A_298], %swap3A_301 {strides = array<i32>} : memref<128x64xf32, #tpu.memory_space<vmem>>, vector<1x16xf32>,
        %get3A_302 = arith.index_cast %add3A_262 : i32 to index
        %get3A_303 = arith.constant 48 : index
        %get3A_304 = tpu.vector_load %arg11[%get3A_302, %get3A_303] {strides = array<i32>} : memref<128x64xf32, #tpu.memory_space<vmem>>, vector<1x16xf32>,
        %get3A_305 = vector.shape_cast %get3A_304 : vector<1x16xf32> to vector<16xf32>
        %slice3A_306 = vector.extract_strided_slice %get3A_37 {offsets = [4], sizes = [1], strides = [1]} : vector<16xf32> to vector<1xf32>
        %squeeze3A_307 = vector.extract %slice3A_306[0] : f32 from vector<1xf32>
        %mul3A_308 = vector.broadcast %squeeze3A_307 : f32 to vector<16xf32>
        %mul3A_309 = arith.mulf %get3A_305, %mul3A_308 : vector<16xf32>
        %swap3A_310 = arith.index_cast %add3A_262 : i32 to index
        %swap3A_311 = arith.constant 48 : index
        %swap3A_312 = tpu.vector_load %arg11[%swap3A_310, %swap3A_311] {strides = array<i32>} : memref<128x64xf32, #tpu.memory_space<vmem>>, vector<1x16xf32>,
        %swap3A_313 = vector.shape_cast %swap3A_312 : vector<1x16xf32> to vector<16xf32>
        %swap3A_314 = vector.shape_cast %mul3A_309 : vector<16xf32> to vector<1x16xf32>
        tpu.vector_store %arg11[%swap3A_310, %swap3A_311], %swap3A_314 {strides = array<i32>} : memref<128x64xf32, #tpu.memory_space<vmem>>, vector<1x16xf32>,
        %mul3A_315 = arith.constant 16 : i32
        %mul3A_316 = arith.muli %scan3A_32, %mul3A_315 : i32
        %add3A_317 = arith.constant 5 : i32
        %add3A_318 = arith.addi %mul3A_316, %add3A_317 : i32
        %get3A_319 = arith.index_cast %add3A_318 : i32 to index
        %get3A_320 = arith.constant 0 : index
        %get3A_321 = tpu.vector_load %arg11[%get3A_319, %get3A_320] {strides = array<i32>} : memref<128x64xf32, #tpu.memory_space<vmem>>, vector<1x16xf32>,
        %get3A_322 = vector.shape_cast %get3A_321 : vector<1x16xf32> to vector<16xf32>
        %slice3A_323 = vector.extract_strided_slice %get3A_37 {offsets = [5], sizes = [1], strides = [1]} : vector<16xf32> to vector<1xf32>
        %squeeze3A_324 = vector.extract %slice3A_323[0] : f32 from vector<1xf32>
        %mul3A_325 = vector.broadcast %squeeze3A_324 : f32 to vector<16xf32>
        %mul3A_326 = arith.mulf %get3A_322, %mul3A_325 : vector<16xf32>
        %swap3A_327 = arith.index_cast %add3A_318 : i32 to index
        %swap3A_328 = arith.constant 0 : index
        %swap3A_329 = tpu.vector_load %arg11[%swap3A_327, %swap3A_328] {strides = array<i32>} : memref<128x64xf32, #tpu.memory_space<vmem>>, vector<1x16xf32>,
        %swap3A_330 = vector.shape_cast %swap3A_329 : vector<1x16xf32> to vector<16xf32>
        %swap3A_331 = vector.shape_cast %mul3A_326 : vector<16xf32> to vector<1x16xf32>
        tpu.vector_store %arg11[%swap3A_327, %swap3A_328], %swap3A_331 {strides = array<i32>} : memref<128x64xf32, #tpu.memory_space<vmem>>, vector<1x16xf32>,
        %get3A_332 = arith.index_cast %add3A_318 : i32 to index
        %get3A_333 = arith.constant 16 : index
        %get3A_334 = tpu.vector_load %arg11[%get3A_332, %get3A_333] {strides = array<i32>} : memref<128x64xf32, #tpu.memory_space<vmem>>, vector<1x16xf32>,
        %get3A_335 = vector.shape_cast %get3A_334 : vector<1x16xf32> to vector<16xf32>
        %slice3A_336 = vector.extract_strided_slice %get3A_37 {offsets = [5], sizes = [1], strides = [1]} : vector<16xf32> to vector<1xf32>
        %squeeze3A_337 = vector.extract %slice3A_336[0] : f32 from vector<1xf32>
        %mul3A_338 = vector.broadcast %squeeze3A_337 : f32 to vector<16xf32>
        %mul3A_339 = arith.mulf %get3A_335, %mul3A_338 : vector<16xf32>
        %swap3A_340 = arith.index_cast %add3A_318 : i32 to index
        %swap3A_341 = arith.constant 16 : index
        %swap3A_342 = tpu.vector_load %arg11[%swap3A_340, %swap3A_341] {strides = array<i32>} : memref<128x64xf32, #tpu.memory_space<vmem>>, vector<1x16xf32>,
        %swap3A_343 = vector.shape_cast %swap3A_342 : vector<1x16xf32> to vector<16xf32>
        %swap3A_344 = vector.shape_cast %mul3A_339 : vector<16xf32> to vector<1x16xf32>
        tpu.vector_store %arg11[%swap3A_340, %swap3A_341], %swap3A_344 {strides = array<i32>} : memref<128x64xf32, #tpu.memory_space<vmem>>, vector<1x16xf32>,
        %get3A_345 = arith.index_cast %add3A_318 : i32 to index
        %get3A_346 = arith.constant 32 : index
        %get3A_347 = tpu.vector_load %arg11[%get3A_345, %get3A_346] {strides = array<i32>} : memref<128x64xf32, #tpu.memory_space<vmem>>, vector<1x16xf32>,
        %get3A_348 = vector.shape_cast %get3A_347 : vector<1x16xf32> to vector<16xf32>
        %slice3A_349 = vector.extract_strided_slice %get3A_37 {offsets = [5], sizes = [1], strides = [1]} : vector<16xf32> to vector<1xf32>
        %squeeze3A_350 = vector.extract %slice3A_349[0] : f32 from vector<1xf32>
        %mul3A_351 = vector.broadcast %squeeze3A_350 : f32 to vector<16xf32>
        %mul3A_352 = arith.mulf %get3A_348, %mul3A_351 : vector<16xf32>
        %swap3A_353 = arith.index_cast %add3A_318 : i32 to index
        %swap3A_354 = arith.constant 32 : index
        %swap3A_355 = tpu.vector_load %arg11[%swap3A_353, %swap3A_354] {strides = array<i32>} : memref<128x64xf32, #tpu.memory_space<vmem>>, vector<1x16xf32>,
        %swap3A_356 = vector.shape_cast %swap3A_355 : vector<1x16xf32> to vector<16xf32>
        %swap3A_357 = vector.shape_cast %mul3A_352 : vector<16xf32> to vector<1x16xf32>
        tpu.vector_store %arg11[%swap3A_353, %swap3A_354], %swap3A_357 {strides = array<i32>} : memref<128x64xf32, #tpu.memory_space<vmem>>, vector<1x16xf32>,
        %get3A_358 = arith.index_cast %add3A_318 : i32 to index
        %get3A_359 = arith.constant 48 : index
        %get3A_360 = tpu.vector_load %arg11[%get3A_358, %get3A_359] {strides = array<i32>} : memref<128x64xf32, #tpu.memory_space<vmem>>, vector<1x16xf32>,
        %get3A_361 = vector.shape_cast %get3A_360 : vector<1x16xf32> to vector<16xf32>
        %slice3A_362 = vector.extract_strided_slice %get3A_37 {offsets = [5], sizes = [1], strides = [1]} : vector<16xf32> to vector<1xf32>
        %squeeze3A_363 = vector.extract %slice3A_362[0] : f32 from vector<1xf32>
        %mul3A_364 = vector.broadcast %squeeze3A_363 : f32 to vector<16xf32>
        %mul3A_365 = arith.mulf %get3A_361, %mul3A_364 : vector<16xf32>
        %swap3A_366 = arith.index_cast %add3A_318 : i32 to index
        %swap3A_367 = arith.constant 48 : index
        %swap3A_368 = tpu.vector_load %arg11[%swap3A_366, %swap3A_367] {strides = array<i32>} : memref<128x64xf32, #tpu.memory_space<vmem>>, vector<1x16xf32>,
        %swap3A_369 = vector.shape_cast %swap3A_368 : vector<1x16xf32> to vector<16xf32>
        %swap3A_370 = vector.shape_cast %mul3A_365 : vector<16xf32> to vector<1x16xf32>
        tpu.vector_store %arg11[%swap3A_366, %swap3A_367], %swap3A_370 {strides = array<i32>} : memref<128x64xf32, #tpu.memory_space<vmem>>, vector<1x16xf32>,
        %mul3A_371 = arith.constant 16 : i32
        %mul3A_372 = arith.muli %scan3A_32, %mul3A_371 : i32
        %add3A_373 = arith.constant 6 : i32
        %add3A_374 = arith.addi %mul3A_372, %add3A_373 : i32
        %get3A_375 = arith.index_cast %add3A_374 : i32 to index
        %get3A_376 = arith.constant 0 : index
        %get3A_377 = tpu.vector_load %arg11[%get3A_375, %get3A_376] {strides = array<i32>} : memref<128x64xf32, #tpu.memory_space<vmem>>, vector<1x16xf32>,
        %get3A_378 = vector.shape_cast %get3A_377 : vector<1x16xf32> to vector<16xf32>
        %slice3A_379 = vector.extract_strided_slice %get3A_37 {offsets = [6], sizes = [1], strides = [1]} : vector<16xf32> to vector<1xf32>
        %squeeze3A_380 = vector.extract %slice3A_379[0] : f32 from vector<1xf32>
        %mul3A_381 = vector.broadcast %squeeze3A_380 : f32 to vector<16xf32>
        %mul3A_382 = arith.mulf %get3A_378, %mul3A_381 : vector<16xf32>
        %swap3A_383 = arith.index_cast %add3A_374 : i32 to index
        %swap3A_384 = arith.constant 0 : index
        %swap3A_385 = tpu.vector_load %arg11[%swap3A_383, %swap3A_384] {strides = array<i32>} : memref<128x64xf32, #tpu.memory_space<vmem>>, vector<1x16xf32>,
        %swap3A_386 = vector.shape_cast %swap3A_385 : vector<1x16xf32> to vector<16xf32>
        %swap3A_387 = vector.shape_cast %mul3A_382 : vector<16xf32> to vector<1x16xf32>
        tpu.vector_store %arg11[%swap3A_383, %swap3A_384], %swap3A_387 {strides = array<i32>} : memref<128x64xf32, #tpu.memory_space<vmem>>, vector<1x16xf32>,
        %get3A_388 = arith.index_cast %add3A_374 : i32 to index
        %get3A_389 = arith.constant 16 : index
        %get3A_390 = tpu.vector_load %arg11[%get3A_388, %get3A_389] {strides = array<i32>} : memref<128x64xf32, #tpu.memory_space<vmem>>, vector<1x16xf32>,
        %get3A_391 = vector.shape_cast %get3A_390 : vector<1x16xf32> to vector<16xf32>
        %slice3A_392 = vector.extract_strided_slice %get3A_37 {offsets = [6], sizes = [1], strides = [1]} : vector<16xf32> to vector<1xf32>
        %squeeze3A_393 = vector.extract %slice3A_392[0] : f32 from vector<1xf32>
        %mul3A_394 = vector.broadcast %squeeze3A_393 : f32 to vector<16xf32>
        %mul3A_395 = arith.mulf %get3A_391, %mul3A_394 : vector<16xf32>
        %swap3A_396 = arith.index_cast %add3A_374 : i32 to index
        %swap3A_397 = arith.constant 16 : index
        %swap3A_398 = tpu.vector_load %arg11[%swap3A_396, %swap3A_397] {strides = array<i32>} : memref<128x64xf32, #tpu.memory_space<vmem>>, vector<1x16xf32>,
        %swap3A_399 = vector.shape_cast %swap3A_398 : vector<1x16xf32> to vector<16xf32>
        %swap3A_400 = vector.shape_cast %mul3A_395 : vector<16xf32> to vector<1x16xf32>
        tpu.vector_store %arg11[%swap3A_396, %swap3A_397], %swap3A_400 {strides = array<i32>} : memref<128x64xf32, #tpu.memory_space<vmem>>, vector<1x16xf32>,
        %get3A_401 = arith.index_cast %add3A_374 : i32 to index
        %get3A_402 = arith.constant 32 : index
        %get3A_403 = tpu.vector_load %arg11[%get3A_401, %get3A_402] {strides = array<i32>} : memref<128x64xf32, #tpu.memory_space<vmem>>, vector<1x16xf32>,
        %get3A_404 = vector.shape_cast %get3A_403 : vector<1x16xf32> to vector<16xf32>
        %slice3A_405 = vector.extract_strided_slice %get3A_37 {offsets = [6], sizes = [1], strides = [1]} : vector<16xf32> to vector<1xf32>
        %squeeze3A_406 = vector.extract %slice3A_405[0] : f32 from vector<1xf32>
        %mul3A_407 = vector.broadcast %squeeze3A_406 : f32 to vector<16xf32>
        %mul3A_408 = arith.mulf %get3A_404, %mul3A_407 : vector<16xf32>
        %swap3A_409 = arith.index_cast %add3A_374 : i32 to index
        %swap3A_410 = arith.constant 32 : index
        %swap3A_411 = tpu.vector_load %arg11[%swap3A_409, %swap3A_410] {strides = array<i32>} : memref<128x64xf32, #tpu.memory_space<vmem>>, vector<1x16xf32>,
        %swap3A_412 = vector.shape_cast %swap3A_411 : vector<1x16xf32> to vector<16xf32>
        %swap3A_413 = vector.shape_cast %mul3A_408 : vector<16xf32> to vector<1x16xf32>
        tpu.vector_store %arg11[%swap3A_409, %swap3A_410], %swap3A_413 {strides = array<i32>} : memref<128x64xf32, #tpu.memory_space<vmem>>, vector<1x16xf32>,
        %get3A_414 = arith.index_cast %add3A_374 : i32 to index
        %get3A_415 = arith.constant 48 : index
        %get3A_416 = tpu.vector_load %arg11[%get3A_414, %get3A_415] {strides = array<i32>} : memref<128x64xf32, #tpu.memory_space<vmem>>, vector<1x16xf32>,
        %get3A_417 = vector.shape_cast %get3A_416 : vector<1x16xf32> to vector<16xf32>
        %slice3A_418 = vector.extract_strided_slice %get3A_37 {offsets = [6], sizes = [1], strides = [1]} : vector<16xf32> to vector<1xf32>
        %squeeze3A_419 = vector.extract %slice3A_418[0] : f32 from vector<1xf32>
        %mul3A_420 = vector.broadcast %squeeze3A_419 : f32 to vector<16xf32>
        %mul3A_421 = arith.mulf %get3A_417, %mul3A_420 : vector<16xf32>
        %swap3A_422 = arith.index_cast %add3A_374 : i32 to index
        %swap3A_423 = arith.constant 48 : index
        %swap3A_424 = tpu.vector_load %arg11[%swap3A_422, %swap3A_423] {strides = array<i32>} : memref<128x64xf32, #tpu.memory_space<vmem>>, vector<1x16xf32>,
        %swap3A_425 = vector.shape_cast %swap3A_424 : vector<1x16xf32> to vector<16xf32>
        %swap3A_426 = vector.shape_cast %mul3A_421 : vector<16xf32> to vector<1x16xf32>
        tpu.vector_store %arg11[%swap3A_422, %swap3A_423], %swap3A_426 {strides = array<i32>} : memref<128x64xf32, #tpu.memory_space<vmem>>, vector<1x16xf32>,
        %mul3A_427 = arith.constant 16 : i32
        %mul3A_428 = arith.muli %scan3A_32, %mul3A_427 : i32
        %add3A_429 = arith.constant 7 : i32
        %add3A_430 = arith.addi %mul3A_428, %add3A_429 : i32
        %get3A_431 = arith.index_cast %add3A_430 : i32 to index
        %get3A_432 = arith.constant 0 : index
        %get3A_433 = tpu.vector_load %arg11[%get3A_431, %get3A_432] {strides = array<i32>} : memref<128x64xf32, #tpu.memory_space<vmem>>, vector<1x16xf32>,
        %get3A_434 = vector.shape_cast %get3A_433 : vector<1x16xf32> to vector<16xf32>
        %slice3A_435 = vector.extract_strided_slice %get3A_37 {offsets = [7], sizes = [1], strides = [1]} : vector<16xf32> to vector<1xf32>
        %squeeze3A_436 = vector.extract %slice3A_435[0] : f32 from vector<1xf32>
        %mul3A_437 = vector.broadcast %squeeze3A_436 : f32 to vector<16xf32>
        %mul3A_438 = arith.mulf %get3A_434, %mul3A_437 : vector<16xf32>
        %swap3A_439 = arith.index_cast %add3A_430 : i32 to index
        %swap3A_440 = arith.constant 0 : index
        %swap3A_441 = tpu.vector_load %arg11[%swap3A_439, %swap3A_440] {strides = array<i32>} : memref<128x64xf32, #tpu.memory_space<vmem>>, vector<1x16xf32>,
        %swap3A_442 = vector.shape_cast %swap3A_441 : vector<1x16xf32> to vector<16xf32>
        %swap3A_443 = vector.shape_cast %mul3A_438 : vector<16xf32> to vector<1x16xf32>
        tpu.vector_store %arg11[%swap3A_439, %swap3A_440], %swap3A_443 {strides = array<i32>} : memref<128x64xf32, #tpu.memory_space<vmem>>, vector<1x16xf32>,
        %get3A_444 = arith.index_cast %add3A_430 : i32 to index
        %get3A_445 = arith.constant 16 : index
        %get3A_446 = tpu.vector_load %arg11[%get3A_444, %get3A_445] {strides = array<i32>} : memref<128x64xf32, #tpu.memory_space<vmem>>, vector<1x16xf32>,
        %get3A_447 = vector.shape_cast %get3A_446 : vector<1x16xf32> to vector<16xf32>
        %slice3A_448 = vector.extract_strided_slice %get3A_37 {offsets = [7], sizes = [1], strides = [1]} : vector<16xf32> to vector<1xf32>
        %squeeze3A_449 = vector.extract %slice3A_448[0] : f32 from vector<1xf32>
        %mul3A_450 = vector.broadcast %squeeze3A_449 : f32 to vector<16xf32>
        %mul3A_451 = arith.mulf %get3A_447, %mul3A_450 : vector<16xf32>
        %swap3A_452 = arith.index_cast %add3A_430 : i32 to index
        %swap3A_453 = arith.constant 16 : index
        %swap3A_454 = tpu.vector_load %arg11[%swap3A_452, %swap3A_453] {strides = array<i32>} : memref<128x64xf32, #tpu.memory_space<vmem>>, vector<1x16xf32>,
        %swap3A_455 = vector.shape_cast %swap3A_454 : vector<1x16xf32> to vector<16xf32>
        %swap3A_456 = vector.shape_cast %mul3A_451 : vector<16xf32> to vector<1x16xf32>
        tpu.vector_store %arg11[%swap3A_452, %swap3A_453], %swap3A_456 {strides = array<i32>} : memref<128x64xf32, #tpu.memory_space<vmem>>, vector<1x16xf32>,
        %get3A_457 = arith.index_cast %add3A_430 : i32 to index
        %get3A_458 = arith.constant 32 : index
        %get3A_459 = tpu.vector_load %arg11[%get3A_457, %get3A_458] {strides = array<i32>} : memref<128x64xf32, #tpu.memory_space<vmem>>, vector<1x16xf32>,
        %get3A_460 = vector.shape_cast %get3A_459 : vector<1x16xf32> to vector<16xf32>
        %slice3A_461 = vector.extract_strided_slice %get3A_37 {offsets = [7], sizes = [1], strides = [1]} : vector<16xf32> to vector<1xf32>
        %squeeze3A_462 = vector.extract %slice3A_461[0] : f32 from vector<1xf32>
        %mul3A_463 = vector.broadcast %squeeze3A_462 : f32 to vector<16xf32>
        %mul3A_464 = arith.mulf %get3A_460, %mul3A_463 : vector<16xf32>
        %swap3A_465 = arith.index_cast %add3A_430 : i32 to index
        %swap3A_466 = arith.constant 32 : index
        %swap3A_467 = tpu.vector_load %arg11[%swap3A_465, %swap3A_466] {strides = array<i32>} : memref<128x64xf32, #tpu.memory_space<vmem>>, vector<1x16xf32>,
        %swap3A_468 = vector.shape_cast %swap3A_467 : vector<1x16xf32> to vector<16xf32>
        %swap3A_469 = vector.shape_cast %mul3A_464 : vector<16xf32> to vector<1x16xf32>
        tpu.vector_store %arg11[%swap3A_465, %swap3A_466], %swap3A_469 {strides = array<i32>} : memref<128x64xf32, #tpu.memory_space<vmem>>, vector<1x16xf32>,
        %get3A_470 = arith.index_cast %add3A_430 : i32 to index
        %get3A_471 = arith.constant 48 : index
        %get3A_472 = tpu.vector_load %arg11[%get3A_470, %get3A_471] {strides = array<i32>} : memref<128x64xf32, #tpu.memory_space<vmem>>, vector<1x16xf32>,
        %get3A_473 = vector.shape_cast %get3A_472 : vector<1x16xf32> to vector<16xf32>
        %slice3A_474 = vector.extract_strided_slice %get3A_37 {offsets = [7], sizes = [1], strides = [1]} : vector<16xf32> to vector<1xf32>
        %squeeze3A_475 = vector.extract %slice3A_474[0] : f32 from vector<1xf32>
        %mul3A_476 = vector.broadcast %squeeze3A_475 : f32 to vector<16xf32>
        %mul3A_477 = arith.mulf %get3A_473, %mul3A_476 : vector<16xf32>
        %swap3A_478 = arith.index_cast %add3A_430 : i32 to index
        %swap3A_479 = arith.constant 48 : index
        %swap3A_480 = tpu.vector_load %arg11[%swap3A_478, %swap3A_479] {strides = array<i32>} : memref<128x64xf32, #tpu.memory_space<vmem>>, vector<1x16xf32>,
        %swap3A_481 = vector.shape_cast %swap3A_480 : vector<1x16xf32> to vector<16xf32>
        %swap3A_482 = vector.shape_cast %mul3A_477 : vector<16xf32> to vector<1x16xf32>
        tpu.vector_store %arg11[%swap3A_478, %swap3A_479], %swap3A_482 {strides = array<i32>} : memref<128x64xf32, #tpu.memory_space<vmem>>, vector<1x16xf32>,
        %mul3A_483 = arith.constant 16 : i32
        %mul3A_484 = arith.muli %scan3A_32, %mul3A_483 : i32
        %add3A_485 = arith.constant 8 : i32
        %add3A_486 = arith.addi %mul3A_484, %add3A_485 : i32
        %get3A_487 = arith.index_cast %add3A_486 : i32 to index
        %get3A_488 = arith.constant 0 : index
        %get3A_489 = tpu.vector_load %arg11[%get3A_487, %get3A_488] {strides = array<i32>} : memref<128x64xf32, #tpu.memory_space<vmem>>, vector<1x16xf32>,
        %get3A_490 = vector.shape_cast %get3A_489 : vector<1x16xf32> to vector<16xf32>
        %slice3A_491 = vector.extract_strided_slice %get3A_37 {offsets = [8], sizes = [1], strides = [1]} : vector<16xf32> to vector<1xf32>
        %squeeze3A_492 = vector.extract %slice3A_491[0] : f32 from vector<1xf32>
        %mul3A_493 = vector.broadcast %squeeze3A_492 : f32 to vector<16xf32>
        %mul3A_494 = arith.mulf %get3A_490, %mul3A_493 : vector<16xf32>
        %swap3A_495 = arith.index_cast %add3A_486 : i32 to index
        %swap3A_496 = arith.constant 0 : index
        %swap3A_497 = tpu.vector_load %arg11[%swap3A_495, %swap3A_496] {strides = array<i32>} : memref<128x64xf32, #tpu.memory_space<vmem>>, vector<1x16xf32>,
        %swap3A_498 = vector.shape_cast %swap3A_497 : vector<1x16xf32> to vector<16xf32>
        %swap3A_499 = vector.shape_cast %mul3A_494 : vector<16xf32> to vector<1x16xf32>
        tpu.vector_store %arg11[%swap3A_495, %swap3A_496], %swap3A_499 {strides = array<i32>} : memref<128x64xf32, #tpu.memory_space<vmem>>, vector<1x16xf32>,
        %get3A_500 = arith.index_cast %add3A_486 : i32 to index
        %get3A_501 = arith.constant 16 : index
        %get3A_502 = tpu.vector_load %arg11[%get3A_500, %get3A_501] {strides = array<i32>} : memref<128x64xf32, #tpu.memory_space<vmem>>, vector<1x16xf32>,
        %get3A_503 = vector.shape_cast %get3A_502 : vector<1x16xf32> to vector<16xf32>
        %slice3A_504 = vector.extract_strided_slice %get3A_37 {offsets = [8], sizes = [1], strides = [1]} : vector<16xf32> to vector<1xf32>
        %squeeze3A_505 = vector.extract %slice3A_504[0] : f32 from vector<1xf32>
        %mul3A_506 = vector.broadcast %squeeze3A_505 : f32 to vector<16xf32>
        %mul3A_507 = arith.mulf %get3A_503, %mul3A_506 : vector<16xf32>
        %swap3A_508 = arith.index_cast %add3A_486 : i32 to index
        %swap3A_509 = arith.constant 16 : index
        %swap3A_510 = tpu.vector_load %arg11[%swap3A_508, %swap3A_509] {strides = array<i32>} : memref<128x64xf32, #tpu.memory_space<vmem>>, vector<1x16xf32>,
        %swap3A_511 = vector.shape_cast %swap3A_510 : vector<1x16xf32> to vector<16xf32>
        %swap3A_512 = vector.shape_cast %mul3A_507 : vector<16xf32> to vector<1x16xf32>
        tpu.vector_store %arg11[%swap3A_508, %swap3A_509], %swap3A_512 {strides = array<i32>} : memref<128x64xf32, #tpu.memory_space<vmem>>, vector<1x16xf32>,
        %get3A_513 = arith.index_cast %add3A_486 : i32 to index
        %get3A_514 = arith.constant 32 : index
        %get3A_515 = tpu.vector_load %arg11[%get3A_513, %get3A_514] {strides = array<i32>} : memref<128x64xf32, #tpu.memory_space<vmem>>, vector<1x16xf32>,
        %get3A_516 = vector.shape_cast %get3A_515 : vector<1x16xf32> to vector<16xf32>
        %slice3A_517 = vector.extract_strided_slice %get3A_37 {offsets = [8], sizes = [1], strides = [1]} : vector<16xf32> to vector<1xf32>
        %squeeze3A_518 = vector.extract %slice3A_517[0] : f32 from vector<1xf32>
        %mul3A_519 = vector.broadcast %squeeze3A_518 : f32 to vector<16xf32>
        %mul3A_520 = arith.mulf %get3A_516, %mul3A_519 : vector<16xf32>
        %swap3A_521 = arith.index_cast %add3A_486 : i32 to index
        %swap3A_522 = arith.constant 32 : index
        %swap3A_523 = tpu.vector_load %arg11[%swap3A_521, %swap3A_522] {strides = array<i32>} : memref<128x64xf32, #tpu.memory_space<vmem>>, vector<1x16xf32>,
        %swap3A_524 = vector.shape_cast %swap3A_523 : vector<1x16xf32> to vector<16xf32>
        %swap3A_525 = vector.shape_cast %mul3A_520 : vector<16xf32> to vector<1x16xf32>
        tpu.vector_store %arg11[%swap3A_521, %swap3A_522], %swap3A_525 {strides = array<i32>} : memref<128x64xf32, #tpu.memory_space<vmem>>, vector<1x16xf32>,
        %get3A_526 = arith.index_cast %add3A_486 : i32 to index
        %get3A_527 = arith.constant 48 : index
        %get3A_528 = tpu.vector_load %arg11[%get3A_526, %get3A_527] {strides = array<i32>} : memref<128x64xf32, #tpu.memory_space<vmem>>, vector<1x16xf32>,
        %get3A_529 = vector.shape_cast %get3A_528 : vector<1x16xf32> to vector<16xf32>
        %slice3A_530 = vector.extract_strided_slice %get3A_37 {offsets = [8], sizes = [1], strides = [1]} : vector<16xf32> to vector<1xf32>
        %squeeze3A_531 = vector.extract %slice3A_530[0] : f32 from vector<1xf32>
        %mul3A_532 = vector.broadcast %squeeze3A_531 : f32 to vector<16xf32>
        %mul3A_533 = arith.mulf %get3A_529, %mul3A_532 : vector<16xf32>
        %swap3A_534 = arith.index_cast %add3A_486 : i32 to index
        %swap3A_535 = arith.constant 48 : index
        %swap3A_536 = tpu.vector_load %arg11[%swap3A_534, %swap3A_535] {strides = array<i32>} : memref<128x64xf32, #tpu.memory_space<vmem>>, vector<1x16xf32>,
        %swap3A_537 = vector.shape_cast %swap3A_536 : vector<1x16xf32> to vector<16xf32>
        %swap3A_538 = vector.shape_cast %mul3A_533 : vector<16xf32> to vector<1x16xf32>
        tpu.vector_store %arg11[%swap3A_534, %swap3A_535], %swap3A_538 {strides = array<i32>} : memref<128x64xf32, #tpu.memory_space<vmem>>, vector<1x16xf32>,
        %mul3A_539 = arith.constant 16 : i32
        %mul3A_540 = arith.muli %scan3A_32, %mul3A_539 : i32
        %add3A_541 = arith.constant 9 : i32
        %add3A_542 = arith.addi %mul3A_540, %add3A_541 : i32
        %get3A_543 = arith.index_cast %add3A_542 : i32 to index
        %get3A_544 = arith.constant 0 : index
        %get3A_545 = tpu.vector_load %arg11[%get3A_543, %get3A_544] {strides = array<i32>} : memref<128x64xf32, #tpu.memory_space<vmem>>, vector<1x16xf32>,
        %get3A_546 = vector.shape_cast %get3A_545 : vector<1x16xf32> to vector<16xf32>
        %slice3A_547 = vector.extract_strided_slice %get3A_37 {offsets = [9], sizes = [1], strides = [1]} : vector<16xf32> to vector<1xf32>
        %squeeze3A_548 = vector.extract %slice3A_547[0] : f32 from vector<1xf32>
        %mul3A_549 = vector.broadcast %squeeze3A_548 : f32 to vector<16xf32>
        %mul3A_550 = arith.mulf %get3A_546, %mul3A_549 : vector<16xf32>
        %swap3A_551 = arith.index_cast %add3A_542 : i32 to index
        %swap3A_552 = arith.constant 0 : index
        %swap3A_553 = tpu.vector_load %arg11[%swap3A_551, %swap3A_552] {strides = array<i32>} : memref<128x64xf32, #tpu.memory_space<vmem>>, vector<1x16xf32>,
        %swap3A_554 = vector.shape_cast %swap3A_553 : vector<1x16xf32> to vector<16xf32>
        %swap3A_555 = vector.shape_cast %mul3A_550 : vector<16xf32> to vector<1x16xf32>
        tpu.vector_store %arg11[%swap3A_551, %swap3A_552], %swap3A_555 {strides = array<i32>} : memref<128x64xf32, #tpu.memory_space<vmem>>, vector<1x16xf32>,
        %get3A_556 = arith.index_cast %add3A_542 : i32 to index
        %get3A_557 = arith.constant 16 : index
        %get3A_558 = tpu.vector_load %arg11[%get3A_556, %get3A_557] {strides = array<i32>} : memref<128x64xf32, #tpu.memory_space<vmem>>, vector<1x16xf32>,
        %get3A_559 = vector.shape_cast %get3A_558 : vector<1x16xf32> to vector<16xf32>
        %slice3A_560 = vector.extract_strided_slice %get3A_37 {offsets = [9], sizes = [1], strides = [1]} : vector<16xf32> to vector<1xf32>
        %squeeze3A_561 = vector.extract %slice3A_560[0] : f32 from vector<1xf32>
        %mul3A_562 = vector.broadcast %squeeze3A_561 : f32 to vector<16xf32>
        %mul3A_563 = arith.mulf %get3A_559, %mul3A_562 : vector<16xf32>
        %swap3A_564 = arith.index_cast %add3A_542 : i32 to index
        %swap3A_565 = arith.constant 16 : index
        %swap3A_566 = tpu.vector_load %arg11[%swap3A_564, %swap3A_565] {strides = array<i32>} : memref<128x64xf32, #tpu.memory_space<vmem>>, vector<1x16xf32>,
        %swap3A_567 = vector.shape_cast %swap3A_566 : vector<1x16xf32> to vector<16xf32>
        %swap3A_568 = vector.shape_cast %mul3A_563 : vector<16xf32> to vector<1x16xf32>
        tpu.vector_store %arg11[%swap3A_564, %swap3A_565], %swap3A_568 {strides = array<i32>} : memref<128x64xf32, #tpu.memory_space<vmem>>, vector<1x16xf32>,
        %get3A_569 = arith.index_cast %add3A_542 : i32 to index
        %get3A_570 = arith.constant 32 : index
        %get3A_571 = tpu.vector_load %arg11[%get3A_569, %get3A_570] {strides = array<i32>} : memref<128x64xf32, #tpu.memory_space<vmem>>, vector<1x16xf32>,
        %get3A_572 = vector.shape_cast %get3A_571 : vector<1x16xf32> to vector<16xf32>
        %slice3A_573 = vector.extract_strided_slice %get3A_37 {offsets = [9], sizes = [1], strides = [1]} : vector<16xf32> to vector<1xf32>
        %squeeze3A_574 = vector.extract %slice3A_573[0] : f32 from vector<1xf32>
        %mul3A_575 = vector.broadcast %squeeze3A_574 : f32 to vector<16xf32>
        %mul3A_576 = arith.mulf %get3A_572, %mul3A_575 : vector<16xf32>
        %swap3A_577 = arith.index_cast %add3A_542 : i32 to index
        %swap3A_578 = arith.constant 32 : index
        %swap3A_579 = tpu.vector_load %arg11[%swap3A_577, %swap3A_578] {strides = array<i32>} : memref<128x64xf32, #tpu.memory_space<vmem>>, vector<1x16xf32>,
        %swap3A_580 = vector.shape_cast %swap3A_579 : vector<1x16xf32> to vector<16xf32>
        %swap3A_581 = vector.shape_cast %mul3A_576 : vector<16xf32> to vector<1x16xf32>
        tpu.vector_store %arg11[%swap3A_577, %swap3A_578], %swap3A_581 {strides = array<i32>} : memref<128x64xf32, #tpu.memory_space<vmem>>, vector<1x16xf32>,
        %get3A_582 = arith.index_cast %add3A_542 : i32 to index
        %get3A_583 = arith.constant 48 : index
        %get3A_584 = tpu.vector_load %arg11[%get3A_582, %get3A_583] {strides = array<i32>} : memref<128x64xf32, #tpu.memory_space<vmem>>, vector<1x16xf32>,
        %get3A_585 = vector.shape_cast %get3A_584 : vector<1x16xf32> to vector<16xf32>
        %slice3A_586 = vector.extract_strided_slice %get3A_37 {offsets = [9], sizes = [1], strides = [1]} : vector<16xf32> to vector<1xf32>
        %squeeze3A_587 = vector.extract %slice3A_586[0] : f32 from vector<1xf32>
        %mul3A_588 = vector.broadcast %squeeze3A_587 : f32 to vector<16xf32>
        %mul3A_589 = arith.mulf %get3A_585, %mul3A_588 : vector<16xf32>
        %swap3A_590 = arith.index_cast %add3A_542 : i32 to index
        %swap3A_591 = arith.constant 48 : index
        %swap3A_592 = tpu.vector_load %arg11[%swap3A_590, %swap3A_591] {strides = array<i32>} : memref<128x64xf32, #tpu.memory_space<vmem>>, vector<1x16xf32>,
        %swap3A_593 = vector.shape_cast %swap3A_592 : vector<1x16xf32> to vector<16xf32>
        %swap3A_594 = vector.shape_cast %mul3A_589 : vector<16xf32> to vector<1x16xf32>
        tpu.vector_store %arg11[%swap3A_590, %swap3A_591], %swap3A_594 {strides = array<i32>} : memref<128x64xf32, #tpu.memory_space<vmem>>, vector<1x16xf32>,
        %mul3A_595 = arith.constant 16 : i32
        %mul3A_596 = arith.muli %scan3A_32, %mul3A_595 : i32
        %add3A_597 = arith.constant 10 : i32
        %add3A_598 = arith.addi %mul3A_596, %add3A_597 : i32
        %get3A_599 = arith.index_cast %add3A_598 : i32 to index
        %get3A_600 = arith.constant 0 : index
        %get3A_601 = tpu.vector_load %arg11[%get3A_599, %get3A_600] {strides = array<i32>} : memref<128x64xf32, #tpu.memory_space<vmem>>, vector<1x16xf32>,
        %get3A_602 = vector.shape_cast %get3A_601 : vector<1x16xf32> to vector<16xf32>
        %slice3A_603 = vector.extract_strided_slice %get3A_37 {offsets = [10], sizes = [1], strides = [1]} : vector<16xf32> to vector<1xf32>
        %squeeze3A_604 = vector.extract %slice3A_603[0] : f32 from vector<1xf32>
        %mul3A_605 = vector.broadcast %squeeze3A_604 : f32 to vector<16xf32>
        %mul3A_606 = arith.mulf %get3A_602, %mul3A_605 : vector<16xf32>
        %swap3A_607 = arith.index_cast %add3A_598 : i32 to index
        %swap3A_608 = arith.constant 0 : index
        %swap3A_609 = tpu.vector_load %arg11[%swap3A_607, %swap3A_608] {strides = array<i32>} : memref<128x64xf32, #tpu.memory_space<vmem>>, vector<1x16xf32>,
        %swap3A_610 = vector.shape_cast %swap3A_609 : vector<1x16xf32> to vector<16xf32>
        %swap3A_611 = vector.shape_cast %mul3A_606 : vector<16xf32> to vector<1x16xf32>
        tpu.vector_store %arg11[%swap3A_607, %swap3A_608], %swap3A_611 {strides = array<i32>} : memref<128x64xf32, #tpu.memory_space<vmem>>, vector<1x16xf32>,
        %get3A_612 = arith.index_cast %add3A_598 : i32 to index
        %get3A_613 = arith.constant 16 : index
        %get3A_614 = tpu.vector_load %arg11[%get3A_612, %get3A_613] {strides = array<i32>} : memref<128x64xf32, #tpu.memory_space<vmem>>, vector<1x16xf32>,
        %get3A_615 = vector.shape_cast %get3A_614 : vector<1x16xf32> to vector<16xf32>
        %slice3A_616 = vector.extract_strided_slice %get3A_37 {offsets = [10], sizes = [1], strides = [1]} : vector<16xf32> to vector<1xf32>
        %squeeze3A_617 = vector.extract %slice3A_616[0] : f32 from vector<1xf32>
        %mul3A_618 = vector.broadcast %squeeze3A_617 : f32 to vector<16xf32>
        %mul3A_619 = arith.mulf %get3A_615, %mul3A_618 : vector<16xf32>
        %swap3A_620 = arith.index_cast %add3A_598 : i32 to index
        %swap3A_621 = arith.constant 16 : index
        %swap3A_622 = tpu.vector_load %arg11[%swap3A_620, %swap3A_621] {strides = array<i32>} : memref<128x64xf32, #tpu.memory_space<vmem>>, vector<1x16xf32>,
        %swap3A_623 = vector.shape_cast %swap3A_622 : vector<1x16xf32> to vector<16xf32>
        %swap3A_624 = vector.shape_cast %mul3A_619 : vector<16xf32> to vector<1x16xf32>
        tpu.vector_store %arg11[%swap3A_620, %swap3A_621], %swap3A_624 {strides = array<i32>} : memref<128x64xf32, #tpu.memory_space<vmem>>, vector<1x16xf32>,
        %get3A_625 = arith.index_cast %add3A_598 : i32 to index
        %get3A_626 = arith.constant 32 : index
        %get3A_627 = tpu.vector_load %arg11[%get3A_625, %get3A_626] {strides = array<i32>} : memref<128x64xf32, #tpu.memory_space<vmem>>, vector<1x16xf32>,
        %get3A_628 = vector.shape_cast %get3A_627 : vector<1x16xf32> to vector<16xf32>
        %slice3A_629 = vector.extract_strided_slice %get3A_37 {offsets = [10], sizes = [1], strides = [1]} : vector<16xf32> to vector<1xf32>
        %squeeze3A_630 = vector.extract %slice3A_629[0] : f32 from vector<1xf32>
        %mul3A_631 = vector.broadcast %squeeze3A_630 : f32 to vector<16xf32>
        %mul3A_632 = arith.mulf %get3A_628, %mul3A_631 : vector<16xf32>
        %swap3A_633 = arith.index_cast %add3A_598 : i32 to index
        %swap3A_634 = arith.constant 32 : index
        %swap3A_635 = tpu.vector_load %arg11[%swap3A_633, %swap3A_634] {strides = array<i32>} : memref<128x64xf32, #tpu.memory_space<vmem>>, vector<1x16xf32>,
        %swap3A_636 = vector.shape_cast %swap3A_635 : vector<1x16xf32> to vector<16xf32>
        %swap3A_637 = vector.shape_cast %mul3A_632 : vector<16xf32> to vector<1x16xf32>
        tpu.vector_store %arg11[%swap3A_633, %swap3A_634], %swap3A_637 {strides = array<i32>} : memref<128x64xf32, #tpu.memory_space<vmem>>, vector<1x16xf32>,
        %get3A_638 = arith.index_cast %add3A_598 : i32 to index
        %get3A_639 = arith.constant 48 : index
        %get3A_640 = tpu.vector_load %arg11[%get3A_638, %get3A_639] {strides = array<i32>} : memref<128x64xf32, #tpu.memory_space<vmem>>, vector<1x16xf32>,
        %get3A_641 = vector.shape_cast %get3A_640 : vector<1x16xf32> to vector<16xf32>
        %slice3A_642 = vector.extract_strided_slice %get3A_37 {offsets = [10], sizes = [1], strides = [1]} : vector<16xf32> to vector<1xf32>
        %squeeze3A_643 = vector.extract %slice3A_642[0] : f32 from vector<1xf32>
        %mul3A_644 = vector.broadcast %squeeze3A_643 : f32 to vector<16xf32>
        %mul3A_645 = arith.mulf %get3A_641, %mul3A_644 : vector<16xf32>
        %swap3A_646 = arith.index_cast %add3A_598 : i32 to index
        %swap3A_647 = arith.constant 48 : index
        %swap3A_648 = tpu.vector_load %arg11[%swap3A_646, %swap3A_647] {strides = array<i32>} : memref<128x64xf32, #tpu.memory_space<vmem>>, vector<1x16xf32>,
        %swap3A_649 = vector.shape_cast %swap3A_648 : vector<1x16xf32> to vector<16xf32>
        %swap3A_650 = vector.shape_cast %mul3A_645 : vector<16xf32> to vector<1x16xf32>
        tpu.vector_store %arg11[%swap3A_646, %swap3A_647], %swap3A_650 {strides = array<i32>} : memref<128x64xf32, #tpu.memory_space<vmem>>, vector<1x16xf32>,
        %mul3A_651 = arith.constant 16 : i32
        %mul3A_652 = arith.muli %scan3A_32, %mul3A_651 : i32
        %add3A_653 = arith.constant 11 : i32
        %add3A_654 = arith.addi %mul3A_652, %add3A_653 : i32
        %get3A_655 = arith.index_cast %add3A_654 : i32 to index
        %get3A_656 = arith.constant 0 : index
        %get3A_657 = tpu.vector_load %arg11[%get3A_655, %get3A_656] {strides = array<i32>} : memref<128x64xf32, #tpu.memory_space<vmem>>, vector<1x16xf32>,
        %get3A_658 = vector.shape_cast %get3A_657 : vector<1x16xf32> to vector<16xf32>
        %slice3A_659 = vector.extract_strided_slice %get3A_37 {offsets = [11], sizes = [1], strides = [1]} : vector<16xf32> to vector<1xf32>
        %squeeze3A_660 = vector.extract %slice3A_659[0] : f32 from vector<1xf32>
        %mul3A_661 = vector.broadcast %squeeze3A_660 : f32 to vector<16xf32>
        %mul3A_662 = arith.mulf %get3A_658, %mul3A_661 : vector<16xf32>
        %swap3A_663 = arith.index_cast %add3A_654 : i32 to index
        %swap3A_664 = arith.constant 0 : index
        %swap3A_665 = tpu.vector_load %arg11[%swap3A_663, %swap3A_664] {strides = array<i32>} : memref<128x64xf32, #tpu.memory_space<vmem>>, vector<1x16xf32>,
        %swap3A_666 = vector.shape_cast %swap3A_665 : vector<1x16xf32> to vector<16xf32>
        %swap3A_667 = vector.shape_cast %mul3A_662 : vector<16xf32> to vector<1x16xf32>
        tpu.vector_store %arg11[%swap3A_663, %swap3A_664], %swap3A_667 {strides = array<i32>} : memref<128x64xf32, #tpu.memory_space<vmem>>, vector<1x16xf32>,
        %get3A_668 = arith.index_cast %add3A_654 : i32 to index
        %get3A_669 = arith.constant 16 : index
        %get3A_670 = tpu.vector_load %arg11[%get3A_668, %get3A_669] {strides = array<i32>} : memref<128x64xf32, #tpu.memory_space<vmem>>, vector<1x16xf32>,
        %get3A_671 = vector.shape_cast %get3A_670 : vector<1x16xf32> to vector<16xf32>
        %slice3A_672 = vector.extract_strided_slice %get3A_37 {offsets = [11], sizes = [1], strides = [1]} : vector<16xf32> to vector<1xf32>
        %squeeze3A_673 = vector.extract %slice3A_672[0] : f32 from vector<1xf32>
        %mul3A_674 = vector.broadcast %squeeze3A_673 : f32 to vector<16xf32>
        %mul3A_675 = arith.mulf %get3A_671, %mul3A_674 : vector<16xf32>
        %swap3A_676 = arith.index_cast %add3A_654 : i32 to index
        %swap3A_677 = arith.constant 16 : index
        %swap3A_678 = tpu.vector_load %arg11[%swap3A_676, %swap3A_677] {strides = array<i32>} : memref<128x64xf32, #tpu.memory_space<vmem>>, vector<1x16xf32>,
        %swap3A_679 = vector.shape_cast %swap3A_678 : vector<1x16xf32> to vector<16xf32>
        %swap3A_680 = vector.shape_cast %mul3A_675 : vector<16xf32> to vector<1x16xf32>
        tpu.vector_store %arg11[%swap3A_676, %swap3A_677], %swap3A_680 {strides = array<i32>} : memref<128x64xf32, #tpu.memory_space<vmem>>, vector<1x16xf32>,
        %get3A_681 = arith.index_cast %add3A_654 : i32 to index
        %get3A_682 = arith.constant 32 : index
        %get3A_683 = tpu.vector_load %arg11[%get3A_681, %get3A_682] {strides = array<i32>} : memref<128x64xf32, #tpu.memory_space<vmem>>, vector<1x16xf32>,
        %get3A_684 = vector.shape_cast %get3A_683 : vector<1x16xf32> to vector<16xf32>
        %slice3A_685 = vector.extract_strided_slice %get3A_37 {offsets = [11], sizes = [1], strides = [1]} : vector<16xf32> to vector<1xf32>
        %squeeze3A_686 = vector.extract %slice3A_685[0] : f32 from vector<1xf32>
        %mul3A_687 = vector.broadcast %squeeze3A_686 : f32 to vector<16xf32>
        %mul3A_688 = arith.mulf %get3A_684, %mul3A_687 : vector<16xf32>
        %swap3A_689 = arith.index_cast %add3A_654 : i32 to index
        %swap3A_690 = arith.constant 32 : index
        %swap3A_691 = tpu.vector_load %arg11[%swap3A_689, %swap3A_690] {strides = array<i32>} : memref<128x64xf32, #tpu.memory_space<vmem>>, vector<1x16xf32>,
        %swap3A_692 = vector.shape_cast %swap3A_691 : vector<1x16xf32> to vector<16xf32>
        %swap3A_693 = vector.shape_cast %mul3A_688 : vector<16xf32> to vector<1x16xf32>
        tpu.vector_store %arg11[%swap3A_689, %swap3A_690], %swap3A_693 {strides = array<i32>} : memref<128x64xf32, #tpu.memory_space<vmem>>, vector<1x16xf32>,
        %get3A_694 = arith.index_cast %add3A_654 : i32 to index
        %get3A_695 = arith.constant 48 : index
        %get3A_696 = tpu.vector_load %arg11[%get3A_694, %get3A_695] {strides = array<i32>} : memref<128x64xf32, #tpu.memory_space<vmem>>, vector<1x16xf32>,
        %get3A_697 = vector.shape_cast %get3A_696 : vector<1x16xf32> to vector<16xf32>
        %slice3A_698 = vector.extract_strided_slice %get3A_37 {offsets = [11], sizes = [1], strides = [1]} : vector<16xf32> to vector<1xf32>
        %squeeze3A_699 = vector.extract %slice3A_698[0] : f32 from vector<1xf32>
        %mul3A_700 = vector.broadcast %squeeze3A_699 : f32 to vector<16xf32>
        %mul3A_701 = arith.mulf %get3A_697, %mul3A_700 : vector<16xf32>
        %swap3A_702 = arith.index_cast %add3A_654 : i32 to index
        %swap3A_703 = arith.constant 48 : index
        %swap3A_704 = tpu.vector_load %arg11[%swap3A_702, %swap3A_703] {strides = array<i32>} : memref<128x64xf32, #tpu.memory_space<vmem>>, vector<1x16xf32>,
        %swap3A_705 = vector.shape_cast %swap3A_704 : vector<1x16xf32> to vector<16xf32>
        %swap3A_706 = vector.shape_cast %mul3A_701 : vector<16xf32> to vector<1x16xf32>
        tpu.vector_store %arg11[%swap3A_702, %swap3A_703], %swap3A_706 {strides = array<i32>} : memref<128x64xf32, #tpu.memory_space<vmem>>, vector<1x16xf32>,
        %mul3A_707 = arith.constant 16 : i32
        %mul3A_708 = arith.muli %scan3A_32, %mul3A_707 : i32
        %add3A_709 = arith.constant 12 : i32
        %add3A_710 = arith.addi %mul3A_708, %add3A_709 : i32
        %get3A_711 = arith.index_cast %add3A_710 : i32 to index
        %get3A_712 = arith.constant 0 : index
        %get3A_713 = tpu.vector_load %arg11[%get3A_711, %get3A_712] {strides = array<i32>} : memref<128x64xf32, #tpu.memory_space<vmem>>, vector<1x16xf32>,
        %get3A_714 = vector.shape_cast %get3A_713 : vector<1x16xf32> to vector<16xf32>
        %slice3A_715 = vector.extract_strided_slice %get3A_37 {offsets = [12], sizes = [1], strides = [1]} : vector<16xf32> to vector<1xf32>
        %squeeze3A_716 = vector.extract %slice3A_715[0] : f32 from vector<1xf32>
        %mul3A_717 = vector.broadcast %squeeze3A_716 : f32 to vector<16xf32>
        %mul3A_718 = arith.mulf %get3A_714, %mul3A_717 : vector<16xf32>
        %swap3A_719 = arith.index_cast %add3A_710 : i32 to index
        %swap3A_720 = arith.constant 0 : index
        %swap3A_721 = tpu.vector_load %arg11[%swap3A_719, %swap3A_720] {strides = array<i32>} : memref<128x64xf32, #tpu.memory_space<vmem>>, vector<1x16xf32>,
        %swap3A_722 = vector.shape_cast %swap3A_721 : vector<1x16xf32> to vector<16xf32>
        %swap3A_723 = vector.shape_cast %mul3A_718 : vector<16xf32> to vector<1x16xf32>
        tpu.vector_store %arg11[%swap3A_719, %swap3A_720], %swap3A_723 {strides = array<i32>} : memref<128x64xf32, #tpu.memory_space<vmem>>, vector<1x16xf32>,
        %get3A_724 = arith.index_cast %add3A_710 : i32 to index
        %get3A_725 = arith.constant 16 : index
        %get3A_726 = tpu.vector_load %arg11[%get3A_724, %get3A_725] {strides = array<i32>} : memref<128x64xf32, #tpu.memory_space<vmem>>, vector<1x16xf32>,
        %get3A_727 = vector.shape_cast %get3A_726 : vector<1x16xf32> to vector<16xf32>
        %slice3A_728 = vector.extract_strided_slice %get3A_37 {offsets = [12], sizes = [1], strides = [1]} : vector<16xf32> to vector<1xf32>
        %squeeze3A_729 = vector.extract %slice3A_728[0] : f32 from vector<1xf32>
        %mul3A_730 = vector.broadcast %squeeze3A_729 : f32 to vector<16xf32>
        %mul3A_731 = arith.mulf %get3A_727, %mul3A_730 : vector<16xf32>
        %swap3A_732 = arith.index_cast %add3A_710 : i32 to index
        %swap3A_733 = arith.constant 16 : index
        %swap3A_734 = tpu.vector_load %arg11[%swap3A_732, %swap3A_733] {strides = array<i32>} : memref<128x64xf32, #tpu.memory_space<vmem>>, vector<1x16xf32>,
        %swap3A_735 = vector.shape_cast %swap3A_734 : vector<1x16xf32> to vector<16xf32>
        %swap3A_736 = vector.shape_cast %mul3A_731 : vector<16xf32> to vector<1x16xf32>
        tpu.vector_store %arg11[%swap3A_732, %swap3A_733], %swap3A_736 {strides = array<i32>} : memref<128x64xf32, #tpu.memory_space<vmem>>, vector<1x16xf32>,
        %get3A_737 = arith.index_cast %add3A_710 : i32 to index
        %get3A_738 = arith.constant 32 : index
        %get3A_739 = tpu.vector_load %arg11[%get3A_737, %get3A_738] {strides = array<i32>} : memref<128x64xf32, #tpu.memory_space<vmem>>, vector<1x16xf32>,
        %get3A_740 = vector.shape_cast %get3A_739 : vector<1x16xf32> to vector<16xf32>
        %slice3A_741 = vector.extract_strided_slice %get3A_37 {offsets = [12], sizes = [1], strides = [1]} : vector<16xf32> to vector<1xf32>
        %squeeze3A_742 = vector.extract %slice3A_741[0] : f32 from vector<1xf32>
        %mul3A_743 = vector.broadcast %squeeze3A_742 : f32 to vector<16xf32>
        %mul3A_744 = arith.mulf %get3A_740, %mul3A_743 : vector<16xf32>
        %swap3A_745 = arith.index_cast %add3A_710 : i32 to index
        %swap3A_746 = arith.constant 32 : index
        %swap3A_747 = tpu.vector_load %arg11[%swap3A_745, %swap3A_746] {strides = array<i32>} : memref<128x64xf32, #tpu.memory_space<vmem>>, vector<1x16xf32>,
        %swap3A_748 = vector.shape_cast %swap3A_747 : vector<1x16xf32> to vector<16xf32>
        %swap3A_749 = vector.shape_cast %mul3A_744 : vector<16xf32> to vector<1x16xf32>
        tpu.vector_store %arg11[%swap3A_745, %swap3A_746], %swap3A_749 {strides = array<i32>} : memref<128x64xf32, #tpu.memory_space<vmem>>, vector<1x16xf32>,
        %get3A_750 = arith.index_cast %add3A_710 : i32 to index
        %get3A_751 = arith.constant 48 : index
        %get3A_752 = tpu.vector_load %arg11[%get3A_750, %get3A_751] {strides = array<i32>} : memref<128x64xf32, #tpu.memory_space<vmem>>, vector<1x16xf32>,
        %get3A_753 = vector.shape_cast %get3A_752 : vector<1x16xf32> to vector<16xf32>
        %slice3A_754 = vector.extract_strided_slice %get3A_37 {offsets = [12], sizes = [1], strides = [1]} : vector<16xf32> to vector<1xf32>
        %squeeze3A_755 = vector.extract %slice3A_754[0] : f32 from vector<1xf32>
        %mul3A_756 = vector.broadcast %squeeze3A_755 : f32 to vector<16xf32>
        %mul3A_757 = arith.mulf %get3A_753, %mul3A_756 : vector<16xf32>
        %swap3A_758 = arith.index_cast %add3A_710 : i32 to index
        %swap3A_759 = arith.constant 48 : index
        %swap3A_760 = tpu.vector_load %arg11[%swap3A_758, %swap3A_759] {strides = array<i32>} : memref<128x64xf32, #tpu.memory_space<vmem>>, vector<1x16xf32>,
        %swap3A_761 = vector.shape_cast %swap3A_760 : vector<1x16xf32> to vector<16xf32>
        %swap3A_762 = vector.shape_cast %mul3A_757 : vector<16xf32> to vector<1x16xf32>
        tpu.vector_store %arg11[%swap3A_758, %swap3A_759], %swap3A_762 {strides = array<i32>} : memref<128x64xf32, #tpu.memory_space<vmem>>, vector<1x16xf32>,
        %mul3A_763 = arith.constant 16 : i32
        %mul3A_764 = arith.muli %scan3A_32, %mul3A_763 : i32
        %add3A_765 = arith.constant 13 : i32
        %add3A_766 = arith.addi %mul3A_764, %add3A_765 : i32
        %get3A_767 = arith.index_cast %add3A_766 : i32 to index
        %get3A_768 = arith.constant 0 : index
        %get3A_769 = tpu.vector_load %arg11[%get3A_767, %get3A_768] {strides = array<i32>} : memref<128x64xf32, #tpu.memory_space<vmem>>, vector<1x16xf32>,
        %get3A_770 = vector.shape_cast %get3A_769 : vector<1x16xf32> to vector<16xf32>
        %slice3A_771 = vector.extract_strided_slice %get3A_37 {offsets = [13], sizes = [1], strides = [1]} : vector<16xf32> to vector<1xf32>
        %squeeze3A_772 = vector.extract %slice3A_771[0] : f32 from vector<1xf32>
        %mul3A_773 = vector.broadcast %squeeze3A_772 : f32 to vector<16xf32>
        %mul3A_774 = arith.mulf %get3A_770, %mul3A_773 : vector<16xf32>
        %swap3A_775 = arith.index_cast %add3A_766 : i32 to index
        %swap3A_776 = arith.constant 0 : index
        %swap3A_777 = tpu.vector_load %arg11[%swap3A_775, %swap3A_776] {strides = array<i32>} : memref<128x64xf32, #tpu.memory_space<vmem>>, vector<1x16xf32>,
        %swap3A_778 = vector.shape_cast %swap3A_777 : vector<1x16xf32> to vector<16xf32>
        %swap3A_779 = vector.shape_cast %mul3A_774 : vector<16xf32> to vector<1x16xf32>
        tpu.vector_store %arg11[%swap3A_775, %swap3A_776], %swap3A_779 {strides = array<i32>} : memref<128x64xf32, #tpu.memory_space<vmem>>, vector<1x16xf32>,
        %get3A_780 = arith.index_cast %add3A_766 : i32 to index
        %get3A_781 = arith.constant 16 : index
        %get3A_782 = tpu.vector_load %arg11[%get3A_780, %get3A_781] {strides = array<i32>} : memref<128x64xf32, #tpu.memory_space<vmem>>, vector<1x16xf32>,
        %get3A_783 = vector.shape_cast %get3A_782 : vector<1x16xf32> to vector<16xf32>
        %slice3A_784 = vector.extract_strided_slice %get3A_37 {offsets = [13], sizes = [1], strides = [1]} : vector<16xf32> to vector<1xf32>
        %squeeze3A_785 = vector.extract %slice3A_784[0] : f32 from vector<1xf32>
        %mul3A_786 = vector.broadcast %squeeze3A_785 : f32 to vector<16xf32>
        %mul3A_787 = arith.mulf %get3A_783, %mul3A_786 : vector<16xf32>
        %swap3A_788 = arith.index_cast %add3A_766 : i32 to index
        %swap3A_789 = arith.constant 16 : index
        %swap3A_790 = tpu.vector_load %arg11[%swap3A_788, %swap3A_789] {strides = array<i32>} : memref<128x64xf32, #tpu.memory_space<vmem>>, vector<1x16xf32>,
        %swap3A_791 = vector.shape_cast %swap3A_790 : vector<1x16xf32> to vector<16xf32>
        %swap3A_792 = vector.shape_cast %mul3A_787 : vector<16xf32> to vector<1x16xf32>
        tpu.vector_store %arg11[%swap3A_788, %swap3A_789], %swap3A_792 {strides = array<i32>} : memref<128x64xf32, #tpu.memory_space<vmem>>, vector<1x16xf32>,
        %get3A_793 = arith.index_cast %add3A_766 : i32 to index
        %get3A_794 = arith.constant 32 : index
        %get3A_795 = tpu.vector_load %arg11[%get3A_793, %get3A_794] {strides = array<i32>} : memref<128x64xf32, #tpu.memory_space<vmem>>, vector<1x16xf32>,
        %get3A_796 = vector.shape_cast %get3A_795 : vector<1x16xf32> to vector<16xf32>
        %slice3A_797 = vector.extract_strided_slice %get3A_37 {offsets = [13], sizes = [1], strides = [1]} : vector<16xf32> to vector<1xf32>
        %squeeze3A_798 = vector.extract %slice3A_797[0] : f32 from vector<1xf32>
        %mul3A_799 = vector.broadcast %squeeze3A_798 : f32 to vector<16xf32>
        %mul3A_800 = arith.mulf %get3A_796, %mul3A_799 : vector<16xf32>
        %swap3A_801 = arith.index_cast %add3A_766 : i32 to index
        %swap3A_802 = arith.constant 32 : index
        %swap3A_803 = tpu.vector_load %arg11[%swap3A_801, %swap3A_802] {strides = array<i32>} : memref<128x64xf32, #tpu.memory_space<vmem>>, vector<1x16xf32>,
        %swap3A_804 = vector.shape_cast %swap3A_803 : vector<1x16xf32> to vector<16xf32>
        %swap3A_805 = vector.shape_cast %mul3A_800 : vector<16xf32> to vector<1x16xf32>
        tpu.vector_store %arg11[%swap3A_801, %swap3A_802], %swap3A_805 {strides = array<i32>} : memref<128x64xf32, #tpu.memory_space<vmem>>, vector<1x16xf32>,
        %get3A_806 = arith.index_cast %add3A_766 : i32 to index
        %get3A_807 = arith.constant 48 : index
        %get3A_808 = tpu.vector_load %arg11[%get3A_806, %get3A_807] {strides = array<i32>} : memref<128x64xf32, #tpu.memory_space<vmem>>, vector<1x16xf32>,
        %get3A_809 = vector.shape_cast %get3A_808 : vector<1x16xf32> to vector<16xf32>
        %slice3A_810 = vector.extract_strided_slice %get3A_37 {offsets = [13], sizes = [1], strides = [1]} : vector<16xf32> to vector<1xf32>
        %squeeze3A_811 = vector.extract %slice3A_810[0] : f32 from vector<1xf32>
        %mul3A_812 = vector.broadcast %squeeze3A_811 : f32 to vector<16xf32>
        %mul3A_813 = arith.mulf %get3A_809, %mul3A_812 : vector<16xf32>
        %swap3A_814 = arith.index_cast %add3A_766 : i32 to index
        %swap3A_815 = arith.constant 48 : index
        %swap3A_816 = tpu.vector_load %arg11[%swap3A_814, %swap3A_815] {strides = array<i32>} : memref<128x64xf32, #tpu.memory_space<vmem>>, vector<1x16xf32>,
        %swap3A_817 = vector.shape_cast %swap3A_816 : vector<1x16xf32> to vector<16xf32>
        %swap3A_818 = vector.shape_cast %mul3A_813 : vector<16xf32> to vector<1x16xf32>
        tpu.vector_store %arg11[%swap3A_814, %swap3A_815], %swap3A_818 {strides = array<i32>} : memref<128x64xf32, #tpu.memory_space<vmem>>, vector<1x16xf32>,
        %mul3A_819 = arith.constant 16 : i32
        %mul3A_820 = arith.muli %scan3A_32, %mul3A_819 : i32
        %add3A_821 = arith.constant 14 : i32
        %add3A_822 = arith.addi %mul3A_820, %add3A_821 : i32
        %get3A_823 = arith.index_cast %add3A_822 : i32 to index
        %get3A_824 = arith.constant 0 : index
        %get3A_825 = tpu.vector_load %arg11[%get3A_823, %get3A_824] {strides = array<i32>} : memref<128x64xf32, #tpu.memory_space<vmem>>, vector<1x16xf32>,
        %get3A_826 = vector.shape_cast %get3A_825 : vector<1x16xf32> to vector<16xf32>
        %slice3A_827 = vector.extract_strided_slice %get3A_37 {offsets = [14], sizes = [1], strides = [1]} : vector<16xf32> to vector<1xf32>
        %squeeze3A_828 = vector.extract %slice3A_827[0] : f32 from vector<1xf32>
        %mul3A_829 = vector.broadcast %squeeze3A_828 : f32 to vector<16xf32>
        %mul3A_830 = arith.mulf %get3A_826, %mul3A_829 : vector<16xf32>
        %swap3A_831 = arith.index_cast %add3A_822 : i32 to index
        %swap3A_832 = arith.constant 0 : index
        %swap3A_833 = tpu.vector_load %arg11[%swap3A_831, %swap3A_832] {strides = array<i32>} : memref<128x64xf32, #tpu.memory_space<vmem>>, vector<1x16xf32>,
        %swap3A_834 = vector.shape_cast %swap3A_833 : vector<1x16xf32> to vector<16xf32>
        %swap3A_835 = vector.shape_cast %mul3A_830 : vector<16xf32> to vector<1x16xf32>
        tpu.vector_store %arg11[%swap3A_831, %swap3A_832], %swap3A_835 {strides = array<i32>} : memref<128x64xf32, #tpu.memory_space<vmem>>, vector<1x16xf32>,
        %get3A_836 = arith.index_cast %add3A_822 : i32 to index
        %get3A_837 = arith.constant 16 : index
        %get3A_838 = tpu.vector_load %arg11[%get3A_836, %get3A_837] {strides = array<i32>} : memref<128x64xf32, #tpu.memory_space<vmem>>, vector<1x16xf32>,
        %get3A_839 = vector.shape_cast %get3A_838 : vector<1x16xf32> to vector<16xf32>
        %slice3A_840 = vector.extract_strided_slice %get3A_37 {offsets = [14], sizes = [1], strides = [1]} : vector<16xf32> to vector<1xf32>
        %squeeze3A_841 = vector.extract %slice3A_840[0] : f32 from vector<1xf32>
        %mul3A_842 = vector.broadcast %squeeze3A_841 : f32 to vector<16xf32>
        %mul3A_843 = arith.mulf %get3A_839, %mul3A_842 : vector<16xf32>
        %swap3A_844 = arith.index_cast %add3A_822 : i32 to index
        %swap3A_845 = arith.constant 16 : index
        %swap3A_846 = tpu.vector_load %arg11[%swap3A_844, %swap3A_845] {strides = array<i32>} : memref<128x64xf32, #tpu.memory_space<vmem>>, vector<1x16xf32>,
        %swap3A_847 = vector.shape_cast %swap3A_846 : vector<1x16xf32> to vector<16xf32>
        %swap3A_848 = vector.shape_cast %mul3A_843 : vector<16xf32> to vector<1x16xf32>
        tpu.vector_store %arg11[%swap3A_844, %swap3A_845], %swap3A_848 {strides = array<i32>} : memref<128x64xf32, #tpu.memory_space<vmem>>, vector<1x16xf32>,
        %get3A_849 = arith.index_cast %add3A_822 : i32 to index
        %get3A_850 = arith.constant 32 : index
        %get3A_851 = tpu.vector_load %arg11[%get3A_849, %get3A_850] {strides = array<i32>} : memref<128x64xf32, #tpu.memory_space<vmem>>, vector<1x16xf32>,
        %get3A_852 = vector.shape_cast %get3A_851 : vector<1x16xf32> to vector<16xf32>
        %slice3A_853 = vector.extract_strided_slice %get3A_37 {offsets = [14], sizes = [1], strides = [1]} : vector<16xf32> to vector<1xf32>
        %squeeze3A_854 = vector.extract %slice3A_853[0] : f32 from vector<1xf32>
        %mul3A_855 = vector.broadcast %squeeze3A_854 : f32 to vector<16xf32>
        %mul3A_856 = arith.mulf %get3A_852, %mul3A_855 : vector<16xf32>
        %swap3A_857 = arith.index_cast %add3A_822 : i32 to index
        %swap3A_858 = arith.constant 32 : index
        %swap3A_859 = tpu.vector_load %arg11[%swap3A_857, %swap3A_858] {strides = array<i32>} : memref<128x64xf32, #tpu.memory_space<vmem>>, vector<1x16xf32>,
        %swap3A_860 = vector.shape_cast %swap3A_859 : vector<1x16xf32> to vector<16xf32>
        %swap3A_861 = vector.shape_cast %mul3A_856 : vector<16xf32> to vector<1x16xf32>
        tpu.vector_store %arg11[%swap3A_857, %swap3A_858], %swap3A_861 {strides = array<i32>} : memref<128x64xf32, #tpu.memory_space<vmem>>, vector<1x16xf32>,
        %get3A_862 = arith.index_cast %add3A_822 : i32 to index
        %get3A_863 = arith.constant 48 : index
        %get3A_864 = tpu.vector_load %arg11[%get3A_862, %get3A_863] {strides = array<i32>} : memref<128x64xf32, #tpu.memory_space<vmem>>, vector<1x16xf32>,
        %get3A_865 = vector.shape_cast %get3A_864 : vector<1x16xf32> to vector<16xf32>
        %slice3A_866 = vector.extract_strided_slice %get3A_37 {offsets = [14], sizes = [1], strides = [1]} : vector<16xf32> to vector<1xf32>
        %squeeze3A_867 = vector.extract %slice3A_866[0] : f32 from vector<1xf32>
        %mul3A_868 = vector.broadcast %squeeze3A_867 : f32 to vector<16xf32>
        %mul3A_869 = arith.mulf %get3A_865, %mul3A_868 : vector<16xf32>
        %swap3A_870 = arith.index_cast %add3A_822 : i32 to index
        %swap3A_871 = arith.constant 48 : index
        %swap3A_872 = tpu.vector_load %arg11[%swap3A_870, %swap3A_871] {strides = array<i32>} : memref<128x64xf32, #tpu.memory_space<vmem>>, vector<1x16xf32>,
        %swap3A_873 = vector.shape_cast %swap3A_872 : vector<1x16xf32> to vector<16xf32>
        %swap3A_874 = vector.shape_cast %mul3A_869 : vector<16xf32> to vector<1x16xf32>
        tpu.vector_store %arg11[%swap3A_870, %swap3A_871], %swap3A_874 {strides = array<i32>} : memref<128x64xf32, #tpu.memory_space<vmem>>, vector<1x16xf32>,
        %mul3A_875 = arith.constant 16 : i32
        %mul3A_876 = arith.muli %scan3A_32, %mul3A_875 : i32
        %add3A_877 = arith.constant 15 : i32
        %add3A_878 = arith.addi %mul3A_876, %add3A_877 : i32
        %get3A_879 = arith.index_cast %add3A_878 : i32 to index
        %get3A_880 = arith.constant 0 : index
        %get3A_881 = tpu.vector_load %arg11[%get3A_879, %get3A_880] {strides = array<i32>} : memref<128x64xf32, #tpu.memory_space<vmem>>, vector<1x16xf32>,
        %get3A_882 = vector.shape_cast %get3A_881 : vector<1x16xf32> to vector<16xf32>
        %slice3A_883 = vector.extract_strided_slice %get3A_37 {offsets = [15], sizes = [1], strides = [1]} : vector<16xf32> to vector<1xf32>
        %squeeze3A_884 = vector.extract %slice3A_883[0] : f32 from vector<1xf32>
        %mul3A_885 = vector.broadcast %squeeze3A_884 : f32 to vector<16xf32>
        %mul3A_886 = arith.mulf %get3A_882, %mul3A_885 : vector<16xf32>
        %swap3A_887 = arith.index_cast %add3A_878 : i32 to index
        %swap3A_888 = arith.constant 0 : index
        %swap3A_889 = tpu.vector_load %arg11[%swap3A_887, %swap3A_888] {strides = array<i32>} : memref<128x64xf32, #tpu.memory_space<vmem>>, vector<1x16xf32>,
        %swap3A_890 = vector.shape_cast %swap3A_889 : vector<1x16xf32> to vector<16xf32>
        %swap3A_891 = vector.shape_cast %mul3A_886 : vector<16xf32> to vector<1x16xf32>
        tpu.vector_store %arg11[%swap3A_887, %swap3A_888], %swap3A_891 {strides = array<i32>} : memref<128x64xf32, #tpu.memory_space<vmem>>, vector<1x16xf32>,
        %get3A_892 = arith.index_cast %add3A_878 : i32 to index
        %get3A_893 = arith.constant 16 : index
        %get3A_894 = tpu.vector_load %arg11[%get3A_892, %get3A_893] {strides = array<i32>} : memref<128x64xf32, #tpu.memory_space<vmem>>, vector<1x16xf32>,
        %get3A_895 = vector.shape_cast %get3A_894 : vector<1x16xf32> to vector<16xf32>
        %slice3A_896 = vector.extract_strided_slice %get3A_37 {offsets = [15], sizes = [1], strides = [1]} : vector<16xf32> to vector<1xf32>
        %squeeze3A_897 = vector.extract %slice3A_896[0] : f32 from vector<1xf32>
        %mul3A_898 = vector.broadcast %squeeze3A_897 : f32 to vector<16xf32>
        %mul3A_899 = arith.mulf %get3A_895, %mul3A_898 : vector<16xf32>
        %swap3A_900 = arith.index_cast %add3A_878 : i32 to index
        %swap3A_901 = arith.constant 16 : index
        %swap3A_902 = tpu.vector_load %arg11[%swap3A_900, %swap3A_901] {strides = array<i32>} : memref<128x64xf32, #tpu.memory_space<vmem>>, vector<1x16xf32>,
        %swap3A_903 = vector.shape_cast %swap3A_902 : vector<1x16xf32> to vector<16xf32>
        %swap3A_904 = vector.shape_cast %mul3A_899 : vector<16xf32> to vector<1x16xf32>
        tpu.vector_store %arg11[%swap3A_900, %swap3A_901], %swap3A_904 {strides = array<i32>} : memref<128x64xf32, #tpu.memory_space<vmem>>, vector<1x16xf32>,
        %get3A_905 = arith.index_cast %add3A_878 : i32 to index
        %get3A_906 = arith.constant 32 : index
        %get3A_907 = tpu.vector_load %arg11[%get3A_905, %get3A_906] {strides = array<i32>} : memref<128x64xf32, #tpu.memory_space<vmem>>, vector<1x16xf32>,
        %get3A_908 = vector.shape_cast %get3A_907 : vector<1x16xf32> to vector<16xf32>
        %slice3A_909 = vector.extract_strided_slice %get3A_37 {offsets = [15], sizes = [1], strides = [1]} : vector<16xf32> to vector<1xf32>
        %squeeze3A_910 = vector.extract %slice3A_909[0] : f32 from vector<1xf32>
        %mul3A_911 = vector.broadcast %squeeze3A_910 : f32 to vector<16xf32>
        %mul3A_912 = arith.mulf %get3A_908, %mul3A_911 : vector<16xf32>
        %swap3A_913 = arith.index_cast %add3A_878 : i32 to index
        %swap3A_914 = arith.constant 32 : index
        %swap3A_915 = tpu.vector_load %arg11[%swap3A_913, %swap3A_914] {strides = array<i32>} : memref<128x64xf32, #tpu.memory_space<vmem>>, vector<1x16xf32>,
        %swap3A_916 = vector.shape_cast %swap3A_915 : vector<1x16xf32> to vector<16xf32>
        %swap3A_917 = vector.shape_cast %mul3A_912 : vector<16xf32> to vector<1x16xf32>
        tpu.vector_store %arg11[%swap3A_913, %swap3A_914], %swap3A_917 {strides = array<i32>} : memref<128x64xf32, #tpu.memory_space<vmem>>, vector<1x16xf32>,
        %get3A_918 = arith.index_cast %add3A_878 : i32 to index
        %get3A_919 = arith.constant 48 : index
        %get3A_920 = tpu.vector_load %arg11[%get3A_918, %get3A_919] {strides = array<i32>} : memref<128x64xf32, #tpu.memory_space<vmem>>, vector<1x16xf32>,
        %get3A_921 = vector.shape_cast %get3A_920 : vector<1x16xf32> to vector<16xf32>
        %slice3A_922 = vector.extract_strided_slice %get3A_37 {offsets = [15], sizes = [1], strides = [1]} : vector<16xf32> to vector<1xf32>
        %squeeze3A_923 = vector.extract %slice3A_922[0] : f32 from vector<1xf32>
        %mul3A_924 = vector.broadcast %squeeze3A_923 : f32 to vector<16xf32>
        %mul3A_925 = arith.mulf %get3A_921, %mul3A_924 : vector<16xf32>
        %swap3A_926 = arith.index_cast %add3A_878 : i32 to index
        %swap3A_927 = arith.constant 48 : index
        %swap3A_928 = tpu.vector_load %arg11[%swap3A_926, %swap3A_927] {strides = array<i32>} : memref<128x64xf32, #tpu.memory_space<vmem>>, vector<1x16xf32>,
        %swap3A_929 = vector.shape_cast %swap3A_928 : vector<1x16xf32> to vector<16xf32>
        %swap3A_930 = vector.shape_cast %mul3A_925 : vector<16xf32> to vector<1x16xf32>
        tpu.vector_store %arg11[%swap3A_926, %swap3A_927], %swap3A_930 {strides = array<i32>} : memref<128x64xf32, #tpu.memory_space<vmem>>, vector<1x16xf32>,
        %scan3A_931 = arith.constant 0 : i32
        scf.yield %scan3A_931 : i32
      }
      %scan3A_30 = arith.constant 8 : i32
      "tpu.region"() ({
        %run_scoped3A = tpu.sem_alloc : memref<!tpu.dma_semaphore, #tpu.memory_space<semaphore_mem>>
        %dma_start3A_32 = arith.constant 0 : i32
        %dma_start3A_33 = arith.constant 0 : i32
        %dma_start3A_34 = tpu.memref_slice %arg12[%dma_start3A_32, %dma_start3A_33] : memref<25088x64xf32, #tpu.memory_space<vmem_shared>> -> memref<25088x64xf32, #tpu.memory_space<vmem_shared>>
        tpu.enqueue_indirect_dma source(%arg11 : memref<128x64xf32, #tpu.memory_space<vmem>>) target(%dma_start3A_34 : memref<25088x64xf32, #tpu.memory_space<vmem_shared>>) offsets(%arg9 : memref<128xi32, #tpu.memory_space<vmem>>) semaphore(%run_scoped3A : memref<!tpu.dma_semaphore, #tpu.memory_space<semaphore_mem>>) {add = true}
        %dma_wait3A_35 = arith.constant 0 : i32
        %dma_wait3A_36 = arith.constant 0 : i32
        %dma_wait3A_37 = tpu.memref_slice %arg12[%dma_wait3A_35, %dma_wait3A_36] : memref<25088x64xf32, #tpu.memory_space<vmem_shared>> -> memref<25088x64xf32, #tpu.memory_space<vmem_shared>>
        tpu.wait_indirect_dma semaphore(%run_scoped3A : memref<!tpu.dma_semaphore, #tpu.memory_space<semaphore_mem>>) src(%arg11 : memref<128x64xf32, #tpu.memory_space<vmem>>) dst(%dma_wait3A_37 : memref<25088x64xf32, #tpu.memory_space<vmem_shared>>)
        tpu.yield
      }) : () -> ()
      %scan3A_31 = arith.constant 0 : i32
      scf.yield %scan3A_31 : i32
    }
    %scan3A_8 = arith.constant 392 : i32
    %barrier3A_9 = arith.constant 0 : index
    tpu.barrier barrier_id(%barrier3A_9)
    %mul3A_10 = arith.constant 25088 : i32
    %mul3A_11 = arith.muli %arg0, %mul3A_10 : i32
    %add3A_12 = arith.addi %mul3A_11, %mul3A_0 : i32
    "tpu.region"() ({
      %run_scoped3A = tpu.sem_alloc : memref<!tpu.dma_semaphore, #tpu.memory_space<semaphore_mem>>
      %dma_start3A = arith.constant 0 : i32
      %dma_start3A_13 = tpu.memref_slice %arg7[%add3A_12, %dma_start3A] : memref<50176x64xf32, #tpu.memory_space<hbm>> -> memref<1568x64xf32, #tpu.memory_space<hbm>>
      %dma_start3A_14 = arith.constant 0 : i32
      %dma_start3A_15 = tpu.memref_slice %arg12[%mul3A_0, %dma_start3A_14] : memref<25088x64xf32, #tpu.memory_space<vmem_shared>> -> memref<1568x64xf32, #tpu.memory_space<vmem_shared>>
      tpu.enqueue_dma source(%dma_start3A_15 : memref<1568x64xf32, #tpu.memory_space<vmem_shared>>) target(%dma_start3A_13 : memref<1568x64xf32, #tpu.memory_space<hbm>>) target_semaphore(%run_scoped3A : memref<!tpu.dma_semaphore, #tpu.memory_space<semaphore_mem>>)
      %dma_wait3A = arith.constant 0 : i32
      %dma_wait3A_16 = tpu.memref_slice %arg7[%add3A_12, %dma_wait3A] : memref<50176x64xf32, #tpu.memory_space<hbm>> -> memref<1568x64xf32, #tpu.memory_space<hbm>>
      %dma_wait3A_17 = arith.constant 0 : i32
      %dma_wait3A_18 = tpu.memref_slice %arg12[%mul3A_0, %dma_wait3A_17] : memref<25088x64xf32, #tpu.memory_space<vmem_shared>> -> memref<1568x64xf32, #tpu.memory_space<vmem_shared>>
      tpu.wait_dma2 semaphore(%run_scoped3A : memref<!tpu.dma_semaphore, #tpu.memory_space<semaphore_mem>>) src(%dma_wait3A_18 : memref<1568x64xf32, #tpu.memory_space<vmem_shared>>) dst(%dma_wait3A_16 : memref<1568x64xf32, #tpu.memory_space<hbm>>)
      tpu.yield
    }) : () -> ()
    return
  }
}

#map = affine_map<(d0, d1) -> (0, 0)>
#map1 = affine_map<(d0, d1) -> (0)>
module attributes {stable_mosaic.version = 14 : i64} {
  func.func @_layer_kernel(%arg0: i32, %arg1: i32, %arg2: memref<50176x64xf32, #tpu.memory_space<hbm>>, %arg3: memref<802816xi32, #tpu.memory_space<hbm>>, %arg4: memref<2x802816xi32, #tpu.memory_space<hbm>>, %arg5: memref<802816xf32, #tpu.memory_space<hbm>>, %arg6: memref<50176x64xf32, #tpu.memory_space<hbm>>, %arg7: memref<50176x64xf32, #tpu.memory_space<hbm>>, %arg8: memref<128xi32, #tpu.memory_space<vmem>>, %arg9: memref<128xi32, #tpu.memory_space<vmem>>, %arg10: memref<128xf32, #tpu.memory_space<vmem>>, %arg11: memref<128x64xf32, #tpu.memory_space<vmem>>, %arg12: memref<25088x64xf32, #tpu.memory_space<vmem_shared>>, %arg13: memref<!tpu.dma_semaphore, #tpu.memory_space<semaphore_mem>>) attributes {dimension_semantics = [#tpu.dimension_semantics<core_parallel>, #tpu.dimension_semantics<subcore_parallel>], iteration_bounds = array<i64: 2, 16>, scalar_prefetch = 0 : i64, scratch_operands = 6 : i64, tpu.core_type = #tpu.core_type<sc_vector_subcore>, window_params = [{transform_indices = #map}, {transform_indices = #map1}, {transform_indices = #map}, {transform_indices = #map1}, {transform_indices = #map}, {transform_indices = #map}]} {
    %mul3A = arith.constant 1568 : i32
    %mul3A_0 = arith.muli %arg1, %mul3A : i32
    %mul3A_1 = arith.constant 25088 : i32
    %mul3A_2 = arith.muli %arg0, %mul3A_1 : i32
    %add3A = arith.addi %mul3A_2, %mul3A_0 : i32
    "tpu.region"() ({
      %run_scoped3A = tpu.sem_alloc : memref<!tpu.dma_semaphore, #tpu.memory_space<semaphore_mem>>
      %dma_start3A = arith.constant 0 : i32
      %dma_start3A_13 = tpu.memref_slice %arg12[%mul3A_0, %dma_start3A] : memref<25088x64xf32, #tpu.memory_space<vmem_shared>> -> memref<1568x64xf32, #tpu.memory_space<vmem_shared>>
      %dma_start3A_14 = arith.constant 0 : i32
      %dma_start3A_15 = tpu.memref_slice %arg6[%add3A, %dma_start3A_14] : memref<50176x64xf32, #tpu.memory_space<hbm>> -> memref<1568x64xf32, #tpu.memory_space<hbm>>
      tpu.enqueue_dma source(%dma_start3A_15 : memref<1568x64xf32, #tpu.memory_space<hbm>>) target(%dma_start3A_13 : memref<1568x64xf32, #tpu.memory_space<vmem_shared>>) target_semaphore(%run_scoped3A : memref<!tpu.dma_semaphore, #tpu.memory_space<semaphore_mem>>)
      %dma_wait3A = arith.constant 0 : i32
      %dma_wait3A_16 = tpu.memref_slice %arg12[%mul3A_0, %dma_wait3A] : memref<25088x64xf32, #tpu.memory_space<vmem_shared>> -> memref<1568x64xf32, #tpu.memory_space<vmem_shared>>
      %dma_wait3A_17 = arith.constant 0 : i32
      %dma_wait3A_18 = tpu.memref_slice %arg6[%add3A, %dma_wait3A_17] : memref<50176x64xf32, #tpu.memory_space<hbm>> -> memref<1568x64xf32, #tpu.memory_space<hbm>>
      tpu.wait_dma2 semaphore(%run_scoped3A : memref<!tpu.dma_semaphore, #tpu.memory_space<semaphore_mem>>) src(%dma_wait3A_18 : memref<1568x64xf32, #tpu.memory_space<hbm>>) dst(%dma_wait3A_16 : memref<1568x64xf32, #tpu.memory_space<vmem_shared>>)
      tpu.yield
    }) : () -> ()
    %barrier3A = arith.constant 0 : index
    tpu.barrier barrier_id(%barrier3A)
    %scan3A = arith.constant 0 : i32
    %scan3A_3 = arith.constant 0 : i32
    %scan3A_4 = arith.constant 392 : i32
    %scan3A_5 = arith.addi %scan3A_3, %scan3A_4 : i32
    %scan3A_6 = arith.constant 1 : i32
    %scan3A_7 = scf.for %scan3A_13 = %scan3A_3 to %scan3A_5 step %scan3A_6 iter_args(%scan3A_14 = %scan3A) -> (i32)  : i32 {
      %mul3A_15 = arith.constant 392 : i32
      %mul3A_16 = arith.muli %arg1, %mul3A_15 : i32
      %add3A_17 = arith.addi %mul3A_16, %scan3A_13 : i32
      %mul3A_18 = arith.constant 128 : i32
      %mul3A_19 = arith.muli %add3A_17, %mul3A_18 : i32
      "tpu.region"() ({
        %run_scoped3A = tpu.sem_alloc : memref<!tpu.dma_semaphore, #tpu.memory_space<semaphore_mem>>
        %dma_start3A_32 = tpu.memref_slice %arg3[%mul3A_19] : memref<802816xi32, #tpu.memory_space<hbm>> -> memref<128xi32, #tpu.memory_space<hbm>>
        %dma_start3A_33 = tpu.memref_slice %arg3[%mul3A_19] : memref<802816xi32, #tpu.memory_space<hbm>> -> memref<128xi32, #tpu.memory_space<hbm>>
        tpu.enqueue_dma source(%dma_start3A_33 : memref<128xi32, #tpu.memory_space<hbm>>) target(%arg8 : memref<128xi32, #tpu.memory_space<vmem>>) target_semaphore(%run_scoped3A : memref<!tpu.dma_semaphore, #tpu.memory_space<semaphore_mem>>)
        %dma_wait3A_34 = tpu.memref_slice %arg3[%mul3A_19] : memref<802816xi32, #tpu.memory_space<hbm>> -> memref<128xi32, #tpu.memory_space<hbm>>
        %dma_wait3A_35 = tpu.memref_slice %arg3[%mul3A_19] : memref<802816xi32, #tpu.memory_space<hbm>> -> memref<128xi32, #tpu.memory_space<hbm>>
        tpu.wait_dma2 semaphore(%run_scoped3A : memref<!tpu.dma_semaphore, #tpu.memory_space<semaphore_mem>>) src(%dma_wait3A_35 : memref<128xi32, #tpu.memory_space<hbm>>) dst(%arg8 : memref<128xi32, #tpu.memory_space<vmem>>)
        tpu.yield
      }) : () -> ()
      "tpu.region"() ({
        %run_scoped3A = tpu.sem_alloc : memref<!tpu.dma_semaphore, #tpu.memory_space<semaphore_mem>>
        %dma_start3A_32 = tpu.memref_slice %arg4[%arg0, %mul3A_19] : memref<2x802816xi32, #tpu.memory_space<hbm>> -> memref<1x128xi32, #tpu.memory_space<hbm>>
        %dma_start3A_33 = tpu.memref_squeeze %dma_start3A_32 : memref<1x128xi32, #tpu.memory_space<hbm>> -> memref<128xi32, #tpu.memory_space<hbm>>
        %dma_start3A_34 = tpu.memref_slice %arg4[%arg0, %mul3A_19] : memref<2x802816xi32, #tpu.memory_space<hbm>> -> memref<1x128xi32, #tpu.memory_space<hbm>>
        %dma_start3A_35 = tpu.memref_squeeze %dma_start3A_34 : memref<1x128xi32, #tpu.memory_space<hbm>> -> memref<128xi32, #tpu.memory_space<hbm>>
        tpu.enqueue_dma source(%dma_start3A_35 : memref<128xi32, #tpu.memory_space<hbm>>) target(%arg9 : memref<128xi32, #tpu.memory_space<vmem>>) target_semaphore(%run_scoped3A : memref<!tpu.dma_semaphore, #tpu.memory_space<semaphore_mem>>)
        %dma_wait3A_36 = tpu.memref_slice %arg4[%arg0, %mul3A_19] : memref<2x802816xi32, #tpu.memory_space<hbm>> -> memref<1x128xi32, #tpu.memory_space<hbm>>
        %dma_wait3A_37 = tpu.memref_squeeze %dma_wait3A_36 : memref<1x128xi32, #tpu.memory_space<hbm>> -> memref<128xi32, #tpu.memory_space<hbm>>
        %dma_wait3A_38 = tpu.memref_slice %arg4[%arg0, %mul3A_19] : memref<2x802816xi32, #tpu.memory_space<hbm>> -> memref<1x128xi32, #tpu.memory_space<hbm>>
        %dma_wait3A_39 = tpu.memref_squeeze %dma_wait3A_38 : memref<1x128xi32, #tpu.memory_space<hbm>> -> memref<128xi32, #tpu.memory_space<hbm>>
        tpu.wait_dma2 semaphore(%run_scoped3A : memref<!tpu.dma_semaphore, #tpu.memory_space<semaphore_mem>>) src(%dma_wait3A_39 : memref<128xi32, #tpu.memory_space<hbm>>) dst(%arg9 : memref<128xi32, #tpu.memory_space<vmem>>)
        tpu.yield
      }) : () -> ()
      "tpu.region"() ({
        %run_scoped3A = tpu.sem_alloc : memref<!tpu.dma_semaphore, #tpu.memory_space<semaphore_mem>>
        %dma_start3A_32 = tpu.memref_slice %arg5[%mul3A_19] : memref<802816xf32, #tpu.memory_space<hbm>> -> memref<128xf32, #tpu.memory_space<hbm>>
        %dma_start3A_33 = tpu.memref_slice %arg5[%mul3A_19] : memref<802816xf32, #tpu.memory_space<hbm>> -> memref<128xf32, #tpu.memory_space<hbm>>
        tpu.enqueue_dma source(%dma_start3A_33 : memref<128xf32, #tpu.memory_space<hbm>>) target(%arg10 : memref<128xf32, #tpu.memory_space<vmem>>) target_semaphore(%run_scoped3A : memref<!tpu.dma_semaphore, #tpu.memory_space<semaphore_mem>>)
        %dma_wait3A_34 = tpu.memref_slice %arg5[%mul3A_19] : memref<802816xf32, #tpu.memory_space<hbm>> -> memref<128xf32, #tpu.memory_space<hbm>>
        %dma_wait3A_35 = tpu.memref_slice %arg5[%mul3A_19] : memref<802816xf32, #tpu.memory_space<hbm>> -> memref<128xf32, #tpu.memory_space<hbm>>
        tpu.wait_dma2 semaphore(%run_scoped3A : memref<!tpu.dma_semaphore, #tpu.memory_space<semaphore_mem>>) src(%dma_wait3A_35 : memref<128xf32, #tpu.memory_space<hbm>>) dst(%arg10 : memref<128xf32, #tpu.memory_space<vmem>>)
        tpu.yield
      }) : () -> ()
      %dma_start3A = arith.constant 0 : i32
      %dma_start3A_20 = arith.constant 0 : i32
      %dma_start3A_21 = tpu.memref_slice %arg2[%dma_start3A, %dma_start3A_20] : memref<50176x64xf32, #tpu.memory_space<hbm>> -> memref<50176x64xf32, #tpu.memory_space<hbm>>
      tpu.enqueue_indirect_dma source(%dma_start3A_21 : memref<50176x64xf32, #tpu.memory_space<hbm>>) target(%arg11 : memref<128x64xf32, #tpu.memory_space<vmem>>) offsets(%arg8 : memref<128xi32, #tpu.memory_space<vmem>>) semaphore(%arg13 : memref<!tpu.dma_semaphore, #tpu.memory_space<semaphore_mem>>)
      %dma_wait3A = arith.constant 0 : i32
      %dma_wait3A_22 = arith.constant 0 : i32
      %dma_wait3A_23 = tpu.memref_slice %arg2[%dma_wait3A, %dma_wait3A_22] : memref<50176x64xf32, #tpu.memory_space<hbm>> -> memref<50176x64xf32, #tpu.memory_space<hbm>>
      tpu.wait_indirect_dma semaphore(%arg13 : memref<!tpu.dma_semaphore, #tpu.memory_space<semaphore_mem>>) src(%dma_wait3A_23 : memref<50176x64xf32, #tpu.memory_space<hbm>>) dst(%arg11 : memref<128x64xf32, #tpu.memory_space<vmem>>)
      %scan3A_24 = arith.constant 0 : i32
      %scan3A_25 = arith.constant 0 : i32
      %scan3A_26 = arith.constant 8 : i32
      %scan3A_27 = arith.addi %scan3A_25, %scan3A_26 : i32
      %scan3A_28 = arith.constant 1 : i32
      %scan3A_29 = scf.for %scan3A_32 = %scan3A_25 to %scan3A_27 step %scan3A_28 iter_args(%scan3A_33 = %scan3A_24) -> (i32)  : i32 {
        %mul3A_34 = arith.constant 16 : i32
        %mul3A_35 = arith.muli %scan3A_32, %mul3A_34 : i32
        %get3A = arith.index_cast %mul3A_35 : i32 to index
        %get3A_36 = tpu.vector_load %arg10[%get3A] {strides = array<i32>} : memref<128xf32, #tpu.memory_space<vmem>>, vector<16xf32>,
        %get3A_37 = vector.shape_cast %get3A_36 : vector<16xf32> to vector<16xf32>
        %mul3A_38 = arith.constant 16 : i32
        %mul3A_39 = arith.muli %scan3A_32, %mul3A_38 : i32
        %add3A_40 = arith.constant 0 : i32
        %add3A_41 = arith.addi %mul3A_39, %add3A_40 : i32
        %get3A_42 = arith.index_cast %add3A_41 : i32 to index
        %get3A_43 = arith.constant 0 : index
        %get3A_44 = tpu.vector_load %arg11[%get3A_42, %get3A_43] {strides = array<i32>} : memref<128x64xf32, #tpu.memory_space<vmem>>, vector<1x16xf32>,
        %get3A_45 = vector.shape_cast %get3A_44 : vector<1x16xf32> to vector<16xf32>
        %slice3A = vector.extract_strided_slice %get3A_37 {offsets = [0], sizes = [1], strides = [1]} : vector<16xf32> to vector<1xf32>
        %squeeze3A = vector.extract %slice3A[0] : f32 from vector<1xf32>
        %mul3A_46 = vector.broadcast %squeeze3A : f32 to vector<16xf32>
        %mul3A_47 = arith.mulf %get3A_45, %mul3A_46 : vector<16xf32>
        %swap3A = arith.index_cast %add3A_41 : i32 to index
        %swap3A_48 = arith.constant 0 : index
        %swap3A_49 = tpu.vector_load %arg11[%swap3A, %swap3A_48] {strides = array<i32>} : memref<128x64xf32, #tpu.memory_space<vmem>>, vector<1x16xf32>,
        %swap3A_50 = vector.shape_cast %swap3A_49 : vector<1x16xf32> to vector<16xf32>
        %swap3A_51 = vector.shape_cast %mul3A_47 : vector<16xf32> to vector<1x16xf32>
        tpu.vector_store %arg11[%swap3A, %swap3A_48], %swap3A_51 {strides = array<i32>} : memref<128x64xf32, #tpu.memory_space<vmem>>, vector<1x16xf32>,
        %get3A_52 = arith.index_cast %add3A_41 : i32 to index
        %get3A_53 = arith.constant 16 : index
        %get3A_54 = tpu.vector_load %arg11[%get3A_52, %get3A_53] {strides = array<i32>} : memref<128x64xf32, #tpu.memory_space<vmem>>, vector<1x16xf32>,
        %get3A_55 = vector.shape_cast %get3A_54 : vector<1x16xf32> to vector<16xf32>
        %slice3A_56 = vector.extract_strided_slice %get3A_37 {offsets = [0], sizes = [1], strides = [1]} : vector<16xf32> to vector<1xf32>
        %squeeze3A_57 = vector.extract %slice3A_56[0] : f32 from vector<1xf32>
        %mul3A_58 = vector.broadcast %squeeze3A_57 : f32 to vector<16xf32>
        %mul3A_59 = arith.mulf %get3A_55, %mul3A_58 : vector<16xf32>
        %swap3A_60 = arith.index_cast %add3A_41 : i32 to index
        %swap3A_61 = arith.constant 16 : index
        %swap3A_62 = tpu.vector_load %arg11[%swap3A_60, %swap3A_61] {strides = array<i32>} : memref<128x64xf32, #tpu.memory_space<vmem>>, vector<1x16xf32>,
        %swap3A_63 = vector.shape_cast %swap3A_62 : vector<1x16xf32> to vector<16xf32>
        %swap3A_64 = vector.shape_cast %mul3A_59 : vector<16xf32> to vector<1x16xf32>
        tpu.vector_store %arg11[%swap3A_60, %swap3A_61], %swap3A_64 {strides = array<i32>} : memref<128x64xf32, #tpu.memory_space<vmem>>, vector<1x16xf32>,
        %get3A_65 = arith.index_cast %add3A_41 : i32 to index
        %get3A_66 = arith.constant 32 : index
        %get3A_67 = tpu.vector_load %arg11[%get3A_65, %get3A_66] {strides = array<i32>} : memref<128x64xf32, #tpu.memory_space<vmem>>, vector<1x16xf32>,
        %get3A_68 = vector.shape_cast %get3A_67 : vector<1x16xf32> to vector<16xf32>
        %slice3A_69 = vector.extract_strided_slice %get3A_37 {offsets = [0], sizes = [1], strides = [1]} : vector<16xf32> to vector<1xf32>
        %squeeze3A_70 = vector.extract %slice3A_69[0] : f32 from vector<1xf32>
        %mul3A_71 = vector.broadcast %squeeze3A_70 : f32 to vector<16xf32>
        %mul3A_72 = arith.mulf %get3A_68, %mul3A_71 : vector<16xf32>
        %swap3A_73 = arith.index_cast %add3A_41 : i32 to index
        %swap3A_74 = arith.constant 32 : index
        %swap3A_75 = tpu.vector_load %arg11[%swap3A_73, %swap3A_74] {strides = array<i32>} : memref<128x64xf32, #tpu.memory_space<vmem>>, vector<1x16xf32>,
        %swap3A_76 = vector.shape_cast %swap3A_75 : vector<1x16xf32> to vector<16xf32>
        %swap3A_77 = vector.shape_cast %mul3A_72 : vector<16xf32> to vector<1x16xf32>
        tpu.vector_store %arg11[%swap3A_73, %swap3A_74], %swap3A_77 {strides = array<i32>} : memref<128x64xf32, #tpu.memory_space<vmem>>, vector<1x16xf32>,
        %get3A_78 = arith.index_cast %add3A_41 : i32 to index
        %get3A_79 = arith.constant 48 : index
        %get3A_80 = tpu.vector_load %arg11[%get3A_78, %get3A_79] {strides = array<i32>} : memref<128x64xf32, #tpu.memory_space<vmem>>, vector<1x16xf32>,
        %get3A_81 = vector.shape_cast %get3A_80 : vector<1x16xf32> to vector<16xf32>
        %slice3A_82 = vector.extract_strided_slice %get3A_37 {offsets = [0], sizes = [1], strides = [1]} : vector<16xf32> to vector<1xf32>
        %squeeze3A_83 = vector.extract %slice3A_82[0] : f32 from vector<1xf32>
        %mul3A_84 = vector.broadcast %squeeze3A_83 : f32 to vector<16xf32>
        %mul3A_85 = arith.mulf %get3A_81, %mul3A_84 : vector<16xf32>
        %swap3A_86 = arith.index_cast %add3A_41 : i32 to index
        %swap3A_87 = arith.constant 48 : index
        %swap3A_88 = tpu.vector_load %arg11[%swap3A_86, %swap3A_87] {strides = array<i32>} : memref<128x64xf32, #tpu.memory_space<vmem>>, vector<1x16xf32>,
        %swap3A_89 = vector.shape_cast %swap3A_88 : vector<1x16xf32> to vector<16xf32>
        %swap3A_90 = vector.shape_cast %mul3A_85 : vector<16xf32> to vector<1x16xf32>
        tpu.vector_store %arg11[%swap3A_86, %swap3A_87], %swap3A_90 {strides = array<i32>} : memref<128x64xf32, #tpu.memory_space<vmem>>, vector<1x16xf32>,
        %mul3A_91 = arith.constant 16 : i32
        %mul3A_92 = arith.muli %scan3A_32, %mul3A_91 : i32
        %add3A_93 = arith.constant 1 : i32
        %add3A_94 = arith.addi %mul3A_92, %add3A_93 : i32
        %get3A_95 = arith.index_cast %add3A_94 : i32 to index
        %get3A_96 = arith.constant 0 : index
        %get3A_97 = tpu.vector_load %arg11[%get3A_95, %get3A_96] {strides = array<i32>} : memref<128x64xf32, #tpu.memory_space<vmem>>, vector<1x16xf32>,
        %get3A_98 = vector.shape_cast %get3A_97 : vector<1x16xf32> to vector<16xf32>
        %slice3A_99 = vector.extract_strided_slice %get3A_37 {offsets = [1], sizes = [1], strides = [1]} : vector<16xf32> to vector<1xf32>
        %squeeze3A_100 = vector.extract %slice3A_99[0] : f32 from vector<1xf32>
        %mul3A_101 = vector.broadcast %squeeze3A_100 : f32 to vector<16xf32>
        %mul3A_102 = arith.mulf %get3A_98, %mul3A_101 : vector<16xf32>
        %swap3A_103 = arith.index_cast %add3A_94 : i32 to index
        %swap3A_104 = arith.constant 0 : index
        %swap3A_105 = tpu.vector_load %arg11[%swap3A_103, %swap3A_104] {strides = array<i32>} : memref<128x64xf32, #tpu.memory_space<vmem>>, vector<1x16xf32>,
        %swap3A_106 = vector.shape_cast %swap3A_105 : vector<1x16xf32> to vector<16xf32>
        %swap3A_107 = vector.shape_cast %mul3A_102 : vector<16xf32> to vector<1x16xf32>
        tpu.vector_store %arg11[%swap3A_103, %swap3A_104], %swap3A_107 {strides = array<i32>} : memref<128x64xf32, #tpu.memory_space<vmem>>, vector<1x16xf32>,
        %get3A_108 = arith.index_cast %add3A_94 : i32 to index
        %get3A_109 = arith.constant 16 : index
        %get3A_110 = tpu.vector_load %arg11[%get3A_108, %get3A_109] {strides = array<i32>} : memref<128x64xf32, #tpu.memory_space<vmem>>, vector<1x16xf32>,
        %get3A_111 = vector.shape_cast %get3A_110 : vector<1x16xf32> to vector<16xf32>
        %slice3A_112 = vector.extract_strided_slice %get3A_37 {offsets = [1], sizes = [1], strides = [1]} : vector<16xf32> to vector<1xf32>
        %squeeze3A_113 = vector.extract %slice3A_112[0] : f32 from vector<1xf32>
        %mul3A_114 = vector.broadcast %squeeze3A_113 : f32 to vector<16xf32>
        %mul3A_115 = arith.mulf %get3A_111, %mul3A_114 : vector<16xf32>
        %swap3A_116 = arith.index_cast %add3A_94 : i32 to index
        %swap3A_117 = arith.constant 16 : index
        %swap3A_118 = tpu.vector_load %arg11[%swap3A_116, %swap3A_117] {strides = array<i32>} : memref<128x64xf32, #tpu.memory_space<vmem>>, vector<1x16xf32>,
        %swap3A_119 = vector.shape_cast %swap3A_118 : vector<1x16xf32> to vector<16xf32>
        %swap3A_120 = vector.shape_cast %mul3A_115 : vector<16xf32> to vector<1x16xf32>
        tpu.vector_store %arg11[%swap3A_116, %swap3A_117], %swap3A_120 {strides = array<i32>} : memref<128x64xf32, #tpu.memory_space<vmem>>, vector<1x16xf32>,
        %get3A_121 = arith.index_cast %add3A_94 : i32 to index
        %get3A_122 = arith.constant 32 : index
        %get3A_123 = tpu.vector_load %arg11[%get3A_121, %get3A_122] {strides = array<i32>} : memref<128x64xf32, #tpu.memory_space<vmem>>, vector<1x16xf32>,
        %get3A_124 = vector.shape_cast %get3A_123 : vector<1x16xf32> to vector<16xf32>
        %slice3A_125 = vector.extract_strided_slice %get3A_37 {offsets = [1], sizes = [1], strides = [1]} : vector<16xf32> to vector<1xf32>
        %squeeze3A_126 = vector.extract %slice3A_125[0] : f32 from vector<1xf32>
        %mul3A_127 = vector.broadcast %squeeze3A_126 : f32 to vector<16xf32>
        %mul3A_128 = arith.mulf %get3A_124, %mul3A_127 : vector<16xf32>
        %swap3A_129 = arith.index_cast %add3A_94 : i32 to index
        %swap3A_130 = arith.constant 32 : index
        %swap3A_131 = tpu.vector_load %arg11[%swap3A_129, %swap3A_130] {strides = array<i32>} : memref<128x64xf32, #tpu.memory_space<vmem>>, vector<1x16xf32>,
        %swap3A_132 = vector.shape_cast %swap3A_131 : vector<1x16xf32> to vector<16xf32>
        %swap3A_133 = vector.shape_cast %mul3A_128 : vector<16xf32> to vector<1x16xf32>
        tpu.vector_store %arg11[%swap3A_129, %swap3A_130], %swap3A_133 {strides = array<i32>} : memref<128x64xf32, #tpu.memory_space<vmem>>, vector<1x16xf32>,
        %get3A_134 = arith.index_cast %add3A_94 : i32 to index
        %get3A_135 = arith.constant 48 : index
        %get3A_136 = tpu.vector_load %arg11[%get3A_134, %get3A_135] {strides = array<i32>} : memref<128x64xf32, #tpu.memory_space<vmem>>, vector<1x16xf32>,
        %get3A_137 = vector.shape_cast %get3A_136 : vector<1x16xf32> to vector<16xf32>
        %slice3A_138 = vector.extract_strided_slice %get3A_37 {offsets = [1], sizes = [1], strides = [1]} : vector<16xf32> to vector<1xf32>
        %squeeze3A_139 = vector.extract %slice3A_138[0] : f32 from vector<1xf32>
        %mul3A_140 = vector.broadcast %squeeze3A_139 : f32 to vector<16xf32>
        %mul3A_141 = arith.mulf %get3A_137, %mul3A_140 : vector<16xf32>
        %swap3A_142 = arith.index_cast %add3A_94 : i32 to index
        %swap3A_143 = arith.constant 48 : index
        %swap3A_144 = tpu.vector_load %arg11[%swap3A_142, %swap3A_143] {strides = array<i32>} : memref<128x64xf32, #tpu.memory_space<vmem>>, vector<1x16xf32>,
        %swap3A_145 = vector.shape_cast %swap3A_144 : vector<1x16xf32> to vector<16xf32>
        %swap3A_146 = vector.shape_cast %mul3A_141 : vector<16xf32> to vector<1x16xf32>
        tpu.vector_store %arg11[%swap3A_142, %swap3A_143], %swap3A_146 {strides = array<i32>} : memref<128x64xf32, #tpu.memory_space<vmem>>, vector<1x16xf32>,
        %mul3A_147 = arith.constant 16 : i32
        %mul3A_148 = arith.muli %scan3A_32, %mul3A_147 : i32
        %add3A_149 = arith.constant 2 : i32
        %add3A_150 = arith.addi %mul3A_148, %add3A_149 : i32
        %get3A_151 = arith.index_cast %add3A_150 : i32 to index
        %get3A_152 = arith.constant 0 : index
        %get3A_153 = tpu.vector_load %arg11[%get3A_151, %get3A_152] {strides = array<i32>} : memref<128x64xf32, #tpu.memory_space<vmem>>, vector<1x16xf32>,
        %get3A_154 = vector.shape_cast %get3A_153 : vector<1x16xf32> to vector<16xf32>
        %slice3A_155 = vector.extract_strided_slice %get3A_37 {offsets = [2], sizes = [1], strides = [1]} : vector<16xf32> to vector<1xf32>
        %squeeze3A_156 = vector.extract %slice3A_155[0] : f32 from vector<1xf32>
        %mul3A_157 = vector.broadcast %squeeze3A_156 : f32 to vector<16xf32>
        %mul3A_158 = arith.mulf %get3A_154, %mul3A_157 : vector<16xf32>
        %swap3A_159 = arith.index_cast %add3A_150 : i32 to index
        %swap3A_160 = arith.constant 0 : index
        %swap3A_161 = tpu.vector_load %arg11[%swap3A_159, %swap3A_160] {strides = array<i32>} : memref<128x64xf32, #tpu.memory_space<vmem>>, vector<1x16xf32>,
        %swap3A_162 = vector.shape_cast %swap3A_161 : vector<1x16xf32> to vector<16xf32>
        %swap3A_163 = vector.shape_cast %mul3A_158 : vector<16xf32> to vector<1x16xf32>
        tpu.vector_store %arg11[%swap3A_159, %swap3A_160], %swap3A_163 {strides = array<i32>} : memref<128x64xf32, #tpu.memory_space<vmem>>, vector<1x16xf32>,
        %get3A_164 = arith.index_cast %add3A_150 : i32 to index
        %get3A_165 = arith.constant 16 : index
        %get3A_166 = tpu.vector_load %arg11[%get3A_164, %get3A_165] {strides = array<i32>} : memref<128x64xf32, #tpu.memory_space<vmem>>, vector<1x16xf32>,
        %get3A_167 = vector.shape_cast %get3A_166 : vector<1x16xf32> to vector<16xf32>
        %slice3A_168 = vector.extract_strided_slice %get3A_37 {offsets = [2], sizes = [1], strides = [1]} : vector<16xf32> to vector<1xf32>
        %squeeze3A_169 = vector.extract %slice3A_168[0] : f32 from vector<1xf32>
        %mul3A_170 = vector.broadcast %squeeze3A_169 : f32 to vector<16xf32>
        %mul3A_171 = arith.mulf %get3A_167, %mul3A_170 : vector<16xf32>
        %swap3A_172 = arith.index_cast %add3A_150 : i32 to index
        %swap3A_173 = arith.constant 16 : index
        %swap3A_174 = tpu.vector_load %arg11[%swap3A_172, %swap3A_173] {strides = array<i32>} : memref<128x64xf32, #tpu.memory_space<vmem>>, vector<1x16xf32>,
        %swap3A_175 = vector.shape_cast %swap3A_174 : vector<1x16xf32> to vector<16xf32>
        %swap3A_176 = vector.shape_cast %mul3A_171 : vector<16xf32> to vector<1x16xf32>
        tpu.vector_store %arg11[%swap3A_172, %swap3A_173], %swap3A_176 {strides = array<i32>} : memref<128x64xf32, #tpu.memory_space<vmem>>, vector<1x16xf32>,
        %get3A_177 = arith.index_cast %add3A_150 : i32 to index
        %get3A_178 = arith.constant 32 : index
        %get3A_179 = tpu.vector_load %arg11[%get3A_177, %get3A_178] {strides = array<i32>} : memref<128x64xf32, #tpu.memory_space<vmem>>, vector<1x16xf32>,
        %get3A_180 = vector.shape_cast %get3A_179 : vector<1x16xf32> to vector<16xf32>
        %slice3A_181 = vector.extract_strided_slice %get3A_37 {offsets = [2], sizes = [1], strides = [1]} : vector<16xf32> to vector<1xf32>
        %squeeze3A_182 = vector.extract %slice3A_181[0] : f32 from vector<1xf32>
        %mul3A_183 = vector.broadcast %squeeze3A_182 : f32 to vector<16xf32>
        %mul3A_184 = arith.mulf %get3A_180, %mul3A_183 : vector<16xf32>
        %swap3A_185 = arith.index_cast %add3A_150 : i32 to index
        %swap3A_186 = arith.constant 32 : index
        %swap3A_187 = tpu.vector_load %arg11[%swap3A_185, %swap3A_186] {strides = array<i32>} : memref<128x64xf32, #tpu.memory_space<vmem>>, vector<1x16xf32>,
        %swap3A_188 = vector.shape_cast %swap3A_187 : vector<1x16xf32> to vector<16xf32>
        %swap3A_189 = vector.shape_cast %mul3A_184 : vector<16xf32> to vector<1x16xf32>
        tpu.vector_store %arg11[%swap3A_185, %swap3A_186], %swap3A_189 {strides = array<i32>} : memref<128x64xf32, #tpu.memory_space<vmem>>, vector<1x16xf32>,
        %get3A_190 = arith.index_cast %add3A_150 : i32 to index
        %get3A_191 = arith.constant 48 : index
        %get3A_192 = tpu.vector_load %arg11[%get3A_190, %get3A_191] {strides = array<i32>} : memref<128x64xf32, #tpu.memory_space<vmem>>, vector<1x16xf32>,
        %get3A_193 = vector.shape_cast %get3A_192 : vector<1x16xf32> to vector<16xf32>
        %slice3A_194 = vector.extract_strided_slice %get3A_37 {offsets = [2], sizes = [1], strides = [1]} : vector<16xf32> to vector<1xf32>
        %squeeze3A_195 = vector.extract %slice3A_194[0] : f32 from vector<1xf32>
        %mul3A_196 = vector.broadcast %squeeze3A_195 : f32 to vector<16xf32>
        %mul3A_197 = arith.mulf %get3A_193, %mul3A_196 : vector<16xf32>
        %swap3A_198 = arith.index_cast %add3A_150 : i32 to index
        %swap3A_199 = arith.constant 48 : index
        %swap3A_200 = tpu.vector_load %arg11[%swap3A_198, %swap3A_199] {strides = array<i32>} : memref<128x64xf32, #tpu.memory_space<vmem>>, vector<1x16xf32>,
        %swap3A_201 = vector.shape_cast %swap3A_200 : vector<1x16xf32> to vector<16xf32>
        %swap3A_202 = vector.shape_cast %mul3A_197 : vector<16xf32> to vector<1x16xf32>
        tpu.vector_store %arg11[%swap3A_198, %swap3A_199], %swap3A_202 {strides = array<i32>} : memref<128x64xf32, #tpu.memory_space<vmem>>, vector<1x16xf32>,
        %mul3A_203 = arith.constant 16 : i32
        %mul3A_204 = arith.muli %scan3A_32, %mul3A_203 : i32
        %add3A_205 = arith.constant 3 : i32
        %add3A_206 = arith.addi %mul3A_204, %add3A_205 : i32
        %get3A_207 = arith.index_cast %add3A_206 : i32 to index
        %get3A_208 = arith.constant 0 : index
        %get3A_209 = tpu.vector_load %arg11[%get3A_207, %get3A_208] {strides = array<i32>} : memref<128x64xf32, #tpu.memory_space<vmem>>, vector<1x16xf32>,
        %get3A_210 = vector.shape_cast %get3A_209 : vector<1x16xf32> to vector<16xf32>
        %slice3A_211 = vector.extract_strided_slice %get3A_37 {offsets = [3], sizes = [1], strides = [1]} : vector<16xf32> to vector<1xf32>
        %squeeze3A_212 = vector.extract %slice3A_211[0] : f32 from vector<1xf32>
        %mul3A_213 = vector.broadcast %squeeze3A_212 : f32 to vector<16xf32>
        %mul3A_214 = arith.mulf %get3A_210, %mul3A_213 : vector<16xf32>
        %swap3A_215 = arith.index_cast %add3A_206 : i32 to index
        %swap3A_216 = arith.constant 0 : index
        %swap3A_217 = tpu.vector_load %arg11[%swap3A_215, %swap3A_216] {strides = array<i32>} : memref<128x64xf32, #tpu.memory_space<vmem>>, vector<1x16xf32>,
        %swap3A_218 = vector.shape_cast %swap3A_217 : vector<1x16xf32> to vector<16xf32>
        %swap3A_219 = vector.shape_cast %mul3A_214 : vector<16xf32> to vector<1x16xf32>
        tpu.vector_store %arg11[%swap3A_215, %swap3A_216], %swap3A_219 {strides = array<i32>} : memref<128x64xf32, #tpu.memory_space<vmem>>, vector<1x16xf32>,
        %get3A_220 = arith.index_cast %add3A_206 : i32 to index
        %get3A_221 = arith.constant 16 : index
        %get3A_222 = tpu.vector_load %arg11[%get3A_220, %get3A_221] {strides = array<i32>} : memref<128x64xf32, #tpu.memory_space<vmem>>, vector<1x16xf32>,
        %get3A_223 = vector.shape_cast %get3A_222 : vector<1x16xf32> to vector<16xf32>
        %slice3A_224 = vector.extract_strided_slice %get3A_37 {offsets = [3], sizes = [1], strides = [1]} : vector<16xf32> to vector<1xf32>
        %squeeze3A_225 = vector.extract %slice3A_224[0] : f32 from vector<1xf32>
        %mul3A_226 = vector.broadcast %squeeze3A_225 : f32 to vector<16xf32>
        %mul3A_227 = arith.mulf %get3A_223, %mul3A_226 : vector<16xf32>
        %swap3A_228 = arith.index_cast %add3A_206 : i32 to index
        %swap3A_229 = arith.constant 16 : index
        %swap3A_230 = tpu.vector_load %arg11[%swap3A_228, %swap3A_229] {strides = array<i32>} : memref<128x64xf32, #tpu.memory_space<vmem>>, vector<1x16xf32>,
        %swap3A_231 = vector.shape_cast %swap3A_230 : vector<1x16xf32> to vector<16xf32>
        %swap3A_232 = vector.shape_cast %mul3A_227 : vector<16xf32> to vector<1x16xf32>
        tpu.vector_store %arg11[%swap3A_228, %swap3A_229], %swap3A_232 {strides = array<i32>} : memref<128x64xf32, #tpu.memory_space<vmem>>, vector<1x16xf32>,
        %get3A_233 = arith.index_cast %add3A_206 : i32 to index
        %get3A_234 = arith.constant 32 : index
        %get3A_235 = tpu.vector_load %arg11[%get3A_233, %get3A_234] {strides = array<i32>} : memref<128x64xf32, #tpu.memory_space<vmem>>, vector<1x16xf32>,
        %get3A_236 = vector.shape_cast %get3A_235 : vector<1x16xf32> to vector<16xf32>
        %slice3A_237 = vector.extract_strided_slice %get3A_37 {offsets = [3], sizes = [1], strides = [1]} : vector<16xf32> to vector<1xf32>
        %squeeze3A_238 = vector.extract %slice3A_237[0] : f32 from vector<1xf32>
        %mul3A_239 = vector.broadcast %squeeze3A_238 : f32 to vector<16xf32>
        %mul3A_240 = arith.mulf %get3A_236, %mul3A_239 : vector<16xf32>
        %swap3A_241 = arith.index_cast %add3A_206 : i32 to index
        %swap3A_242 = arith.constant 32 : index
        %swap3A_243 = tpu.vector_load %arg11[%swap3A_241, %swap3A_242] {strides = array<i32>} : memref<128x64xf32, #tpu.memory_space<vmem>>, vector<1x16xf32>,
        %swap3A_244 = vector.shape_cast %swap3A_243 : vector<1x16xf32> to vector<16xf32>
        %swap3A_245 = vector.shape_cast %mul3A_240 : vector<16xf32> to vector<1x16xf32>
        tpu.vector_store %arg11[%swap3A_241, %swap3A_242], %swap3A_245 {strides = array<i32>} : memref<128x64xf32, #tpu.memory_space<vmem>>, vector<1x16xf32>,
        %get3A_246 = arith.index_cast %add3A_206 : i32 to index
        %get3A_247 = arith.constant 48 : index
        %get3A_248 = tpu.vector_load %arg11[%get3A_246, %get3A_247] {strides = array<i32>} : memref<128x64xf32, #tpu.memory_space<vmem>>, vector<1x16xf32>,
        %get3A_249 = vector.shape_cast %get3A_248 : vector<1x16xf32> to vector<16xf32>
        %slice3A_250 = vector.extract_strided_slice %get3A_37 {offsets = [3], sizes = [1], strides = [1]} : vector<16xf32> to vector<1xf32>
        %squeeze3A_251 = vector.extract %slice3A_250[0] : f32 from vector<1xf32>
        %mul3A_252 = vector.broadcast %squeeze3A_251 : f32 to vector<16xf32>
        %mul3A_253 = arith.mulf %get3A_249, %mul3A_252 : vector<16xf32>
        %swap3A_254 = arith.index_cast %add3A_206 : i32 to index
        %swap3A_255 = arith.constant 48 : index
        %swap3A_256 = tpu.vector_load %arg11[%swap3A_254, %swap3A_255] {strides = array<i32>} : memref<128x64xf32, #tpu.memory_space<vmem>>, vector<1x16xf32>,
        %swap3A_257 = vector.shape_cast %swap3A_256 : vector<1x16xf32> to vector<16xf32>
        %swap3A_258 = vector.shape_cast %mul3A_253 : vector<16xf32> to vector<1x16xf32>
        tpu.vector_store %arg11[%swap3A_254, %swap3A_255], %swap3A_258 {strides = array<i32>} : memref<128x64xf32, #tpu.memory_space<vmem>>, vector<1x16xf32>,
        %mul3A_259 = arith.constant 16 : i32
        %mul3A_260 = arith.muli %scan3A_32, %mul3A_259 : i32
        %add3A_261 = arith.constant 4 : i32
        %add3A_262 = arith.addi %mul3A_260, %add3A_261 : i32
        %get3A_263 = arith.index_cast %add3A_262 : i32 to index
        %get3A_264 = arith.constant 0 : index
        %get3A_265 = tpu.vector_load %arg11[%get3A_263, %get3A_264] {strides = array<i32>} : memref<128x64xf32, #tpu.memory_space<vmem>>, vector<1x16xf32>,
        %get3A_266 = vector.shape_cast %get3A_265 : vector<1x16xf32> to vector<16xf32>
        %slice3A_267 = vector.extract_strided_slice %get3A_37 {offsets = [4], sizes = [1], strides = [1]} : vector<16xf32> to vector<1xf32>
        %squeeze3A_268 = vector.extract %slice3A_267[0] : f32 from vector<1xf32>
        %mul3A_269 = vector.broadcast %squeeze3A_268 : f32 to vector<16xf32>
        %mul3A_270 = arith.mulf %get3A_266, %mul3A_269 : vector<16xf32>
        %swap3A_271 = arith.index_cast %add3A_262 : i32 to index
        %swap3A_272 = arith.constant 0 : index
        %swap3A_273 = tpu.vector_load %arg11[%swap3A_271, %swap3A_272] {strides = array<i32>} : memref<128x64xf32, #tpu.memory_space<vmem>>, vector<1x16xf32>,
        %swap3A_274 = vector.shape_cast %swap3A_273 : vector<1x16xf32> to vector<16xf32>
        %swap3A_275 = vector.shape_cast %mul3A_270 : vector<16xf32> to vector<1x16xf32>
        tpu.vector_store %arg11[%swap3A_271, %swap3A_272], %swap3A_275 {strides = array<i32>} : memref<128x64xf32, #tpu.memory_space<vmem>>, vector<1x16xf32>,
        %get3A_276 = arith.index_cast %add3A_262 : i32 to index
        %get3A_277 = arith.constant 16 : index
        %get3A_278 = tpu.vector_load %arg11[%get3A_276, %get3A_277] {strides = array<i32>} : memref<128x64xf32, #tpu.memory_space<vmem>>, vector<1x16xf32>,
        %get3A_279 = vector.shape_cast %get3A_278 : vector<1x16xf32> to vector<16xf32>
        %slice3A_280 = vector.extract_strided_slice %get3A_37 {offsets = [4], sizes = [1], strides = [1]} : vector<16xf32> to vector<1xf32>
        %squeeze3A_281 = vector.extract %slice3A_280[0] : f32 from vector<1xf32>
        %mul3A_282 = vector.broadcast %squeeze3A_281 : f32 to vector<16xf32>
        %mul3A_283 = arith.mulf %get3A_279, %mul3A_282 : vector<16xf32>
        %swap3A_284 = arith.index_cast %add3A_262 : i32 to index
        %swap3A_285 = arith.constant 16 : index
        %swap3A_286 = tpu.vector_load %arg11[%swap3A_284, %swap3A_285] {strides = array<i32>} : memref<128x64xf32, #tpu.memory_space<vmem>>, vector<1x16xf32>,
        %swap3A_287 = vector.shape_cast %swap3A_286 : vector<1x16xf32> to vector<16xf32>
        %swap3A_288 = vector.shape_cast %mul3A_283 : vector<16xf32> to vector<1x16xf32>
        tpu.vector_store %arg11[%swap3A_284, %swap3A_285], %swap3A_288 {strides = array<i32>} : memref<128x64xf32, #tpu.memory_space<vmem>>, vector<1x16xf32>,
        %get3A_289 = arith.index_cast %add3A_262 : i32 to index
        %get3A_290 = arith.constant 32 : index
        %get3A_291 = tpu.vector_load %arg11[%get3A_289, %get3A_290] {strides = array<i32>} : memref<128x64xf32, #tpu.memory_space<vmem>>, vector<1x16xf32>,
        %get3A_292 = vector.shape_cast %get3A_291 : vector<1x16xf32> to vector<16xf32>
        %slice3A_293 = vector.extract_strided_slice %get3A_37 {offsets = [4], sizes = [1], strides = [1]} : vector<16xf32> to vector<1xf32>
        %squeeze3A_294 = vector.extract %slice3A_293[0] : f32 from vector<1xf32>
        %mul3A_295 = vector.broadcast %squeeze3A_294 : f32 to vector<16xf32>
        %mul3A_296 = arith.mulf %get3A_292, %mul3A_295 : vector<16xf32>
        %swap3A_297 = arith.index_cast %add3A_262 : i32 to index
        %swap3A_298 = arith.constant 32 : index
        %swap3A_299 = tpu.vector_load %arg11[%swap3A_297, %swap3A_298] {strides = array<i32>} : memref<128x64xf32, #tpu.memory_space<vmem>>, vector<1x16xf32>,
        %swap3A_300 = vector.shape_cast %swap3A_299 : vector<1x16xf32> to vector<16xf32>
        %swap3A_301 = vector.shape_cast %mul3A_296 : vector<16xf32> to vector<1x16xf32>
        tpu.vector_store %arg11[%swap3A_297, %swap3A_298], %swap3A_301 {strides = array<i32>} : memref<128x64xf32, #tpu.memory_space<vmem>>, vector<1x16xf32>,
        %get3A_302 = arith.index_cast %add3A_262 : i32 to index
        %get3A_303 = arith.constant 48 : index
        %get3A_304 = tpu.vector_load %arg11[%get3A_302, %get3A_303] {strides = array<i32>} : memref<128x64xf32, #tpu.memory_space<vmem>>, vector<1x16xf32>,
        %get3A_305 = vector.shape_cast %get3A_304 : vector<1x16xf32> to vector<16xf32>
        %slice3A_306 = vector.extract_strided_slice %get3A_37 {offsets = [4], sizes = [1], strides = [1]} : vector<16xf32> to vector<1xf32>
        %squeeze3A_307 = vector.extract %slice3A_306[0] : f32 from vector<1xf32>
        %mul3A_308 = vector.broadcast %squeeze3A_307 : f32 to vector<16xf32>
        %mul3A_309 = arith.mulf %get3A_305, %mul3A_308 : vector<16xf32>
        %swap3A_310 = arith.index_cast %add3A_262 : i32 to index
        %swap3A_311 = arith.constant 48 : index
        %swap3A_312 = tpu.vector_load %arg11[%swap3A_310, %swap3A_311] {strides = array<i32>} : memref<128x64xf32, #tpu.memory_space<vmem>>, vector<1x16xf32>,
        %swap3A_313 = vector.shape_cast %swap3A_312 : vector<1x16xf32> to vector<16xf32>
        %swap3A_314 = vector.shape_cast %mul3A_309 : vector<16xf32> to vector<1x16xf32>
        tpu.vector_store %arg11[%swap3A_310, %swap3A_311], %swap3A_314 {strides = array<i32>} : memref<128x64xf32, #tpu.memory_space<vmem>>, vector<1x16xf32>,
        %mul3A_315 = arith.constant 16 : i32
        %mul3A_316 = arith.muli %scan3A_32, %mul3A_315 : i32
        %add3A_317 = arith.constant 5 : i32
        %add3A_318 = arith.addi %mul3A_316, %add3A_317 : i32
        %get3A_319 = arith.index_cast %add3A_318 : i32 to index
        %get3A_320 = arith.constant 0 : index
        %get3A_321 = tpu.vector_load %arg11[%get3A_319, %get3A_320] {strides = array<i32>} : memref<128x64xf32, #tpu.memory_space<vmem>>, vector<1x16xf32>,
        %get3A_322 = vector.shape_cast %get3A_321 : vector<1x16xf32> to vector<16xf32>
        %slice3A_323 = vector.extract_strided_slice %get3A_37 {offsets = [5], sizes = [1], strides = [1]} : vector<16xf32> to vector<1xf32>
        %squeeze3A_324 = vector.extract %slice3A_323[0] : f32 from vector<1xf32>
        %mul3A_325 = vector.broadcast %squeeze3A_324 : f32 to vector<16xf32>
        %mul3A_326 = arith.mulf %get3A_322, %mul3A_325 : vector<16xf32>
        %swap3A_327 = arith.index_cast %add3A_318 : i32 to index
        %swap3A_328 = arith.constant 0 : index
        %swap3A_329 = tpu.vector_load %arg11[%swap3A_327, %swap3A_328] {strides = array<i32>} : memref<128x64xf32, #tpu.memory_space<vmem>>, vector<1x16xf32>,
        %swap3A_330 = vector.shape_cast %swap3A_329 : vector<1x16xf32> to vector<16xf32>
        %swap3A_331 = vector.shape_cast %mul3A_326 : vector<16xf32> to vector<1x16xf32>
        tpu.vector_store %arg11[%swap3A_327, %swap3A_328], %swap3A_331 {strides = array<i32>} : memref<128x64xf32, #tpu.memory_space<vmem>>, vector<1x16xf32>,
        %get3A_332 = arith.index_cast %add3A_318 : i32 to index
        %get3A_333 = arith.constant 16 : index
        %get3A_334 = tpu.vector_load %arg11[%get3A_332, %get3A_333] {strides = array<i32>} : memref<128x64xf32, #tpu.memory_space<vmem>>, vector<1x16xf32>,
        %get3A_335 = vector.shape_cast %get3A_334 : vector<1x16xf32> to vector<16xf32>
        %slice3A_336 = vector.extract_strided_slice %get3A_37 {offsets = [5], sizes = [1], strides = [1]} : vector<16xf32> to vector<1xf32>
        %squeeze3A_337 = vector.extract %slice3A_336[0] : f32 from vector<1xf32>
        %mul3A_338 = vector.broadcast %squeeze3A_337 : f32 to vector<16xf32>
        %mul3A_339 = arith.mulf %get3A_335, %mul3A_338 : vector<16xf32>
        %swap3A_340 = arith.index_cast %add3A_318 : i32 to index
        %swap3A_341 = arith.constant 16 : index
        %swap3A_342 = tpu.vector_load %arg11[%swap3A_340, %swap3A_341] {strides = array<i32>} : memref<128x64xf32, #tpu.memory_space<vmem>>, vector<1x16xf32>,
        %swap3A_343 = vector.shape_cast %swap3A_342 : vector<1x16xf32> to vector<16xf32>
        %swap3A_344 = vector.shape_cast %mul3A_339 : vector<16xf32> to vector<1x16xf32>
        tpu.vector_store %arg11[%swap3A_340, %swap3A_341], %swap3A_344 {strides = array<i32>} : memref<128x64xf32, #tpu.memory_space<vmem>>, vector<1x16xf32>,
        %get3A_345 = arith.index_cast %add3A_318 : i32 to index
        %get3A_346 = arith.constant 32 : index
        %get3A_347 = tpu.vector_load %arg11[%get3A_345, %get3A_346] {strides = array<i32>} : memref<128x64xf32, #tpu.memory_space<vmem>>, vector<1x16xf32>,
        %get3A_348 = vector.shape_cast %get3A_347 : vector<1x16xf32> to vector<16xf32>
        %slice3A_349 = vector.extract_strided_slice %get3A_37 {offsets = [5], sizes = [1], strides = [1]} : vector<16xf32> to vector<1xf32>
        %squeeze3A_350 = vector.extract %slice3A_349[0] : f32 from vector<1xf32>
        %mul3A_351 = vector.broadcast %squeeze3A_350 : f32 to vector<16xf32>
        %mul3A_352 = arith.mulf %get3A_348, %mul3A_351 : vector<16xf32>
        %swap3A_353 = arith.index_cast %add3A_318 : i32 to index
        %swap3A_354 = arith.constant 32 : index
        %swap3A_355 = tpu.vector_load %arg11[%swap3A_353, %swap3A_354] {strides = array<i32>} : memref<128x64xf32, #tpu.memory_space<vmem>>, vector<1x16xf32>,
        %swap3A_356 = vector.shape_cast %swap3A_355 : vector<1x16xf32> to vector<16xf32>
        %swap3A_357 = vector.shape_cast %mul3A_352 : vector<16xf32> to vector<1x16xf32>
        tpu.vector_store %arg11[%swap3A_353, %swap3A_354], %swap3A_357 {strides = array<i32>} : memref<128x64xf32, #tpu.memory_space<vmem>>, vector<1x16xf32>,
        %get3A_358 = arith.index_cast %add3A_318 : i32 to index
        %get3A_359 = arith.constant 48 : index
        %get3A_360 = tpu.vector_load %arg11[%get3A_358, %get3A_359] {strides = array<i32>} : memref<128x64xf32, #tpu.memory_space<vmem>>, vector<1x16xf32>,
        %get3A_361 = vector.shape_cast %get3A_360 : vector<1x16xf32> to vector<16xf32>
        %slice3A_362 = vector.extract_strided_slice %get3A_37 {offsets = [5], sizes = [1], strides = [1]} : vector<16xf32> to vector<1xf32>
        %squeeze3A_363 = vector.extract %slice3A_362[0] : f32 from vector<1xf32>
        %mul3A_364 = vector.broadcast %squeeze3A_363 : f32 to vector<16xf32>
        %mul3A_365 = arith.mulf %get3A_361, %mul3A_364 : vector<16xf32>
        %swap3A_366 = arith.index_cast %add3A_318 : i32 to index
        %swap3A_367 = arith.constant 48 : index
        %swap3A_368 = tpu.vector_load %arg11[%swap3A_366, %swap3A_367] {strides = array<i32>} : memref<128x64xf32, #tpu.memory_space<vmem>>, vector<1x16xf32>,
        %swap3A_369 = vector.shape_cast %swap3A_368 : vector<1x16xf32> to vector<16xf32>
        %swap3A_370 = vector.shape_cast %mul3A_365 : vector<16xf32> to vector<1x16xf32>
        tpu.vector_store %arg11[%swap3A_366, %swap3A_367], %swap3A_370 {strides = array<i32>} : memref<128x64xf32, #tpu.memory_space<vmem>>, vector<1x16xf32>,
        %mul3A_371 = arith.constant 16 : i32
        %mul3A_372 = arith.muli %scan3A_32, %mul3A_371 : i32
        %add3A_373 = arith.constant 6 : i32
        %add3A_374 = arith.addi %mul3A_372, %add3A_373 : i32
        %get3A_375 = arith.index_cast %add3A_374 : i32 to index
        %get3A_376 = arith.constant 0 : index
        %get3A_377 = tpu.vector_load %arg11[%get3A_375, %get3A_376] {strides = array<i32>} : memref<128x64xf32, #tpu.memory_space<vmem>>, vector<1x16xf32>,
        %get3A_378 = vector.shape_cast %get3A_377 : vector<1x16xf32> to vector<16xf32>
        %slice3A_379 = vector.extract_strided_slice %get3A_37 {offsets = [6], sizes = [1], strides = [1]} : vector<16xf32> to vector<1xf32>
        %squeeze3A_380 = vector.extract %slice3A_379[0] : f32 from vector<1xf32>
        %mul3A_381 = vector.broadcast %squeeze3A_380 : f32 to vector<16xf32>
        %mul3A_382 = arith.mulf %get3A_378, %mul3A_381 : vector<16xf32>
        %swap3A_383 = arith.index_cast %add3A_374 : i32 to index
        %swap3A_384 = arith.constant 0 : index
        %swap3A_385 = tpu.vector_load %arg11[%swap3A_383, %swap3A_384] {strides = array<i32>} : memref<128x64xf32, #tpu.memory_space<vmem>>, vector<1x16xf32>,
        %swap3A_386 = vector.shape_cast %swap3A_385 : vector<1x16xf32> to vector<16xf32>
        %swap3A_387 = vector.shape_cast %mul3A_382 : vector<16xf32> to vector<1x16xf32>
        tpu.vector_store %arg11[%swap3A_383, %swap3A_384], %swap3A_387 {strides = array<i32>} : memref<128x64xf32, #tpu.memory_space<vmem>>, vector<1x16xf32>,
        %get3A_388 = arith.index_cast %add3A_374 : i32 to index
        %get3A_389 = arith.constant 16 : index
        %get3A_390 = tpu.vector_load %arg11[%get3A_388, %get3A_389] {strides = array<i32>} : memref<128x64xf32, #tpu.memory_space<vmem>>, vector<1x16xf32>,
        %get3A_391 = vector.shape_cast %get3A_390 : vector<1x16xf32> to vector<16xf32>
        %slice3A_392 = vector.extract_strided_slice %get3A_37 {offsets = [6], sizes = [1], strides = [1]} : vector<16xf32> to vector<1xf32>
        %squeeze3A_393 = vector.extract %slice3A_392[0] : f32 from vector<1xf32>
        %mul3A_394 = vector.broadcast %squeeze3A_393 : f32 to vector<16xf32>
        %mul3A_395 = arith.mulf %get3A_391, %mul3A_394 : vector<16xf32>
        %swap3A_396 = arith.index_cast %add3A_374 : i32 to index
        %swap3A_397 = arith.constant 16 : index
        %swap3A_398 = tpu.vector_load %arg11[%swap3A_396, %swap3A_397] {strides = array<i32>} : memref<128x64xf32, #tpu.memory_space<vmem>>, vector<1x16xf32>,
        %swap3A_399 = vector.shape_cast %swap3A_398 : vector<1x16xf32> to vector<16xf32>
        %swap3A_400 = vector.shape_cast %mul3A_395 : vector<16xf32> to vector<1x16xf32>
        tpu.vector_store %arg11[%swap3A_396, %swap3A_397], %swap3A_400 {strides = array<i32>} : memref<128x64xf32, #tpu.memory_space<vmem>>, vector<1x16xf32>,
        %get3A_401 = arith.index_cast %add3A_374 : i32 to index
        %get3A_402 = arith.constant 32 : index
        %get3A_403 = tpu.vector_load %arg11[%get3A_401, %get3A_402] {strides = array<i32>} : memref<128x64xf32, #tpu.memory_space<vmem>>, vector<1x16xf32>,
        %get3A_404 = vector.shape_cast %get3A_403 : vector<1x16xf32> to vector<16xf32>
        %slice3A_405 = vector.extract_strided_slice %get3A_37 {offsets = [6], sizes = [1], strides = [1]} : vector<16xf32> to vector<1xf32>
        %squeeze3A_406 = vector.extract %slice3A_405[0] : f32 from vector<1xf32>
        %mul3A_407 = vector.broadcast %squeeze3A_406 : f32 to vector<16xf32>
        %mul3A_408 = arith.mulf %get3A_404, %mul3A_407 : vector<16xf32>
        %swap3A_409 = arith.index_cast %add3A_374 : i32 to index
        %swap3A_410 = arith.constant 32 : index
        %swap3A_411 = tpu.vector_load %arg11[%swap3A_409, %swap3A_410] {strides = array<i32>} : memref<128x64xf32, #tpu.memory_space<vmem>>, vector<1x16xf32>,
        %swap3A_412 = vector.shape_cast %swap3A_411 : vector<1x16xf32> to vector<16xf32>
        %swap3A_413 = vector.shape_cast %mul3A_408 : vector<16xf32> to vector<1x16xf32>
        tpu.vector_store %arg11[%swap3A_409, %swap3A_410], %swap3A_413 {strides = array<i32>} : memref<128x64xf32, #tpu.memory_space<vmem>>, vector<1x16xf32>,
        %get3A_414 = arith.index_cast %add3A_374 : i32 to index
        %get3A_415 = arith.constant 48 : index
        %get3A_416 = tpu.vector_load %arg11[%get3A_414, %get3A_415] {strides = array<i32>} : memref<128x64xf32, #tpu.memory_space<vmem>>, vector<1x16xf32>,
        %get3A_417 = vector.shape_cast %get3A_416 : vector<1x16xf32> to vector<16xf32>
        %slice3A_418 = vector.extract_strided_slice %get3A_37 {offsets = [6], sizes = [1], strides = [1]} : vector<16xf32> to vector<1xf32>
        %squeeze3A_419 = vector.extract %slice3A_418[0] : f32 from vector<1xf32>
        %mul3A_420 = vector.broadcast %squeeze3A_419 : f32 to vector<16xf32>
        %mul3A_421 = arith.mulf %get3A_417, %mul3A_420 : vector<16xf32>
        %swap3A_422 = arith.index_cast %add3A_374 : i32 to index
        %swap3A_423 = arith.constant 48 : index
        %swap3A_424 = tpu.vector_load %arg11[%swap3A_422, %swap3A_423] {strides = array<i32>} : memref<128x64xf32, #tpu.memory_space<vmem>>, vector<1x16xf32>,
        %swap3A_425 = vector.shape_cast %swap3A_424 : vector<1x16xf32> to vector<16xf32>
        %swap3A_426 = vector.shape_cast %mul3A_421 : vector<16xf32> to vector<1x16xf32>
        tpu.vector_store %arg11[%swap3A_422, %swap3A_423], %swap3A_426 {strides = array<i32>} : memref<128x64xf32, #tpu.memory_space<vmem>>, vector<1x16xf32>,
        %mul3A_427 = arith.constant 16 : i32
        %mul3A_428 = arith.muli %scan3A_32, %mul3A_427 : i32
        %add3A_429 = arith.constant 7 : i32
        %add3A_430 = arith.addi %mul3A_428, %add3A_429 : i32
        %get3A_431 = arith.index_cast %add3A_430 : i32 to index
        %get3A_432 = arith.constant 0 : index
        %get3A_433 = tpu.vector_load %arg11[%get3A_431, %get3A_432] {strides = array<i32>} : memref<128x64xf32, #tpu.memory_space<vmem>>, vector<1x16xf32>,
        %get3A_434 = vector.shape_cast %get3A_433 : vector<1x16xf32> to vector<16xf32>
        %slice3A_435 = vector.extract_strided_slice %get3A_37 {offsets = [7], sizes = [1], strides = [1]} : vector<16xf32> to vector<1xf32>
        %squeeze3A_436 = vector.extract %slice3A_435[0] : f32 from vector<1xf32>
        %mul3A_437 = vector.broadcast %squeeze3A_436 : f32 to vector<16xf32>
        %mul3A_438 = arith.mulf %get3A_434, %mul3A_437 : vector<16xf32>
        %swap3A_439 = arith.index_cast %add3A_430 : i32 to index
        %swap3A_440 = arith.constant 0 : index
        %swap3A_441 = tpu.vector_load %arg11[%swap3A_439, %swap3A_440] {strides = array<i32>} : memref<128x64xf32, #tpu.memory_space<vmem>>, vector<1x16xf32>,
        %swap3A_442 = vector.shape_cast %swap3A_441 : vector<1x16xf32> to vector<16xf32>
        %swap3A_443 = vector.shape_cast %mul3A_438 : vector<16xf32> to vector<1x16xf32>
        tpu.vector_store %arg11[%swap3A_439, %swap3A_440], %swap3A_443 {strides = array<i32>} : memref<128x64xf32, #tpu.memory_space<vmem>>, vector<1x16xf32>,
        %get3A_444 = arith.index_cast %add3A_430 : i32 to index
        %get3A_445 = arith.constant 16 : index
        %get3A_446 = tpu.vector_load %arg11[%get3A_444, %get3A_445] {strides = array<i32>} : memref<128x64xf32, #tpu.memory_space<vmem>>, vector<1x16xf32>,
        %get3A_447 = vector.shape_cast %get3A_446 : vector<1x16xf32> to vector<16xf32>
        %slice3A_448 = vector.extract_strided_slice %get3A_37 {offsets = [7], sizes = [1], strides = [1]} : vector<16xf32> to vector<1xf32>
        %squeeze3A_449 = vector.extract %slice3A_448[0] : f32 from vector<1xf32>
        %mul3A_450 = vector.broadcast %squeeze3A_449 : f32 to vector<16xf32>
        %mul3A_451 = arith.mulf %get3A_447, %mul3A_450 : vector<16xf32>
        %swap3A_452 = arith.index_cast %add3A_430 : i32 to index
        %swap3A_453 = arith.constant 16 : index
        %swap3A_454 = tpu.vector_load %arg11[%swap3A_452, %swap3A_453] {strides = array<i32>} : memref<128x64xf32, #tpu.memory_space<vmem>>, vector<1x16xf32>,
        %swap3A_455 = vector.shape_cast %swap3A_454 : vector<1x16xf32> to vector<16xf32>
        %swap3A_456 = vector.shape_cast %mul3A_451 : vector<16xf32> to vector<1x16xf32>
        tpu.vector_store %arg11[%swap3A_452, %swap3A_453], %swap3A_456 {strides = array<i32>} : memref<128x64xf32, #tpu.memory_space<vmem>>, vector<1x16xf32>,
        %get3A_457 = arith.index_cast %add3A_430 : i32 to index
        %get3A_458 = arith.constant 32 : index
        %get3A_459 = tpu.vector_load %arg11[%get3A_457, %get3A_458] {strides = array<i32>} : memref<128x64xf32, #tpu.memory_space<vmem>>, vector<1x16xf32>,
        %get3A_460 = vector.shape_cast %get3A_459 : vector<1x16xf32> to vector<16xf32>
        %slice3A_461 = vector.extract_strided_slice %get3A_37 {offsets = [7], sizes = [1], strides = [1]} : vector<16xf32> to vector<1xf32>
        %squeeze3A_462 = vector.extract %slice3A_461[0] : f32 from vector<1xf32>
        %mul3A_463 = vector.broadcast %squeeze3A_462 : f32 to vector<16xf32>
        %mul3A_464 = arith.mulf %get3A_460, %mul3A_463 : vector<16xf32>
        %swap3A_465 = arith.index_cast %add3A_430 : i32 to index
        %swap3A_466 = arith.constant 32 : index
        %swap3A_467 = tpu.vector_load %arg11[%swap3A_465, %swap3A_466] {strides = array<i32>} : memref<128x64xf32, #tpu.memory_space<vmem>>, vector<1x16xf32>,
        %swap3A_468 = vector.shape_cast %swap3A_467 : vector<1x16xf32> to vector<16xf32>
        %swap3A_469 = vector.shape_cast %mul3A_464 : vector<16xf32> to vector<1x16xf32>
        tpu.vector_store %arg11[%swap3A_465, %swap3A_466], %swap3A_469 {strides = array<i32>} : memref<128x64xf32, #tpu.memory_space<vmem>>, vector<1x16xf32>,
        %get3A_470 = arith.index_cast %add3A_430 : i32 to index
        %get3A_471 = arith.constant 48 : index
        %get3A_472 = tpu.vector_load %arg11[%get3A_470, %get3A_471] {strides = array<i32>} : memref<128x64xf32, #tpu.memory_space<vmem>>, vector<1x16xf32>,
        %get3A_473 = vector.shape_cast %get3A_472 : vector<1x16xf32> to vector<16xf32>
        %slice3A_474 = vector.extract_strided_slice %get3A_37 {offsets = [7], sizes = [1], strides = [1]} : vector<16xf32> to vector<1xf32>
        %squeeze3A_475 = vector.extract %slice3A_474[0] : f32 from vector<1xf32>
        %mul3A_476 = vector.broadcast %squeeze3A_475 : f32 to vector<16xf32>
        %mul3A_477 = arith.mulf %get3A_473, %mul3A_476 : vector<16xf32>
        %swap3A_478 = arith.index_cast %add3A_430 : i32 to index
        %swap3A_479 = arith.constant 48 : index
        %swap3A_480 = tpu.vector_load %arg11[%swap3A_478, %swap3A_479] {strides = array<i32>} : memref<128x64xf32, #tpu.memory_space<vmem>>, vector<1x16xf32>,
        %swap3A_481 = vector.shape_cast %swap3A_480 : vector<1x16xf32> to vector<16xf32>
        %swap3A_482 = vector.shape_cast %mul3A_477 : vector<16xf32> to vector<1x16xf32>
        tpu.vector_store %arg11[%swap3A_478, %swap3A_479], %swap3A_482 {strides = array<i32>} : memref<128x64xf32, #tpu.memory_space<vmem>>, vector<1x16xf32>,
        %mul3A_483 = arith.constant 16 : i32
        %mul3A_484 = arith.muli %scan3A_32, %mul3A_483 : i32
        %add3A_485 = arith.constant 8 : i32
        %add3A_486 = arith.addi %mul3A_484, %add3A_485 : i32
        %get3A_487 = arith.index_cast %add3A_486 : i32 to index
        %get3A_488 = arith.constant 0 : index
        %get3A_489 = tpu.vector_load %arg11[%get3A_487, %get3A_488] {strides = array<i32>} : memref<128x64xf32, #tpu.memory_space<vmem>>, vector<1x16xf32>,
        %get3A_490 = vector.shape_cast %get3A_489 : vector<1x16xf32> to vector<16xf32>
        %slice3A_491 = vector.extract_strided_slice %get3A_37 {offsets = [8], sizes = [1], strides = [1]} : vector<16xf32> to vector<1xf32>
        %squeeze3A_492 = vector.extract %slice3A_491[0] : f32 from vector<1xf32>
        %mul3A_493 = vector.broadcast %squeeze3A_492 : f32 to vector<16xf32>
        %mul3A_494 = arith.mulf %get3A_490, %mul3A_493 : vector<16xf32>
        %swap3A_495 = arith.index_cast %add3A_486 : i32 to index
        %swap3A_496 = arith.constant 0 : index
        %swap3A_497 = tpu.vector_load %arg11[%swap3A_495, %swap3A_496] {strides = array<i32>} : memref<128x64xf32, #tpu.memory_space<vmem>>, vector<1x16xf32>,
        %swap3A_498 = vector.shape_cast %swap3A_497 : vector<1x16xf32> to vector<16xf32>
        %swap3A_499 = vector.shape_cast %mul3A_494 : vector<16xf32> to vector<1x16xf32>
        tpu.vector_store %arg11[%swap3A_495, %swap3A_496], %swap3A_499 {strides = array<i32>} : memref<128x64xf32, #tpu.memory_space<vmem>>, vector<1x16xf32>,
        %get3A_500 = arith.index_cast %add3A_486 : i32 to index
        %get3A_501 = arith.constant 16 : index
        %get3A_502 = tpu.vector_load %arg11[%get3A_500, %get3A_501] {strides = array<i32>} : memref<128x64xf32, #tpu.memory_space<vmem>>, vector<1x16xf32>,
        %get3A_503 = vector.shape_cast %get3A_502 : vector<1x16xf32> to vector<16xf32>
        %slice3A_504 = vector.extract_strided_slice %get3A_37 {offsets = [8], sizes = [1], strides = [1]} : vector<16xf32> to vector<1xf32>
        %squeeze3A_505 = vector.extract %slice3A_504[0] : f32 from vector<1xf32>
        %mul3A_506 = vector.broadcast %squeeze3A_505 : f32 to vector<16xf32>
        %mul3A_507 = arith.mulf %get3A_503, %mul3A_506 : vector<16xf32>
        %swap3A_508 = arith.index_cast %add3A_486 : i32 to index
        %swap3A_509 = arith.constant 16 : index
        %swap3A_510 = tpu.vector_load %arg11[%swap3A_508, %swap3A_509] {strides = array<i32>} : memref<128x64xf32, #tpu.memory_space<vmem>>, vector<1x16xf32>,
        %swap3A_511 = vector.shape_cast %swap3A_510 : vector<1x16xf32> to vector<16xf32>
        %swap3A_512 = vector.shape_cast %mul3A_507 : vector<16xf32> to vector<1x16xf32>
        tpu.vector_store %arg11[%swap3A_508, %swap3A_509], %swap3A_512 {strides = array<i32>} : memref<128x64xf32, #tpu.memory_space<vmem>>, vector<1x16xf32>,
        %get3A_513 = arith.index_cast %add3A_486 : i32 to index
        %get3A_514 = arith.constant 32 : index
        %get3A_515 = tpu.vector_load %arg11[%get3A_513, %get3A_514] {strides = array<i32>} : memref<128x64xf32, #tpu.memory_space<vmem>>, vector<1x16xf32>,
        %get3A_516 = vector.shape_cast %get3A_515 : vector<1x16xf32> to vector<16xf32>
        %slice3A_517 = vector.extract_strided_slice %get3A_37 {offsets = [8], sizes = [1], strides = [1]} : vector<16xf32> to vector<1xf32>
        %squeeze3A_518 = vector.extract %slice3A_517[0] : f32 from vector<1xf32>
        %mul3A_519 = vector.broadcast %squeeze3A_518 : f32 to vector<16xf32>
        %mul3A_520 = arith.mulf %get3A_516, %mul3A_519 : vector<16xf32>
        %swap3A_521 = arith.index_cast %add3A_486 : i32 to index
        %swap3A_522 = arith.constant 32 : index
        %swap3A_523 = tpu.vector_load %arg11[%swap3A_521, %swap3A_522] {strides = array<i32>} : memref<128x64xf32, #tpu.memory_space<vmem>>, vector<1x16xf32>,
        %swap3A_524 = vector.shape_cast %swap3A_523 : vector<1x16xf32> to vector<16xf32>
        %swap3A_525 = vector.shape_cast %mul3A_520 : vector<16xf32> to vector<1x16xf32>
        tpu.vector_store %arg11[%swap3A_521, %swap3A_522], %swap3A_525 {strides = array<i32>} : memref<128x64xf32, #tpu.memory_space<vmem>>, vector<1x16xf32>,
        %get3A_526 = arith.index_cast %add3A_486 : i32 to index
        %get3A_527 = arith.constant 48 : index
        %get3A_528 = tpu.vector_load %arg11[%get3A_526, %get3A_527] {strides = array<i32>} : memref<128x64xf32, #tpu.memory_space<vmem>>, vector<1x16xf32>,
        %get3A_529 = vector.shape_cast %get3A_528 : vector<1x16xf32> to vector<16xf32>
        %slice3A_530 = vector.extract_strided_slice %get3A_37 {offsets = [8], sizes = [1], strides = [1]} : vector<16xf32> to vector<1xf32>
        %squeeze3A_531 = vector.extract %slice3A_530[0] : f32 from vector<1xf32>
        %mul3A_532 = vector.broadcast %squeeze3A_531 : f32 to vector<16xf32>
        %mul3A_533 = arith.mulf %get3A_529, %mul3A_532 : vector<16xf32>
        %swap3A_534 = arith.index_cast %add3A_486 : i32 to index
        %swap3A_535 = arith.constant 48 : index
        %swap3A_536 = tpu.vector_load %arg11[%swap3A_534, %swap3A_535] {strides = array<i32>} : memref<128x64xf32, #tpu.memory_space<vmem>>, vector<1x16xf32>,
        %swap3A_537 = vector.shape_cast %swap3A_536 : vector<1x16xf32> to vector<16xf32>
        %swap3A_538 = vector.shape_cast %mul3A_533 : vector<16xf32> to vector<1x16xf32>
        tpu.vector_store %arg11[%swap3A_534, %swap3A_535], %swap3A_538 {strides = array<i32>} : memref<128x64xf32, #tpu.memory_space<vmem>>, vector<1x16xf32>,
        %mul3A_539 = arith.constant 16 : i32
        %mul3A_540 = arith.muli %scan3A_32, %mul3A_539 : i32
        %add3A_541 = arith.constant 9 : i32
        %add3A_542 = arith.addi %mul3A_540, %add3A_541 : i32
        %get3A_543 = arith.index_cast %add3A_542 : i32 to index
        %get3A_544 = arith.constant 0 : index
        %get3A_545 = tpu.vector_load %arg11[%get3A_543, %get3A_544] {strides = array<i32>} : memref<128x64xf32, #tpu.memory_space<vmem>>, vector<1x16xf32>,
        %get3A_546 = vector.shape_cast %get3A_545 : vector<1x16xf32> to vector<16xf32>
        %slice3A_547 = vector.extract_strided_slice %get3A_37 {offsets = [9], sizes = [1], strides = [1]} : vector<16xf32> to vector<1xf32>
        %squeeze3A_548 = vector.extract %slice3A_547[0] : f32 from vector<1xf32>
        %mul3A_549 = vector.broadcast %squeeze3A_548 : f32 to vector<16xf32>
        %mul3A_550 = arith.mulf %get3A_546, %mul3A_549 : vector<16xf32>
        %swap3A_551 = arith.index_cast %add3A_542 : i32 to index
        %swap3A_552 = arith.constant 0 : index
        %swap3A_553 = tpu.vector_load %arg11[%swap3A_551, %swap3A_552] {strides = array<i32>} : memref<128x64xf32, #tpu.memory_space<vmem>>, vector<1x16xf32>,
        %swap3A_554 = vector.shape_cast %swap3A_553 : vector<1x16xf32> to vector<16xf32>
        %swap3A_555 = vector.shape_cast %mul3A_550 : vector<16xf32> to vector<1x16xf32>
        tpu.vector_store %arg11[%swap3A_551, %swap3A_552], %swap3A_555 {strides = array<i32>} : memref<128x64xf32, #tpu.memory_space<vmem>>, vector<1x16xf32>,
        %get3A_556 = arith.index_cast %add3A_542 : i32 to index
        %get3A_557 = arith.constant 16 : index
        %get3A_558 = tpu.vector_load %arg11[%get3A_556, %get3A_557] {strides = array<i32>} : memref<128x64xf32, #tpu.memory_space<vmem>>, vector<1x16xf32>,
        %get3A_559 = vector.shape_cast %get3A_558 : vector<1x16xf32> to vector<16xf32>
        %slice3A_560 = vector.extract_strided_slice %get3A_37 {offsets = [9], sizes = [1], strides = [1]} : vector<16xf32> to vector<1xf32>
        %squeeze3A_561 = vector.extract %slice3A_560[0] : f32 from vector<1xf32>
        %mul3A_562 = vector.broadcast %squeeze3A_561 : f32 to vector<16xf32>
        %mul3A_563 = arith.mulf %get3A_559, %mul3A_562 : vector<16xf32>
        %swap3A_564 = arith.index_cast %add3A_542 : i32 to index
        %swap3A_565 = arith.constant 16 : index
        %swap3A_566 = tpu.vector_load %arg11[%swap3A_564, %swap3A_565] {strides = array<i32>} : memref<128x64xf32, #tpu.memory_space<vmem>>, vector<1x16xf32>,
        %swap3A_567 = vector.shape_cast %swap3A_566 : vector<1x16xf32> to vector<16xf32>
        %swap3A_568 = vector.shape_cast %mul3A_563 : vector<16xf32> to vector<1x16xf32>
        tpu.vector_store %arg11[%swap3A_564, %swap3A_565], %swap3A_568 {strides = array<i32>} : memref<128x64xf32, #tpu.memory_space<vmem>>, vector<1x16xf32>,
        %get3A_569 = arith.index_cast %add3A_542 : i32 to index
        %get3A_570 = arith.constant 32 : index
        %get3A_571 = tpu.vector_load %arg11[%get3A_569, %get3A_570] {strides = array<i32>} : memref<128x64xf32, #tpu.memory_space<vmem>>, vector<1x16xf32>,
        %get3A_572 = vector.shape_cast %get3A_571 : vector<1x16xf32> to vector<16xf32>
        %slice3A_573 = vector.extract_strided_slice %get3A_37 {offsets = [9], sizes = [1], strides = [1]} : vector<16xf32> to vector<1xf32>
        %squeeze3A_574 = vector.extract %slice3A_573[0] : f32 from vector<1xf32>
        %mul3A_575 = vector.broadcast %squeeze3A_574 : f32 to vector<16xf32>
        %mul3A_576 = arith.mulf %get3A_572, %mul3A_575 : vector<16xf32>
        %swap3A_577 = arith.index_cast %add3A_542 : i32 to index
        %swap3A_578 = arith.constant 32 : index
        %swap3A_579 = tpu.vector_load %arg11[%swap3A_577, %swap3A_578] {strides = array<i32>} : memref<128x64xf32, #tpu.memory_space<vmem>>, vector<1x16xf32>,
        %swap3A_580 = vector.shape_cast %swap3A_579 : vector<1x16xf32> to vector<16xf32>
        %swap3A_581 = vector.shape_cast %mul3A_576 : vector<16xf32> to vector<1x16xf32>
        tpu.vector_store %arg11[%swap3A_577, %swap3A_578], %swap3A_581 {strides = array<i32>} : memref<128x64xf32, #tpu.memory_space<vmem>>, vector<1x16xf32>,
        %get3A_582 = arith.index_cast %add3A_542 : i32 to index
        %get3A_583 = arith.constant 48 : index
        %get3A_584 = tpu.vector_load %arg11[%get3A_582, %get3A_583] {strides = array<i32>} : memref<128x64xf32, #tpu.memory_space<vmem>>, vector<1x16xf32>,
        %get3A_585 = vector.shape_cast %get3A_584 : vector<1x16xf32> to vector<16xf32>
        %slice3A_586 = vector.extract_strided_slice %get3A_37 {offsets = [9], sizes = [1], strides = [1]} : vector<16xf32> to vector<1xf32>
        %squeeze3A_587 = vector.extract %slice3A_586[0] : f32 from vector<1xf32>
        %mul3A_588 = vector.broadcast %squeeze3A_587 : f32 to vector<16xf32>
        %mul3A_589 = arith.mulf %get3A_585, %mul3A_588 : vector<16xf32>
        %swap3A_590 = arith.index_cast %add3A_542 : i32 to index
        %swap3A_591 = arith.constant 48 : index
        %swap3A_592 = tpu.vector_load %arg11[%swap3A_590, %swap3A_591] {strides = array<i32>} : memref<128x64xf32, #tpu.memory_space<vmem>>, vector<1x16xf32>,
        %swap3A_593 = vector.shape_cast %swap3A_592 : vector<1x16xf32> to vector<16xf32>
        %swap3A_594 = vector.shape_cast %mul3A_589 : vector<16xf32> to vector<1x16xf32>
        tpu.vector_store %arg11[%swap3A_590, %swap3A_591], %swap3A_594 {strides = array<i32>} : memref<128x64xf32, #tpu.memory_space<vmem>>, vector<1x16xf32>,
        %mul3A_595 = arith.constant 16 : i32
        %mul3A_596 = arith.muli %scan3A_32, %mul3A_595 : i32
        %add3A_597 = arith.constant 10 : i32
        %add3A_598 = arith.addi %mul3A_596, %add3A_597 : i32
        %get3A_599 = arith.index_cast %add3A_598 : i32 to index
        %get3A_600 = arith.constant 0 : index
        %get3A_601 = tpu.vector_load %arg11[%get3A_599, %get3A_600] {strides = array<i32>} : memref<128x64xf32, #tpu.memory_space<vmem>>, vector<1x16xf32>,
        %get3A_602 = vector.shape_cast %get3A_601 : vector<1x16xf32> to vector<16xf32>
        %slice3A_603 = vector.extract_strided_slice %get3A_37 {offsets = [10], sizes = [1], strides = [1]} : vector<16xf32> to vector<1xf32>
        %squeeze3A_604 = vector.extract %slice3A_603[0] : f32 from vector<1xf32>
        %mul3A_605 = vector.broadcast %squeeze3A_604 : f32 to vector<16xf32>
        %mul3A_606 = arith.mulf %get3A_602, %mul3A_605 : vector<16xf32>
        %swap3A_607 = arith.index_cast %add3A_598 : i32 to index
        %swap3A_608 = arith.constant 0 : index
        %swap3A_609 = tpu.vector_load %arg11[%swap3A_607, %swap3A_608] {strides = array<i32>} : memref<128x64xf32, #tpu.memory_space<vmem>>, vector<1x16xf32>,
        %swap3A_610 = vector.shape_cast %swap3A_609 : vector<1x16xf32> to vector<16xf32>
        %swap3A_611 = vector.shape_cast %mul3A_606 : vector<16xf32> to vector<1x16xf32>
        tpu.vector_store %arg11[%swap3A_607, %swap3A_608], %swap3A_611 {strides = array<i32>} : memref<128x64xf32, #tpu.memory_space<vmem>>, vector<1x16xf32>,
        %get3A_612 = arith.index_cast %add3A_598 : i32 to index
        %get3A_613 = arith.constant 16 : index
        %get3A_614 = tpu.vector_load %arg11[%get3A_612, %get3A_613] {strides = array<i32>} : memref<128x64xf32, #tpu.memory_space<vmem>>, vector<1x16xf32>,
        %get3A_615 = vector.shape_cast %get3A_614 : vector<1x16xf32> to vector<16xf32>
        %slice3A_616 = vector.extract_strided_slice %get3A_37 {offsets = [10], sizes = [1], strides = [1]} : vector<16xf32> to vector<1xf32>
        %squeeze3A_617 = vector.extract %slice3A_616[0] : f32 from vector<1xf32>
        %mul3A_618 = vector.broadcast %squeeze3A_617 : f32 to vector<16xf32>
        %mul3A_619 = arith.mulf %get3A_615, %mul3A_618 : vector<16xf32>
        %swap3A_620 = arith.index_cast %add3A_598 : i32 to index
        %swap3A_621 = arith.constant 16 : index
        %swap3A_622 = tpu.vector_load %arg11[%swap3A_620, %swap3A_621] {strides = array<i32>} : memref<128x64xf32, #tpu.memory_space<vmem>>, vector<1x16xf32>,
        %swap3A_623 = vector.shape_cast %swap3A_622 : vector<1x16xf32> to vector<16xf32>
        %swap3A_624 = vector.shape_cast %mul3A_619 : vector<16xf32> to vector<1x16xf32>
        tpu.vector_store %arg11[%swap3A_620, %swap3A_621], %swap3A_624 {strides = array<i32>} : memref<128x64xf32, #tpu.memory_space<vmem>>, vector<1x16xf32>,
        %get3A_625 = arith.index_cast %add3A_598 : i32 to index
        %get3A_626 = arith.constant 32 : index
        %get3A_627 = tpu.vector_load %arg11[%get3A_625, %get3A_626] {strides = array<i32>} : memref<128x64xf32, #tpu.memory_space<vmem>>, vector<1x16xf32>,
        %get3A_628 = vector.shape_cast %get3A_627 : vector<1x16xf32> to vector<16xf32>
        %slice3A_629 = vector.extract_strided_slice %get3A_37 {offsets = [10], sizes = [1], strides = [1]} : vector<16xf32> to vector<1xf32>
        %squeeze3A_630 = vector.extract %slice3A_629[0] : f32 from vector<1xf32>
        %mul3A_631 = vector.broadcast %squeeze3A_630 : f32 to vector<16xf32>
        %mul3A_632 = arith.mulf %get3A_628, %mul3A_631 : vector<16xf32>
        %swap3A_633 = arith.index_cast %add3A_598 : i32 to index
        %swap3A_634 = arith.constant 32 : index
        %swap3A_635 = tpu.vector_load %arg11[%swap3A_633, %swap3A_634] {strides = array<i32>} : memref<128x64xf32, #tpu.memory_space<vmem>>, vector<1x16xf32>,
        %swap3A_636 = vector.shape_cast %swap3A_635 : vector<1x16xf32> to vector<16xf32>
        %swap3A_637 = vector.shape_cast %mul3A_632 : vector<16xf32> to vector<1x16xf32>
        tpu.vector_store %arg11[%swap3A_633, %swap3A_634], %swap3A_637 {strides = array<i32>} : memref<128x64xf32, #tpu.memory_space<vmem>>, vector<1x16xf32>,
        %get3A_638 = arith.index_cast %add3A_598 : i32 to index
        %get3A_639 = arith.constant 48 : index
        %get3A_640 = tpu.vector_load %arg11[%get3A_638, %get3A_639] {strides = array<i32>} : memref<128x64xf32, #tpu.memory_space<vmem>>, vector<1x16xf32>,
        %get3A_641 = vector.shape_cast %get3A_640 : vector<1x16xf32> to vector<16xf32>
        %slice3A_642 = vector.extract_strided_slice %get3A_37 {offsets = [10], sizes = [1], strides = [1]} : vector<16xf32> to vector<1xf32>
        %squeeze3A_643 = vector.extract %slice3A_642[0] : f32 from vector<1xf32>
        %mul3A_644 = vector.broadcast %squeeze3A_643 : f32 to vector<16xf32>
        %mul3A_645 = arith.mulf %get3A_641, %mul3A_644 : vector<16xf32>
        %swap3A_646 = arith.index_cast %add3A_598 : i32 to index
        %swap3A_647 = arith.constant 48 : index
        %swap3A_648 = tpu.vector_load %arg11[%swap3A_646, %swap3A_647] {strides = array<i32>} : memref<128x64xf32, #tpu.memory_space<vmem>>, vector<1x16xf32>,
        %swap3A_649 = vector.shape_cast %swap3A_648 : vector<1x16xf32> to vector<16xf32>
        %swap3A_650 = vector.shape_cast %mul3A_645 : vector<16xf32> to vector<1x16xf32>
        tpu.vector_store %arg11[%swap3A_646, %swap3A_647], %swap3A_650 {strides = array<i32>} : memref<128x64xf32, #tpu.memory_space<vmem>>, vector<1x16xf32>,
        %mul3A_651 = arith.constant 16 : i32
        %mul3A_652 = arith.muli %scan3A_32, %mul3A_651 : i32
        %add3A_653 = arith.constant 11 : i32
        %add3A_654 = arith.addi %mul3A_652, %add3A_653 : i32
        %get3A_655 = arith.index_cast %add3A_654 : i32 to index
        %get3A_656 = arith.constant 0 : index
        %get3A_657 = tpu.vector_load %arg11[%get3A_655, %get3A_656] {strides = array<i32>} : memref<128x64xf32, #tpu.memory_space<vmem>>, vector<1x16xf32>,
        %get3A_658 = vector.shape_cast %get3A_657 : vector<1x16xf32> to vector<16xf32>
        %slice3A_659 = vector.extract_strided_slice %get3A_37 {offsets = [11], sizes = [1], strides = [1]} : vector<16xf32> to vector<1xf32>
        %squeeze3A_660 = vector.extract %slice3A_659[0] : f32 from vector<1xf32>
        %mul3A_661 = vector.broadcast %squeeze3A_660 : f32 to vector<16xf32>
        %mul3A_662 = arith.mulf %get3A_658, %mul3A_661 : vector<16xf32>
        %swap3A_663 = arith.index_cast %add3A_654 : i32 to index
        %swap3A_664 = arith.constant 0 : index
        %swap3A_665 = tpu.vector_load %arg11[%swap3A_663, %swap3A_664] {strides = array<i32>} : memref<128x64xf32, #tpu.memory_space<vmem>>, vector<1x16xf32>,
        %swap3A_666 = vector.shape_cast %swap3A_665 : vector<1x16xf32> to vector<16xf32>
        %swap3A_667 = vector.shape_cast %mul3A_662 : vector<16xf32> to vector<1x16xf32>
        tpu.vector_store %arg11[%swap3A_663, %swap3A_664], %swap3A_667 {strides = array<i32>} : memref<128x64xf32, #tpu.memory_space<vmem>>, vector<1x16xf32>,
        %get3A_668 = arith.index_cast %add3A_654 : i32 to index
        %get3A_669 = arith.constant 16 : index
        %get3A_670 = tpu.vector_load %arg11[%get3A_668, %get3A_669] {strides = array<i32>} : memref<128x64xf32, #tpu.memory_space<vmem>>, vector<1x16xf32>,
        %get3A_671 = vector.shape_cast %get3A_670 : vector<1x16xf32> to vector<16xf32>
        %slice3A_672 = vector.extract_strided_slice %get3A_37 {offsets = [11], sizes = [1], strides = [1]} : vector<16xf32> to vector<1xf32>
        %squeeze3A_673 = vector.extract %slice3A_672[0] : f32 from vector<1xf32>
        %mul3A_674 = vector.broadcast %squeeze3A_673 : f32 to vector<16xf32>
        %mul3A_675 = arith.mulf %get3A_671, %mul3A_674 : vector<16xf32>
        %swap3A_676 = arith.index_cast %add3A_654 : i32 to index
        %swap3A_677 = arith.constant 16 : index
        %swap3A_678 = tpu.vector_load %arg11[%swap3A_676, %swap3A_677] {strides = array<i32>} : memref<128x64xf32, #tpu.memory_space<vmem>>, vector<1x16xf32>,
        %swap3A_679 = vector.shape_cast %swap3A_678 : vector<1x16xf32> to vector<16xf32>
        %swap3A_680 = vector.shape_cast %mul3A_675 : vector<16xf32> to vector<1x16xf32>
        tpu.vector_store %arg11[%swap3A_676, %swap3A_677], %swap3A_680 {strides = array<i32>} : memref<128x64xf32, #tpu.memory_space<vmem>>, vector<1x16xf32>,
        %get3A_681 = arith.index_cast %add3A_654 : i32 to index
        %get3A_682 = arith.constant 32 : index
        %get3A_683 = tpu.vector_load %arg11[%get3A_681, %get3A_682] {strides = array<i32>} : memref<128x64xf32, #tpu.memory_space<vmem>>, vector<1x16xf32>,
        %get3A_684 = vector.shape_cast %get3A_683 : vector<1x16xf32> to vector<16xf32>
        %slice3A_685 = vector.extract_strided_slice %get3A_37 {offsets = [11], sizes = [1], strides = [1]} : vector<16xf32> to vector<1xf32>
        %squeeze3A_686 = vector.extract %slice3A_685[0] : f32 from vector<1xf32>
        %mul3A_687 = vector.broadcast %squeeze3A_686 : f32 to vector<16xf32>
        %mul3A_688 = arith.mulf %get3A_684, %mul3A_687 : vector<16xf32>
        %swap3A_689 = arith.index_cast %add3A_654 : i32 to index
        %swap3A_690 = arith.constant 32 : index
        %swap3A_691 = tpu.vector_load %arg11[%swap3A_689, %swap3A_690] {strides = array<i32>} : memref<128x64xf32, #tpu.memory_space<vmem>>, vector<1x16xf32>,
        %swap3A_692 = vector.shape_cast %swap3A_691 : vector<1x16xf32> to vector<16xf32>
        %swap3A_693 = vector.shape_cast %mul3A_688 : vector<16xf32> to vector<1x16xf32>
        tpu.vector_store %arg11[%swap3A_689, %swap3A_690], %swap3A_693 {strides = array<i32>} : memref<128x64xf32, #tpu.memory_space<vmem>>, vector<1x16xf32>,
        %get3A_694 = arith.index_cast %add3A_654 : i32 to index
        %get3A_695 = arith.constant 48 : index
        %get3A_696 = tpu.vector_load %arg11[%get3A_694, %get3A_695] {strides = array<i32>} : memref<128x64xf32, #tpu.memory_space<vmem>>, vector<1x16xf32>,
        %get3A_697 = vector.shape_cast %get3A_696 : vector<1x16xf32> to vector<16xf32>
        %slice3A_698 = vector.extract_strided_slice %get3A_37 {offsets = [11], sizes = [1], strides = [1]} : vector<16xf32> to vector<1xf32>
        %squeeze3A_699 = vector.extract %slice3A_698[0] : f32 from vector<1xf32>
        %mul3A_700 = vector.broadcast %squeeze3A_699 : f32 to vector<16xf32>
        %mul3A_701 = arith.mulf %get3A_697, %mul3A_700 : vector<16xf32>
        %swap3A_702 = arith.index_cast %add3A_654 : i32 to index
        %swap3A_703 = arith.constant 48 : index
        %swap3A_704 = tpu.vector_load %arg11[%swap3A_702, %swap3A_703] {strides = array<i32>} : memref<128x64xf32, #tpu.memory_space<vmem>>, vector<1x16xf32>,
        %swap3A_705 = vector.shape_cast %swap3A_704 : vector<1x16xf32> to vector<16xf32>
        %swap3A_706 = vector.shape_cast %mul3A_701 : vector<16xf32> to vector<1x16xf32>
        tpu.vector_store %arg11[%swap3A_702, %swap3A_703], %swap3A_706 {strides = array<i32>} : memref<128x64xf32, #tpu.memory_space<vmem>>, vector<1x16xf32>,
        %mul3A_707 = arith.constant 16 : i32
        %mul3A_708 = arith.muli %scan3A_32, %mul3A_707 : i32
        %add3A_709 = arith.constant 12 : i32
        %add3A_710 = arith.addi %mul3A_708, %add3A_709 : i32
        %get3A_711 = arith.index_cast %add3A_710 : i32 to index
        %get3A_712 = arith.constant 0 : index
        %get3A_713 = tpu.vector_load %arg11[%get3A_711, %get3A_712] {strides = array<i32>} : memref<128x64xf32, #tpu.memory_space<vmem>>, vector<1x16xf32>,
        %get3A_714 = vector.shape_cast %get3A_713 : vector<1x16xf32> to vector<16xf32>
        %slice3A_715 = vector.extract_strided_slice %get3A_37 {offsets = [12], sizes = [1], strides = [1]} : vector<16xf32> to vector<1xf32>
        %squeeze3A_716 = vector.extract %slice3A_715[0] : f32 from vector<1xf32>
        %mul3A_717 = vector.broadcast %squeeze3A_716 : f32 to vector<16xf32>
        %mul3A_718 = arith.mulf %get3A_714, %mul3A_717 : vector<16xf32>
        %swap3A_719 = arith.index_cast %add3A_710 : i32 to index
        %swap3A_720 = arith.constant 0 : index
        %swap3A_721 = tpu.vector_load %arg11[%swap3A_719, %swap3A_720] {strides = array<i32>} : memref<128x64xf32, #tpu.memory_space<vmem>>, vector<1x16xf32>,
        %swap3A_722 = vector.shape_cast %swap3A_721 : vector<1x16xf32> to vector<16xf32>
        %swap3A_723 = vector.shape_cast %mul3A_718 : vector<16xf32> to vector<1x16xf32>
        tpu.vector_store %arg11[%swap3A_719, %swap3A_720], %swap3A_723 {strides = array<i32>} : memref<128x64xf32, #tpu.memory_space<vmem>>, vector<1x16xf32>,
        %get3A_724 = arith.index_cast %add3A_710 : i32 to index
        %get3A_725 = arith.constant 16 : index
        %get3A_726 = tpu.vector_load %arg11[%get3A_724, %get3A_725] {strides = array<i32>} : memref<128x64xf32, #tpu.memory_space<vmem>>, vector<1x16xf32>,
        %get3A_727 = vector.shape_cast %get3A_726 : vector<1x16xf32> to vector<16xf32>
        %slice3A_728 = vector.extract_strided_slice %get3A_37 {offsets = [12], sizes = [1], strides = [1]} : vector<16xf32> to vector<1xf32>
        %squeeze3A_729 = vector.extract %slice3A_728[0] : f32 from vector<1xf32>
        %mul3A_730 = vector.broadcast %squeeze3A_729 : f32 to vector<16xf32>
        %mul3A_731 = arith.mulf %get3A_727, %mul3A_730 : vector<16xf32>
        %swap3A_732 = arith.index_cast %add3A_710 : i32 to index
        %swap3A_733 = arith.constant 16 : index
        %swap3A_734 = tpu.vector_load %arg11[%swap3A_732, %swap3A_733] {strides = array<i32>} : memref<128x64xf32, #tpu.memory_space<vmem>>, vector<1x16xf32>,
        %swap3A_735 = vector.shape_cast %swap3A_734 : vector<1x16xf32> to vector<16xf32>
        %swap3A_736 = vector.shape_cast %mul3A_731 : vector<16xf32> to vector<1x16xf32>
        tpu.vector_store %arg11[%swap3A_732, %swap3A_733], %swap3A_736 {strides = array<i32>} : memref<128x64xf32, #tpu.memory_space<vmem>>, vector<1x16xf32>,
        %get3A_737 = arith.index_cast %add3A_710 : i32 to index
        %get3A_738 = arith.constant 32 : index
        %get3A_739 = tpu.vector_load %arg11[%get3A_737, %get3A_738] {strides = array<i32>} : memref<128x64xf32, #tpu.memory_space<vmem>>, vector<1x16xf32>,
        %get3A_740 = vector.shape_cast %get3A_739 : vector<1x16xf32> to vector<16xf32>
        %slice3A_741 = vector.extract_strided_slice %get3A_37 {offsets = [12], sizes = [1], strides = [1]} : vector<16xf32> to vector<1xf32>
        %squeeze3A_742 = vector.extract %slice3A_741[0] : f32 from vector<1xf32>
        %mul3A_743 = vector.broadcast %squeeze3A_742 : f32 to vector<16xf32>
        %mul3A_744 = arith.mulf %get3A_740, %mul3A_743 : vector<16xf32>
        %swap3A_745 = arith.index_cast %add3A_710 : i32 to index
        %swap3A_746 = arith.constant 32 : index
        %swap3A_747 = tpu.vector_load %arg11[%swap3A_745, %swap3A_746] {strides = array<i32>} : memref<128x64xf32, #tpu.memory_space<vmem>>, vector<1x16xf32>,
        %swap3A_748 = vector.shape_cast %swap3A_747 : vector<1x16xf32> to vector<16xf32>
        %swap3A_749 = vector.shape_cast %mul3A_744 : vector<16xf32> to vector<1x16xf32>
        tpu.vector_store %arg11[%swap3A_745, %swap3A_746], %swap3A_749 {strides = array<i32>} : memref<128x64xf32, #tpu.memory_space<vmem>>, vector<1x16xf32>,
        %get3A_750 = arith.index_cast %add3A_710 : i32 to index
        %get3A_751 = arith.constant 48 : index
        %get3A_752 = tpu.vector_load %arg11[%get3A_750, %get3A_751] {strides = array<i32>} : memref<128x64xf32, #tpu.memory_space<vmem>>, vector<1x16xf32>,
        %get3A_753 = vector.shape_cast %get3A_752 : vector<1x16xf32> to vector<16xf32>
        %slice3A_754 = vector.extract_strided_slice %get3A_37 {offsets = [12], sizes = [1], strides = [1]} : vector<16xf32> to vector<1xf32>
        %squeeze3A_755 = vector.extract %slice3A_754[0] : f32 from vector<1xf32>
        %mul3A_756 = vector.broadcast %squeeze3A_755 : f32 to vector<16xf32>
        %mul3A_757 = arith.mulf %get3A_753, %mul3A_756 : vector<16xf32>
        %swap3A_758 = arith.index_cast %add3A_710 : i32 to index
        %swap3A_759 = arith.constant 48 : index
        %swap3A_760 = tpu.vector_load %arg11[%swap3A_758, %swap3A_759] {strides = array<i32>} : memref<128x64xf32, #tpu.memory_space<vmem>>, vector<1x16xf32>,
        %swap3A_761 = vector.shape_cast %swap3A_760 : vector<1x16xf32> to vector<16xf32>
        %swap3A_762 = vector.shape_cast %mul3A_757 : vector<16xf32> to vector<1x16xf32>
        tpu.vector_store %arg11[%swap3A_758, %swap3A_759], %swap3A_762 {strides = array<i32>} : memref<128x64xf32, #tpu.memory_space<vmem>>, vector<1x16xf32>,
        %mul3A_763 = arith.constant 16 : i32
        %mul3A_764 = arith.muli %scan3A_32, %mul3A_763 : i32
        %add3A_765 = arith.constant 13 : i32
        %add3A_766 = arith.addi %mul3A_764, %add3A_765 : i32
        %get3A_767 = arith.index_cast %add3A_766 : i32 to index
        %get3A_768 = arith.constant 0 : index
        %get3A_769 = tpu.vector_load %arg11[%get3A_767, %get3A_768] {strides = array<i32>} : memref<128x64xf32, #tpu.memory_space<vmem>>, vector<1x16xf32>,
        %get3A_770 = vector.shape_cast %get3A_769 : vector<1x16xf32> to vector<16xf32>
        %slice3A_771 = vector.extract_strided_slice %get3A_37 {offsets = [13], sizes = [1], strides = [1]} : vector<16xf32> to vector<1xf32>
        %squeeze3A_772 = vector.extract %slice3A_771[0] : f32 from vector<1xf32>
        %mul3A_773 = vector.broadcast %squeeze3A_772 : f32 to vector<16xf32>
        %mul3A_774 = arith.mulf %get3A_770, %mul3A_773 : vector<16xf32>
        %swap3A_775 = arith.index_cast %add3A_766 : i32 to index
        %swap3A_776 = arith.constant 0 : index
        %swap3A_777 = tpu.vector_load %arg11[%swap3A_775, %swap3A_776] {strides = array<i32>} : memref<128x64xf32, #tpu.memory_space<vmem>>, vector<1x16xf32>,
        %swap3A_778 = vector.shape_cast %swap3A_777 : vector<1x16xf32> to vector<16xf32>
        %swap3A_779 = vector.shape_cast %mul3A_774 : vector<16xf32> to vector<1x16xf32>
        tpu.vector_store %arg11[%swap3A_775, %swap3A_776], %swap3A_779 {strides = array<i32>} : memref<128x64xf32, #tpu.memory_space<vmem>>, vector<1x16xf32>,
        %get3A_780 = arith.index_cast %add3A_766 : i32 to index
        %get3A_781 = arith.constant 16 : index
        %get3A_782 = tpu.vector_load %arg11[%get3A_780, %get3A_781] {strides = array<i32>} : memref<128x64xf32, #tpu.memory_space<vmem>>, vector<1x16xf32>,
        %get3A_783 = vector.shape_cast %get3A_782 : vector<1x16xf32> to vector<16xf32>
        %slice3A_784 = vector.extract_strided_slice %get3A_37 {offsets = [13], sizes = [1], strides = [1]} : vector<16xf32> to vector<1xf32>
        %squeeze3A_785 = vector.extract %slice3A_784[0] : f32 from vector<1xf32>
        %mul3A_786 = vector.broadcast %squeeze3A_785 : f32 to vector<16xf32>
        %mul3A_787 = arith.mulf %get3A_783, %mul3A_786 : vector<16xf32>
        %swap3A_788 = arith.index_cast %add3A_766 : i32 to index
        %swap3A_789 = arith.constant 16 : index
        %swap3A_790 = tpu.vector_load %arg11[%swap3A_788, %swap3A_789] {strides = array<i32>} : memref<128x64xf32, #tpu.memory_space<vmem>>, vector<1x16xf32>,
        %swap3A_791 = vector.shape_cast %swap3A_790 : vector<1x16xf32> to vector<16xf32>
        %swap3A_792 = vector.shape_cast %mul3A_787 : vector<16xf32> to vector<1x16xf32>
        tpu.vector_store %arg11[%swap3A_788, %swap3A_789], %swap3A_792 {strides = array<i32>} : memref<128x64xf32, #tpu.memory_space<vmem>>, vector<1x16xf32>,
        %get3A_793 = arith.index_cast %add3A_766 : i32 to index
        %get3A_794 = arith.constant 32 : index
        %get3A_795 = tpu.vector_load %arg11[%get3A_793, %get3A_794] {strides = array<i32>} : memref<128x64xf32, #tpu.memory_space<vmem>>, vector<1x16xf32>,
        %get3A_796 = vector.shape_cast %get3A_795 : vector<1x16xf32> to vector<16xf32>
        %slice3A_797 = vector.extract_strided_slice %get3A_37 {offsets = [13], sizes = [1], strides = [1]} : vector<16xf32> to vector<1xf32>
        %squeeze3A_798 = vector.extract %slice3A_797[0] : f32 from vector<1xf32>
        %mul3A_799 = vector.broadcast %squeeze3A_798 : f32 to vector<16xf32>
        %mul3A_800 = arith.mulf %get3A_796, %mul3A_799 : vector<16xf32>
        %swap3A_801 = arith.index_cast %add3A_766 : i32 to index
        %swap3A_802 = arith.constant 32 : index
        %swap3A_803 = tpu.vector_load %arg11[%swap3A_801, %swap3A_802] {strides = array<i32>} : memref<128x64xf32, #tpu.memory_space<vmem>>, vector<1x16xf32>,
        %swap3A_804 = vector.shape_cast %swap3A_803 : vector<1x16xf32> to vector<16xf32>
        %swap3A_805 = vector.shape_cast %mul3A_800 : vector<16xf32> to vector<1x16xf32>
        tpu.vector_store %arg11[%swap3A_801, %swap3A_802], %swap3A_805 {strides = array<i32>} : memref<128x64xf32, #tpu.memory_space<vmem>>, vector<1x16xf32>,
        %get3A_806 = arith.index_cast %add3A_766 : i32 to index
        %get3A_807 = arith.constant 48 : index
        %get3A_808 = tpu.vector_load %arg11[%get3A_806, %get3A_807] {strides = array<i32>} : memref<128x64xf32, #tpu.memory_space<vmem>>, vector<1x16xf32>,
        %get3A_809 = vector.shape_cast %get3A_808 : vector<1x16xf32> to vector<16xf32>
        %slice3A_810 = vector.extract_strided_slice %get3A_37 {offsets = [13], sizes = [1], strides = [1]} : vector<16xf32> to vector<1xf32>
        %squeeze3A_811 = vector.extract %slice3A_810[0] : f32 from vector<1xf32>
        %mul3A_812 = vector.broadcast %squeeze3A_811 : f32 to vector<16xf32>
        %mul3A_813 = arith.mulf %get3A_809, %mul3A_812 : vector<16xf32>
        %swap3A_814 = arith.index_cast %add3A_766 : i32 to index
        %swap3A_815 = arith.constant 48 : index
        %swap3A_816 = tpu.vector_load %arg11[%swap3A_814, %swap3A_815] {strides = array<i32>} : memref<128x64xf32, #tpu.memory_space<vmem>>, vector<1x16xf32>,
        %swap3A_817 = vector.shape_cast %swap3A_816 : vector<1x16xf32> to vector<16xf32>
        %swap3A_818 = vector.shape_cast %mul3A_813 : vector<16xf32> to vector<1x16xf32>
        tpu.vector_store %arg11[%swap3A_814, %swap3A_815], %swap3A_818 {strides = array<i32>} : memref<128x64xf32, #tpu.memory_space<vmem>>, vector<1x16xf32>,
        %mul3A_819 = arith.constant 16 : i32
        %mul3A_820 = arith.muli %scan3A_32, %mul3A_819 : i32
        %add3A_821 = arith.constant 14 : i32
        %add3A_822 = arith.addi %mul3A_820, %add3A_821 : i32
        %get3A_823 = arith.index_cast %add3A_822 : i32 to index
        %get3A_824 = arith.constant 0 : index
        %get3A_825 = tpu.vector_load %arg11[%get3A_823, %get3A_824] {strides = array<i32>} : memref<128x64xf32, #tpu.memory_space<vmem>>, vector<1x16xf32>,
        %get3A_826 = vector.shape_cast %get3A_825 : vector<1x16xf32> to vector<16xf32>
        %slice3A_827 = vector.extract_strided_slice %get3A_37 {offsets = [14], sizes = [1], strides = [1]} : vector<16xf32> to vector<1xf32>
        %squeeze3A_828 = vector.extract %slice3A_827[0] : f32 from vector<1xf32>
        %mul3A_829 = vector.broadcast %squeeze3A_828 : f32 to vector<16xf32>
        %mul3A_830 = arith.mulf %get3A_826, %mul3A_829 : vector<16xf32>
        %swap3A_831 = arith.index_cast %add3A_822 : i32 to index
        %swap3A_832 = arith.constant 0 : index
        %swap3A_833 = tpu.vector_load %arg11[%swap3A_831, %swap3A_832] {strides = array<i32>} : memref<128x64xf32, #tpu.memory_space<vmem>>, vector<1x16xf32>,
        %swap3A_834 = vector.shape_cast %swap3A_833 : vector<1x16xf32> to vector<16xf32>
        %swap3A_835 = vector.shape_cast %mul3A_830 : vector<16xf32> to vector<1x16xf32>
        tpu.vector_store %arg11[%swap3A_831, %swap3A_832], %swap3A_835 {strides = array<i32>} : memref<128x64xf32, #tpu.memory_space<vmem>>, vector<1x16xf32>,
        %get3A_836 = arith.index_cast %add3A_822 : i32 to index
        %get3A_837 = arith.constant 16 : index
        %get3A_838 = tpu.vector_load %arg11[%get3A_836, %get3A_837] {strides = array<i32>} : memref<128x64xf32, #tpu.memory_space<vmem>>, vector<1x16xf32>,
        %get3A_839 = vector.shape_cast %get3A_838 : vector<1x16xf32> to vector<16xf32>
        %slice3A_840 = vector.extract_strided_slice %get3A_37 {offsets = [14], sizes = [1], strides = [1]} : vector<16xf32> to vector<1xf32>
        %squeeze3A_841 = vector.extract %slice3A_840[0] : f32 from vector<1xf32>
        %mul3A_842 = vector.broadcast %squeeze3A_841 : f32 to vector<16xf32>
        %mul3A_843 = arith.mulf %get3A_839, %mul3A_842 : vector<16xf32>
        %swap3A_844 = arith.index_cast %add3A_822 : i32 to index
        %swap3A_845 = arith.constant 16 : index
        %swap3A_846 = tpu.vector_load %arg11[%swap3A_844, %swap3A_845] {strides = array<i32>} : memref<128x64xf32, #tpu.memory_space<vmem>>, vector<1x16xf32>,
        %swap3A_847 = vector.shape_cast %swap3A_846 : vector<1x16xf32> to vector<16xf32>
        %swap3A_848 = vector.shape_cast %mul3A_843 : vector<16xf32> to vector<1x16xf32>
        tpu.vector_store %arg11[%swap3A_844, %swap3A_845], %swap3A_848 {strides = array<i32>} : memref<128x64xf32, #tpu.memory_space<vmem>>, vector<1x16xf32>,
        %get3A_849 = arith.index_cast %add3A_822 : i32 to index
        %get3A_850 = arith.constant 32 : index
        %get3A_851 = tpu.vector_load %arg11[%get3A_849, %get3A_850] {strides = array<i32>} : memref<128x64xf32, #tpu.memory_space<vmem>>, vector<1x16xf32>,
        %get3A_852 = vector.shape_cast %get3A_851 : vector<1x16xf32> to vector<16xf32>
        %slice3A_853 = vector.extract_strided_slice %get3A_37 {offsets = [14], sizes = [1], strides = [1]} : vector<16xf32> to vector<1xf32>
        %squeeze3A_854 = vector.extract %slice3A_853[0] : f32 from vector<1xf32>
        %mul3A_855 = vector.broadcast %squeeze3A_854 : f32 to vector<16xf32>
        %mul3A_856 = arith.mulf %get3A_852, %mul3A_855 : vector<16xf32>
        %swap3A_857 = arith.index_cast %add3A_822 : i32 to index
        %swap3A_858 = arith.constant 32 : index
        %swap3A_859 = tpu.vector_load %arg11[%swap3A_857, %swap3A_858] {strides = array<i32>} : memref<128x64xf32, #tpu.memory_space<vmem>>, vector<1x16xf32>,
        %swap3A_860 = vector.shape_cast %swap3A_859 : vector<1x16xf32> to vector<16xf32>
        %swap3A_861 = vector.shape_cast %mul3A_856 : vector<16xf32> to vector<1x16xf32>
        tpu.vector_store %arg11[%swap3A_857, %swap3A_858], %swap3A_861 {strides = array<i32>} : memref<128x64xf32, #tpu.memory_space<vmem>>, vector<1x16xf32>,
        %get3A_862 = arith.index_cast %add3A_822 : i32 to index
        %get3A_863 = arith.constant 48 : index
        %get3A_864 = tpu.vector_load %arg11[%get3A_862, %get3A_863] {strides = array<i32>} : memref<128x64xf32, #tpu.memory_space<vmem>>, vector<1x16xf32>,
        %get3A_865 = vector.shape_cast %get3A_864 : vector<1x16xf32> to vector<16xf32>
        %slice3A_866 = vector.extract_strided_slice %get3A_37 {offsets = [14], sizes = [1], strides = [1]} : vector<16xf32> to vector<1xf32>
        %squeeze3A_867 = vector.extract %slice3A_866[0] : f32 from vector<1xf32>
        %mul3A_868 = vector.broadcast %squeeze3A_867 : f32 to vector<16xf32>
        %mul3A_869 = arith.mulf %get3A_865, %mul3A_868 : vector<16xf32>
        %swap3A_870 = arith.index_cast %add3A_822 : i32 to index
        %swap3A_871 = arith.constant 48 : index
        %swap3A_872 = tpu.vector_load %arg11[%swap3A_870, %swap3A_871] {strides = array<i32>} : memref<128x64xf32, #tpu.memory_space<vmem>>, vector<1x16xf32>,
        %swap3A_873 = vector.shape_cast %swap3A_872 : vector<1x16xf32> to vector<16xf32>
        %swap3A_874 = vector.shape_cast %mul3A_869 : vector<16xf32> to vector<1x16xf32>
        tpu.vector_store %arg11[%swap3A_870, %swap3A_871], %swap3A_874 {strides = array<i32>} : memref<128x64xf32, #tpu.memory_space<vmem>>, vector<1x16xf32>,
        %mul3A_875 = arith.constant 16 : i32
        %mul3A_876 = arith.muli %scan3A_32, %mul3A_875 : i32
        %add3A_877 = arith.constant 15 : i32
        %add3A_878 = arith.addi %mul3A_876, %add3A_877 : i32
        %get3A_879 = arith.index_cast %add3A_878 : i32 to index
        %get3A_880 = arith.constant 0 : index
        %get3A_881 = tpu.vector_load %arg11[%get3A_879, %get3A_880] {strides = array<i32>} : memref<128x64xf32, #tpu.memory_space<vmem>>, vector<1x16xf32>,
        %get3A_882 = vector.shape_cast %get3A_881 : vector<1x16xf32> to vector<16xf32>
        %slice3A_883 = vector.extract_strided_slice %get3A_37 {offsets = [15], sizes = [1], strides = [1]} : vector<16xf32> to vector<1xf32>
        %squeeze3A_884 = vector.extract %slice3A_883[0] : f32 from vector<1xf32>
        %mul3A_885 = vector.broadcast %squeeze3A_884 : f32 to vector<16xf32>
        %mul3A_886 = arith.mulf %get3A_882, %mul3A_885 : vector<16xf32>
        %swap3A_887 = arith.index_cast %add3A_878 : i32 to index
        %swap3A_888 = arith.constant 0 : index
        %swap3A_889 = tpu.vector_load %arg11[%swap3A_887, %swap3A_888] {strides = array<i32>} : memref<128x64xf32, #tpu.memory_space<vmem>>, vector<1x16xf32>,
        %swap3A_890 = vector.shape_cast %swap3A_889 : vector<1x16xf32> to vector<16xf32>
        %swap3A_891 = vector.shape_cast %mul3A_886 : vector<16xf32> to vector<1x16xf32>
        tpu.vector_store %arg11[%swap3A_887, %swap3A_888], %swap3A_891 {strides = array<i32>} : memref<128x64xf32, #tpu.memory_space<vmem>>, vector<1x16xf32>,
        %get3A_892 = arith.index_cast %add3A_878 : i32 to index
        %get3A_893 = arith.constant 16 : index
        %get3A_894 = tpu.vector_load %arg11[%get3A_892, %get3A_893] {strides = array<i32>} : memref<128x64xf32, #tpu.memory_space<vmem>>, vector<1x16xf32>,
        %get3A_895 = vector.shape_cast %get3A_894 : vector<1x16xf32> to vector<16xf32>
        %slice3A_896 = vector.extract_strided_slice %get3A_37 {offsets = [15], sizes = [1], strides = [1]} : vector<16xf32> to vector<1xf32>
        %squeeze3A_897 = vector.extract %slice3A_896[0] : f32 from vector<1xf32>
        %mul3A_898 = vector.broadcast %squeeze3A_897 : f32 to vector<16xf32>
        %mul3A_899 = arith.mulf %get3A_895, %mul3A_898 : vector<16xf32>
        %swap3A_900 = arith.index_cast %add3A_878 : i32 to index
        %swap3A_901 = arith.constant 16 : index
        %swap3A_902 = tpu.vector_load %arg11[%swap3A_900, %swap3A_901] {strides = array<i32>} : memref<128x64xf32, #tpu.memory_space<vmem>>, vector<1x16xf32>,
        %swap3A_903 = vector.shape_cast %swap3A_902 : vector<1x16xf32> to vector<16xf32>
        %swap3A_904 = vector.shape_cast %mul3A_899 : vector<16xf32> to vector<1x16xf32>
        tpu.vector_store %arg11[%swap3A_900, %swap3A_901], %swap3A_904 {strides = array<i32>} : memref<128x64xf32, #tpu.memory_space<vmem>>, vector<1x16xf32>,
        %get3A_905 = arith.index_cast %add3A_878 : i32 to index
        %get3A_906 = arith.constant 32 : index
        %get3A_907 = tpu.vector_load %arg11[%get3A_905, %get3A_906] {strides = array<i32>} : memref<128x64xf32, #tpu.memory_space<vmem>>, vector<1x16xf32>,
        %get3A_908 = vector.shape_cast %get3A_907 : vector<1x16xf32> to vector<16xf32>
        %slice3A_909 = vector.extract_strided_slice %get3A_37 {offsets = [15], sizes = [1], strides = [1]} : vector<16xf32> to vector<1xf32>
        %squeeze3A_910 = vector.extract %slice3A_909[0] : f32 from vector<1xf32>
        %mul3A_911 = vector.broadcast %squeeze3A_910 : f32 to vector<16xf32>
        %mul3A_912 = arith.mulf %get3A_908, %mul3A_911 : vector<16xf32>
        %swap3A_913 = arith.index_cast %add3A_878 : i32 to index
        %swap3A_914 = arith.constant 32 : index
        %swap3A_915 = tpu.vector_load %arg11[%swap3A_913, %swap3A_914] {strides = array<i32>} : memref<128x64xf32, #tpu.memory_space<vmem>>, vector<1x16xf32>,
        %swap3A_916 = vector.shape_cast %swap3A_915 : vector<1x16xf32> to vector<16xf32>
        %swap3A_917 = vector.shape_cast %mul3A_912 : vector<16xf32> to vector<1x16xf32>
        tpu.vector_store %arg11[%swap3A_913, %swap3A_914], %swap3A_917 {strides = array<i32>} : memref<128x64xf32, #tpu.memory_space<vmem>>, vector<1x16xf32>,
        %get3A_918 = arith.index_cast %add3A_878 : i32 to index
        %get3A_919 = arith.constant 48 : index
        %get3A_920 = tpu.vector_load %arg11[%get3A_918, %get3A_919] {strides = array<i32>} : memref<128x64xf32, #tpu.memory_space<vmem>>, vector<1x16xf32>,
        %get3A_921 = vector.shape_cast %get3A_920 : vector<1x16xf32> to vector<16xf32>
        %slice3A_922 = vector.extract_strided_slice %get3A_37 {offsets = [15], sizes = [1], strides = [1]} : vector<16xf32> to vector<1xf32>
        %squeeze3A_923 = vector.extract %slice3A_922[0] : f32 from vector<1xf32>
        %mul3A_924 = vector.broadcast %squeeze3A_923 : f32 to vector<16xf32>
        %mul3A_925 = arith.mulf %get3A_921, %mul3A_924 : vector<16xf32>
        %swap3A_926 = arith.index_cast %add3A_878 : i32 to index
        %swap3A_927 = arith.constant 48 : index
        %swap3A_928 = tpu.vector_load %arg11[%swap3A_926, %swap3A_927] {strides = array<i32>} : memref<128x64xf32, #tpu.memory_space<vmem>>, vector<1x16xf32>,
        %swap3A_929 = vector.shape_cast %swap3A_928 : vector<1x16xf32> to vector<16xf32>
        %swap3A_930 = vector.shape_cast %mul3A_925 : vector<16xf32> to vector<1x16xf32>
        tpu.vector_store %arg11[%swap3A_926, %swap3A_927], %swap3A_930 {strides = array<i32>} : memref<128x64xf32, #tpu.memory_space<vmem>>, vector<1x16xf32>,
        %scan3A_931 = arith.constant 0 : i32
        scf.yield %scan3A_931 : i32
      }
      %scan3A_30 = arith.constant 8 : i32
      "tpu.region"() ({
        %run_scoped3A = tpu.sem_alloc : memref<!tpu.dma_semaphore, #tpu.memory_space<semaphore_mem>>
        %dma_start3A_32 = arith.constant 0 : i32
        %dma_start3A_33 = arith.constant 0 : i32
        %dma_start3A_34 = tpu.memref_slice %arg12[%dma_start3A_32, %dma_start3A_33] : memref<25088x64xf32, #tpu.memory_space<vmem_shared>> -> memref<25088x64xf32, #tpu.memory_space<vmem_shared>>
        tpu.enqueue_indirect_dma source(%arg11 : memref<128x64xf32, #tpu.memory_space<vmem>>) target(%dma_start3A_34 : memref<25088x64xf32, #tpu.memory_space<vmem_shared>>) offsets(%arg9 : memref<128xi32, #tpu.memory_space<vmem>>) semaphore(%run_scoped3A : memref<!tpu.dma_semaphore, #tpu.memory_space<semaphore_mem>>) {add = true}
        %dma_wait3A_35 = arith.constant 0 : i32
        %dma_wait3A_36 = arith.constant 0 : i32
        %dma_wait3A_37 = tpu.memref_slice %arg12[%dma_wait3A_35, %dma_wait3A_36] : memref<25088x64xf32, #tpu.memory_space<vmem_shared>> -> memref<25088x64xf32, #tpu.memory_space<vmem_shared>>
        tpu.wait_indirect_dma semaphore(%run_scoped3A : memref<!tpu.dma_semaphore, #tpu.memory_space<semaphore_mem>>) src(%arg11 : memref<128x64xf32, #tpu.memory_space<vmem>>) dst(%dma_wait3A_37 : memref<25088x64xf32, #tpu.memory_space<vmem_shared>>)
        tpu.yield
      }) : () -> ()
      %scan3A_31 = arith.constant 0 : i32
      scf.yield %scan3A_31 : i32
    }
    %scan3A_8 = arith.constant 392 : i32
    %barrier3A_9 = arith.constant 0 : index
    tpu.barrier barrier_id(%barrier3A_9)
    %mul3A_10 = arith.constant 25088 : i32
    %mul3A_11 = arith.muli %arg0, %mul3A_10 : i32
    %add3A_12 = arith.addi %mul3A_11, %mul3A_0 : i32
    "tpu.region"() ({
      %run_scoped3A = tpu.sem_alloc : memref<!tpu.dma_semaphore, #tpu.memory_space<semaphore_mem>>
      %dma_start3A = arith.constant 0 : i32
      %dma_start3A_13 = tpu.memref_slice %arg7[%add3A_12, %dma_start3A] : memref<50176x64xf32, #tpu.memory_space<hbm>> -> memref<1568x64xf32, #tpu.memory_space<hbm>>
      %dma_start3A_14 = arith.constant 0 : i32
      %dma_start3A_15 = tpu.memref_slice %arg12[%mul3A_0, %dma_start3A_14] : memref<25088x64xf32, #tpu.memory_space<vmem_shared>> -> memref<1568x64xf32, #tpu.memory_space<vmem_shared>>
      tpu.enqueue_dma source(%dma_start3A_15 : memref<1568x64xf32, #tpu.memory_space<vmem_shared>>) target(%dma_start3A_13 : memref<1568x64xf32, #tpu.memory_space<hbm>>) target_semaphore(%run_scoped3A : memref<!tpu.dma_semaphore, #tpu.memory_space<semaphore_mem>>)
      %dma_wait3A = arith.constant 0 : i32
      %dma_wait3A_16 = tpu.memref_slice %arg7[%add3A_12, %dma_wait3A] : memref<50176x64xf32, #tpu.memory_space<hbm>> -> memref<1568x64xf32, #tpu.memory_space<hbm>>
      %dma_wait3A_17 = arith.constant 0 : i32
      %dma_wait3A_18 = tpu.memref_slice %arg12[%mul3A_0, %dma_wait3A_17] : memref<25088x64xf32, #tpu.memory_space<vmem_shared>> -> memref<1568x64xf32, #tpu.memory_space<vmem_shared>>
      tpu.wait_dma2 semaphore(%run_scoped3A : memref<!tpu.dma_semaphore, #tpu.memory_space<semaphore_mem>>) src(%dma_wait3A_18 : memref<1568x64xf32, #tpu.memory_space<vmem_shared>>) dst(%dma_wait3A_16 : memref<1568x64xf32, #tpu.memory_space<hbm>>)
      tpu.yield
    }) : () -> ()
    return
  }
}

#map = affine_map<(d0, d1) -> (0, 0)>
#map1 = affine_map<(d0, d1) -> (0)>
module attributes {stable_mosaic.version = 14 : i64} {
  func.func @_layer_kernel(%arg0: i32, %arg1: i32, %arg2: memref<50176x64xf32, #tpu.memory_space<hbm>>, %arg3: memref<802816xi32, #tpu.memory_space<hbm>>, %arg4: memref<2x802816xi32, #tpu.memory_space<hbm>>, %arg5: memref<802816xf32, #tpu.memory_space<hbm>>, %arg6: memref<50176x64xf32, #tpu.memory_space<hbm>>, %arg7: memref<50176x64xf32, #tpu.memory_space<hbm>>, %arg8: memref<128xi32, #tpu.memory_space<vmem>>, %arg9: memref<128xi32, #tpu.memory_space<vmem>>, %arg10: memref<128xf32, #tpu.memory_space<vmem>>, %arg11: memref<128x64xf32, #tpu.memory_space<vmem>>, %arg12: memref<25088x64xf32, #tpu.memory_space<vmem_shared>>, %arg13: memref<!tpu.dma_semaphore, #tpu.memory_space<semaphore_mem>>) attributes {dimension_semantics = [#tpu.dimension_semantics<core_parallel>, #tpu.dimension_semantics<subcore_parallel>], iteration_bounds = array<i64: 2, 16>, scalar_prefetch = 0 : i64, scratch_operands = 6 : i64, tpu.core_type = #tpu.core_type<sc_vector_subcore>, window_params = [{transform_indices = #map}, {transform_indices = #map1}, {transform_indices = #map}, {transform_indices = #map1}, {transform_indices = #map}, {transform_indices = #map}]} {
    %mul3A = arith.constant 1568 : i32
    %mul3A_0 = arith.muli %arg1, %mul3A : i32
    %mul3A_1 = arith.constant 25088 : i32
    %mul3A_2 = arith.muli %arg0, %mul3A_1 : i32
    %add3A = arith.addi %mul3A_2, %mul3A_0 : i32
    "tpu.region"() ({
      %run_scoped3A = tpu.sem_alloc : memref<!tpu.dma_semaphore, #tpu.memory_space<semaphore_mem>>
      %dma_start3A = arith.constant 0 : i32
      %dma_start3A_13 = tpu.memref_slice %arg12[%mul3A_0, %dma_start3A] : memref<25088x64xf32, #tpu.memory_space<vmem_shared>> -> memref<1568x64xf32, #tpu.memory_space<vmem_shared>>
      %dma_start3A_14 = arith.constant 0 : i32
      %dma_start3A_15 = tpu.memref_slice %arg6[%add3A, %dma_start3A_14] : memref<50176x64xf32, #tpu.memory_space<hbm>> -> memref<1568x64xf32, #tpu.memory_space<hbm>>
      tpu.enqueue_dma source(%dma_start3A_15 : memref<1568x64xf32, #tpu.memory_space<hbm>>) target(%dma_start3A_13 : memref<1568x64xf32, #tpu.memory_space<vmem_shared>>) target_semaphore(%run_scoped3A : memref<!tpu.dma_semaphore, #tpu.memory_space<semaphore_mem>>)
      %dma_wait3A = arith.constant 0 : i32
      %dma_wait3A_16 = tpu.memref_slice %arg12[%mul3A_0, %dma_wait3A] : memref<25088x64xf32, #tpu.memory_space<vmem_shared>> -> memref<1568x64xf32, #tpu.memory_space<vmem_shared>>
      %dma_wait3A_17 = arith.constant 0 : i32
      %dma_wait3A_18 = tpu.memref_slice %arg6[%add3A, %dma_wait3A_17] : memref<50176x64xf32, #tpu.memory_space<hbm>> -> memref<1568x64xf32, #tpu.memory_space<hbm>>
      tpu.wait_dma2 semaphore(%run_scoped3A : memref<!tpu.dma_semaphore, #tpu.memory_space<semaphore_mem>>) src(%dma_wait3A_18 : memref<1568x64xf32, #tpu.memory_space<hbm>>) dst(%dma_wait3A_16 : memref<1568x64xf32, #tpu.memory_space<vmem_shared>>)
      tpu.yield
    }) : () -> ()
    %barrier3A = arith.constant 0 : index
    tpu.barrier barrier_id(%barrier3A)
    %scan3A = arith.constant 0 : i32
    %scan3A_3 = arith.constant 0 : i32
    %scan3A_4 = arith.constant 392 : i32
    %scan3A_5 = arith.addi %scan3A_3, %scan3A_4 : i32
    %scan3A_6 = arith.constant 1 : i32
    %scan3A_7 = scf.for %scan3A_13 = %scan3A_3 to %scan3A_5 step %scan3A_6 iter_args(%scan3A_14 = %scan3A) -> (i32)  : i32 {
      %mul3A_15 = arith.constant 392 : i32
      %mul3A_16 = arith.muli %arg1, %mul3A_15 : i32
      %add3A_17 = arith.addi %mul3A_16, %scan3A_13 : i32
      %mul3A_18 = arith.constant 128 : i32
      %mul3A_19 = arith.muli %add3A_17, %mul3A_18 : i32
      "tpu.region"() ({
        %run_scoped3A = tpu.sem_alloc : memref<!tpu.dma_semaphore, #tpu.memory_space<semaphore_mem>>
        %dma_start3A_32 = tpu.memref_slice %arg3[%mul3A_19] : memref<802816xi32, #tpu.memory_space<hbm>> -> memref<128xi32, #tpu.memory_space<hbm>>
        %dma_start3A_33 = tpu.memref_slice %arg3[%mul3A_19] : memref<802816xi32, #tpu.memory_space<hbm>> -> memref<128xi32, #tpu.memory_space<hbm>>
        tpu.enqueue_dma source(%dma_start3A_33 : memref<128xi32, #tpu.memory_space<hbm>>) target(%arg8 : memref<128xi32, #tpu.memory_space<vmem>>) target_semaphore(%run_scoped3A : memref<!tpu.dma_semaphore, #tpu.memory_space<semaphore_mem>>)
        %dma_wait3A_34 = tpu.memref_slice %arg3[%mul3A_19] : memref<802816xi32, #tpu.memory_space<hbm>> -> memref<128xi32, #tpu.memory_space<hbm>>
        %dma_wait3A_35 = tpu.memref_slice %arg3[%mul3A_19] : memref<802816xi32, #tpu.memory_space<hbm>> -> memref<128xi32, #tpu.memory_space<hbm>>
        tpu.wait_dma2 semaphore(%run_scoped3A : memref<!tpu.dma_semaphore, #tpu.memory_space<semaphore_mem>>) src(%dma_wait3A_35 : memref<128xi32, #tpu.memory_space<hbm>>) dst(%arg8 : memref<128xi32, #tpu.memory_space<vmem>>)
        tpu.yield
      }) : () -> ()
      "tpu.region"() ({
        %run_scoped3A = tpu.sem_alloc : memref<!tpu.dma_semaphore, #tpu.memory_space<semaphore_mem>>
        %dma_start3A_32 = tpu.memref_slice %arg4[%arg0, %mul3A_19] : memref<2x802816xi32, #tpu.memory_space<hbm>> -> memref<1x128xi32, #tpu.memory_space<hbm>>
        %dma_start3A_33 = tpu.memref_squeeze %dma_start3A_32 : memref<1x128xi32, #tpu.memory_space<hbm>> -> memref<128xi32, #tpu.memory_space<hbm>>
        %dma_start3A_34 = tpu.memref_slice %arg4[%arg0, %mul3A_19] : memref<2x802816xi32, #tpu.memory_space<hbm>> -> memref<1x128xi32, #tpu.memory_space<hbm>>
        %dma_start3A_35 = tpu.memref_squeeze %dma_start3A_34 : memref<1x128xi32, #tpu.memory_space<hbm>> -> memref<128xi32, #tpu.memory_space<hbm>>
        tpu.enqueue_dma source(%dma_start3A_35 : memref<128xi32, #tpu.memory_space<hbm>>) target(%arg9 : memref<128xi32, #tpu.memory_space<vmem>>) target_semaphore(%run_scoped3A : memref<!tpu.dma_semaphore, #tpu.memory_space<semaphore_mem>>)
        %dma_wait3A_36 = tpu.memref_slice %arg4[%arg0, %mul3A_19] : memref<2x802816xi32, #tpu.memory_space<hbm>> -> memref<1x128xi32, #tpu.memory_space<hbm>>
        %dma_wait3A_37 = tpu.memref_squeeze %dma_wait3A_36 : memref<1x128xi32, #tpu.memory_space<hbm>> -> memref<128xi32, #tpu.memory_space<hbm>>
        %dma_wait3A_38 = tpu.memref_slice %arg4[%arg0, %mul3A_19] : memref<2x802816xi32, #tpu.memory_space<hbm>> -> memref<1x128xi32, #tpu.memory_space<hbm>>
        %dma_wait3A_39 = tpu.memref_squeeze %dma_wait3A_38 : memref<1x128xi32, #tpu.memory_space<hbm>> -> memref<128xi32, #tpu.memory_space<hbm>>
        tpu.wait_dma2 semaphore(%run_scoped3A : memref<!tpu.dma_semaphore, #tpu.memory_space<semaphore_mem>>) src(%dma_wait3A_39 : memref<128xi32, #tpu.memory_space<hbm>>) dst(%arg9 : memref<128xi32, #tpu.memory_space<vmem>>)
        tpu.yield
      }) : () -> ()
      "tpu.region"() ({
        %run_scoped3A = tpu.sem_alloc : memref<!tpu.dma_semaphore, #tpu.memory_space<semaphore_mem>>
        %dma_start3A_32 = tpu.memref_slice %arg5[%mul3A_19] : memref<802816xf32, #tpu.memory_space<hbm>> -> memref<128xf32, #tpu.memory_space<hbm>>
        %dma_start3A_33 = tpu.memref_slice %arg5[%mul3A_19] : memref<802816xf32, #tpu.memory_space<hbm>> -> memref<128xf32, #tpu.memory_space<hbm>>
        tpu.enqueue_dma source(%dma_start3A_33 : memref<128xf32, #tpu.memory_space<hbm>>) target(%arg10 : memref<128xf32, #tpu.memory_space<vmem>>) target_semaphore(%run_scoped3A : memref<!tpu.dma_semaphore, #tpu.memory_space<semaphore_mem>>)
        %dma_wait3A_34 = tpu.memref_slice %arg5[%mul3A_19] : memref<802816xf32, #tpu.memory_space<hbm>> -> memref<128xf32, #tpu.memory_space<hbm>>
        %dma_wait3A_35 = tpu.memref_slice %arg5[%mul3A_19] : memref<802816xf32, #tpu.memory_space<hbm>> -> memref<128xf32, #tpu.memory_space<hbm>>
        tpu.wait_dma2 semaphore(%run_scoped3A : memref<!tpu.dma_semaphore, #tpu.memory_space<semaphore_mem>>) src(%dma_wait3A_35 : memref<128xf32, #tpu.memory_space<hbm>>) dst(%arg10 : memref<128xf32, #tpu.memory_space<vmem>>)
        tpu.yield
      }) : () -> ()
      %dma_start3A = arith.constant 0 : i32
      %dma_start3A_20 = arith.constant 0 : i32
      %dma_start3A_21 = tpu.memref_slice %arg2[%dma_start3A, %dma_start3A_20] : memref<50176x64xf32, #tpu.memory_space<hbm>> -> memref<50176x64xf32, #tpu.memory_space<hbm>>
      tpu.enqueue_indirect_dma source(%dma_start3A_21 : memref<50176x64xf32, #tpu.memory_space<hbm>>) target(%arg11 : memref<128x64xf32, #tpu.memory_space<vmem>>) offsets(%arg8 : memref<128xi32, #tpu.memory_space<vmem>>) semaphore(%arg13 : memref<!tpu.dma_semaphore, #tpu.memory_space<semaphore_mem>>)
      %dma_wait3A = arith.constant 0 : i32
      %dma_wait3A_22 = arith.constant 0 : i32
      %dma_wait3A_23 = tpu.memref_slice %arg2[%dma_wait3A, %dma_wait3A_22] : memref<50176x64xf32, #tpu.memory_space<hbm>> -> memref<50176x64xf32, #tpu.memory_space<hbm>>
      tpu.wait_indirect_dma semaphore(%arg13 : memref<!tpu.dma_semaphore, #tpu.memory_space<semaphore_mem>>) src(%dma_wait3A_23 : memref<50176x64xf32, #tpu.memory_space<hbm>>) dst(%arg11 : memref<128x64xf32, #tpu.memory_space<vmem>>)
      %scan3A_24 = arith.constant 0 : i32
      %scan3A_25 = arith.constant 0 : i32
      %scan3A_26 = arith.constant 8 : i32
      %scan3A_27 = arith.addi %scan3A_25, %scan3A_26 : i32
      %scan3A_28 = arith.constant 1 : i32
      %scan3A_29 = scf.for %scan3A_32 = %scan3A_25 to %scan3A_27 step %scan3A_28 iter_args(%scan3A_33 = %scan3A_24) -> (i32)  : i32 {
        %mul3A_34 = arith.constant 16 : i32
        %mul3A_35 = arith.muli %scan3A_32, %mul3A_34 : i32
        %get3A = arith.index_cast %mul3A_35 : i32 to index
        %get3A_36 = tpu.vector_load %arg10[%get3A] {strides = array<i32>} : memref<128xf32, #tpu.memory_space<vmem>>, vector<16xf32>,
        %get3A_37 = vector.shape_cast %get3A_36 : vector<16xf32> to vector<16xf32>
        %mul3A_38 = arith.constant 16 : i32
        %mul3A_39 = arith.muli %scan3A_32, %mul3A_38 : i32
        %add3A_40 = arith.constant 0 : i32
        %add3A_41 = arith.addi %mul3A_39, %add3A_40 : i32
        %get3A_42 = arith.index_cast %add3A_41 : i32 to index
        %get3A_43 = arith.constant 0 : index
        %get3A_44 = tpu.vector_load %arg11[%get3A_42, %get3A_43] {strides = array<i32>} : memref<128x64xf32, #tpu.memory_space<vmem>>, vector<1x16xf32>,
        %get3A_45 = vector.shape_cast %get3A_44 : vector<1x16xf32> to vector<16xf32>
        %slice3A = vector.extract_strided_slice %get3A_37 {offsets = [0], sizes = [1], strides = [1]} : vector<16xf32> to vector<1xf32>
        %squeeze3A = vector.extract %slice3A[0] : f32 from vector<1xf32>
        %mul3A_46 = vector.broadcast %squeeze3A : f32 to vector<16xf32>
        %mul3A_47 = arith.mulf %get3A_45, %mul3A_46 : vector<16xf32>
        %swap3A = arith.index_cast %add3A_41 : i32 to index
        %swap3A_48 = arith.constant 0 : index
        %swap3A_49 = tpu.vector_load %arg11[%swap3A, %swap3A_48] {strides = array<i32>} : memref<128x64xf32, #tpu.memory_space<vmem>>, vector<1x16xf32>,
        %swap3A_50 = vector.shape_cast %swap3A_49 : vector<1x16xf32> to vector<16xf32>
        %swap3A_51 = vector.shape_cast %mul3A_47 : vector<16xf32> to vector<1x16xf32>
        tpu.vector_store %arg11[%swap3A, %swap3A_48], %swap3A_51 {strides = array<i32>} : memref<128x64xf32, #tpu.memory_space<vmem>>, vector<1x16xf32>,
        %get3A_52 = arith.index_cast %add3A_41 : i32 to index
        %get3A_53 = arith.constant 16 : index
        %get3A_54 = tpu.vector_load %arg11[%get3A_52, %get3A_53] {strides = array<i32>} : memref<128x64xf32, #tpu.memory_space<vmem>>, vector<1x16xf32>,
        %get3A_55 = vector.shape_cast %get3A_54 : vector<1x16xf32> to vector<16xf32>
        %slice3A_56 = vector.extract_strided_slice %get3A_37 {offsets = [0], sizes = [1], strides = [1]} : vector<16xf32> to vector<1xf32>
        %squeeze3A_57 = vector.extract %slice3A_56[0] : f32 from vector<1xf32>
        %mul3A_58 = vector.broadcast %squeeze3A_57 : f32 to vector<16xf32>
        %mul3A_59 = arith.mulf %get3A_55, %mul3A_58 : vector<16xf32>
        %swap3A_60 = arith.index_cast %add3A_41 : i32 to index
        %swap3A_61 = arith.constant 16 : index
        %swap3A_62 = tpu.vector_load %arg11[%swap3A_60, %swap3A_61] {strides = array<i32>} : memref<128x64xf32, #tpu.memory_space<vmem>>, vector<1x16xf32>,
        %swap3A_63 = vector.shape_cast %swap3A_62 : vector<1x16xf32> to vector<16xf32>
        %swap3A_64 = vector.shape_cast %mul3A_59 : vector<16xf32> to vector<1x16xf32>
        tpu.vector_store %arg11[%swap3A_60, %swap3A_61], %swap3A_64 {strides = array<i32>} : memref<128x64xf32, #tpu.memory_space<vmem>>, vector<1x16xf32>,
        %get3A_65 = arith.index_cast %add3A_41 : i32 to index
        %get3A_66 = arith.constant 32 : index
        %get3A_67 = tpu.vector_load %arg11[%get3A_65, %get3A_66] {strides = array<i32>} : memref<128x64xf32, #tpu.memory_space<vmem>>, vector<1x16xf32>,
        %get3A_68 = vector.shape_cast %get3A_67 : vector<1x16xf32> to vector<16xf32>
        %slice3A_69 = vector.extract_strided_slice %get3A_37 {offsets = [0], sizes = [1], strides = [1]} : vector<16xf32> to vector<1xf32>
        %squeeze3A_70 = vector.extract %slice3A_69[0] : f32 from vector<1xf32>
        %mul3A_71 = vector.broadcast %squeeze3A_70 : f32 to vector<16xf32>
        %mul3A_72 = arith.mulf %get3A_68, %mul3A_71 : vector<16xf32>
        %swap3A_73 = arith.index_cast %add3A_41 : i32 to index
        %swap3A_74 = arith.constant 32 : index
        %swap3A_75 = tpu.vector_load %arg11[%swap3A_73, %swap3A_74] {strides = array<i32>} : memref<128x64xf32, #tpu.memory_space<vmem>>, vector<1x16xf32>,
        %swap3A_76 = vector.shape_cast %swap3A_75 : vector<1x16xf32> to vector<16xf32>
        %swap3A_77 = vector.shape_cast %mul3A_72 : vector<16xf32> to vector<1x16xf32>
        tpu.vector_store %arg11[%swap3A_73, %swap3A_74], %swap3A_77 {strides = array<i32>} : memref<128x64xf32, #tpu.memory_space<vmem>>, vector<1x16xf32>,
        %get3A_78 = arith.index_cast %add3A_41 : i32 to index
        %get3A_79 = arith.constant 48 : index
        %get3A_80 = tpu.vector_load %arg11[%get3A_78, %get3A_79] {strides = array<i32>} : memref<128x64xf32, #tpu.memory_space<vmem>>, vector<1x16xf32>,
        %get3A_81 = vector.shape_cast %get3A_80 : vector<1x16xf32> to vector<16xf32>
        %slice3A_82 = vector.extract_strided_slice %get3A_37 {offsets = [0], sizes = [1], strides = [1]} : vector<16xf32> to vector<1xf32>
        %squeeze3A_83 = vector.extract %slice3A_82[0] : f32 from vector<1xf32>
        %mul3A_84 = vector.broadcast %squeeze3A_83 : f32 to vector<16xf32>
        %mul3A_85 = arith.mulf %get3A_81, %mul3A_84 : vector<16xf32>
        %swap3A_86 = arith.index_cast %add3A_41 : i32 to index
        %swap3A_87 = arith.constant 48 : index
        %swap3A_88 = tpu.vector_load %arg11[%swap3A_86, %swap3A_87] {strides = array<i32>} : memref<128x64xf32, #tpu.memory_space<vmem>>, vector<1x16xf32>,
        %swap3A_89 = vector.shape_cast %swap3A_88 : vector<1x16xf32> to vector<16xf32>
        %swap3A_90 = vector.shape_cast %mul3A_85 : vector<16xf32> to vector<1x16xf32>
        tpu.vector_store %arg11[%swap3A_86, %swap3A_87], %swap3A_90 {strides = array<i32>} : memref<128x64xf32, #tpu.memory_space<vmem>>, vector<1x16xf32>,
        %mul3A_91 = arith.constant 16 : i32
        %mul3A_92 = arith.muli %scan3A_32, %mul3A_91 : i32
        %add3A_93 = arith.constant 1 : i32
        %add3A_94 = arith.addi %mul3A_92, %add3A_93 : i32
        %get3A_95 = arith.index_cast %add3A_94 : i32 to index
        %get3A_96 = arith.constant 0 : index
        %get3A_97 = tpu.vector_load %arg11[%get3A_95, %get3A_96] {strides = array<i32>} : memref<128x64xf32, #tpu.memory_space<vmem>>, vector<1x16xf32>,
        %get3A_98 = vector.shape_cast %get3A_97 : vector<1x16xf32> to vector<16xf32>
        %slice3A_99 = vector.extract_strided_slice %get3A_37 {offsets = [1], sizes = [1], strides = [1]} : vector<16xf32> to vector<1xf32>
        %squeeze3A_100 = vector.extract %slice3A_99[0] : f32 from vector<1xf32>
        %mul3A_101 = vector.broadcast %squeeze3A_100 : f32 to vector<16xf32>
        %mul3A_102 = arith.mulf %get3A_98, %mul3A_101 : vector<16xf32>
        %swap3A_103 = arith.index_cast %add3A_94 : i32 to index
        %swap3A_104 = arith.constant 0 : index
        %swap3A_105 = tpu.vector_load %arg11[%swap3A_103, %swap3A_104] {strides = array<i32>} : memref<128x64xf32, #tpu.memory_space<vmem>>, vector<1x16xf32>,
        %swap3A_106 = vector.shape_cast %swap3A_105 : vector<1x16xf32> to vector<16xf32>
        %swap3A_107 = vector.shape_cast %mul3A_102 : vector<16xf32> to vector<1x16xf32>
        tpu.vector_store %arg11[%swap3A_103, %swap3A_104], %swap3A_107 {strides = array<i32>} : memref<128x64xf32, #tpu.memory_space<vmem>>, vector<1x16xf32>,
        %get3A_108 = arith.index_cast %add3A_94 : i32 to index
        %get3A_109 = arith.constant 16 : index
        %get3A_110 = tpu.vector_load %arg11[%get3A_108, %get3A_109] {strides = array<i32>} : memref<128x64xf32, #tpu.memory_space<vmem>>, vector<1x16xf32>,
        %get3A_111 = vector.shape_cast %get3A_110 : vector<1x16xf32> to vector<16xf32>
        %slice3A_112 = vector.extract_strided_slice %get3A_37 {offsets = [1], sizes = [1], strides = [1]} : vector<16xf32> to vector<1xf32>
        %squeeze3A_113 = vector.extract %slice3A_112[0] : f32 from vector<1xf32>
        %mul3A_114 = vector.broadcast %squeeze3A_113 : f32 to vector<16xf32>
        %mul3A_115 = arith.mulf %get3A_111, %mul3A_114 : vector<16xf32>
        %swap3A_116 = arith.index_cast %add3A_94 : i32 to index
        %swap3A_117 = arith.constant 16 : index
        %swap3A_118 = tpu.vector_load %arg11[%swap3A_116, %swap3A_117] {strides = array<i32>} : memref<128x64xf32, #tpu.memory_space<vmem>>, vector<1x16xf32>,
        %swap3A_119 = vector.shape_cast %swap3A_118 : vector<1x16xf32> to vector<16xf32>
        %swap3A_120 = vector.shape_cast %mul3A_115 : vector<16xf32> to vector<1x16xf32>
        tpu.vector_store %arg11[%swap3A_116, %swap3A_117], %swap3A_120 {strides = array<i32>} : memref<128x64xf32, #tpu.memory_space<vmem>>, vector<1x16xf32>,
        %get3A_121 = arith.index_cast %add3A_94 : i32 to index
        %get3A_122 = arith.constant 32 : index
        %get3A_123 = tpu.vector_load %arg11[%get3A_121, %get3A_122] {strides = array<i32>} : memref<128x64xf32, #tpu.memory_space<vmem>>, vector<1x16xf32>,
        %get3A_124 = vector.shape_cast %get3A_123 : vector<1x16xf32> to vector<16xf32>
        %slice3A_125 = vector.extract_strided_slice %get3A_37 {offsets = [1], sizes = [1], strides = [1]} : vector<16xf32> to vector<1xf32>
        %squeeze3A_126 = vector.extract %slice3A_125[0] : f32 from vector<1xf32>
        %mul3A_127 = vector.broadcast %squeeze3A_126 : f32 to vector<16xf32>
        %mul3A_128 = arith.mulf %get3A_124, %mul3A_127 : vector<16xf32>
        %swap3A_129 = arith.index_cast %add3A_94 : i32 to index
        %swap3A_130 = arith.constant 32 : index
        %swap3A_131 = tpu.vector_load %arg11[%swap3A_129, %swap3A_130] {strides = array<i32>} : memref<128x64xf32, #tpu.memory_space<vmem>>, vector<1x16xf32>,
        %swap3A_132 = vector.shape_cast %swap3A_131 : vector<1x16xf32> to vector<16xf32>
        %swap3A_133 = vector.shape_cast %mul3A_128 : vector<16xf32> to vector<1x16xf32>
        tpu.vector_store %arg11[%swap3A_129, %swap3A_130], %swap3A_133 {strides = array<i32>} : memref<128x64xf32, #tpu.memory_space<vmem>>, vector<1x16xf32>,
        %get3A_134 = arith.index_cast %add3A_94 : i32 to index
        %get3A_135 = arith.constant 48 : index
        %get3A_136 = tpu.vector_load %arg11[%get3A_134, %get3A_135] {strides = array<i32>} : memref<128x64xf32, #tpu.memory_space<vmem>>, vector<1x16xf32>,
        %get3A_137 = vector.shape_cast %get3A_136 : vector<1x16xf32> to vector<16xf32>
        %slice3A_138 = vector.extract_strided_slice %get3A_37 {offsets = [1], sizes = [1], strides = [1]} : vector<16xf32> to vector<1xf32>
        %squeeze3A_139 = vector.extract %slice3A_138[0] : f32 from vector<1xf32>
        %mul3A_140 = vector.broadcast %squeeze3A_139 : f32 to vector<16xf32>
        %mul3A_141 = arith.mulf %get3A_137, %mul3A_140 : vector<16xf32>
        %swap3A_142 = arith.index_cast %add3A_94 : i32 to index
        %swap3A_143 = arith.constant 48 : index
        %swap3A_144 = tpu.vector_load %arg11[%swap3A_142, %swap3A_143] {strides = array<i32>} : memref<128x64xf32, #tpu.memory_space<vmem>>, vector<1x16xf32>,
        %swap3A_145 = vector.shape_cast %swap3A_144 : vector<1x16xf32> to vector<16xf32>
        %swap3A_146 = vector.shape_cast %mul3A_141 : vector<16xf32> to vector<1x16xf32>
        tpu.vector_store %arg11[%swap3A_142, %swap3A_143], %swap3A_146 {strides = array<i32>} : memref<128x64xf32, #tpu.memory_space<vmem>>, vector<1x16xf32>,
        %mul3A_147 = arith.constant 16 : i32
        %mul3A_148 = arith.muli %scan3A_32, %mul3A_147 : i32
        %add3A_149 = arith.constant 2 : i32
        %add3A_150 = arith.addi %mul3A_148, %add3A_149 : i32
        %get3A_151 = arith.index_cast %add3A_150 : i32 to index
        %get3A_152 = arith.constant 0 : index
        %get3A_153 = tpu.vector_load %arg11[%get3A_151, %get3A_152] {strides = array<i32>} : memref<128x64xf32, #tpu.memory_space<vmem>>, vector<1x16xf32>,
        %get3A_154 = vector.shape_cast %get3A_153 : vector<1x16xf32> to vector<16xf32>
        %slice3A_155 = vector.extract_strided_slice %get3A_37 {offsets = [2], sizes = [1], strides = [1]} : vector<16xf32> to vector<1xf32>
        %squeeze3A_156 = vector.extract %slice3A_155[0] : f32 from vector<1xf32>
        %mul3A_157 = vector.broadcast %squeeze3A_156 : f32 to vector<16xf32>
        %mul3A_158 = arith.mulf %get3A_154, %mul3A_157 : vector<16xf32>
        %swap3A_159 = arith.index_cast %add3A_150 : i32 to index
        %swap3A_160 = arith.constant 0 : index
        %swap3A_161 = tpu.vector_load %arg11[%swap3A_159, %swap3A_160] {strides = array<i32>} : memref<128x64xf32, #tpu.memory_space<vmem>>, vector<1x16xf32>,
        %swap3A_162 = vector.shape_cast %swap3A_161 : vector<1x16xf32> to vector<16xf32>
        %swap3A_163 = vector.shape_cast %mul3A_158 : vector<16xf32> to vector<1x16xf32>
        tpu.vector_store %arg11[%swap3A_159, %swap3A_160], %swap3A_163 {strides = array<i32>} : memref<128x64xf32, #tpu.memory_space<vmem>>, vector<1x16xf32>,
        %get3A_164 = arith.index_cast %add3A_150 : i32 to index
        %get3A_165 = arith.constant 16 : index
        %get3A_166 = tpu.vector_load %arg11[%get3A_164, %get3A_165] {strides = array<i32>} : memref<128x64xf32, #tpu.memory_space<vmem>>, vector<1x16xf32>,
        %get3A_167 = vector.shape_cast %get3A_166 : vector<1x16xf32> to vector<16xf32>
        %slice3A_168 = vector.extract_strided_slice %get3A_37 {offsets = [2], sizes = [1], strides = [1]} : vector<16xf32> to vector<1xf32>
        %squeeze3A_169 = vector.extract %slice3A_168[0] : f32 from vector<1xf32>
        %mul3A_170 = vector.broadcast %squeeze3A_169 : f32 to vector<16xf32>
        %mul3A_171 = arith.mulf %get3A_167, %mul3A_170 : vector<16xf32>
        %swap3A_172 = arith.index_cast %add3A_150 : i32 to index
        %swap3A_173 = arith.constant 16 : index
        %swap3A_174 = tpu.vector_load %arg11[%swap3A_172, %swap3A_173] {strides = array<i32>} : memref<128x64xf32, #tpu.memory_space<vmem>>, vector<1x16xf32>,
        %swap3A_175 = vector.shape_cast %swap3A_174 : vector<1x16xf32> to vector<16xf32>
        %swap3A_176 = vector.shape_cast %mul3A_171 : vector<16xf32> to vector<1x16xf32>
        tpu.vector_store %arg11[%swap3A_172, %swap3A_173], %swap3A_176 {strides = array<i32>} : memref<128x64xf32, #tpu.memory_space<vmem>>, vector<1x16xf32>,
        %get3A_177 = arith.index_cast %add3A_150 : i32 to index
        %get3A_178 = arith.constant 32 : index
        %get3A_179 = tpu.vector_load %arg11[%get3A_177, %get3A_178] {strides = array<i32>} : memref<128x64xf32, #tpu.memory_space<vmem>>, vector<1x16xf32>,
        %get3A_180 = vector.shape_cast %get3A_179 : vector<1x16xf32> to vector<16xf32>
        %slice3A_181 = vector.extract_strided_slice %get3A_37 {offsets = [2], sizes = [1], strides = [1]} : vector<16xf32> to vector<1xf32>
        %squeeze3A_182 = vector.extract %slice3A_181[0] : f32 from vector<1xf32>
        %mul3A_183 = vector.broadcast %squeeze3A_182 : f32 to vector<16xf32>
        %mul3A_184 = arith.mulf %get3A_180, %mul3A_183 : vector<16xf32>
        %swap3A_185 = arith.index_cast %add3A_150 : i32 to index
        %swap3A_186 = arith.constant 32 : index
        %swap3A_187 = tpu.vector_load %arg11[%swap3A_185, %swap3A_186] {strides = array<i32>} : memref<128x64xf32, #tpu.memory_space<vmem>>, vector<1x16xf32>,
        %swap3A_188 = vector.shape_cast %swap3A_187 : vector<1x16xf32> to vector<16xf32>
        %swap3A_189 = vector.shape_cast %mul3A_184 : vector<16xf32> to vector<1x16xf32>
        tpu.vector_store %arg11[%swap3A_185, %swap3A_186], %swap3A_189 {strides = array<i32>} : memref<128x64xf32, #tpu.memory_space<vmem>>, vector<1x16xf32>,
        %get3A_190 = arith.index_cast %add3A_150 : i32 to index
        %get3A_191 = arith.constant 48 : index
        %get3A_192 = tpu.vector_load %arg11[%get3A_190, %get3A_191] {strides = array<i32>} : memref<128x64xf32, #tpu.memory_space<vmem>>, vector<1x16xf32>,
        %get3A_193 = vector.shape_cast %get3A_192 : vector<1x16xf32> to vector<16xf32>
        %slice3A_194 = vector.extract_strided_slice %get3A_37 {offsets = [2], sizes = [1], strides = [1]} : vector<16xf32> to vector<1xf32>
        %squeeze3A_195 = vector.extract %slice3A_194[0] : f32 from vector<1xf32>
        %mul3A_196 = vector.broadcast %squeeze3A_195 : f32 to vector<16xf32>
        %mul3A_197 = arith.mulf %get3A_193, %mul3A_196 : vector<16xf32>
        %swap3A_198 = arith.index_cast %add3A_150 : i32 to index
        %swap3A_199 = arith.constant 48 : index
        %swap3A_200 = tpu.vector_load %arg11[%swap3A_198, %swap3A_199] {strides = array<i32>} : memref<128x64xf32, #tpu.memory_space<vmem>>, vector<1x16xf32>,
        %swap3A_201 = vector.shape_cast %swap3A_200 : vector<1x16xf32> to vector<16xf32>
        %swap3A_202 = vector.shape_cast %mul3A_197 : vector<16xf32> to vector<1x16xf32>
        tpu.vector_store %arg11[%swap3A_198, %swap3A_199], %swap3A_202 {strides = array<i32>} : memref<128x64xf32, #tpu.memory_space<vmem>>, vector<1x16xf32>,
        %mul3A_203 = arith.constant 16 : i32
        %mul3A_204 = arith.muli %scan3A_32, %mul3A_203 : i32
        %add3A_205 = arith.constant 3 : i32
        %add3A_206 = arith.addi %mul3A_204, %add3A_205 : i32
        %get3A_207 = arith.index_cast %add3A_206 : i32 to index
        %get3A_208 = arith.constant 0 : index
        %get3A_209 = tpu.vector_load %arg11[%get3A_207, %get3A_208] {strides = array<i32>} : memref<128x64xf32, #tpu.memory_space<vmem>>, vector<1x16xf32>,
        %get3A_210 = vector.shape_cast %get3A_209 : vector<1x16xf32> to vector<16xf32>
        %slice3A_211 = vector.extract_strided_slice %get3A_37 {offsets = [3], sizes = [1], strides = [1]} : vector<16xf32> to vector<1xf32>
        %squeeze3A_212 = vector.extract %slice3A_211[0] : f32 from vector<1xf32>
        %mul3A_213 = vector.broadcast %squeeze3A_212 : f32 to vector<16xf32>
        %mul3A_214 = arith.mulf %get3A_210, %mul3A_213 : vector<16xf32>
        %swap3A_215 = arith.index_cast %add3A_206 : i32 to index
        %swap3A_216 = arith.constant 0 : index
        %swap3A_217 = tpu.vector_load %arg11[%swap3A_215, %swap3A_216] {strides = array<i32>} : memref<128x64xf32, #tpu.memory_space<vmem>>, vector<1x16xf32>,
        %swap3A_218 = vector.shape_cast %swap3A_217 : vector<1x16xf32> to vector<16xf32>
        %swap3A_219 = vector.shape_cast %mul3A_214 : vector<16xf32> to vector<1x16xf32>
        tpu.vector_store %arg11[%swap3A_215, %swap3A_216], %swap3A_219 {strides = array<i32>} : memref<128x64xf32, #tpu.memory_space<vmem>>, vector<1x16xf32>,
        %get3A_220 = arith.index_cast %add3A_206 : i32 to index
        %get3A_221 = arith.constant 16 : index
        %get3A_222 = tpu.vector_load %arg11[%get3A_220, %get3A_221] {strides = array<i32>} : memref<128x64xf32, #tpu.memory_space<vmem>>, vector<1x16xf32>,
        %get3A_223 = vector.shape_cast %get3A_222 : vector<1x16xf32> to vector<16xf32>
        %slice3A_224 = vector.extract_strided_slice %get3A_37 {offsets = [3], sizes = [1], strides = [1]} : vector<16xf32> to vector<1xf32>
        %squeeze3A_225 = vector.extract %slice3A_224[0] : f32 from vector<1xf32>
        %mul3A_226 = vector.broadcast %squeeze3A_225 : f32 to vector<16xf32>
        %mul3A_227 = arith.mulf %get3A_223, %mul3A_226 : vector<16xf32>
        %swap3A_228 = arith.index_cast %add3A_206 : i32 to index
        %swap3A_229 = arith.constant 16 : index
        %swap3A_230 = tpu.vector_load %arg11[%swap3A_228, %swap3A_229] {strides = array<i32>} : memref<128x64xf32, #tpu.memory_space<vmem>>, vector<1x16xf32>,
        %swap3A_231 = vector.shape_cast %swap3A_230 : vector<1x16xf32> to vector<16xf32>
        %swap3A_232 = vector.shape_cast %mul3A_227 : vector<16xf32> to vector<1x16xf32>
        tpu.vector_store %arg11[%swap3A_228, %swap3A_229], %swap3A_232 {strides = array<i32>} : memref<128x64xf32, #tpu.memory_space<vmem>>, vector<1x16xf32>,
        %get3A_233 = arith.index_cast %add3A_206 : i32 to index
        %get3A_234 = arith.constant 32 : index
        %get3A_235 = tpu.vector_load %arg11[%get3A_233, %get3A_234] {strides = array<i32>} : memref<128x64xf32, #tpu.memory_space<vmem>>, vector<1x16xf32>,
        %get3A_236 = vector.shape_cast %get3A_235 : vector<1x16xf32> to vector<16xf32>
        %slice3A_237 = vector.extract_strided_slice %get3A_37 {offsets = [3], sizes = [1], strides = [1]} : vector<16xf32> to vector<1xf32>
        %squeeze3A_238 = vector.extract %slice3A_237[0] : f32 from vector<1xf32>
        %mul3A_239 = vector.broadcast %squeeze3A_238 : f32 to vector<16xf32>
        %mul3A_240 = arith.mulf %get3A_236, %mul3A_239 : vector<16xf32>
        %swap3A_241 = arith.index_cast %add3A_206 : i32 to index
        %swap3A_242 = arith.constant 32 : index
        %swap3A_243 = tpu.vector_load %arg11[%swap3A_241, %swap3A_242] {strides = array<i32>} : memref<128x64xf32, #tpu.memory_space<vmem>>, vector<1x16xf32>,
        %swap3A_244 = vector.shape_cast %swap3A_243 : vector<1x16xf32> to vector<16xf32>
        %swap3A_245 = vector.shape_cast %mul3A_240 : vector<16xf32> to vector<1x16xf32>
        tpu.vector_store %arg11[%swap3A_241, %swap3A_242], %swap3A_245 {strides = array<i32>} : memref<128x64xf32, #tpu.memory_space<vmem>>, vector<1x16xf32>,
        %get3A_246 = arith.index_cast %add3A_206 : i32 to index
        %get3A_247 = arith.constant 48 : index
        %get3A_248 = tpu.vector_load %arg11[%get3A_246, %get3A_247] {strides = array<i32>} : memref<128x64xf32, #tpu.memory_space<vmem>>, vector<1x16xf32>,
        %get3A_249 = vector.shape_cast %get3A_248 : vector<1x16xf32> to vector<16xf32>
        %slice3A_250 = vector.extract_strided_slice %get3A_37 {offsets = [3], sizes = [1], strides = [1]} : vector<16xf32> to vector<1xf32>
        %squeeze3A_251 = vector.extract %slice3A_250[0] : f32 from vector<1xf32>
        %mul3A_252 = vector.broadcast %squeeze3A_251 : f32 to vector<16xf32>
        %mul3A_253 = arith.mulf %get3A_249, %mul3A_252 : vector<16xf32>
        %swap3A_254 = arith.index_cast %add3A_206 : i32 to index
        %swap3A_255 = arith.constant 48 : index
        %swap3A_256 = tpu.vector_load %arg11[%swap3A_254, %swap3A_255] {strides = array<i32>} : memref<128x64xf32, #tpu.memory_space<vmem>>, vector<1x16xf32>,
        %swap3A_257 = vector.shape_cast %swap3A_256 : vector<1x16xf32> to vector<16xf32>
        %swap3A_258 = vector.shape_cast %mul3A_253 : vector<16xf32> to vector<1x16xf32>
        tpu.vector_store %arg11[%swap3A_254, %swap3A_255], %swap3A_258 {strides = array<i32>} : memref<128x64xf32, #tpu.memory_space<vmem>>, vector<1x16xf32>,
        %mul3A_259 = arith.constant 16 : i32
        %mul3A_260 = arith.muli %scan3A_32, %mul3A_259 : i32
        %add3A_261 = arith.constant 4 : i32
        %add3A_262 = arith.addi %mul3A_260, %add3A_261 : i32
        %get3A_263 = arith.index_cast %add3A_262 : i32 to index
        %get3A_264 = arith.constant 0 : index
        %get3A_265 = tpu.vector_load %arg11[%get3A_263, %get3A_264] {strides = array<i32>} : memref<128x64xf32, #tpu.memory_space<vmem>>, vector<1x16xf32>,
        %get3A_266 = vector.shape_cast %get3A_265 : vector<1x16xf32> to vector<16xf32>
        %slice3A_267 = vector.extract_strided_slice %get3A_37 {offsets = [4], sizes = [1], strides = [1]} : vector<16xf32> to vector<1xf32>
        %squeeze3A_268 = vector.extract %slice3A_267[0] : f32 from vector<1xf32>
        %mul3A_269 = vector.broadcast %squeeze3A_268 : f32 to vector<16xf32>
        %mul3A_270 = arith.mulf %get3A_266, %mul3A_269 : vector<16xf32>
        %swap3A_271 = arith.index_cast %add3A_262 : i32 to index
        %swap3A_272 = arith.constant 0 : index
        %swap3A_273 = tpu.vector_load %arg11[%swap3A_271, %swap3A_272] {strides = array<i32>} : memref<128x64xf32, #tpu.memory_space<vmem>>, vector<1x16xf32>,
        %swap3A_274 = vector.shape_cast %swap3A_273 : vector<1x16xf32> to vector<16xf32>
        %swap3A_275 = vector.shape_cast %mul3A_270 : vector<16xf32> to vector<1x16xf32>
        tpu.vector_store %arg11[%swap3A_271, %swap3A_272], %swap3A_275 {strides = array<i32>} : memref<128x64xf32, #tpu.memory_space<vmem>>, vector<1x16xf32>,
        %get3A_276 = arith.index_cast %add3A_262 : i32 to index
        %get3A_277 = arith.constant 16 : index
        %get3A_278 = tpu.vector_load %arg11[%get3A_276, %get3A_277] {strides = array<i32>} : memref<128x64xf32, #tpu.memory_space<vmem>>, vector<1x16xf32>,
        %get3A_279 = vector.shape_cast %get3A_278 : vector<1x16xf32> to vector<16xf32>
        %slice3A_280 = vector.extract_strided_slice %get3A_37 {offsets = [4], sizes = [1], strides = [1]} : vector<16xf32> to vector<1xf32>
        %squeeze3A_281 = vector.extract %slice3A_280[0] : f32 from vector<1xf32>
        %mul3A_282 = vector.broadcast %squeeze3A_281 : f32 to vector<16xf32>
        %mul3A_283 = arith.mulf %get3A_279, %mul3A_282 : vector<16xf32>
        %swap3A_284 = arith.index_cast %add3A_262 : i32 to index
        %swap3A_285 = arith.constant 16 : index
        %swap3A_286 = tpu.vector_load %arg11[%swap3A_284, %swap3A_285] {strides = array<i32>} : memref<128x64xf32, #tpu.memory_space<vmem>>, vector<1x16xf32>,
        %swap3A_287 = vector.shape_cast %swap3A_286 : vector<1x16xf32> to vector<16xf32>
        %swap3A_288 = vector.shape_cast %mul3A_283 : vector<16xf32> to vector<1x16xf32>
        tpu.vector_store %arg11[%swap3A_284, %swap3A_285], %swap3A_288 {strides = array<i32>} : memref<128x64xf32, #tpu.memory_space<vmem>>, vector<1x16xf32>,
        %get3A_289 = arith.index_cast %add3A_262 : i32 to index
        %get3A_290 = arith.constant 32 : index
        %get3A_291 = tpu.vector_load %arg11[%get3A_289, %get3A_290] {strides = array<i32>} : memref<128x64xf32, #tpu.memory_space<vmem>>, vector<1x16xf32>,
        %get3A_292 = vector.shape_cast %get3A_291 : vector<1x16xf32> to vector<16xf32>
        %slice3A_293 = vector.extract_strided_slice %get3A_37 {offsets = [4], sizes = [1], strides = [1]} : vector<16xf32> to vector<1xf32>
        %squeeze3A_294 = vector.extract %slice3A_293[0] : f32 from vector<1xf32>
        %mul3A_295 = vector.broadcast %squeeze3A_294 : f32 to vector<16xf32>
        %mul3A_296 = arith.mulf %get3A_292, %mul3A_295 : vector<16xf32>
        %swap3A_297 = arith.index_cast %add3A_262 : i32 to index
        %swap3A_298 = arith.constant 32 : index
        %swap3A_299 = tpu.vector_load %arg11[%swap3A_297, %swap3A_298] {strides = array<i32>} : memref<128x64xf32, #tpu.memory_space<vmem>>, vector<1x16xf32>,
        %swap3A_300 = vector.shape_cast %swap3A_299 : vector<1x16xf32> to vector<16xf32>
        %swap3A_301 = vector.shape_cast %mul3A_296 : vector<16xf32> to vector<1x16xf32>
        tpu.vector_store %arg11[%swap3A_297, %swap3A_298], %swap3A_301 {strides = array<i32>} : memref<128x64xf32, #tpu.memory_space<vmem>>, vector<1x16xf32>,
        %get3A_302 = arith.index_cast %add3A_262 : i32 to index
        %get3A_303 = arith.constant 48 : index
        %get3A_304 = tpu.vector_load %arg11[%get3A_302, %get3A_303] {strides = array<i32>} : memref<128x64xf32, #tpu.memory_space<vmem>>, vector<1x16xf32>,
        %get3A_305 = vector.shape_cast %get3A_304 : vector<1x16xf32> to vector<16xf32>
        %slice3A_306 = vector.extract_strided_slice %get3A_37 {offsets = [4], sizes = [1], strides = [1]} : vector<16xf32> to vector<1xf32>
        %squeeze3A_307 = vector.extract %slice3A_306[0] : f32 from vector<1xf32>
        %mul3A_308 = vector.broadcast %squeeze3A_307 : f32 to vector<16xf32>
        %mul3A_309 = arith.mulf %get3A_305, %mul3A_308 : vector<16xf32>
        %swap3A_310 = arith.index_cast %add3A_262 : i32 to index
        %swap3A_311 = arith.constant 48 : index
        %swap3A_312 = tpu.vector_load %arg11[%swap3A_310, %swap3A_311] {strides = array<i32>} : memref<128x64xf32, #tpu.memory_space<vmem>>, vector<1x16xf32>,
        %swap3A_313 = vector.shape_cast %swap3A_312 : vector<1x16xf32> to vector<16xf32>
        %swap3A_314 = vector.shape_cast %mul3A_309 : vector<16xf32> to vector<1x16xf32>
        tpu.vector_store %arg11[%swap3A_310, %swap3A_311], %swap3A_314 {strides = array<i32>} : memref<128x64xf32, #tpu.memory_space<vmem>>, vector<1x16xf32>,
        %mul3A_315 = arith.constant 16 : i32
        %mul3A_316 = arith.muli %scan3A_32, %mul3A_315 : i32
        %add3A_317 = arith.constant 5 : i32
        %add3A_318 = arith.addi %mul3A_316, %add3A_317 : i32
        %get3A_319 = arith.index_cast %add3A_318 : i32 to index
        %get3A_320 = arith.constant 0 : index
        %get3A_321 = tpu.vector_load %arg11[%get3A_319, %get3A_320] {strides = array<i32>} : memref<128x64xf32, #tpu.memory_space<vmem>>, vector<1x16xf32>,
        %get3A_322 = vector.shape_cast %get3A_321 : vector<1x16xf32> to vector<16xf32>
        %slice3A_323 = vector.extract_strided_slice %get3A_37 {offsets = [5], sizes = [1], strides = [1]} : vector<16xf32> to vector<1xf32>
        %squeeze3A_324 = vector.extract %slice3A_323[0] : f32 from vector<1xf32>
        %mul3A_325 = vector.broadcast %squeeze3A_324 : f32 to vector<16xf32>
        %mul3A_326 = arith.mulf %get3A_322, %mul3A_325 : vector<16xf32>
        %swap3A_327 = arith.index_cast %add3A_318 : i32 to index
        %swap3A_328 = arith.constant 0 : index
        %swap3A_329 = tpu.vector_load %arg11[%swap3A_327, %swap3A_328] {strides = array<i32>} : memref<128x64xf32, #tpu.memory_space<vmem>>, vector<1x16xf32>,
        %swap3A_330 = vector.shape_cast %swap3A_329 : vector<1x16xf32> to vector<16xf32>
        %swap3A_331 = vector.shape_cast %mul3A_326 : vector<16xf32> to vector<1x16xf32>
        tpu.vector_store %arg11[%swap3A_327, %swap3A_328], %swap3A_331 {strides = array<i32>} : memref<128x64xf32, #tpu.memory_space<vmem>>, vector<1x16xf32>,
        %get3A_332 = arith.index_cast %add3A_318 : i32 to index
        %get3A_333 = arith.constant 16 : index
        %get3A_334 = tpu.vector_load %arg11[%get3A_332, %get3A_333] {strides = array<i32>} : memref<128x64xf32, #tpu.memory_space<vmem>>, vector<1x16xf32>,
        %get3A_335 = vector.shape_cast %get3A_334 : vector<1x16xf32> to vector<16xf32>
        %slice3A_336 = vector.extract_strided_slice %get3A_37 {offsets = [5], sizes = [1], strides = [1]} : vector<16xf32> to vector<1xf32>
        %squeeze3A_337 = vector.extract %slice3A_336[0] : f32 from vector<1xf32>
        %mul3A_338 = vector.broadcast %squeeze3A_337 : f32 to vector<16xf32>
        %mul3A_339 = arith.mulf %get3A_335, %mul3A_338 : vector<16xf32>
        %swap3A_340 = arith.index_cast %add3A_318 : i32 to index
        %swap3A_341 = arith.constant 16 : index
        %swap3A_342 = tpu.vector_load %arg11[%swap3A_340, %swap3A_341] {strides = array<i32>} : memref<128x64xf32, #tpu.memory_space<vmem>>, vector<1x16xf32>,
        %swap3A_343 = vector.shape_cast %swap3A_342 : vector<1x16xf32> to vector<16xf32>
        %swap3A_344 = vector.shape_cast %mul3A_339 : vector<16xf32> to vector<1x16xf32>
        tpu.vector_store %arg11[%swap3A_340, %swap3A_341], %swap3A_344 {strides = array<i32>} : memref<128x64xf32, #tpu.memory_space<vmem>>, vector<1x16xf32>,
        %get3A_345 = arith.index_cast %add3A_318 : i32 to index
        %get3A_346 = arith.constant 32 : index
        %get3A_347 = tpu.vector_load %arg11[%get3A_345, %get3A_346] {strides = array<i32>} : memref<128x64xf32, #tpu.memory_space<vmem>>, vector<1x16xf32>,
        %get3A_348 = vector.shape_cast %get3A_347 : vector<1x16xf32> to vector<16xf32>
        %slice3A_349 = vector.extract_strided_slice %get3A_37 {offsets = [5], sizes = [1], strides = [1]} : vector<16xf32> to vector<1xf32>
        %squeeze3A_350 = vector.extract %slice3A_349[0] : f32 from vector<1xf32>
        %mul3A_351 = vector.broadcast %squeeze3A_350 : f32 to vector<16xf32>
        %mul3A_352 = arith.mulf %get3A_348, %mul3A_351 : vector<16xf32>
        %swap3A_353 = arith.index_cast %add3A_318 : i32 to index
        %swap3A_354 = arith.constant 32 : index
        %swap3A_355 = tpu.vector_load %arg11[%swap3A_353, %swap3A_354] {strides = array<i32>} : memref<128x64xf32, #tpu.memory_space<vmem>>, vector<1x16xf32>,
        %swap3A_356 = vector.shape_cast %swap3A_355 : vector<1x16xf32> to vector<16xf32>
        %swap3A_357 = vector.shape_cast %mul3A_352 : vector<16xf32> to vector<1x16xf32>
        tpu.vector_store %arg11[%swap3A_353, %swap3A_354], %swap3A_357 {strides = array<i32>} : memref<128x64xf32, #tpu.memory_space<vmem>>, vector<1x16xf32>,
        %get3A_358 = arith.index_cast %add3A_318 : i32 to index
        %get3A_359 = arith.constant 48 : index
        %get3A_360 = tpu.vector_load %arg11[%get3A_358, %get3A_359] {strides = array<i32>} : memref<128x64xf32, #tpu.memory_space<vmem>>, vector<1x16xf32>,
        %get3A_361 = vector.shape_cast %get3A_360 : vector<1x16xf32> to vector<16xf32>
        %slice3A_362 = vector.extract_strided_slice %get3A_37 {offsets = [5], sizes = [1], strides = [1]} : vector<16xf32> to vector<1xf32>
        %squeeze3A_363 = vector.extract %slice3A_362[0] : f32 from vector<1xf32>
        %mul3A_364 = vector.broadcast %squeeze3A_363 : f32 to vector<16xf32>
        %mul3A_365 = arith.mulf %get3A_361, %mul3A_364 : vector<16xf32>
        %swap3A_366 = arith.index_cast %add3A_318 : i32 to index
        %swap3A_367 = arith.constant 48 : index
        %swap3A_368 = tpu.vector_load %arg11[%swap3A_366, %swap3A_367] {strides = array<i32>} : memref<128x64xf32, #tpu.memory_space<vmem>>, vector<1x16xf32>,
        %swap3A_369 = vector.shape_cast %swap3A_368 : vector<1x16xf32> to vector<16xf32>
        %swap3A_370 = vector.shape_cast %mul3A_365 : vector<16xf32> to vector<1x16xf32>
        tpu.vector_store %arg11[%swap3A_366, %swap3A_367], %swap3A_370 {strides = array<i32>} : memref<128x64xf32, #tpu.memory_space<vmem>>, vector<1x16xf32>,
        %mul3A_371 = arith.constant 16 : i32
        %mul3A_372 = arith.muli %scan3A_32, %mul3A_371 : i32
        %add3A_373 = arith.constant 6 : i32
        %add3A_374 = arith.addi %mul3A_372, %add3A_373 : i32
        %get3A_375 = arith.index_cast %add3A_374 : i32 to index
        %get3A_376 = arith.constant 0 : index
        %get3A_377 = tpu.vector_load %arg11[%get3A_375, %get3A_376] {strides = array<i32>} : memref<128x64xf32, #tpu.memory_space<vmem>>, vector<1x16xf32>,
        %get3A_378 = vector.shape_cast %get3A_377 : vector<1x16xf32> to vector<16xf32>
        %slice3A_379 = vector.extract_strided_slice %get3A_37 {offsets = [6], sizes = [1], strides = [1]} : vector<16xf32> to vector<1xf32>
        %squeeze3A_380 = vector.extract %slice3A_379[0] : f32 from vector<1xf32>
        %mul3A_381 = vector.broadcast %squeeze3A_380 : f32 to vector<16xf32>
        %mul3A_382 = arith.mulf %get3A_378, %mul3A_381 : vector<16xf32>
        %swap3A_383 = arith.index_cast %add3A_374 : i32 to index
        %swap3A_384 = arith.constant 0 : index
        %swap3A_385 = tpu.vector_load %arg11[%swap3A_383, %swap3A_384] {strides = array<i32>} : memref<128x64xf32, #tpu.memory_space<vmem>>, vector<1x16xf32>,
        %swap3A_386 = vector.shape_cast %swap3A_385 : vector<1x16xf32> to vector<16xf32>
        %swap3A_387 = vector.shape_cast %mul3A_382 : vector<16xf32> to vector<1x16xf32>
        tpu.vector_store %arg11[%swap3A_383, %swap3A_384], %swap3A_387 {strides = array<i32>} : memref<128x64xf32, #tpu.memory_space<vmem>>, vector<1x16xf32>,
        %get3A_388 = arith.index_cast %add3A_374 : i32 to index
        %get3A_389 = arith.constant 16 : index
        %get3A_390 = tpu.vector_load %arg11[%get3A_388, %get3A_389] {strides = array<i32>} : memref<128x64xf32, #tpu.memory_space<vmem>>, vector<1x16xf32>,
        %get3A_391 = vector.shape_cast %get3A_390 : vector<1x16xf32> to vector<16xf32>
        %slice3A_392 = vector.extract_strided_slice %get3A_37 {offsets = [6], sizes = [1], strides = [1]} : vector<16xf32> to vector<1xf32>
        %squeeze3A_393 = vector.extract %slice3A_392[0] : f32 from vector<1xf32>
        %mul3A_394 = vector.broadcast %squeeze3A_393 : f32 to vector<16xf32>
        %mul3A_395 = arith.mulf %get3A_391, %mul3A_394 : vector<16xf32>
        %swap3A_396 = arith.index_cast %add3A_374 : i32 to index
        %swap3A_397 = arith.constant 16 : index
        %swap3A_398 = tpu.vector_load %arg11[%swap3A_396, %swap3A_397] {strides = array<i32>} : memref<128x64xf32, #tpu.memory_space<vmem>>, vector<1x16xf32>,
        %swap3A_399 = vector.shape_cast %swap3A_398 : vector<1x16xf32> to vector<16xf32>
        %swap3A_400 = vector.shape_cast %mul3A_395 : vector<16xf32> to vector<1x16xf32>
        tpu.vector_store %arg11[%swap3A_396, %swap3A_397], %swap3A_400 {strides = array<i32>} : memref<128x64xf32, #tpu.memory_space<vmem>>, vector<1x16xf32>,
        %get3A_401 = arith.index_cast %add3A_374 : i32 to index
        %get3A_402 = arith.constant 32 : index
        %get3A_403 = tpu.vector_load %arg11[%get3A_401, %get3A_402] {strides = array<i32>} : memref<128x64xf32, #tpu.memory_space<vmem>>, vector<1x16xf32>,
        %get3A_404 = vector.shape_cast %get3A_403 : vector<1x16xf32> to vector<16xf32>
        %slice3A_405 = vector.extract_strided_slice %get3A_37 {offsets = [6], sizes = [1], strides = [1]} : vector<16xf32> to vector<1xf32>
        %squeeze3A_406 = vector.extract %slice3A_405[0] : f32 from vector<1xf32>
        %mul3A_407 = vector.broadcast %squeeze3A_406 : f32 to vector<16xf32>
        %mul3A_408 = arith.mulf %get3A_404, %mul3A_407 : vector<16xf32>
        %swap3A_409 = arith.index_cast %add3A_374 : i32 to index
        %swap3A_410 = arith.constant 32 : index
        %swap3A_411 = tpu.vector_load %arg11[%swap3A_409, %swap3A_410] {strides = array<i32>} : memref<128x64xf32, #tpu.memory_space<vmem>>, vector<1x16xf32>,
        %swap3A_412 = vector.shape_cast %swap3A_411 : vector<1x16xf32> to vector<16xf32>
        %swap3A_413 = vector.shape_cast %mul3A_408 : vector<16xf32> to vector<1x16xf32>
        tpu.vector_store %arg11[%swap3A_409, %swap3A_410], %swap3A_413 {strides = array<i32>} : memref<128x64xf32, #tpu.memory_space<vmem>>, vector<1x16xf32>,
        %get3A_414 = arith.index_cast %add3A_374 : i32 to index
        %get3A_415 = arith.constant 48 : index
        %get3A_416 = tpu.vector_load %arg11[%get3A_414, %get3A_415] {strides = array<i32>} : memref<128x64xf32, #tpu.memory_space<vmem>>, vector<1x16xf32>,
        %get3A_417 = vector.shape_cast %get3A_416 : vector<1x16xf32> to vector<16xf32>
        %slice3A_418 = vector.extract_strided_slice %get3A_37 {offsets = [6], sizes = [1], strides = [1]} : vector<16xf32> to vector<1xf32>
        %squeeze3A_419 = vector.extract %slice3A_418[0] : f32 from vector<1xf32>
        %mul3A_420 = vector.broadcast %squeeze3A_419 : f32 to vector<16xf32>
        %mul3A_421 = arith.mulf %get3A_417, %mul3A_420 : vector<16xf32>
        %swap3A_422 = arith.index_cast %add3A_374 : i32 to index
        %swap3A_423 = arith.constant 48 : index
        %swap3A_424 = tpu.vector_load %arg11[%swap3A_422, %swap3A_423] {strides = array<i32>} : memref<128x64xf32, #tpu.memory_space<vmem>>, vector<1x16xf32>,
        %swap3A_425 = vector.shape_cast %swap3A_424 : vector<1x16xf32> to vector<16xf32>
        %swap3A_426 = vector.shape_cast %mul3A_421 : vector<16xf32> to vector<1x16xf32>
        tpu.vector_store %arg11[%swap3A_422, %swap3A_423], %swap3A_426 {strides = array<i32>} : memref<128x64xf32, #tpu.memory_space<vmem>>, vector<1x16xf32>,
        %mul3A_427 = arith.constant 16 : i32
        %mul3A_428 = arith.muli %scan3A_32, %mul3A_427 : i32
        %add3A_429 = arith.constant 7 : i32
        %add3A_430 = arith.addi %mul3A_428, %add3A_429 : i32
        %get3A_431 = arith.index_cast %add3A_430 : i32 to index
        %get3A_432 = arith.constant 0 : index
        %get3A_433 = tpu.vector_load %arg11[%get3A_431, %get3A_432] {strides = array<i32>} : memref<128x64xf32, #tpu.memory_space<vmem>>, vector<1x16xf32>,
        %get3A_434 = vector.shape_cast %get3A_433 : vector<1x16xf32> to vector<16xf32>
        %slice3A_435 = vector.extract_strided_slice %get3A_37 {offsets = [7], sizes = [1], strides = [1]} : vector<16xf32> to vector<1xf32>
        %squeeze3A_436 = vector.extract %slice3A_435[0] : f32 from vector<1xf32>
        %mul3A_437 = vector.broadcast %squeeze3A_436 : f32 to vector<16xf32>
        %mul3A_438 = arith.mulf %get3A_434, %mul3A_437 : vector<16xf32>
        %swap3A_439 = arith.index_cast %add3A_430 : i32 to index
        %swap3A_440 = arith.constant 0 : index
        %swap3A_441 = tpu.vector_load %arg11[%swap3A_439, %swap3A_440] {strides = array<i32>} : memref<128x64xf32, #tpu.memory_space<vmem>>, vector<1x16xf32>,
        %swap3A_442 = vector.shape_cast %swap3A_441 : vector<1x16xf32> to vector<16xf32>
        %swap3A_443 = vector.shape_cast %mul3A_438 : vector<16xf32> to vector<1x16xf32>
        tpu.vector_store %arg11[%swap3A_439, %swap3A_440], %swap3A_443 {strides = array<i32>} : memref<128x64xf32, #tpu.memory_space<vmem>>, vector<1x16xf32>,
        %get3A_444 = arith.index_cast %add3A_430 : i32 to index
        %get3A_445 = arith.constant 16 : index
        %get3A_446 = tpu.vector_load %arg11[%get3A_444, %get3A_445] {strides = array<i32>} : memref<128x64xf32, #tpu.memory_space<vmem>>, vector<1x16xf32>,
        %get3A_447 = vector.shape_cast %get3A_446 : vector<1x16xf32> to vector<16xf32>
        %slice3A_448 = vector.extract_strided_slice %get3A_37 {offsets = [7], sizes = [1], strides = [1]} : vector<16xf32> to vector<1xf32>
        %squeeze3A_449 = vector.extract %slice3A_448[0] : f32 from vector<1xf32>
        %mul3A_450 = vector.broadcast %squeeze3A_449 : f32 to vector<16xf32>
        %mul3A_451 = arith.mulf %get3A_447, %mul3A_450 : vector<16xf32>
        %swap3A_452 = arith.index_cast %add3A_430 : i32 to index
        %swap3A_453 = arith.constant 16 : index
        %swap3A_454 = tpu.vector_load %arg11[%swap3A_452, %swap3A_453] {strides = array<i32>} : memref<128x64xf32, #tpu.memory_space<vmem>>, vector<1x16xf32>,
        %swap3A_455 = vector.shape_cast %swap3A_454 : vector<1x16xf32> to vector<16xf32>
        %swap3A_456 = vector.shape_cast %mul3A_451 : vector<16xf32> to vector<1x16xf32>
        tpu.vector_store %arg11[%swap3A_452, %swap3A_453], %swap3A_456 {strides = array<i32>} : memref<128x64xf32, #tpu.memory_space<vmem>>, vector<1x16xf32>,
        %get3A_457 = arith.index_cast %add3A_430 : i32 to index
        %get3A_458 = arith.constant 32 : index
        %get3A_459 = tpu.vector_load %arg11[%get3A_457, %get3A_458] {strides = array<i32>} : memref<128x64xf32, #tpu.memory_space<vmem>>, vector<1x16xf32>,
        %get3A_460 = vector.shape_cast %get3A_459 : vector<1x16xf32> to vector<16xf32>
        %slice3A_461 = vector.extract_strided_slice %get3A_37 {offsets = [7], sizes = [1], strides = [1]} : vector<16xf32> to vector<1xf32>
        %squeeze3A_462 = vector.extract %slice3A_461[0] : f32 from vector<1xf32>
        %mul3A_463 = vector.broadcast %squeeze3A_462 : f32 to vector<16xf32>
        %mul3A_464 = arith.mulf %get3A_460, %mul3A_463 : vector<16xf32>
        %swap3A_465 = arith.index_cast %add3A_430 : i32 to index
        %swap3A_466 = arith.constant 32 : index
        %swap3A_467 = tpu.vector_load %arg11[%swap3A_465, %swap3A_466] {strides = array<i32>} : memref<128x64xf32, #tpu.memory_space<vmem>>, vector<1x16xf32>,
        %swap3A_468 = vector.shape_cast %swap3A_467 : vector<1x16xf32> to vector<16xf32>
        %swap3A_469 = vector.shape_cast %mul3A_464 : vector<16xf32> to vector<1x16xf32>
        tpu.vector_store %arg11[%swap3A_465, %swap3A_466], %swap3A_469 {strides = array<i32>} : memref<128x64xf32, #tpu.memory_space<vmem>>, vector<1x16xf32>,
        %get3A_470 = arith.index_cast %add3A_430 : i32 to index
        %get3A_471 = arith.constant 48 : index
        %get3A_472 = tpu.vector_load %arg11[%get3A_470, %get3A_471] {strides = array<i32>} : memref<128x64xf32, #tpu.memory_space<vmem>>, vector<1x16xf32>,
        %get3A_473 = vector.shape_cast %get3A_472 : vector<1x16xf32> to vector<16xf32>
        %slice3A_474 = vector.extract_strided_slice %get3A_37 {offsets = [7], sizes = [1], strides = [1]} : vector<16xf32> to vector<1xf32>
        %squeeze3A_475 = vector.extract %slice3A_474[0] : f32 from vector<1xf32>
        %mul3A_476 = vector.broadcast %squeeze3A_475 : f32 to vector<16xf32>
        %mul3A_477 = arith.mulf %get3A_473, %mul3A_476 : vector<16xf32>
        %swap3A_478 = arith.index_cast %add3A_430 : i32 to index
        %swap3A_479 = arith.constant 48 : index
        %swap3A_480 = tpu.vector_load %arg11[%swap3A_478, %swap3A_479] {strides = array<i32>} : memref<128x64xf32, #tpu.memory_space<vmem>>, vector<1x16xf32>,
        %swap3A_481 = vector.shape_cast %swap3A_480 : vector<1x16xf32> to vector<16xf32>
        %swap3A_482 = vector.shape_cast %mul3A_477 : vector<16xf32> to vector<1x16xf32>
        tpu.vector_store %arg11[%swap3A_478, %swap3A_479], %swap3A_482 {strides = array<i32>} : memref<128x64xf32, #tpu.memory_space<vmem>>, vector<1x16xf32>,
        %mul3A_483 = arith.constant 16 : i32
        %mul3A_484 = arith.muli %scan3A_32, %mul3A_483 : i32
        %add3A_485 = arith.constant 8 : i32
        %add3A_486 = arith.addi %mul3A_484, %add3A_485 : i32
        %get3A_487 = arith.index_cast %add3A_486 : i32 to index
        %get3A_488 = arith.constant 0 : index
        %get3A_489 = tpu.vector_load %arg11[%get3A_487, %get3A_488] {strides = array<i32>} : memref<128x64xf32, #tpu.memory_space<vmem>>, vector<1x16xf32>,
        %get3A_490 = vector.shape_cast %get3A_489 : vector<1x16xf32> to vector<16xf32>
        %slice3A_491 = vector.extract_strided_slice %get3A_37 {offsets = [8], sizes = [1], strides = [1]} : vector<16xf32> to vector<1xf32>
        %squeeze3A_492 = vector.extract %slice3A_491[0] : f32 from vector<1xf32>
        %mul3A_493 = vector.broadcast %squeeze3A_492 : f32 to vector<16xf32>
        %mul3A_494 = arith.mulf %get3A_490, %mul3A_493 : vector<16xf32>
        %swap3A_495 = arith.index_cast %add3A_486 : i32 to index
        %swap3A_496 = arith.constant 0 : index
        %swap3A_497 = tpu.vector_load %arg11[%swap3A_495, %swap3A_496] {strides = array<i32>} : memref<128x64xf32, #tpu.memory_space<vmem>>, vector<1x16xf32>,
        %swap3A_498 = vector.shape_cast %swap3A_497 : vector<1x16xf32> to vector<16xf32>
        %swap3A_499 = vector.shape_cast %mul3A_494 : vector<16xf32> to vector<1x16xf32>
        tpu.vector_store %arg11[%swap3A_495, %swap3A_496], %swap3A_499 {strides = array<i32>} : memref<128x64xf32, #tpu.memory_space<vmem>>, vector<1x16xf32>,
        %get3A_500 = arith.index_cast %add3A_486 : i32 to index
        %get3A_501 = arith.constant 16 : index
        %get3A_502 = tpu.vector_load %arg11[%get3A_500, %get3A_501] {strides = array<i32>} : memref<128x64xf32, #tpu.memory_space<vmem>>, vector<1x16xf32>,
        %get3A_503 = vector.shape_cast %get3A_502 : vector<1x16xf32> to vector<16xf32>
        %slice3A_504 = vector.extract_strided_slice %get3A_37 {offsets = [8], sizes = [1], strides = [1]} : vector<16xf32> to vector<1xf32>
        %squeeze3A_505 = vector.extract %slice3A_504[0] : f32 from vector<1xf32>
        %mul3A_506 = vector.broadcast %squeeze3A_505 : f32 to vector<16xf32>
        %mul3A_507 = arith.mulf %get3A_503, %mul3A_506 : vector<16xf32>
        %swap3A_508 = arith.index_cast %add3A_486 : i32 to index
        %swap3A_509 = arith.constant 16 : index
        %swap3A_510 = tpu.vector_load %arg11[%swap3A_508, %swap3A_509] {strides = array<i32>} : memref<128x64xf32, #tpu.memory_space<vmem>>, vector<1x16xf32>,
        %swap3A_511 = vector.shape_cast %swap3A_510 : vector<1x16xf32> to vector<16xf32>
        %swap3A_512 = vector.shape_cast %mul3A_507 : vector<16xf32> to vector<1x16xf32>
        tpu.vector_store %arg11[%swap3A_508, %swap3A_509], %swap3A_512 {strides = array<i32>} : memref<128x64xf32, #tpu.memory_space<vmem>>, vector<1x16xf32>,
        %get3A_513 = arith.index_cast %add3A_486 : i32 to index
        %get3A_514 = arith.constant 32 : index
        %get3A_515 = tpu.vector_load %arg11[%get3A_513, %get3A_514] {strides = array<i32>} : memref<128x64xf32, #tpu.memory_space<vmem>>, vector<1x16xf32>,
        %get3A_516 = vector.shape_cast %get3A_515 : vector<1x16xf32> to vector<16xf32>
        %slice3A_517 = vector.extract_strided_slice %get3A_37 {offsets = [8], sizes = [1], strides = [1]} : vector<16xf32> to vector<1xf32>
        %squeeze3A_518 = vector.extract %slice3A_517[0] : f32 from vector<1xf32>
        %mul3A_519 = vector.broadcast %squeeze3A_518 : f32 to vector<16xf32>
        %mul3A_520 = arith.mulf %get3A_516, %mul3A_519 : vector<16xf32>
        %swap3A_521 = arith.index_cast %add3A_486 : i32 to index
        %swap3A_522 = arith.constant 32 : index
        %swap3A_523 = tpu.vector_load %arg11[%swap3A_521, %swap3A_522] {strides = array<i32>} : memref<128x64xf32, #tpu.memory_space<vmem>>, vector<1x16xf32>,
        %swap3A_524 = vector.shape_cast %swap3A_523 : vector<1x16xf32> to vector<16xf32>
        %swap3A_525 = vector.shape_cast %mul3A_520 : vector<16xf32> to vector<1x16xf32>
        tpu.vector_store %arg11[%swap3A_521, %swap3A_522], %swap3A_525 {strides = array<i32>} : memref<128x64xf32, #tpu.memory_space<vmem>>, vector<1x16xf32>,
        %get3A_526 = arith.index_cast %add3A_486 : i32 to index
        %get3A_527 = arith.constant 48 : index
        %get3A_528 = tpu.vector_load %arg11[%get3A_526, %get3A_527] {strides = array<i32>} : memref<128x64xf32, #tpu.memory_space<vmem>>, vector<1x16xf32>,
        %get3A_529 = vector.shape_cast %get3A_528 : vector<1x16xf32> to vector<16xf32>
        %slice3A_530 = vector.extract_strided_slice %get3A_37 {offsets = [8], sizes = [1], strides = [1]} : vector<16xf32> to vector<1xf32>
        %squeeze3A_531 = vector.extract %slice3A_530[0] : f32 from vector<1xf32>
        %mul3A_532 = vector.broadcast %squeeze3A_531 : f32 to vector<16xf32>
        %mul3A_533 = arith.mulf %get3A_529, %mul3A_532 : vector<16xf32>
        %swap3A_534 = arith.index_cast %add3A_486 : i32 to index
        %swap3A_535 = arith.constant 48 : index
        %swap3A_536 = tpu.vector_load %arg11[%swap3A_534, %swap3A_535] {strides = array<i32>} : memref<128x64xf32, #tpu.memory_space<vmem>>, vector<1x16xf32>,
        %swap3A_537 = vector.shape_cast %swap3A_536 : vector<1x16xf32> to vector<16xf32>
        %swap3A_538 = vector.shape_cast %mul3A_533 : vector<16xf32> to vector<1x16xf32>
        tpu.vector_store %arg11[%swap3A_534, %swap3A_535], %swap3A_538 {strides = array<i32>} : memref<128x64xf32, #tpu.memory_space<vmem>>, vector<1x16xf32>,
        %mul3A_539 = arith.constant 16 : i32
        %mul3A_540 = arith.muli %scan3A_32, %mul3A_539 : i32
        %add3A_541 = arith.constant 9 : i32
        %add3A_542 = arith.addi %mul3A_540, %add3A_541 : i32
        %get3A_543 = arith.index_cast %add3A_542 : i32 to index
        %get3A_544 = arith.constant 0 : index
        %get3A_545 = tpu.vector_load %arg11[%get3A_543, %get3A_544] {strides = array<i32>} : memref<128x64xf32, #tpu.memory_space<vmem>>, vector<1x16xf32>,
        %get3A_546 = vector.shape_cast %get3A_545 : vector<1x16xf32> to vector<16xf32>
        %slice3A_547 = vector.extract_strided_slice %get3A_37 {offsets = [9], sizes = [1], strides = [1]} : vector<16xf32> to vector<1xf32>
        %squeeze3A_548 = vector.extract %slice3A_547[0] : f32 from vector<1xf32>
        %mul3A_549 = vector.broadcast %squeeze3A_548 : f32 to vector<16xf32>
        %mul3A_550 = arith.mulf %get3A_546, %mul3A_549 : vector<16xf32>
        %swap3A_551 = arith.index_cast %add3A_542 : i32 to index
        %swap3A_552 = arith.constant 0 : index
        %swap3A_553 = tpu.vector_load %arg11[%swap3A_551, %swap3A_552] {strides = array<i32>} : memref<128x64xf32, #tpu.memory_space<vmem>>, vector<1x16xf32>,
        %swap3A_554 = vector.shape_cast %swap3A_553 : vector<1x16xf32> to vector<16xf32>
        %swap3A_555 = vector.shape_cast %mul3A_550 : vector<16xf32> to vector<1x16xf32>
        tpu.vector_store %arg11[%swap3A_551, %swap3A_552], %swap3A_555 {strides = array<i32>} : memref<128x64xf32, #tpu.memory_space<vmem>>, vector<1x16xf32>,
        %get3A_556 = arith.index_cast %add3A_542 : i32 to index
        %get3A_557 = arith.constant 16 : index
        %get3A_558 = tpu.vector_load %arg11[%get3A_556, %get3A_557] {strides = array<i32>} : memref<128x64xf32, #tpu.memory_space<vmem>>, vector<1x16xf32>,
        %get3A_559 = vector.shape_cast %get3A_558 : vector<1x16xf32> to vector<16xf32>
        %slice3A_560 = vector.extract_strided_slice %get3A_37 {offsets = [9], sizes = [1], strides = [1]} : vector<16xf32> to vector<1xf32>
        %squeeze3A_561 = vector.extract %slice3A_560[0] : f32 from vector<1xf32>
        %mul3A_562 = vector.broadcast %squeeze3A_561 : f32 to vector<16xf32>
        %mul3A_563 = arith.mulf %get3A_559, %mul3A_562 : vector<16xf32>
        %swap3A_564 = arith.index_cast %add3A_542 : i32 to index
        %swap3A_565 = arith.constant 16 : index
        %swap3A_566 = tpu.vector_load %arg11[%swap3A_564, %swap3A_565] {strides = array<i32>} : memref<128x64xf32, #tpu.memory_space<vmem>>, vector<1x16xf32>,
        %swap3A_567 = vector.shape_cast %swap3A_566 : vector<1x16xf32> to vector<16xf32>
        %swap3A_568 = vector.shape_cast %mul3A_563 : vector<16xf32> to vector<1x16xf32>
        tpu.vector_store %arg11[%swap3A_564, %swap3A_565], %swap3A_568 {strides = array<i32>} : memref<128x64xf32, #tpu.memory_space<vmem>>, vector<1x16xf32>,
        %get3A_569 = arith.index_cast %add3A_542 : i32 to index
        %get3A_570 = arith.constant 32 : index
        %get3A_571 = tpu.vector_load %arg11[%get3A_569, %get3A_570] {strides = array<i32>} : memref<128x64xf32, #tpu.memory_space<vmem>>, vector<1x16xf32>,
        %get3A_572 = vector.shape_cast %get3A_571 : vector<1x16xf32> to vector<16xf32>
        %slice3A_573 = vector.extract_strided_slice %get3A_37 {offsets = [9], sizes = [1], strides = [1]} : vector<16xf32> to vector<1xf32>
        %squeeze3A_574 = vector.extract %slice3A_573[0] : f32 from vector<1xf32>
        %mul3A_575 = vector.broadcast %squeeze3A_574 : f32 to vector<16xf32>
        %mul3A_576 = arith.mulf %get3A_572, %mul3A_575 : vector<16xf32>
        %swap3A_577 = arith.index_cast %add3A_542 : i32 to index
        %swap3A_578 = arith.constant 32 : index
        %swap3A_579 = tpu.vector_load %arg11[%swap3A_577, %swap3A_578] {strides = array<i32>} : memref<128x64xf32, #tpu.memory_space<vmem>>, vector<1x16xf32>,
        %swap3A_580 = vector.shape_cast %swap3A_579 : vector<1x16xf32> to vector<16xf32>
        %swap3A_581 = vector.shape_cast %mul3A_576 : vector<16xf32> to vector<1x16xf32>
        tpu.vector_store %arg11[%swap3A_577, %swap3A_578], %swap3A_581 {strides = array<i32>} : memref<128x64xf32, #tpu.memory_space<vmem>>, vector<1x16xf32>,
        %get3A_582 = arith.index_cast %add3A_542 : i32 to index
        %get3A_583 = arith.constant 48 : index
        %get3A_584 = tpu.vector_load %arg11[%get3A_582, %get3A_583] {strides = array<i32>} : memref<128x64xf32, #tpu.memory_space<vmem>>, vector<1x16xf32>,
        %get3A_585 = vector.shape_cast %get3A_584 : vector<1x16xf32> to vector<16xf32>
        %slice3A_586 = vector.extract_strided_slice %get3A_37 {offsets = [9], sizes = [1], strides = [1]} : vector<16xf32> to vector<1xf32>
        %squeeze3A_587 = vector.extract %slice3A_586[0] : f32 from vector<1xf32>
        %mul3A_588 = vector.broadcast %squeeze3A_587 : f32 to vector<16xf32>
        %mul3A_589 = arith.mulf %get3A_585, %mul3A_588 : vector<16xf32>
        %swap3A_590 = arith.index_cast %add3A_542 : i32 to index
        %swap3A_591 = arith.constant 48 : index
        %swap3A_592 = tpu.vector_load %arg11[%swap3A_590, %swap3A_591] {strides = array<i32>} : memref<128x64xf32, #tpu.memory_space<vmem>>, vector<1x16xf32>,
        %swap3A_593 = vector.shape_cast %swap3A_592 : vector<1x16xf32> to vector<16xf32>
        %swap3A_594 = vector.shape_cast %mul3A_589 : vector<16xf32> to vector<1x16xf32>
        tpu.vector_store %arg11[%swap3A_590, %swap3A_591], %swap3A_594 {strides = array<i32>} : memref<128x64xf32, #tpu.memory_space<vmem>>, vector<1x16xf32>,
        %mul3A_595 = arith.constant 16 : i32
        %mul3A_596 = arith.muli %scan3A_32, %mul3A_595 : i32
        %add3A_597 = arith.constant 10 : i32
        %add3A_598 = arith.addi %mul3A_596, %add3A_597 : i32
        %get3A_599 = arith.index_cast %add3A_598 : i32 to index
        %get3A_600 = arith.constant 0 : index
        %get3A_601 = tpu.vector_load %arg11[%get3A_599, %get3A_600] {strides = array<i32>} : memref<128x64xf32, #tpu.memory_space<vmem>>, vector<1x16xf32>,
        %get3A_602 = vector.shape_cast %get3A_601 : vector<1x16xf32> to vector<16xf32>
        %slice3A_603 = vector.extract_strided_slice %get3A_37 {offsets = [10], sizes = [1], strides = [1]} : vector<16xf32> to vector<1xf32>
        %squeeze3A_604 = vector.extract %slice3A_603[0] : f32 from vector<1xf32>
        %mul3A_605 = vector.broadcast %squeeze3A_604 : f32 to vector<16xf32>
        %mul3A_606 = arith.mulf %get3A_602, %mul3A_605 : vector<16xf32>
        %swap3A_607 = arith.index_cast %add3A_598 : i32 to index
        %swap3A_608 = arith.constant 0 : index
        %swap3A_609 = tpu.vector_load %arg11[%swap3A_607, %swap3A_608] {strides = array<i32>} : memref<128x64xf32, #tpu.memory_space<vmem>>, vector<1x16xf32>,
        %swap3A_610 = vector.shape_cast %swap3A_609 : vector<1x16xf32> to vector<16xf32>
        %swap3A_611 = vector.shape_cast %mul3A_606 : vector<16xf32> to vector<1x16xf32>
        tpu.vector_store %arg11[%swap3A_607, %swap3A_608], %swap3A_611 {strides = array<i32>} : memref<128x64xf32, #tpu.memory_space<vmem>>, vector<1x16xf32>,
        %get3A_612 = arith.index_cast %add3A_598 : i32 to index
        %get3A_613 = arith.constant 16 : index
        %get3A_614 = tpu.vector_load %arg11[%get3A_612, %get3A_613] {strides = array<i32>} : memref<128x64xf32, #tpu.memory_space<vmem>>, vector<1x16xf32>,
        %get3A_615 = vector.shape_cast %get3A_614 : vector<1x16xf32> to vector<16xf32>
        %slice3A_616 = vector.extract_strided_slice %get3A_37 {offsets = [10], sizes = [1], strides = [1]} : vector<16xf32> to vector<1xf32>
        %squeeze3A_617 = vector.extract %slice3A_616[0] : f32 from vector<1xf32>
        %mul3A_618 = vector.broadcast %squeeze3A_617 : f32 to vector<16xf32>
        %mul3A_619 = arith.mulf %get3A_615, %mul3A_618 : vector<16xf32>
        %swap3A_620 = arith.index_cast %add3A_598 : i32 to index
        %swap3A_621 = arith.constant 16 : index
        %swap3A_622 = tpu.vector_load %arg11[%swap3A_620, %swap3A_621] {strides = array<i32>} : memref<128x64xf32, #tpu.memory_space<vmem>>, vector<1x16xf32>,
        %swap3A_623 = vector.shape_cast %swap3A_622 : vector<1x16xf32> to vector<16xf32>
        %swap3A_624 = vector.shape_cast %mul3A_619 : vector<16xf32> to vector<1x16xf32>
        tpu.vector_store %arg11[%swap3A_620, %swap3A_621], %swap3A_624 {strides = array<i32>} : memref<128x64xf32, #tpu.memory_space<vmem>>, vector<1x16xf32>,
        %get3A_625 = arith.index_cast %add3A_598 : i32 to index
        %get3A_626 = arith.constant 32 : index
        %get3A_627 = tpu.vector_load %arg11[%get3A_625, %get3A_626] {strides = array<i32>} : memref<128x64xf32, #tpu.memory_space<vmem>>, vector<1x16xf32>,
        %get3A_628 = vector.shape_cast %get3A_627 : vector<1x16xf32> to vector<16xf32>
        %slice3A_629 = vector.extract_strided_slice %get3A_37 {offsets = [10], sizes = [1], strides = [1]} : vector<16xf32> to vector<1xf32>
        %squeeze3A_630 = vector.extract %slice3A_629[0] : f32 from vector<1xf32>
        %mul3A_631 = vector.broadcast %squeeze3A_630 : f32 to vector<16xf32>
        %mul3A_632 = arith.mulf %get3A_628, %mul3A_631 : vector<16xf32>
        %swap3A_633 = arith.index_cast %add3A_598 : i32 to index
        %swap3A_634 = arith.constant 32 : index
        %swap3A_635 = tpu.vector_load %arg11[%swap3A_633, %swap3A_634] {strides = array<i32>} : memref<128x64xf32, #tpu.memory_space<vmem>>, vector<1x16xf32>,
        %swap3A_636 = vector.shape_cast %swap3A_635 : vector<1x16xf32> to vector<16xf32>
        %swap3A_637 = vector.shape_cast %mul3A_632 : vector<16xf32> to vector<1x16xf32>
        tpu.vector_store %arg11[%swap3A_633, %swap3A_634], %swap3A_637 {strides = array<i32>} : memref<128x64xf32, #tpu.memory_space<vmem>>, vector<1x16xf32>,
        %get3A_638 = arith.index_cast %add3A_598 : i32 to index
        %get3A_639 = arith.constant 48 : index
        %get3A_640 = tpu.vector_load %arg11[%get3A_638, %get3A_639] {strides = array<i32>} : memref<128x64xf32, #tpu.memory_space<vmem>>, vector<1x16xf32>,
        %get3A_641 = vector.shape_cast %get3A_640 : vector<1x16xf32> to vector<16xf32>
        %slice3A_642 = vector.extract_strided_slice %get3A_37 {offsets = [10], sizes = [1], strides = [1]} : vector<16xf32> to vector<1xf32>
        %squeeze3A_643 = vector.extract %slice3A_642[0] : f32 from vector<1xf32>
        %mul3A_644 = vector.broadcast %squeeze3A_643 : f32 to vector<16xf32>
        %mul3A_645 = arith.mulf %get3A_641, %mul3A_644 : vector<16xf32>
        %swap3A_646 = arith.index_cast %add3A_598 : i32 to index
        %swap3A_647 = arith.constant 48 : index
        %swap3A_648 = tpu.vector_load %arg11[%swap3A_646, %swap3A_647] {strides = array<i32>} : memref<128x64xf32, #tpu.memory_space<vmem>>, vector<1x16xf32>,
        %swap3A_649 = vector.shape_cast %swap3A_648 : vector<1x16xf32> to vector<16xf32>
        %swap3A_650 = vector.shape_cast %mul3A_645 : vector<16xf32> to vector<1x16xf32>
        tpu.vector_store %arg11[%swap3A_646, %swap3A_647], %swap3A_650 {strides = array<i32>} : memref<128x64xf32, #tpu.memory_space<vmem>>, vector<1x16xf32>,
        %mul3A_651 = arith.constant 16 : i32
        %mul3A_652 = arith.muli %scan3A_32, %mul3A_651 : i32
        %add3A_653 = arith.constant 11 : i32
        %add3A_654 = arith.addi %mul3A_652, %add3A_653 : i32
        %get3A_655 = arith.index_cast %add3A_654 : i32 to index
        %get3A_656 = arith.constant 0 : index
        %get3A_657 = tpu.vector_load %arg11[%get3A_655, %get3A_656] {strides = array<i32>} : memref<128x64xf32, #tpu.memory_space<vmem>>, vector<1x16xf32>,
        %get3A_658 = vector.shape_cast %get3A_657 : vector<1x16xf32> to vector<16xf32>
        %slice3A_659 = vector.extract_strided_slice %get3A_37 {offsets = [11], sizes = [1], strides = [1]} : vector<16xf32> to vector<1xf32>
        %squeeze3A_660 = vector.extract %slice3A_659[0] : f32 from vector<1xf32>
        %mul3A_661 = vector.broadcast %squeeze3A_660 : f32 to vector<16xf32>
        %mul3A_662 = arith.mulf %get3A_658, %mul3A_661 : vector<16xf32>
        %swap3A_663 = arith.index_cast %add3A_654 : i32 to index
        %swap3A_664 = arith.constant 0 : index
        %swap3A_665 = tpu.vector_load %arg11[%swap3A_663, %swap3A_664] {strides = array<i32>} : memref<128x64xf32, #tpu.memory_space<vmem>>, vector<1x16xf32>,
        %swap3A_666 = vector.shape_cast %swap3A_665 : vector<1x16xf32> to vector<16xf32>
        %swap3A_667 = vector.shape_cast %mul3A_662 : vector<16xf32> to vector<1x16xf32>
        tpu.vector_store %arg11[%swap3A_663, %swap3A_664], %swap3A_667 {strides = array<i32>} : memref<128x64xf32, #tpu.memory_space<vmem>>, vector<1x16xf32>,
        %get3A_668 = arith.index_cast %add3A_654 : i32 to index
        %get3A_669 = arith.constant 16 : index
        %get3A_670 = tpu.vector_load %arg11[%get3A_668, %get3A_669] {strides = array<i32>} : memref<128x64xf32, #tpu.memory_space<vmem>>, vector<1x16xf32>,
        %get3A_671 = vector.shape_cast %get3A_670 : vector<1x16xf32> to vector<16xf32>
        %slice3A_672 = vector.extract_strided_slice %get3A_37 {offsets = [11], sizes = [1], strides = [1]} : vector<16xf32> to vector<1xf32>
        %squeeze3A_673 = vector.extract %slice3A_672[0] : f32 from vector<1xf32>
        %mul3A_674 = vector.broadcast %squeeze3A_673 : f32 to vector<16xf32>
        %mul3A_675 = arith.mulf %get3A_671, %mul3A_674 : vector<16xf32>
        %swap3A_676 = arith.index_cast %add3A_654 : i32 to index
        %swap3A_677 = arith.constant 16 : index
        %swap3A_678 = tpu.vector_load %arg11[%swap3A_676, %swap3A_677] {strides = array<i32>} : memref<128x64xf32, #tpu.memory_space<vmem>>, vector<1x16xf32>,
        %swap3A_679 = vector.shape_cast %swap3A_678 : vector<1x16xf32> to vector<16xf32>
        %swap3A_680 = vector.shape_cast %mul3A_675 : vector<16xf32> to vector<1x16xf32>
        tpu.vector_store %arg11[%swap3A_676, %swap3A_677], %swap3A_680 {strides = array<i32>} : memref<128x64xf32, #tpu.memory_space<vmem>>, vector<1x16xf32>,
        %get3A_681 = arith.index_cast %add3A_654 : i32 to index
        %get3A_682 = arith.constant 32 : index
        %get3A_683 = tpu.vector_load %arg11[%get3A_681, %get3A_682] {strides = array<i32>} : memref<128x64xf32, #tpu.memory_space<vmem>>, vector<1x16xf32>,
        %get3A_684 = vector.shape_cast %get3A_683 : vector<1x16xf32> to vector<16xf32>
        %slice3A_685 = vector.extract_strided_slice %get3A_37 {offsets = [11], sizes = [1], strides = [1]} : vector<16xf32> to vector<1xf32>
        %squeeze3A_686 = vector.extract %slice3A_685[0] : f32 from vector<1xf32>
        %mul3A_687 = vector.broadcast %squeeze3A_686 : f32 to vector<16xf32>
        %mul3A_688 = arith.mulf %get3A_684, %mul3A_687 : vector<16xf32>
        %swap3A_689 = arith.index_cast %add3A_654 : i32 to index
        %swap3A_690 = arith.constant 32 : index
        %swap3A_691 = tpu.vector_load %arg11[%swap3A_689, %swap3A_690] {strides = array<i32>} : memref<128x64xf32, #tpu.memory_space<vmem>>, vector<1x16xf32>,
        %swap3A_692 = vector.shape_cast %swap3A_691 : vector<1x16xf32> to vector<16xf32>
        %swap3A_693 = vector.shape_cast %mul3A_688 : vector<16xf32> to vector<1x16xf32>
        tpu.vector_store %arg11[%swap3A_689, %swap3A_690], %swap3A_693 {strides = array<i32>} : memref<128x64xf32, #tpu.memory_space<vmem>>, vector<1x16xf32>,
        %get3A_694 = arith.index_cast %add3A_654 : i32 to index
        %get3A_695 = arith.constant 48 : index
        %get3A_696 = tpu.vector_load %arg11[%get3A_694, %get3A_695] {strides = array<i32>} : memref<128x64xf32, #tpu.memory_space<vmem>>, vector<1x16xf32>,
        %get3A_697 = vector.shape_cast %get3A_696 : vector<1x16xf32> to vector<16xf32>
        %slice3A_698 = vector.extract_strided_slice %get3A_37 {offsets = [11], sizes = [1], strides = [1]} : vector<16xf32> to vector<1xf32>
        %squeeze3A_699 = vector.extract %slice3A_698[0] : f32 from vector<1xf32>
        %mul3A_700 = vector.broadcast %squeeze3A_699 : f32 to vector<16xf32>
        %mul3A_701 = arith.mulf %get3A_697, %mul3A_700 : vector<16xf32>
        %swap3A_702 = arith.index_cast %add3A_654 : i32 to index
        %swap3A_703 = arith.constant 48 : index
        %swap3A_704 = tpu.vector_load %arg11[%swap3A_702, %swap3A_703] {strides = array<i32>} : memref<128x64xf32, #tpu.memory_space<vmem>>, vector<1x16xf32>,
        %swap3A_705 = vector.shape_cast %swap3A_704 : vector<1x16xf32> to vector<16xf32>
        %swap3A_706 = vector.shape_cast %mul3A_701 : vector<16xf32> to vector<1x16xf32>
        tpu.vector_store %arg11[%swap3A_702, %swap3A_703], %swap3A_706 {strides = array<i32>} : memref<128x64xf32, #tpu.memory_space<vmem>>, vector<1x16xf32>,
        %mul3A_707 = arith.constant 16 : i32
        %mul3A_708 = arith.muli %scan3A_32, %mul3A_707 : i32
        %add3A_709 = arith.constant 12 : i32
        %add3A_710 = arith.addi %mul3A_708, %add3A_709 : i32
        %get3A_711 = arith.index_cast %add3A_710 : i32 to index
        %get3A_712 = arith.constant 0 : index
        %get3A_713 = tpu.vector_load %arg11[%get3A_711, %get3A_712] {strides = array<i32>} : memref<128x64xf32, #tpu.memory_space<vmem>>, vector<1x16xf32>,
        %get3A_714 = vector.shape_cast %get3A_713 : vector<1x16xf32> to vector<16xf32>
        %slice3A_715 = vector.extract_strided_slice %get3A_37 {offsets = [12], sizes = [1], strides = [1]} : vector<16xf32> to vector<1xf32>
        %squeeze3A_716 = vector.extract %slice3A_715[0] : f32 from vector<1xf32>
        %mul3A_717 = vector.broadcast %squeeze3A_716 : f32 to vector<16xf32>
        %mul3A_718 = arith.mulf %get3A_714, %mul3A_717 : vector<16xf32>
        %swap3A_719 = arith.index_cast %add3A_710 : i32 to index
        %swap3A_720 = arith.constant 0 : index
        %swap3A_721 = tpu.vector_load %arg11[%swap3A_719, %swap3A_720] {strides = array<i32>} : memref<128x64xf32, #tpu.memory_space<vmem>>, vector<1x16xf32>,
        %swap3A_722 = vector.shape_cast %swap3A_721 : vector<1x16xf32> to vector<16xf32>
        %swap3A_723 = vector.shape_cast %mul3A_718 : vector<16xf32> to vector<1x16xf32>
        tpu.vector_store %arg11[%swap3A_719, %swap3A_720], %swap3A_723 {strides = array<i32>} : memref<128x64xf32, #tpu.memory_space<vmem>>, vector<1x16xf32>,
        %get3A_724 = arith.index_cast %add3A_710 : i32 to index
        %get3A_725 = arith.constant 16 : index
        %get3A_726 = tpu.vector_load %arg11[%get3A_724, %get3A_725] {strides = array<i32>} : memref<128x64xf32, #tpu.memory_space<vmem>>, vector<1x16xf32>,
        %get3A_727 = vector.shape_cast %get3A_726 : vector<1x16xf32> to vector<16xf32>
        %slice3A_728 = vector.extract_strided_slice %get3A_37 {offsets = [12], sizes = [1], strides = [1]} : vector<16xf32> to vector<1xf32>
        %squeeze3A_729 = vector.extract %slice3A_728[0] : f32 from vector<1xf32>
        %mul3A_730 = vector.broadcast %squeeze3A_729 : f32 to vector<16xf32>
        %mul3A_731 = arith.mulf %get3A_727, %mul3A_730 : vector<16xf32>
        %swap3A_732 = arith.index_cast %add3A_710 : i32 to index
        %swap3A_733 = arith.constant 16 : index
        %swap3A_734 = tpu.vector_load %arg11[%swap3A_732, %swap3A_733] {strides = array<i32>} : memref<128x64xf32, #tpu.memory_space<vmem>>, vector<1x16xf32>,
        %swap3A_735 = vector.shape_cast %swap3A_734 : vector<1x16xf32> to vector<16xf32>
        %swap3A_736 = vector.shape_cast %mul3A_731 : vector<16xf32> to vector<1x16xf32>
        tpu.vector_store %arg11[%swap3A_732, %swap3A_733], %swap3A_736 {strides = array<i32>} : memref<128x64xf32, #tpu.memory_space<vmem>>, vector<1x16xf32>,
        %get3A_737 = arith.index_cast %add3A_710 : i32 to index
        %get3A_738 = arith.constant 32 : index
        %get3A_739 = tpu.vector_load %arg11[%get3A_737, %get3A_738] {strides = array<i32>} : memref<128x64xf32, #tpu.memory_space<vmem>>, vector<1x16xf32>,
        %get3A_740 = vector.shape_cast %get3A_739 : vector<1x16xf32> to vector<16xf32>
        %slice3A_741 = vector.extract_strided_slice %get3A_37 {offsets = [12], sizes = [1], strides = [1]} : vector<16xf32> to vector<1xf32>
        %squeeze3A_742 = vector.extract %slice3A_741[0] : f32 from vector<1xf32>
        %mul3A_743 = vector.broadcast %squeeze3A_742 : f32 to vector<16xf32>
        %mul3A_744 = arith.mulf %get3A_740, %mul3A_743 : vector<16xf32>
        %swap3A_745 = arith.index_cast %add3A_710 : i32 to index
        %swap3A_746 = arith.constant 32 : index
        %swap3A_747 = tpu.vector_load %arg11[%swap3A_745, %swap3A_746] {strides = array<i32>} : memref<128x64xf32, #tpu.memory_space<vmem>>, vector<1x16xf32>,
        %swap3A_748 = vector.shape_cast %swap3A_747 : vector<1x16xf32> to vector<16xf32>
        %swap3A_749 = vector.shape_cast %mul3A_744 : vector<16xf32> to vector<1x16xf32>
        tpu.vector_store %arg11[%swap3A_745, %swap3A_746], %swap3A_749 {strides = array<i32>} : memref<128x64xf32, #tpu.memory_space<vmem>>, vector<1x16xf32>,
        %get3A_750 = arith.index_cast %add3A_710 : i32 to index
        %get3A_751 = arith.constant 48 : index
        %get3A_752 = tpu.vector_load %arg11[%get3A_750, %get3A_751] {strides = array<i32>} : memref<128x64xf32, #tpu.memory_space<vmem>>, vector<1x16xf32>,
        %get3A_753 = vector.shape_cast %get3A_752 : vector<1x16xf32> to vector<16xf32>
        %slice3A_754 = vector.extract_strided_slice %get3A_37 {offsets = [12], sizes = [1], strides = [1]} : vector<16xf32> to vector<1xf32>
        %squeeze3A_755 = vector.extract %slice3A_754[0] : f32 from vector<1xf32>
        %mul3A_756 = vector.broadcast %squeeze3A_755 : f32 to vector<16xf32>
        %mul3A_757 = arith.mulf %get3A_753, %mul3A_756 : vector<16xf32>
        %swap3A_758 = arith.index_cast %add3A_710 : i32 to index
        %swap3A_759 = arith.constant 48 : index
        %swap3A_760 = tpu.vector_load %arg11[%swap3A_758, %swap3A_759] {strides = array<i32>} : memref<128x64xf32, #tpu.memory_space<vmem>>, vector<1x16xf32>,
        %swap3A_761 = vector.shape_cast %swap3A_760 : vector<1x16xf32> to vector<16xf32>
        %swap3A_762 = vector.shape_cast %mul3A_757 : vector<16xf32> to vector<1x16xf32>
        tpu.vector_store %arg11[%swap3A_758, %swap3A_759], %swap3A_762 {strides = array<i32>} : memref<128x64xf32, #tpu.memory_space<vmem>>, vector<1x16xf32>,
        %mul3A_763 = arith.constant 16 : i32
        %mul3A_764 = arith.muli %scan3A_32, %mul3A_763 : i32
        %add3A_765 = arith.constant 13 : i32
        %add3A_766 = arith.addi %mul3A_764, %add3A_765 : i32
        %get3A_767 = arith.index_cast %add3A_766 : i32 to index
        %get3A_768 = arith.constant 0 : index
        %get3A_769 = tpu.vector_load %arg11[%get3A_767, %get3A_768] {strides = array<i32>} : memref<128x64xf32, #tpu.memory_space<vmem>>, vector<1x16xf32>,
        %get3A_770 = vector.shape_cast %get3A_769 : vector<1x16xf32> to vector<16xf32>
        %slice3A_771 = vector.extract_strided_slice %get3A_37 {offsets = [13], sizes = [1], strides = [1]} : vector<16xf32> to vector<1xf32>
        %squeeze3A_772 = vector.extract %slice3A_771[0] : f32 from vector<1xf32>
        %mul3A_773 = vector.broadcast %squeeze3A_772 : f32 to vector<16xf32>
        %mul3A_774 = arith.mulf %get3A_770, %mul3A_773 : vector<16xf32>
        %swap3A_775 = arith.index_cast %add3A_766 : i32 to index
        %swap3A_776 = arith.constant 0 : index
        %swap3A_777 = tpu.vector_load %arg11[%swap3A_775, %swap3A_776] {strides = array<i32>} : memref<128x64xf32, #tpu.memory_space<vmem>>, vector<1x16xf32>,
        %swap3A_778 = vector.shape_cast %swap3A_777 : vector<1x16xf32> to vector<16xf32>
        %swap3A_779 = vector.shape_cast %mul3A_774 : vector<16xf32> to vector<1x16xf32>
        tpu.vector_store %arg11[%swap3A_775, %swap3A_776], %swap3A_779 {strides = array<i32>} : memref<128x64xf32, #tpu.memory_space<vmem>>, vector<1x16xf32>,
        %get3A_780 = arith.index_cast %add3A_766 : i32 to index
        %get3A_781 = arith.constant 16 : index
        %get3A_782 = tpu.vector_load %arg11[%get3A_780, %get3A_781] {strides = array<i32>} : memref<128x64xf32, #tpu.memory_space<vmem>>, vector<1x16xf32>,
        %get3A_783 = vector.shape_cast %get3A_782 : vector<1x16xf32> to vector<16xf32>
        %slice3A_784 = vector.extract_strided_slice %get3A_37 {offsets = [13], sizes = [1], strides = [1]} : vector<16xf32> to vector<1xf32>
        %squeeze3A_785 = vector.extract %slice3A_784[0] : f32 from vector<1xf32>
        %mul3A_786 = vector.broadcast %squeeze3A_785 : f32 to vector<16xf32>
        %mul3A_787 = arith.mulf %get3A_783, %mul3A_786 : vector<16xf32>
        %swap3A_788 = arith.index_cast %add3A_766 : i32 to index
        %swap3A_789 = arith.constant 16 : index
        %swap3A_790 = tpu.vector_load %arg11[%swap3A_788, %swap3A_789] {strides = array<i32>} : memref<128x64xf32, #tpu.memory_space<vmem>>, vector<1x16xf32>,
        %swap3A_791 = vector.shape_cast %swap3A_790 : vector<1x16xf32> to vector<16xf32>
        %swap3A_792 = vector.shape_cast %mul3A_787 : vector<16xf32> to vector<1x16xf32>
        tpu.vector_store %arg11[%swap3A_788, %swap3A_789], %swap3A_792 {strides = array<i32>} : memref<128x64xf32, #tpu.memory_space<vmem>>, vector<1x16xf32>,
        %get3A_793 = arith.index_cast %add3A_766 : i32 to index
        %get3A_794 = arith.constant 32 : index
        %get3A_795 = tpu.vector_load %arg11[%get3A_793, %get3A_794] {strides = array<i32>} : memref<128x64xf32, #tpu.memory_space<vmem>>, vector<1x16xf32>,
        %get3A_796 = vector.shape_cast %get3A_795 : vector<1x16xf32> to vector<16xf32>
        %slice3A_797 = vector.extract_strided_slice %get3A_37 {offsets = [13], sizes = [1], strides = [1]} : vector<16xf32> to vector<1xf32>
        %squeeze3A_798 = vector.extract %slice3A_797[0] : f32 from vector<1xf32>
        %mul3A_799 = vector.broadcast %squeeze3A_798 : f32 to vector<16xf32>
        %mul3A_800 = arith.mulf %get3A_796, %mul3A_799 : vector<16xf32>
        %swap3A_801 = arith.index_cast %add3A_766 : i32 to index
        %swap3A_802 = arith.constant 32 : index
        %swap3A_803 = tpu.vector_load %arg11[%swap3A_801, %swap3A_802] {strides = array<i32>} : memref<128x64xf32, #tpu.memory_space<vmem>>, vector<1x16xf32>,
        %swap3A_804 = vector.shape_cast %swap3A_803 : vector<1x16xf32> to vector<16xf32>
        %swap3A_805 = vector.shape_cast %mul3A_800 : vector<16xf32> to vector<1x16xf32>
        tpu.vector_store %arg11[%swap3A_801, %swap3A_802], %swap3A_805 {strides = array<i32>} : memref<128x64xf32, #tpu.memory_space<vmem>>, vector<1x16xf32>,
        %get3A_806 = arith.index_cast %add3A_766 : i32 to index
        %get3A_807 = arith.constant 48 : index
        %get3A_808 = tpu.vector_load %arg11[%get3A_806, %get3A_807] {strides = array<i32>} : memref<128x64xf32, #tpu.memory_space<vmem>>, vector<1x16xf32>,
        %get3A_809 = vector.shape_cast %get3A_808 : vector<1x16xf32> to vector<16xf32>
        %slice3A_810 = vector.extract_strided_slice %get3A_37 {offsets = [13], sizes = [1], strides = [1]} : vector<16xf32> to vector<1xf32>
        %squeeze3A_811 = vector.extract %slice3A_810[0] : f32 from vector<1xf32>
        %mul3A_812 = vector.broadcast %squeeze3A_811 : f32 to vector<16xf32>
        %mul3A_813 = arith.mulf %get3A_809, %mul3A_812 : vector<16xf32>
        %swap3A_814 = arith.index_cast %add3A_766 : i32 to index
        %swap3A_815 = arith.constant 48 : index
        %swap3A_816 = tpu.vector_load %arg11[%swap3A_814, %swap3A_815] {strides = array<i32>} : memref<128x64xf32, #tpu.memory_space<vmem>>, vector<1x16xf32>,
        %swap3A_817 = vector.shape_cast %swap3A_816 : vector<1x16xf32> to vector<16xf32>
        %swap3A_818 = vector.shape_cast %mul3A_813 : vector<16xf32> to vector<1x16xf32>
        tpu.vector_store %arg11[%swap3A_814, %swap3A_815], %swap3A_818 {strides = array<i32>} : memref<128x64xf32, #tpu.memory_space<vmem>>, vector<1x16xf32>,
        %mul3A_819 = arith.constant 16 : i32
        %mul3A_820 = arith.muli %scan3A_32, %mul3A_819 : i32
        %add3A_821 = arith.constant 14 : i32
        %add3A_822 = arith.addi %mul3A_820, %add3A_821 : i32
        %get3A_823 = arith.index_cast %add3A_822 : i32 to index
        %get3A_824 = arith.constant 0 : index
        %get3A_825 = tpu.vector_load %arg11[%get3A_823, %get3A_824] {strides = array<i32>} : memref<128x64xf32, #tpu.memory_space<vmem>>, vector<1x16xf32>,
        %get3A_826 = vector.shape_cast %get3A_825 : vector<1x16xf32> to vector<16xf32>
        %slice3A_827 = vector.extract_strided_slice %get3A_37 {offsets = [14], sizes = [1], strides = [1]} : vector<16xf32> to vector<1xf32>
        %squeeze3A_828 = vector.extract %slice3A_827[0] : f32 from vector<1xf32>
        %mul3A_829 = vector.broadcast %squeeze3A_828 : f32 to vector<16xf32>
        %mul3A_830 = arith.mulf %get3A_826, %mul3A_829 : vector<16xf32>
        %swap3A_831 = arith.index_cast %add3A_822 : i32 to index
        %swap3A_832 = arith.constant 0 : index
        %swap3A_833 = tpu.vector_load %arg11[%swap3A_831, %swap3A_832] {strides = array<i32>} : memref<128x64xf32, #tpu.memory_space<vmem>>, vector<1x16xf32>,
        %swap3A_834 = vector.shape_cast %swap3A_833 : vector<1x16xf32> to vector<16xf32>
        %swap3A_835 = vector.shape_cast %mul3A_830 : vector<16xf32> to vector<1x16xf32>
        tpu.vector_store %arg11[%swap3A_831, %swap3A_832], %swap3A_835 {strides = array<i32>} : memref<128x64xf32, #tpu.memory_space<vmem>>, vector<1x16xf32>,
        %get3A_836 = arith.index_cast %add3A_822 : i32 to index
        %get3A_837 = arith.constant 16 : index
        %get3A_838 = tpu.vector_load %arg11[%get3A_836, %get3A_837] {strides = array<i32>} : memref<128x64xf32, #tpu.memory_space<vmem>>, vector<1x16xf32>,
        %get3A_839 = vector.shape_cast %get3A_838 : vector<1x16xf32> to vector<16xf32>
        %slice3A_840 = vector.extract_strided_slice %get3A_37 {offsets = [14], sizes = [1], strides = [1]} : vector<16xf32> to vector<1xf32>
        %squeeze3A_841 = vector.extract %slice3A_840[0] : f32 from vector<1xf32>
        %mul3A_842 = vector.broadcast %squeeze3A_841 : f32 to vector<16xf32>
        %mul3A_843 = arith.mulf %get3A_839, %mul3A_842 : vector<16xf32>
        %swap3A_844 = arith.index_cast %add3A_822 : i32 to index
        %swap3A_845 = arith.constant 16 : index
        %swap3A_846 = tpu.vector_load %arg11[%swap3A_844, %swap3A_845] {strides = array<i32>} : memref<128x64xf32, #tpu.memory_space<vmem>>, vector<1x16xf32>,
        %swap3A_847 = vector.shape_cast %swap3A_846 : vector<1x16xf32> to vector<16xf32>
        %swap3A_848 = vector.shape_cast %mul3A_843 : vector<16xf32> to vector<1x16xf32>
        tpu.vector_store %arg11[%swap3A_844, %swap3A_845], %swap3A_848 {strides = array<i32>} : memref<128x64xf32, #tpu.memory_space<vmem>>, vector<1x16xf32>,
        %get3A_849 = arith.index_cast %add3A_822 : i32 to index
        %get3A_850 = arith.constant 32 : index
        %get3A_851 = tpu.vector_load %arg11[%get3A_849, %get3A_850] {strides = array<i32>} : memref<128x64xf32, #tpu.memory_space<vmem>>, vector<1x16xf32>,
        %get3A_852 = vector.shape_cast %get3A_851 : vector<1x16xf32> to vector<16xf32>
        %slice3A_853 = vector.extract_strided_slice %get3A_37 {offsets = [14], sizes = [1], strides = [1]} : vector<16xf32> to vector<1xf32>
        %squeeze3A_854 = vector.extract %slice3A_853[0] : f32 from vector<1xf32>
        %mul3A_855 = vector.broadcast %squeeze3A_854 : f32 to vector<16xf32>
        %mul3A_856 = arith.mulf %get3A_852, %mul3A_855 : vector<16xf32>
        %swap3A_857 = arith.index_cast %add3A_822 : i32 to index
        %swap3A_858 = arith.constant 32 : index
        %swap3A_859 = tpu.vector_load %arg11[%swap3A_857, %swap3A_858] {strides = array<i32>} : memref<128x64xf32, #tpu.memory_space<vmem>>, vector<1x16xf32>,
        %swap3A_860 = vector.shape_cast %swap3A_859 : vector<1x16xf32> to vector<16xf32>
        %swap3A_861 = vector.shape_cast %mul3A_856 : vector<16xf32> to vector<1x16xf32>
        tpu.vector_store %arg11[%swap3A_857, %swap3A_858], %swap3A_861 {strides = array<i32>} : memref<128x64xf32, #tpu.memory_space<vmem>>, vector<1x16xf32>,
        %get3A_862 = arith.index_cast %add3A_822 : i32 to index
        %get3A_863 = arith.constant 48 : index
        %get3A_864 = tpu.vector_load %arg11[%get3A_862, %get3A_863] {strides = array<i32>} : memref<128x64xf32, #tpu.memory_space<vmem>>, vector<1x16xf32>,
        %get3A_865 = vector.shape_cast %get3A_864 : vector<1x16xf32> to vector<16xf32>
        %slice3A_866 = vector.extract_strided_slice %get3A_37 {offsets = [14], sizes = [1], strides = [1]} : vector<16xf32> to vector<1xf32>
        %squeeze3A_867 = vector.extract %slice3A_866[0] : f32 from vector<1xf32>
        %mul3A_868 = vector.broadcast %squeeze3A_867 : f32 to vector<16xf32>
        %mul3A_869 = arith.mulf %get3A_865, %mul3A_868 : vector<16xf32>
        %swap3A_870 = arith.index_cast %add3A_822 : i32 to index
        %swap3A_871 = arith.constant 48 : index
        %swap3A_872 = tpu.vector_load %arg11[%swap3A_870, %swap3A_871] {strides = array<i32>} : memref<128x64xf32, #tpu.memory_space<vmem>>, vector<1x16xf32>,
        %swap3A_873 = vector.shape_cast %swap3A_872 : vector<1x16xf32> to vector<16xf32>
        %swap3A_874 = vector.shape_cast %mul3A_869 : vector<16xf32> to vector<1x16xf32>
        tpu.vector_store %arg11[%swap3A_870, %swap3A_871], %swap3A_874 {strides = array<i32>} : memref<128x64xf32, #tpu.memory_space<vmem>>, vector<1x16xf32>,
        %mul3A_875 = arith.constant 16 : i32
        %mul3A_876 = arith.muli %scan3A_32, %mul3A_875 : i32
        %add3A_877 = arith.constant 15 : i32
        %add3A_878 = arith.addi %mul3A_876, %add3A_877 : i32
        %get3A_879 = arith.index_cast %add3A_878 : i32 to index
        %get3A_880 = arith.constant 0 : index
        %get3A_881 = tpu.vector_load %arg11[%get3A_879, %get3A_880] {strides = array<i32>} : memref<128x64xf32, #tpu.memory_space<vmem>>, vector<1x16xf32>,
        %get3A_882 = vector.shape_cast %get3A_881 : vector<1x16xf32> to vector<16xf32>
        %slice3A_883 = vector.extract_strided_slice %get3A_37 {offsets = [15], sizes = [1], strides = [1]} : vector<16xf32> to vector<1xf32>
        %squeeze3A_884 = vector.extract %slice3A_883[0] : f32 from vector<1xf32>
        %mul3A_885 = vector.broadcast %squeeze3A_884 : f32 to vector<16xf32>
        %mul3A_886 = arith.mulf %get3A_882, %mul3A_885 : vector<16xf32>
        %swap3A_887 = arith.index_cast %add3A_878 : i32 to index
        %swap3A_888 = arith.constant 0 : index
        %swap3A_889 = tpu.vector_load %arg11[%swap3A_887, %swap3A_888] {strides = array<i32>} : memref<128x64xf32, #tpu.memory_space<vmem>>, vector<1x16xf32>,
        %swap3A_890 = vector.shape_cast %swap3A_889 : vector<1x16xf32> to vector<16xf32>
        %swap3A_891 = vector.shape_cast %mul3A_886 : vector<16xf32> to vector<1x16xf32>
        tpu.vector_store %arg11[%swap3A_887, %swap3A_888], %swap3A_891 {strides = array<i32>} : memref<128x64xf32, #tpu.memory_space<vmem>>, vector<1x16xf32>,
        %get3A_892 = arith.index_cast %add3A_878 : i32 to index
        %get3A_893 = arith.constant 16 : index
        %get3A_894 = tpu.vector_load %arg11[%get3A_892, %get3A_893] {strides = array<i32>} : memref<128x64xf32, #tpu.memory_space<vmem>>, vector<1x16xf32>,
        %get3A_895 = vector.shape_cast %get3A_894 : vector<1x16xf32> to vector<16xf32>
        %slice3A_896 = vector.extract_strided_slice %get3A_37 {offsets = [15], sizes = [1], strides = [1]} : vector<16xf32> to vector<1xf32>
        %squeeze3A_897 = vector.extract %slice3A_896[0] : f32 from vector<1xf32>
        %mul3A_898 = vector.broadcast %squeeze3A_897 : f32 to vector<16xf32>
        %mul3A_899 = arith.mulf %get3A_895, %mul3A_898 : vector<16xf32>
        %swap3A_900 = arith.index_cast %add3A_878 : i32 to index
        %swap3A_901 = arith.constant 16 : index
        %swap3A_902 = tpu.vector_load %arg11[%swap3A_900, %swap3A_901] {strides = array<i32>} : memref<128x64xf32, #tpu.memory_space<vmem>>, vector<1x16xf32>,
        %swap3A_903 = vector.shape_cast %swap3A_902 : vector<1x16xf32> to vector<16xf32>
        %swap3A_904 = vector.shape_cast %mul3A_899 : vector<16xf32> to vector<1x16xf32>
        tpu.vector_store %arg11[%swap3A_900, %swap3A_901], %swap3A_904 {strides = array<i32>} : memref<128x64xf32, #tpu.memory_space<vmem>>, vector<1x16xf32>,
        %get3A_905 = arith.index_cast %add3A_878 : i32 to index
        %get3A_906 = arith.constant 32 : index
        %get3A_907 = tpu.vector_load %arg11[%get3A_905, %get3A_906] {strides = array<i32>} : memref<128x64xf32, #tpu.memory_space<vmem>>, vector<1x16xf32>,
        %get3A_908 = vector.shape_cast %get3A_907 : vector<1x16xf32> to vector<16xf32>
        %slice3A_909 = vector.extract_strided_slice %get3A_37 {offsets = [15], sizes = [1], strides = [1]} : vector<16xf32> to vector<1xf32>
        %squeeze3A_910 = vector.extract %slice3A_909[0] : f32 from vector<1xf32>
        %mul3A_911 = vector.broadcast %squeeze3A_910 : f32 to vector<16xf32>
        %mul3A_912 = arith.mulf %get3A_908, %mul3A_911 : vector<16xf32>
        %swap3A_913 = arith.index_cast %add3A_878 : i32 to index
        %swap3A_914 = arith.constant 32 : index
        %swap3A_915 = tpu.vector_load %arg11[%swap3A_913, %swap3A_914] {strides = array<i32>} : memref<128x64xf32, #tpu.memory_space<vmem>>, vector<1x16xf32>,
        %swap3A_916 = vector.shape_cast %swap3A_915 : vector<1x16xf32> to vector<16xf32>
        %swap3A_917 = vector.shape_cast %mul3A_912 : vector<16xf32> to vector<1x16xf32>
        tpu.vector_store %arg11[%swap3A_913, %swap3A_914], %swap3A_917 {strides = array<i32>} : memref<128x64xf32, #tpu.memory_space<vmem>>, vector<1x16xf32>,
        %get3A_918 = arith.index_cast %add3A_878 : i32 to index
        %get3A_919 = arith.constant 48 : index
        %get3A_920 = tpu.vector_load %arg11[%get3A_918, %get3A_919] {strides = array<i32>} : memref<128x64xf32, #tpu.memory_space<vmem>>, vector<1x16xf32>,
        %get3A_921 = vector.shape_cast %get3A_920 : vector<1x16xf32> to vector<16xf32>
        %slice3A_922 = vector.extract_strided_slice %get3A_37 {offsets = [15], sizes = [1], strides = [1]} : vector<16xf32> to vector<1xf32>
        %squeeze3A_923 = vector.extract %slice3A_922[0] : f32 from vector<1xf32>
        %mul3A_924 = vector.broadcast %squeeze3A_923 : f32 to vector<16xf32>
        %mul3A_925 = arith.mulf %get3A_921, %mul3A_924 : vector<16xf32>
        %swap3A_926 = arith.index_cast %add3A_878 : i32 to index
        %swap3A_927 = arith.constant 48 : index
        %swap3A_928 = tpu.vector_load %arg11[%swap3A_926, %swap3A_927] {strides = array<i32>} : memref<128x64xf32, #tpu.memory_space<vmem>>, vector<1x16xf32>,
        %swap3A_929 = vector.shape_cast %swap3A_928 : vector<1x16xf32> to vector<16xf32>
        %swap3A_930 = vector.shape_cast %mul3A_925 : vector<16xf32> to vector<1x16xf32>
        tpu.vector_store %arg11[%swap3A_926, %swap3A_927], %swap3A_930 {strides = array<i32>} : memref<128x64xf32, #tpu.memory_space<vmem>>, vector<1x16xf32>,
        %scan3A_931 = arith.constant 0 : i32
        scf.yield %scan3A_931 : i32
      }
      %scan3A_30 = arith.constant 8 : i32
      "tpu.region"() ({
        %run_scoped3A = tpu.sem_alloc : memref<!tpu.dma_semaphore, #tpu.memory_space<semaphore_mem>>
        %dma_start3A_32 = arith.constant 0 : i32
        %dma_start3A_33 = arith.constant 0 : i32
        %dma_start3A_34 = tpu.memref_slice %arg12[%dma_start3A_32, %dma_start3A_33] : memref<25088x64xf32, #tpu.memory_space<vmem_shared>> -> memref<25088x64xf32, #tpu.memory_space<vmem_shared>>
        tpu.enqueue_indirect_dma source(%arg11 : memref<128x64xf32, #tpu.memory_space<vmem>>) target(%dma_start3A_34 : memref<25088x64xf32, #tpu.memory_space<vmem_shared>>) offsets(%arg9 : memref<128xi32, #tpu.memory_space<vmem>>) semaphore(%run_scoped3A : memref<!tpu.dma_semaphore, #tpu.memory_space<semaphore_mem>>) {add = true}
        %dma_wait3A_35 = arith.constant 0 : i32
        %dma_wait3A_36 = arith.constant 0 : i32
        %dma_wait3A_37 = tpu.memref_slice %arg12[%dma_wait3A_35, %dma_wait3A_36] : memref<25088x64xf32, #tpu.memory_space<vmem_shared>> -> memref<25088x64xf32, #tpu.memory_space<vmem_shared>>
        tpu.wait_indirect_dma semaphore(%run_scoped3A : memref<!tpu.dma_semaphore, #tpu.memory_space<semaphore_mem>>) src(%arg11 : memref<128x64xf32, #tpu.memory_space<vmem>>) dst(%dma_wait3A_37 : memref<25088x64xf32, #tpu.memory_space<vmem_shared>>)
        tpu.yield
      }) : () -> ()
      %scan3A_31 = arith.constant 0 : i32
      scf.yield %scan3A_31 : i32
    }
    %scan3A_8 = arith.constant 392 : i32
    %barrier3A_9 = arith.constant 0 : index
    tpu.barrier barrier_id(%barrier3A_9)
    %mul3A_10 = arith.constant 25088 : i32
    %mul3A_11 = arith.muli %arg0, %mul3A_10 : i32
    %add3A_12 = arith.addi %mul3A_11, %mul3A_0 : i32
    "tpu.region"() ({
      %run_scoped3A = tpu.sem_alloc : memref<!tpu.dma_semaphore, #tpu.memory_space<semaphore_mem>>
      %dma_start3A = arith.constant 0 : i32
      %dma_start3A_13 = tpu.memref_slice %arg7[%add3A_12, %dma_start3A] : memref<50176x64xf32, #tpu.memory_space<hbm>> -> memref<1568x64xf32, #tpu.memory_space<hbm>>
      %dma_start3A_14 = arith.constant 0 : i32
      %dma_start3A_15 = tpu.memref_slice %arg12[%mul3A_0, %dma_start3A_14] : memref<25088x64xf32, #tpu.memory_space<vmem_shared>> -> memref<1568x64xf32, #tpu.memory_space<vmem_shared>>
      tpu.enqueue_dma source(%dma_start3A_15 : memref<1568x64xf32, #tpu.memory_space<vmem_shared>>) target(%dma_start3A_13 : memref<1568x64xf32, #tpu.memory_space<hbm>>) target_semaphore(%run_scoped3A : memref<!tpu.dma_semaphore, #tpu.memory_space<semaphore_mem>>)
      %dma_wait3A = arith.constant 0 : i32
      %dma_wait3A_16 = tpu.memref_slice %arg7[%add3A_12, %dma_wait3A] : memref<50176x64xf32, #tpu.memory_space<hbm>> -> memref<1568x64xf32, #tpu.memory_space<hbm>>
      %dma_wait3A_17 = arith.constant 0 : i32
      %dma_wait3A_18 = tpu.memref_slice %arg12[%mul3A_0, %dma_wait3A_17] : memref<25088x64xf32, #tpu.memory_space<vmem_shared>> -> memref<1568x64xf32, #tpu.memory_space<vmem_shared>>
      tpu.wait_dma2 semaphore(%run_scoped3A : memref<!tpu.dma_semaphore, #tpu.memory_space<semaphore_mem>>) src(%dma_wait3A_18 : memref<1568x64xf32, #tpu.memory_space<vmem_shared>>) dst(%dma_wait3A_16 : memref<1568x64xf32, #tpu.memory_space<hbm>>)
      tpu.yield
    }) : () -> ()
    return
  }
}

</mosaic_0001>

<sc_bundles>
// kernel: kernel.11.cloned.1.call-start
scs
__scs_entry_jumppad:
0x0: {  	(pc) =	sbr.rel $0x88, $3  }
0x1: {  	(tag) =	ssettag $0x0;
	lr =	simm.s32 $0x1  }
0x2: {  	[smem:$0x3F9C] =	sst lr;
	_ =	strace $0xD0000000  }
0x3: {  	_ = 	snop  }
0x4: {  	_ = 	snop  }
0x5: {  	_ = 	snop  }
0x6: {  	_ = 	snop  }
0x7: {  	_ = 	snop  }
__scs_overlays_trampoline_lowered:
0x8: {  	[smem:$0x3FAB] =	sst s0  }
0x9: {  	[smem:$0x3FAC] =	sst s1  }
0xa: {  	[smem:$0x3FAD] =	sst s2  }
0xb: {  	[smem:$0x3FAE] =	sst s3  }
0xc: {  	[smem:$0x3FAF] =	sst s4  }
0xd: {  	[smem:$0x3FB0] =	sst s5  }
0xe: {  	[smem:$0x3FB1] =	sst s6  }
0xf: {  	[smem:$0x3FB2] =	sst s7  }
0x10: {  	[smem:$0x3FB3] =	sst s8  }
0x11: {  	[smem:$0x3FB4] =	sst s9;
	s0 =	simm.s32 @!p0 $0x0  }
0x12: {  	s1 =	sld [smem:$0x3F9A];
	s0 =	simm.s32 @p0 $0x1  }
0x13: {  	[smem:$0x3FB5] =	sst s0;
	s0 =	simm.s32 @!p1 $0x0  }
0x14: {  	s2 =	sld [smem:$0x3F99];
	s0 =	simm.s32 @p1 $0x1  }
0x15: {  	[smem:$0x3FB6] =	sst s0;
	s0 =	simm.s32 @!p2 $0x0  }
0x16: {  	s3 =	sld [smem:$0x3FDB];
	s0 =	simm.s32 @p2 $0x1  }
0x17: {  	s4 =	simm.s32 $0x1BF5;
	[smem:$0x3FB8] =	sst s0  }
0x18: {  	s0 =	sld [smem:$0x3F9B];
	_ =	swait.ge [sflag:s4], $0x0  }
0x19: {  	s7 =	sld [smem:$0x3F9C]  }
0x1a: {  	s8 =	sadd.s32 $0xFFFFE003, lr  }
0x1b: {  	s9 =	sadd.s32 $0xFFFFFEF7, lr;
	s5 =	simm.s32 $0xFFFFFFFF;
	p2 =	slt.u32 s8, $0xFFFFF086  }
0x1c: {  	p1 =	slt.u32 s9, $0xF7A;
	s5 =	simm.s32 @!p2 $0x0  }
0x1d: {  	s5 =	simm.s32 @p1 $0x1;
	p0 =	seq.s32 s7, s2  }
0x1e: {  	s7 =	smul.u32 @!p0 $0xF7A, s2;
	p2 =	seq.s32 @!p0 s5, $0x0  }
0x1f: {  	s9 =	smul.u32 $0xF7A, s1;
	s8 =	simm.s32 @!p0 $0x1BF5;
	p2 =	por !p2, p0  }
0x20: {  	[sflag:s8] =	ssyncset.s32 @!p0 $0xFFFFF086;
	s6 =	sadd.s32 @!p0 s3, s7;
	s7 =	simm.s32 @!p0 $0x108  }
0x21: {  	s3 =	sadd.s32 s3, s9;
	s6 =	sadd.s32 @!p0 $0x88, s6;
	s7 =	simm.s32 @p2 $0x1082  }
0x22: {  	[simem:s7], [sflag:s8] =	dma.local @!p0 [hbm:s6], $0xF7A  }
0x23: {  	s9 =	sor.u32 $0xD0000000, s2;
	s6 =	simm.s32 $0x108;
	_ =	swait.ge @!p0 [sflag:s8], $0x0  }
0x24: {  	s3 =	sadd.s32 $0x88, s3;
	s6 =	simm.s32 @!p1 $0x1082;
	[sflag:s4] =	ssyncset.s32 $0xFFFFF086  }
0x25: {  	[simem:s6], [sflag:s4] =	dma.local [hbm:s3], $0xF7A  }
0x26: {  	[smem:$0x3F9C] =	sst s1;
	(tag) =	ssettag s2;
	_ =	strace s9  }
0x27: {  	s1 =	sld [smem:$0x3FAC]  }
0x28: {  	s2 =	sld [smem:$0x3FAD]  }
0x29: {  	s4 =	sld [smem:$0x3FAF]  }
0x2a: {  	p0 =	seq.s32 s5, $0x0;
	s5 =	sld [smem:$0x3FB0]  }
0x2b: {  	s6 =	sld [smem:$0x3FB1]  }
0x2c: {  	s7 =	sld [smem:$0x3FB2]  }
0x2d: {  	s3 =	simm.s32 $0x108;
	s8 =	sld [smem:$0x3FB3]  }
0x2e: {  	s3 =	simm.s32 @!p0 $0x1082;
	s9 =	sld [smem:$0x3FB4]  }
0x2f: {  	lr =	sadd.s32 s0, s3;
	s0 =	sld [smem:$0x3FAB]  }
0x30: {  	s3 =	sld [smem:$0x3FAE]  }
0x31: {  	[smem:$0x3FB7] =	sst s10  }
0x32: {  	s10 =	sld [smem:$0x3FB5];
	_ =	sdelay $0x3  }
0x33: {  	p0 =	seq.s32 s10, $0x1;
	s10 =	sld [smem:$0x3FB7];
	_ =	sdelay $0x3  }
0x34: {  	[smem:$0x3FB7] =	sst s10  }
0x35: {  	s10 =	sld [smem:$0x3FB6];
	_ =	sdelay $0x3  }
0x36: {  	p1 =	seq.s32 s10, $0x1;
	s10 =	sld [smem:$0x3FB7];
	_ =	sdelay $0x3  }
0x37: {  	[smem:$0x3FB7] =	sst s10  }
0x38: {  	s10 =	sld [smem:$0x3FB8]  }
0x39: {  	_ = 	snop;
	(pc) =	sbr.ind lr, $3  }
0x3a: {  	_ = 	snop  }
0x3b: {  	_ = 	snop  }
0x3c: {  	p2 =	seq.s32 s10, $0x1;
	s10 =	sld [smem:$0x3FB7]  }
0x3d: {  	_ =	shalt  }
0x3e: {  	_ =	shalt  }
0x3f: {  	_ =	shalt  }
0x40: {  	_ =	shalt  }
0x41: {  	_ =	shalt  }
0x42: {  	_ =	shalt  }
0x43: {  	_ =	shalt  }
0x44: {  	_ =	shalt  }
0x45: {  	_ =	shalt  }
0x46: {  	_ =	shalt  }
0x47: {  	_ =	shalt  }
0x48: {  	_ =	shalt  }
0x49: {  	_ =	shalt  }
0x4a: {  	_ =	shalt  }
0x4b: {  	_ =	shalt  }
0x4c: {  	_ =	shalt  }
0x4d: {  	_ =	shalt  }
0x4e: {  	_ =	shalt  }
0x4f: {  	_ =	shalt  }
0x50: {  	_ =	shalt  }
0x51: {  	_ =	shalt  }
0x52: {  	_ =	shalt  }
0x53: {  	_ =	shalt  }
0x54: {  	_ =	shalt  }
0x55: {  	_ =	shalt  }
0x56: {  	_ =	shalt  }
0x57: {  	_ =	shalt  }
0x58: {  	_ =	shalt  }
0x59: {  	_ =	shalt  }
0x5a: {  	_ =	shalt  }
0x5b: {  	_ =	shalt  }
0x5c: {  	_ =	shalt  }
0x5d: {  	_ =	shalt  }
0x5e: {  	_ =	shalt  }
0x5f: {  	_ =	shalt  }
0x60: {  	_ =	shalt  }
0x61: {  	_ =	shalt  }
0x62: {  	_ =	shalt  }
0x63: {  	_ =	shalt  }
0x64: {  	_ =	shalt  }
0x65: {  	_ =	shalt  }
0x66: {  	_ =	shalt  }
0x67: {  	_ =	shalt  }
0x68: {  	_ =	shalt  }
0x69: {  	_ =	shalt  }
0x6a: {  	_ =	shalt  }
0x6b: {  	_ =	shalt  }
0x6c: {  	_ =	shalt  }
0x6d: {  	_ =	shalt  }
0x6e: {  	_ =	shalt  }
0x6f: {  	_ =	shalt  }
0x70: {  	_ =	shalt  }
0x71: {  	_ =	shalt  }
0x72: {  	_ =	shalt  }
0x73: {  	_ =	shalt  }
0x74: {  	_ =	shalt  }
0x75: {  	_ =	shalt  }
0x76: {  	_ =	shalt  }
0x77: {  	_ =	shalt  }
0x78: {  	_ =	shalt  }
0x79: {  	_ =	shalt  }
0x7a: {  	_ =	shalt  }
0x7b: {  	_ =	shalt  }
0x7c: {  	_ =	shalt  }
0x7d: {  	_ =	shalt  }
0x7e: {  	_ =	shalt  }
0x7f: {  	_ =	shalt  }
0x80: {  	_ =	shalt  }
0x81: {  	_ =	shalt  }
0x82: {  	_ =	shalt  }
0x83: {  	_ =	shalt  }
0x84: {  	_ =	shalt  }
0x85: {  	_ =	shalt  }
0x86: {  	_ =	shalt  }
0x87: {  	_ =	shalt  }
.Lfunc_end0:
.L_simem_size_0:
called_computation.4_lowered:
.L_overlay_start_0:
0x88: {  	s2 =	sld [smem:$0x3FD9]  }
0x89: {  	s3 =	sld [smem:$0x3FFE];
	_ =	sdelay $0x1  }
0x8a: {  	s1 =	srdreg.scid  }
0x8b: {  	s0 =	sand.u32 $0x1, s1  }
0x8c: {  	s16 =	sshll.u32 s0, $0xA;
	s2 =	sadd.s32 s3, s2  }
0x8d: {  	s2 =	sadd.s32 s2, s16  }
0x8e: {  	[smem:$0x3FC3] =	sst s2  }
0x8f: {  	_ = 	snop  }
0x90: {  	(tm) =	ssettm $0x1  }
0x91: {  	s17 =	sld [smem:$0x3FFB];
	_ =	sdelay $0x3  }
0x92: {  	_ =	strace s17  }
0x93: {  	s2 =	sld [smem:$0x3FFC];
	_ =	sdelay $0x3  }
0x94: {  	_ =	strace s2  }
0x95: {  	s2 =	sld [smem:$0x3FFD];
	_ =	sdelay $0x3  }
0x96: {  	_ =	strace s2  }
0x97: {  	_ =	strace $0x8FFFFFFF  }
0x98: {  	s18 =	sld [smem:$0x3FDB];
	_ =	sdelay $0x1  }
0x99: {  	s19 =	simm.s32 $_scs_section_size  }
0x9a: {  	s4 =	simm.s32 $_size__tile_overlayer_lowered;
	s5 =	simm.s32 $_tile_overlayer_lowered  }
0x9b: {  	s22 =	simm.s32 $0x1BFF;
	s21 =	sshll.u32 s5, $0x1;
	s2 =	sadd.s32 s19, s18  }
0x9c: {  	s6 =	simm.s32 $0x0;
	s20 =	sshll.u32 s4, $0x1;
	s4 =	sadd.s32 s21, s2  }
0x9d: {  	[timem:s6], [sflag:s22] =	dma.local [hbm:s4], s20  }
0x9e: {  	_ =	swait.ge [sflag:s22], s20  }
0x9f: {  	s3 =	ssub.s32 $0x0, s20;
	[sflag:s22] =	ssyncset.done $0x0  }
0xa0: {  	[sflag:s22] =	ssyncadd.s32 s3;
	_ =	sdelay $0x1  }
0xa1: {  	s23 =	simm.s32 $0x1B8B  }
0xa2: {  	_ =	swait.ge [sflag:s23], $0x1  }
0xa3: {  	[sflag:s23] =	ssyncset.done $0x0  }
0xa4: {  	s25 =	simm.s32 $0x1B8E;
	s24 =	sld [smem:$0x3FFE];
	[sflag:s23] =	ssyncadd.s32 $0xFFFFFFFF  }
0xa5: {  	s26 =	simm.s32 $execute0_lowered;
	[smem:$0x3FD2] =	sst s25  }
0xa6: {  	s4 =	sshll.u32 s26, $0x1;
	_ =	strace $0x80000052;
	[dreg:$0x1] =	wrdreg $0xFFFFFFFF  }
0xa7: {  	s28 =	simm.s32 $_size_execute0_lowered;
	s2 =	sadd.s32 s2, s4;
	[dreg:$0x0] =	wrdreg $0x0  }
0xa8: {  	s4 =	sshll.u32 s28, $0x1;
	[dreg:$0x2] =	wrdreg s2  }
0xa9: {  	[dreg:$0x3] =	wrdreg s4  }
0xaa: {  	[dreg:$0x4] =	wrdreg $0xC0  }
0xab: {  	_ =	task [dreg:s6], $0x5FFFF  }
0xac: {  	[dreg:$0x1] =	wrdreg $0xFFFFFFFF  }
0xad: {  	[dreg:$0x0] =	wrdreg $0x60  }
0xae: {  	[dreg:$0x2] =	wrdreg s24  }
0xaf: {  	[dreg:$0x3] =	wrdreg $0x21800  }
0xb0: {  	[dreg:$0x4] =	wrdreg $0x9  }
0xb1: {  	_ =	task.clear_ibuf [dreg:s6], $0x5FFFF;
	_ =	strace $0x90000052  }
0xb2: {  	s29 =	simm.s32 $0x9;
	_ =	strace $0x80000054  }
0xb3: {  	_ =	swait.ge [sflag:s29], $0x1  }
0xb4: {  	[sflag:s29] =	ssyncadd.s32 $0xFFFFFFFF  }
0xb5: {  	_ =	strace $0x90000054  }
0xb6: {  	_ =	sfence  }
0xb7: {  	s30 =	sld [smem:$0x0];
	_ =	sdelay $0x2  }
0xb8: {  	s31 =	sshll.u32 s1, $0xD;
	s1 =	sshrl.u32 s1, $0x2  }
0xb9: {  	s3 =	sand.u32 $0x4000, s31;
	s1 =	sadd.s32 s1, s30  }
0xba: {  	s0 =	sor.u32 s3, s0;
	s1 =	sshll.u32 s1, $0x11  }
0xbb: {  	s0 =	sor.u32 s1, s0  }
0xbc: {  	s0 =	sadd.s32 $0x8F2B, s0  }
0xbd: {  	[sflag:s0] =	ssyncadd.remote.s32 $0x1  }
0xbe: {  	_ =	sfence.sel $0xFFFF  }
0xbf: {  	[dreg:$0x0] =	wrdreg $0xFFFFFFFF;
	(pc) =	sbr.abs _section_cstart, $3  }
0xc0: {  	[dreg:$0x1] =	wrdreg $0xFFFFFFFF  }
0xc1: {  	_ =	task.clear_ibuf [dreg:s6], $0x2FFFF;
	_ =	strace $0x9FFFFFFF  }
0xc2: {  	(tm) =	ssettm $0x7FFFFFFF  }
0xc3: {  	_ =	shalt  }
tec
execute0_lowered:
.L_overlay_start_1:
0x0: {  	(tag) =	ssettag $0x1  }
0x1: {  	s8 =	rddreg [dreg:$0x0]  }
0x2: {  	s1 =	rddreg [dreg:$0x1]  }
0x3: {  	s0 =	rddreg [dreg:$0x2];
	s3 =	simm.s32 $0x0  }
0x4: {  	s2 =	srdreg.scid;
	s16 =	simm.s32 $0x80;
	s17 =	simm.s32 $0x100  }
0x5: {  	s18 =	simm.s32 $0x180;
	s11 =	sand.u32 $0x1, s2;
	s4 =	sadd.s32 $0x24D400, s8  }
0x6: {  	s2 =	stileid.u32;
	s5 =	sadd.s32 $0x234C00, s8;
	s7 =	smul.u32 $0x6200, s11  }
0x7: {  	[smem:$0x7FF] =	sst s3;
	s6 =	sadd.s32 $0x203C00, s8;
	s9 =	smul.u32 $0x620, s2  }
0x8: {  	s19 =	simm.s32 $0x1;
	_ =	strace $0x80000053;
	s10 =	smul.u32 $0x62000, s2  }
0x9: {  	s12 =	ssub.s32 $0x2, s11;
	s31 =	sshll.u32 s2, $0x6;
	s11 =	smul.u32 $0xC4000, s11  }
0xa: {  	s29 =	sshrl.u32 s12, $0x1;
	s9 =	sadd.s32 s9, s7;
	s7 =	sadd.s32 $0x2600, s8  }
0xb: {  	s30 =	sshrl.u32 s10, $0x2;
	s14 =	ssub.s32 s12, s29;
	s9 =	sshll.u32 s9, $0x3  }
0xc: {  	s10 =	smul.u32 $0x188, s2;
	s13 =	sadd.s32 s9, s8;
	s9 =	sor.u32 $0x1C02, s31  }
0xd: {  	s15 =	sadd.s32 s30, s1;
	s8 =	sadd.s32 $0x140400, s13;
	s12 =	sadd.s32 $0x311400, s13  }
0xe: {  	s13 =	smax.u32 s14, $0x1;
	s14 =	sshrl.u32 s15, $0x3;
	s15 =	simm.s32 $0x2  }
.LBB2_1:
0xf: {  	[spmem:s14], [sflag:s9] =	dma.local [hbm:s8], $0x3100  }
0x10: {  	_ =	swait.ge [sflag:s15], $0x3100  }
0x11: {  	[sflag:s15] =	ssyncset.done $0x0  }
0x12: {  	[sflag:s15] =	ssyncadd.s32 $0xFFFFCF00  }
0x13: {  	s20 =	simm.s32 $0x0;
	[bflag:$0x0] =	sbarrier.arrive $0xFFFF  }
.LBB2_2:
0x14: {  	s22 =	sadd.s32 s10, s20  }
0x15: {  	s23 =	sshll.u32 s22, $0x4  }
0x16: {  	s21 =	simm.s32 $0x0;
	s22 =	sshll.u32 s22, $0x7;
	s24 =	sadd.s32 s5, s23  }
0x17: {  	[tilespmem:s21], [sflag:$0x2] =	stream.linear.gather [hbm4b:s24+s21], $0x80, $0x38;
	[tilespmem:$0x1A980] =	vst v63  }
0x18: {  	s22 =	sadd.s32 s11, s22;
	_ =	swait.ge [sflag:s15], $0x80  }
0x19: {  	s22 =	sshrl.u32 s22, $0x3;
	[sflag:s15] =	ssyncset.done $0x0  }
0x1a: {  	s22 =	sadd.s32 s6, s22;
	[sflag:s15] =	ssyncadd.s32 $0xFFFFFF80  }
0x1b: {  	[tilespmem:s16], [sflag:$0x2] =	stream.linear.gather [hbm4b:s22+s21], $0x80, $0x38;
	[tilespmem:$0x1A980] =	vst v63  }
0x1c: {  	_ =	swait.ge [sflag:s15], $0x80  }
0x1d: {  	[sflag:s15] =	ssyncset.done $0x0  }
0x1e: {  	s31 =	sadd.s32 s7, s23;
	[sflag:s15] =	ssyncadd.s32 $0xFFFFFF80  }
0x1f: {  	[tilespmem:s17], [sflag:$0x2] =	stream.linear.gather [hbm4b:s31+s21], $0x80, $0x38;
	[tilespmem:$0x1A980] =	vst v63  }
0x20: {  	_ =	swait.ge [sflag:s15], $0x80  }
0x21: {  	[sflag:s15] =	ssyncset.done $0x0  }
0x22: {  	[sflag:s15] =	ssyncadd.s32 $0xFFFFFF80  }
0x23: {  	[tilespmem:s18], [sflag:$0x1] =	stream.indirect.gather [hbm4b:s4+s16], $0x40, s21, s16, $0xb8;
	[tilespmem:$0x1A980] =	vst v63  }
0x24: {  	_ =	swait.ge [sflag:s19], $0x2000  }
0x25: {  	[sflag:s19] =	ssyncset.done $0x0  }
0x26: {  	s22 =	simm.s32 $0x380;
	[sflag:s19] =	ssyncadd.s32 $0xFFFFE000  }
.LBB2_3:
0x27: {  	s23 =	sshra.s32 s21, $0x2  }
0x28: {  	v0 =	vld [tilespmem:s23+$0x100];
	_ =	sdelay $0x1  }
0x29: {  	v1 =	vld [tilespmem:s22+$0xFFFFFE00];
	_ =	sdelay $0x1  }
0x2a: {  	v47 =	vld [tilespmem:s22+$0xFFFFFE10]  }
0x2b: {  	v2 =	vbroadcast v0, $0x0  }
0x2c: {  	v48 =	vld [tilespmem:s22+$0xFFFFFE20]  }
0x2d: {  	v1 =	vmul.f32 v2, v1  }
0x2e: {  	v49 =	vld [tilespmem:s22+$0xFFFFFE30]  }
0x2f: {  	[tilespmem:s22+$0xFFFFFE00] =	vst v1;
	v1 =	vmul.f32 v47, v2  }
0x30: {  	v50 =	vld [tilespmem:s22+$0xFFFFFE40]  }
0x31: {  	[tilespmem:s22+$0xFFFFFE10] =	vst v1;
	v1 =	vmul.f32 v48, v2  }
0x32: {  	v52 =	vld [tilespmem:s22+$0xFFFFFE50]  }
0x33: {  	v51 =	vbroadcast v0, $0x1;
	[tilespmem:s22+$0xFFFFFE20] =	vst v1;
	v1 =	vmul.f32 v49, v2  }
0x34: {  	v53 =	vld [tilespmem:s22+$0xFFFFFE60]  }
0x35: {  	[tilespmem:s22+$0xFFFFFE30] =	vst v1;
	v1 =	vmul.f32 v50, v51  }
0x36: {  	v54 =	vld [tilespmem:s22+$0xFFFFFE70]  }
0x37: {  	[tilespmem:s22+$0xFFFFFE40] =	vst v1;
	v1 =	vmul.f32 v52, v51  }
0x38: {  	v55 =	vld [tilespmem:s22+$0xFFFFFE80]  }
0x39: {  	[tilespmem:s22+$0xFFFFFE50] =	vst v1;
	v1 =	vmul.f32 v53, v51  }
0x3a: {  	v57 =	vld [tilespmem:s22+$0xFFFFFE90]  }
0x3b: {  	v56 =	vbroadcast v0, $0x2;
	[tilespmem:s22+$0xFFFFFE60] =	vst v1;
	v1 =	vmul.f32 v54, v51  }
0x3c: {  	v58 =	vld [tilespmem:s22+$0xFFFFFEA0]  }
0x3d: {  	[tilespmem:s22+$0xFFFFFE70] =	vst v1;
	v1 =	vmul.f32 v55, v56  }
0x3e: {  	v59 =	vld [tilespmem:s22+$0xFFFFFEB0]  }
0x3f: {  	[tilespmem:s22+$0xFFFFFE80] =	vst v1;
	v1 =	vmul.f32 v57, v56  }
0x40: {  	v60 =	vld [tilespmem:s22+$0xFFFFFEC0]  }
0x41: {  	[tilespmem:s22+$0xFFFFFE90] =	vst v1;
	v1 =	vmul.f32 v58, v56  }
0x42: {  	v62 =	vld [tilespmem:s22+$0xFFFFFED0]  }
0x43: {  	v61 =	vbroadcast v0, $0x3;
	[tilespmem:s22+$0xFFFFFEA0] =	vst v1;
	v1 =	vmul.f32 v59, v56  }
0x44: {  	v63 =	vld [tilespmem:s22+$0xFFFFFEE0]  }
0x45: {  	[tilespmem:s22+$0xFFFFFEB0] =	vst v1;
	v1 =	vmul.f32 v60, v61  }
0x46: {  	v4 =	vld [tilespmem:s22+$0xFFFFFEF0]  }
0x47: {  	[tilespmem:s22+$0xFFFFFEC0] =	vst v1;
	v1 =	vmul.f32 v62, v61  }
0x48: {  	v5 =	vld [tilespmem:s22+$0xFFFFFF00]  }
0x49: {  	[tilespmem:s22+$0xFFFFFED0] =	vst v1;
	v1 =	vmul.f32 v63, v61  }
0x4a: {  	v7 =	vld [tilespmem:s22+$0xFFFFFF10]  }
0x4b: {  	v6 =	vbroadcast v0, $0x4;
	[tilespmem:s22+$0xFFFFFEE0] =	vst v1;
	v1 =	vmul.f32 v4, v61  }
0x4c: {  	v8 =	vld [tilespmem:s22+$0xFFFFFF20]  }
0x4d: {  	[tilespmem:s22+$0xFFFFFEF0] =	vst v1;
	v1 =	vmul.f32 v5, v6  }
0x4e: {  	v9 =	vld [tilespmem:s22+$0xFFFFFF30]  }
0x4f: {  	[tilespmem:s22+$0xFFFFFF00] =	vst v1;
	v1 =	vmul.f32 v7, v6  }
0x50: {  	v10 =	vld [tilespmem:s22+$0xFFFFFF40]  }
0x51: {  	[tilespmem:s22+$0xFFFFFF10] =	vst v1;
	v1 =	vmul.f32 v8, v6  }
0x52: {  	v12 =	vld [tilespmem:s22+$0xFFFFFF50]  }
0x53: {  	v11 =	vbroadcast v0, $0x5;
	[tilespmem:s22+$0xFFFFFF20] =	vst v1;
	v1 =	vmul.f32 v9, v6  }
0x54: {  	v13 =	vld [tilespmem:s22+$0xFFFFFF60]  }
0x55: {  	[tilespmem:s22+$0xFFFFFF30] =	vst v1;
	v1 =	vmul.f32 v10, v11  }
0x56: {  	v14 =	vld [tilespmem:s22+$0xFFFFFF70]  }
0x57: {  	[tilespmem:s22+$0xFFFFFF40] =	vst v1;
	v1 =	vmul.f32 v12, v11  }
0x58: {  	v15 =	vld [tilespmem:s22+$0xFFFFFF80]  }
0x59: {  	[tilespmem:s22+$0xFFFFFF50] =	vst v1;
	v1 =	vmul.f32 v13, v11  }
0x5a: {  	v17 =	vld [tilespmem:s22+$0xFFFFFF90]  }
0x5b: {  	v16 =	vbroadcast v0, $0x6;
	[tilespmem:s22+$0xFFFFFF60] =	vst v1;
	v1 =	vmul.f32 v14, v11  }
0x5c: {  	v18 =	vld [tilespmem:s22+$0xFFFFFFA0]  }
0x5d: {  	[tilespmem:s22+$0xFFFFFF70] =	vst v1;
	v1 =	vmul.f32 v15, v16  }
0x5e: {  	v19 =	vld [tilespmem:s22+$0xFFFFFFB0]  }
0x5f: {  	[tilespmem:s22+$0xFFFFFF80] =	vst v1;
	v1 =	vmul.f32 v17, v16  }
0x60: {  	v20 =	vld [tilespmem:s22+$0xFFFFFFC0]  }
0x61: {  	[tilespmem:s22+$0xFFFFFF90] =	vst v1;
	v1 =	vmul.f32 v18, v16  }
0x62: {  	v22 =	vld [tilespmem:s22+$0xFFFFFFD0]  }
0x63: {  	v21 =	vbroadcast v0, $0x7;
	[tilespmem:s22+$0xFFFFFFA0] =	vst v1;
	v1 =	vmul.f32 v19, v16  }
0x64: {  	v23 =	vld [tilespmem:s22+$0xFFFFFFE0]  }
0x65: {  	[tilespmem:s22+$0xFFFFFFB0] =	vst v1;
	v1 =	vmul.f32 v20, v21  }
0x66: {  	v24 =	vld [tilespmem:s22+$0xFFFFFFF0]  }
0x67: {  	[tilespmem:s22+$0xFFFFFFC0] =	vst v1;
	v1 =	vmul.f32 v22, v21  }
0x68: {  	v25 =	vld [tilespmem:s22+$0x0]  }
0x69: {  	[tilespmem:s22+$0xFFFFFFD0] =	vst v1;
	v1 =	vmul.f32 v23, v21  }
0x6a: {  	v27 =	vld [tilespmem:s22+$0x10]  }
0x6b: {  	v26 =	vbroadcast v0, $0x8;
	[tilespmem:s22+$0xFFFFFFE0] =	vst v1;
	v1 =	vmul.f32 v24, v21  }
0x6c: {  	v28 =	vld [tilespmem:s22+$0x20]  }
0x6d: {  	[tilespmem:s22+$0xFFFFFFF0] =	vst v1;
	v1 =	vmul.f32 v25, v26  }
0x6e: {  	v29 =	vld [tilespmem:s22+$0x30]  }
0x6f: {  	[tilespmem:s22+$0x0] =	vst v1;
	v1 =	vmul.f32 v27, v26  }
0x70: {  	v30 =	vld [tilespmem:s22+$0x40]  }
0x71: {  	[tilespmem:s22+$0x10] =	vst v1;
	v1 =	vmul.f32 v28, v26  }
0x72: {  	v32 =	vld [tilespmem:s22+$0x50]  }
0x73: {  	v31 =	vbroadcast v0, $0x9;
	[tilespmem:s22+$0x20] =	vst v1;
	v1 =	vmul.f32 v29, v26  }
0x74: {  	v33 =	vld [tilespmem:s22+$0x60]  }
0x75: {  	[tilespmem:s22+$0x30] =	vst v1;
	v1 =	vmul.f32 v30, v31  }
0x76: {  	v34 =	vld [tilespmem:s22+$0x70]  }
0x77: {  	[tilespmem:s22+$0x40] =	vst v1;
	v1 =	vmul.f32 v32, v31  }
0x78: {  	v35 =	vld [tilespmem:s22+$0x80]  }
0x79: {  	[tilespmem:s22+$0x50] =	vst v1;
	v1 =	vmul.f32 v33, v31  }
0x7a: {  	v37 =	vld [tilespmem:s22+$0x90]  }
0x7b: {  	v36 =	vbroadcast v0, $0xA;
	[tilespmem:s22+$0x60] =	vst v1;
	v1 =	vmul.f32 v34, v31  }
0x7c: {  	v38 =	vld [tilespmem:s22+$0xA0]  }
0x7d: {  	[tilespmem:s22+$0x70] =	vst v1;
	v1 =	vmul.f32 v35, v36  }
0x7e: {  	v39 =	vld [tilespmem:s22+$0xB0]  }
0x7f: {  	[tilespmem:s22+$0x80] =	vst v1;
	v1 =	vmul.f32 v37, v36  }
0x80: {  	v40 =	vld [tilespmem:s22+$0xC0]  }
0x81: {  	[tilespmem:s22+$0x90] =	vst v1;
	v1 =	vmul.f32 v38, v36  }
0x82: {  	v42 =	vld [tilespmem:s22+$0xD0]  }
0x83: {  	v41 =	vbroadcast v0, $0xB;
	[tilespmem:s22+$0xA0] =	vst v1;
	v1 =	vmul.f32 v39, v36  }
0x84: {  	v43 =	vld [tilespmem:s22+$0xE0]  }
0x85: {  	[tilespmem:s22+$0xB0] =	vst v1;
	v1 =	vmul.f32 v40, v41  }
0x86: {  	v44 =	vld [tilespmem:s22+$0xF0]  }
0x87: {  	[tilespmem:s22+$0xC0] =	vst v1;
	v1 =	vmul.f32 v42, v41  }
0x88: {  	v45 =	vld [tilespmem:s22+$0x100]  }
0x89: {  	[tilespmem:s22+$0xD0] =	vst v1;
	v1 =	vmul.f32 v43, v41  }
0x8a: {  	v47 =	vld [tilespmem:s22+$0x110]  }
0x8b: {  	v46 =	vbroadcast v0, $0xC;
	[tilespmem:s22+$0xE0] =	vst v1;
	v1 =	vmul.f32 v44, v41  }
0x8c: {  	v48 =	vld [tilespmem:s22+$0x120]  }
0x8d: {  	[tilespmem:s22+$0xF0] =	vst v1;
	v1 =	vmul.f32 v45, v46  }
0x8e: {  	v49 =	vld [tilespmem:s22+$0x130]  }
0x8f: {  	[tilespmem:s22+$0x100] =	vst v1;
	v1 =	vmul.f32 v47, v46  }
0x90: {  	v50 =	vld [tilespmem:s22+$0x140]  }
0x91: {  	[tilespmem:s22+$0x110] =	vst v1;
	v1 =	vmul.f32 v48, v46  }
0x92: {  	v52 =	vld [tilespmem:s22+$0x150]  }
0x93: {  	v51 =	vbroadcast v0, $0xD;
	[tilespmem:s22+$0x120] =	vst v1;
	v1 =	vmul.f32 v49, v46  }
0x94: {  	v53 =	vld [tilespmem:s22+$0x160]  }
0x95: {  	[tilespmem:s22+$0x130] =	vst v1;
	v1 =	vmul.f32 v50, v51  }
0x96: {  	v54 =	vld [tilespmem:s22+$0x170]  }
0x97: {  	[tilespmem:s22+$0x140] =	vst v1;
	v1 =	vmul.f32 v52, v51  }
0x98: {  	v55 =	vld [tilespmem:s22+$0x180]  }
0x99: {  	[tilespmem:s22+$0x150] =	vst v1;
	v1 =	vmul.f32 v53, v51  }
0x9a: {  	v57 =	vld [tilespmem:s22+$0x190]  }
0x9b: {  	v56 =	vbroadcast v0, $0xE;
	[tilespmem:s22+$0x160] =	vst v1;
	v1 =	vmul.f32 v54, v51  }
0x9c: {  	v58 =	vld [tilespmem:s22+$0x1A0]  }
0x9d: {  	[tilespmem:s22+$0x170] =	vst v1;
	v1 =	vmul.f32 v55, v56  }
0x9e: {  	v59 =	vld [tilespmem:s22+$0x1B0]  }
0x9f: {  	[tilespmem:s22+$0x180] =	vst v1;
	v1 =	vmul.f32 v57, v56  }
0xa0: {  	v60 =	vld [tilespmem:s22+$0x1C0]  }
0xa1: {  	[tilespmem:s22+$0x190] =	vst v1;
	v1 =	vmul.f32 v58, v56  }
0xa2: {  	v61 =	vld [tilespmem:s22+$0x1D0]  }
0xa3: {  	v0 =	vbroadcast v0, $0xF;
	[tilespmem:s22+$0x1A0] =	vst v1;
	v1 =	vmul.f32 v59, v56  }
0xa4: {  	v62 =	vld [tilespmem:s22+$0x1E0]  }
0xa5: {  	v63 =	vld [tilespmem:s22+$0x1F0];
	[tilespmem:s22+$0x1B0] =	vst v1;
	v1 =	vmul.f32 v60, v0;
	_ =	sdelay $0x1  }
0xa6: {  	p0 =	sne.s32 s21, $0x1C0;
	[tilespmem:s22+$0x1C0] =	vst v1;
	v1 =	vmul.f32 v61, v0  }
.Ltmp0:
0xa7: {  	_ = 	snop;
	(pc) =	sbr.rel @p0 .LBB2_3-.Ltmp0, $4  }
0xa8: {  	[tilespmem:s22+$0x1D0] =	vst v1;
	v1 =	vmul.f32 v62, v0  }
0xa9: {  	v0 =	vmul.f32 v63, v0  }
0xaa: {  	[tilespmem:s22+$0x1E0] =	vst v1  }
0xab: {  	s21 =	sadd.s32 $0x40, s21;
	[tilespmem:s22+$0x1F0] =	vst v0;
	s22 =	sadd.s32 $0x400, s22  }
0xac: {  	s20 =	sadd.s32 $0x1, s20  }
0xad: {  	p0 =	sne.s32 s20, $0x188  }
.Ltmp1:
0xae: {  	_ = 	snop;
	(pc) =	sbr.rel @p0 .LBB2_2-.Ltmp1, $4  }
0xaf: {  	[spmem:s1] =	stream.indirect.scatter.add.f32 [tilespmem:s18], [sflag:$0x2], $0x40, s16, s16, $0xb8;
	[tilespmem:$0x1A980] =	vst v63  }
0xb0: {  	_ =	swait.ge [sflag:s15], $0x2000  }
0xb1: {  	[sflag:s15] =	ssyncset.done $0x0  }
0xb2: {  	[sflag:s15] =	ssyncadd.s32 $0xFFFFE000  }
0xb3: {  	s3 =	sadd.s32 $0x1, s3  }
0xb4: {  	p0 =	sne.s32 s3, s13  }
.Ltmp2:
0xb5: {  	[bflag:$0x0] =	sbarrier.arrive $0xFFFF;
	(pc) =	sbr.rel @p0 .LBB2_1-.Ltmp2, $4  }
0xb6: {  	[hbm:s12], [sflag:s9] =	dma.local [spmem:s14], $0x3100  }
0xb7: {  	_ =	swait.ge [sflag:s15], $0x3100  }
0xb8: {  	[sflag:s15] =	ssyncset.done $0x0  }
0xb9: {  	[sflag:s15] =	ssyncadd.s32 $0xFFFFCF00  }
0xba: {  	_ =	sfence.sel $0x180000  }
0xbb: {  	[bflag:$0x0] =	sbarrier.arrive $0xFFFF  }
0xbc: {  	p0 =	sne.s32 s2, $0x0;
	_ =	strace $0x90000053  }
0xbd: {  	s0 =	sadd.s32 @!p0 $0x100000, s0;
	[bflag:$0x2] =	sbarrier.arrive $0xFFFF  }
0xbe: {  	[sflag:s0] =	ssyncadd.tile.s32 @!p0 $0x1;
	_ =	shalt  }
.Lfunc_end2:
_tile_overlayer_lowered:
.L_overlay_start_2:
0xbf: {  	(tag) =	ssettag $0x2  }
0xc0: {  	s0 =	rddreg [dreg:$0x0];
	s2 =	stileid.u32  }
0xc1: {  	s1 =	rddreg [dreg:$0x1];
	p0 =	sne.s32 s2, $0x0  }
0xc2: {  	s3 =	rddreg [dreg:$0x2];
	[bflag:$0x3] =	sbarrier.arrive $0xFFFF;
	s2 =	simm.s32 @!p0 $0x1C02  }
0xc3: {  	[timem:s3], [sflag:s2] =	dma.local @!p0 [hbm:s0], s1  }
0xc4: {  	s0 =	simm.s32 @!p0 $0x2  }
0xc5: {  	_ =	swait.ge @!p0 [sflag:s0], s1  }
0xc6: {  	s1 =	ssub.s32 @!p0 $0x0, s1;
	[sflag:s0] =	ssyncset.done @!p0 $0x0  }
0xc7: {  	[sflag:s0] =	ssyncadd.s32 @!p0 s1  }
0xc8: {  	[bflag:$0x3] =	sbarrier.arrive $0xFFFF  }
0xc9: {  	_ =	shalt  }

// kernel: kernel.5.cloned.1.call-start
scs
__scs_entry_jumppad:
0x0: {  	(pc) =	sbr.rel $0x88, $3  }
0x1: {  	(tag) =	ssettag $0x0;
	lr =	simm.s32 $0x1  }
0x2: {  	[smem:$0x3F9C] =	sst lr;
	_ =	strace $0xD0000000  }
0x3: {  	_ = 	snop  }
0x4: {  	_ = 	snop  }
0x5: {  	_ = 	snop  }
0x6: {  	_ = 	snop  }
0x7: {  	_ = 	snop  }
__scs_overlays_trampoline_lowered:
0x8: {  	[smem:$0x3FAB] =	sst s0  }
0x9: {  	[smem:$0x3FAC] =	sst s1  }
0xa: {  	[smem:$0x3FAD] =	sst s2  }
0xb: {  	[smem:$0x3FAE] =	sst s3  }
0xc: {  	[smem:$0x3FAF] =	sst s4  }
0xd: {  	[smem:$0x3FB0] =	sst s5  }
0xe: {  	[smem:$0x3FB1] =	sst s6  }
0xf: {  	[smem:$0x3FB2] =	sst s7  }
0x10: {  	[smem:$0x3FB3] =	sst s8  }
0x11: {  	[smem:$0x3FB4] =	sst s9;
	s0 =	simm.s32 @!p0 $0x0  }
0x12: {  	s1 =	sld [smem:$0x3F9A];
	s0 =	simm.s32 @p0 $0x1  }
0x13: {  	[smem:$0x3FB5] =	sst s0;
	s0 =	simm.s32 @!p1 $0x0  }
0x14: {  	s2 =	sld [smem:$0x3F99];
	s0 =	simm.s32 @p1 $0x1  }
0x15: {  	[smem:$0x3FB6] =	sst s0;
	s0 =	simm.s32 @!p2 $0x0  }
0x16: {  	s3 =	sld [smem:$0x3FDB];
	s0 =	simm.s32 @p2 $0x1  }
0x17: {  	s4 =	simm.s32 $0x1BF5;
	[smem:$0x3FB8] =	sst s0  }
0x18: {  	s0 =	sld [smem:$0x3F9B];
	_ =	swait.ge [sflag:s4], $0x0  }
0x19: {  	s7 =	sld [smem:$0x3F9C]  }
0x1a: {  	s8 =	sadd.s32 $0xFFFFE003, lr  }
0x1b: {  	s9 =	sadd.s32 $0xFFFFFEF7, lr;
	s5 =	simm.s32 $0xFFFFFFFF;
	p2 =	slt.u32 s8, $0xFFFFF086  }
0x1c: {  	p1 =	slt.u32 s9, $0xF7A;
	s5 =	simm.s32 @!p2 $0x0  }
0x1d: {  	s5 =	simm.s32 @p1 $0x1;
	p0 =	seq.s32 s7, s2  }
0x1e: {  	s7 =	smul.u32 @!p0 $0xF7A, s2;
	p2 =	seq.s32 @!p0 s5, $0x0  }
0x1f: {  	s9 =	smul.u32 $0xF7A, s1;
	s8 =	simm.s32 @!p0 $0x1BF5;
	p2 =	por !p2, p0  }
0x20: {  	[sflag:s8] =	ssyncset.s32 @!p0 $0xFFFFF086;
	s6 =	sadd.s32 @!p0 s3, s7;
	s7 =	simm.s32 @!p0 $0x108  }
0x21: {  	s3 =	sadd.s32 s3, s9;
	s6 =	sadd.s32 @!p0 $0x88, s6;
	s7 =	simm.s32 @p2 $0x1082  }
0x22: {  	[simem:s7], [sflag:s8] =	dma.local @!p0 [hbm:s6], $0xF7A  }
0x23: {  	s9 =	sor.u32 $0xD0000000, s2;
	s6 =	simm.s32 $0x108;
	_ =	swait.ge @!p0 [sflag:s8], $0x0  }
0x24: {  	s3 =	sadd.s32 $0x88, s3;
	s6 =	simm.s32 @!p1 $0x1082;
	[sflag:s4] =	ssyncset.s32 $0xFFFFF086  }
0x25: {  	[simem:s6], [sflag:s4] =	dma.local [hbm:s3], $0xF7A  }
0x26: {  	[smem:$0x3F9C] =	sst s1;
	(tag) =	ssettag s2;
	_ =	strace s9  }
0x27: {  	s1 =	sld [smem:$0x3FAC]  }
0x28: {  	s2 =	sld [smem:$0x3FAD]  }
0x29: {  	s4 =	sld [smem:$0x3FAF]  }
0x2a: {  	p0 =	seq.s32 s5, $0x0;
	s5 =	sld [smem:$0x3FB0]  }
0x2b: {  	s6 =	sld [smem:$0x3FB1]  }
0x2c: {  	s7 =	sld [smem:$0x3FB2]  }
0x2d: {  	s3 =	simm.s32 $0x108;
	s8 =	sld [smem:$0x3FB3]  }
0x2e: {  	s3 =	simm.s32 @!p0 $0x1082;
	s9 =	sld [smem:$0x3FB4]  }
0x2f: {  	lr =	sadd.s32 s0, s3;
	s0 =	sld [smem:$0x3FAB]  }
0x30: {  	s3 =	sld [smem:$0x3FAE]  }
0x31: {  	[smem:$0x3FB7] =	sst s10  }
0x32: {  	s10 =	sld [smem:$0x3FB5];
	_ =	sdelay $0x3  }
0x33: {  	p0 =	seq.s32 s10, $0x1;
	s10 =	sld [smem:$0x3FB7];
	_ =	sdelay $0x3  }
0x34: {  	[smem:$0x3FB7] =	sst s10  }
0x35: {  	s10 =	sld [smem:$0x3FB6];
	_ =	sdelay $0x3  }
0x36: {  	p1 =	seq.s32 s10, $0x1;
	s10 =	sld [smem:$0x3FB7];
	_ =	sdelay $0x3  }
0x37: {  	[smem:$0x3FB7] =	sst s10  }
0x38: {  	s10 =	sld [smem:$0x3FB8]  }
0x39: {  	_ = 	snop;
	(pc) =	sbr.ind lr, $3  }
0x3a: {  	_ = 	snop  }
0x3b: {  	_ = 	snop  }
0x3c: {  	p2 =	seq.s32 s10, $0x1;
	s10 =	sld [smem:$0x3FB7]  }
0x3d: {  	_ =	shalt  }
0x3e: {  	_ =	shalt  }
0x3f: {  	_ =	shalt  }
0x40: {  	_ =	shalt  }
0x41: {  	_ =	shalt  }
0x42: {  	_ =	shalt  }
0x43: {  	_ =	shalt  }
0x44: {  	_ =	shalt  }
0x45: {  	_ =	shalt  }
0x46: {  	_ =	shalt  }
0x47: {  	_ =	shalt  }
0x48: {  	_ =	shalt  }
0x49: {  	_ =	shalt  }
0x4a: {  	_ =	shalt  }
0x4b: {  	_ =	shalt  }
0x4c: {  	_ =	shalt  }
0x4d: {  	_ =	shalt  }
0x4e: {  	_ =	shalt  }
0x4f: {  	_ =	shalt  }
0x50: {  	_ =	shalt  }
0x51: {  	_ =	shalt  }
0x52: {  	_ =	shalt  }
0x53: {  	_ =	shalt  }
0x54: {  	_ =	shalt  }
0x55: {  	_ =	shalt  }
0x56: {  	_ =	shalt  }
0x57: {  	_ =	shalt  }
0x58: {  	_ =	shalt  }
0x59: {  	_ =	shalt  }
0x5a: {  	_ =	shalt  }
0x5b: {  	_ =	shalt  }
0x5c: {  	_ =	shalt  }
0x5d: {  	_ =	shalt  }
0x5e: {  	_ =	shalt  }
0x5f: {  	_ =	shalt  }
0x60: {  	_ =	shalt  }
0x61: {  	_ =	shalt  }
0x62: {  	_ =	shalt  }
0x63: {  	_ =	shalt  }
0x64: {  	_ =	shalt  }
0x65: {  	_ =	shalt  }
0x66: {  	_ =	shalt  }
0x67: {  	_ =	shalt  }
0x68: {  	_ =	shalt  }
0x69: {  	_ =	shalt  }
0x6a: {  	_ =	shalt  }
0x6b: {  	_ =	shalt  }
0x6c: {  	_ =	shalt  }
0x6d: {  	_ =	shalt  }
0x6e: {  	_ =	shalt  }
0x6f: {  	_ =	shalt  }
0x70: {  	_ =	shalt  }
0x71: {  	_ =	shalt  }
0x72: {  	_ =	shalt  }
0x73: {  	_ =	shalt  }
0x74: {  	_ =	shalt  }
0x75: {  	_ =	shalt  }
0x76: {  	_ =	shalt  }
0x77: {  	_ =	shalt  }
0x78: {  	_ =	shalt  }
0x79: {  	_ =	shalt  }
0x7a: {  	_ =	shalt  }
0x7b: {  	_ =	shalt  }
0x7c: {  	_ =	shalt  }
0x7d: {  	_ =	shalt  }
0x7e: {  	_ =	shalt  }
0x7f: {  	_ =	shalt  }
0x80: {  	_ =	shalt  }
0x81: {  	_ =	shalt  }
0x82: {  	_ =	shalt  }
0x83: {  	_ =	shalt  }
0x84: {  	_ =	shalt  }
0x85: {  	_ =	shalt  }
0x86: {  	_ =	shalt  }
0x87: {  	_ =	shalt  }
.Lfunc_end0:
.L_simem_size_0:
called_computation.2_lowered:
.L_overlay_start_0:
0x88: {  	s2 =	sld [smem:$0x3FD9]  }
0x89: {  	s3 =	sld [smem:$0x3FFE];
	_ =	sdelay $0x1  }
0x8a: {  	s1 =	srdreg.scid  }
0x8b: {  	s0 =	sand.u32 $0x1, s1  }
0x8c: {  	s16 =	sshll.u32 s0, $0xA;
	s2 =	sadd.s32 s3, s2  }
0x8d: {  	s2 =	sadd.s32 s2, s16  }
0x8e: {  	[smem:$0x3FC3] =	sst s2  }
0x8f: {  	_ = 	snop  }
0x90: {  	(tm) =	ssettm $0x1  }
0x91: {  	s17 =	sld [smem:$0x3FFB];
	_ =	sdelay $0x3  }
0x92: {  	_ =	strace s17  }
0x93: {  	s2 =	sld [smem:$0x3FFC];
	_ =	sdelay $0x3  }
0x94: {  	_ =	strace s2  }
0x95: {  	s2 =	sld [smem:$0x3FFD];
	_ =	sdelay $0x3  }
0x96: {  	_ =	strace s2  }
0x97: {  	_ =	strace $0x8FFFFFFF  }
0x98: {  	s18 =	sld [smem:$0x3FDB];
	_ =	sdelay $0x1  }
0x99: {  	s19 =	simm.s32 $_scs_section_size  }
0x9a: {  	s4 =	simm.s32 $_size__tile_overlayer_lowered;
	s5 =	simm.s32 $_tile_overlayer_lowered  }
0x9b: {  	s22 =	simm.s32 $0x1BFF;
	s21 =	sshll.u32 s5, $0x1;
	s2 =	sadd.s32 s19, s18  }
0x9c: {  	s6 =	simm.s32 $0x0;
	s20 =	sshll.u32 s4, $0x1;
	s4 =	sadd.s32 s21, s2  }
0x9d: {  	[timem:s6], [sflag:s22] =	dma.local [hbm:s4], s20  }
0x9e: {  	_ =	swait.ge [sflag:s22], s20  }
0x9f: {  	s3 =	ssub.s32 $0x0, s20;
	[sflag:s22] =	ssyncset.done $0x0  }
0xa0: {  	[sflag:s22] =	ssyncadd.s32 s3;
	_ =	sdelay $0x1  }
0xa1: {  	s23 =	simm.s32 $0x1B8B  }
0xa2: {  	_ =	swait.ge [sflag:s23], $0x1  }
0xa3: {  	[sflag:s23] =	ssyncset.done $0x0  }
0xa4: {  	s25 =	simm.s32 $0x1B8E;
	s24 =	sld [smem:$0x3FFE];
	[sflag:s23] =	ssyncadd.s32 $0xFFFFFFFF  }
0xa5: {  	s26 =	simm.s32 $execute0_lowered;
	[smem:$0x3FD2] =	sst s25  }
0xa6: {  	s4 =	sshll.u32 s26, $0x1;
	_ =	strace $0x8000004C;
	[dreg:$0x1] =	wrdreg $0xFFFFFFFF  }
0xa7: {  	s28 =	simm.s32 $_size_execute0_lowered;
	s2 =	sadd.s32 s2, s4;
	[dreg:$0x0] =	wrdreg $0x0  }
0xa8: {  	s4 =	sshll.u32 s28, $0x1;
	[dreg:$0x2] =	wrdreg s2  }
0xa9: {  	[dreg:$0x3] =	wrdreg s4  }
0xaa: {  	[dreg:$0x4] =	wrdreg $0xC0  }
0xab: {  	_ =	task [dreg:s6], $0x5FFFF  }
0xac: {  	[dreg:$0x1] =	wrdreg $0xFFFFFFFF  }
0xad: {  	[dreg:$0x0] =	wrdreg $0x60  }
0xae: {  	[dreg:$0x2] =	wrdreg s24  }
0xaf: {  	[dreg:$0x3] =	wrdreg $0x21800  }
0xb0: {  	[dreg:$0x4] =	wrdreg $0x9  }
0xb1: {  	_ =	task.clear_ibuf [dreg:s6], $0x5FFFF;
	_ =	strace $0x9000004C  }
0xb2: {  	s29 =	simm.s32 $0x9;
	_ =	strace $0x8000004E  }
0xb3: {  	_ =	swait.ge [sflag:s29], $0x1  }
0xb4: {  	[sflag:s29] =	ssyncadd.s32 $0xFFFFFFFF  }
0xb5: {  	_ =	strace $0x9000004E  }
0xb6: {  	_ =	sfence  }
0xb7: {  	s30 =	sld [smem:$0x0];
	_ =	sdelay $0x2  }
0xb8: {  	s31 =	sshll.u32 s1, $0xD;
	s1 =	sshrl.u32 s1, $0x2  }
0xb9: {  	s3 =	sand.u32 $0x4000, s31;
	s1 =	sadd.s32 s1, s30  }
0xba: {  	s0 =	sor.u32 s3, s0;
	s1 =	sshll.u32 s1, $0x11  }
0xbb: {  	s0 =	sor.u32 s1, s0  }
0xbc: {  	s0 =	sadd.s32 $0x8F2B, s0  }
0xbd: {  	[sflag:s0] =	ssyncadd.remote.s32 $0x1  }
0xbe: {  	_ =	sfence.sel $0xFFFF  }
0xbf: {  	[dreg:$0x0] =	wrdreg $0xFFFFFFFF;
	(pc) =	sbr.abs _section_cstart, $3  }
0xc0: {  	[dreg:$0x1] =	wrdreg $0xFFFFFFFF  }
0xc1: {  	_ =	task.clear_ibuf [dreg:s6], $0x2FFFF;
	_ =	strace $0x9FFFFFFF  }
0xc2: {  	(tm) =	ssettm $0x7FFFFFFF  }
0xc3: {  	_ =	shalt  }
tec
execute0_lowered:
.L_overlay_start_1:
0x0: {  	(tag) =	ssettag $0x1  }
0x1: {  	s8 =	rddreg [dreg:$0x0]  }
0x2: {  	s1 =	rddreg [dreg:$0x1]  }
0x3: {  	s0 =	rddreg [dreg:$0x2];
	s3 =	simm.s32 $0x0  }
0x4: {  	s2 =	srdreg.scid;
	s16 =	simm.s32 $0x80;
	s17 =	simm.s32 $0x100  }
0x5: {  	s18 =	simm.s32 $0x180;
	s11 =	sand.u32 $0x1, s2;
	s4 =	sadd.s32 $0x24D400, s8  }
0x6: {  	s2 =	stileid.u32;
	s5 =	sadd.s32 $0x234C00, s8;
	s7 =	smul.u32 $0x6200, s11  }
0x7: {  	[smem:$0x7FF] =	sst s3;
	s6 =	sadd.s32 $0x203C00, s8;
	s9 =	smul.u32 $0x620, s2  }
0x8: {  	s19 =	simm.s32 $0x1;
	_ =	strace $0x8000004D;
	s10 =	smul.u32 $0x62000, s2  }
0x9: {  	s12 =	ssub.s32 $0x2, s11;
	s31 =	sshll.u32 s2, $0x6;
	s11 =	smul.u32 $0xC4000, s11  }
0xa: {  	s29 =	sshrl.u32 s12, $0x1;
	s9 =	sadd.s32 s9, s7;
	s7 =	sadd.s32 $0x2600, s8  }
0xb: {  	s30 =	sshrl.u32 s10, $0x2;
	s14 =	ssub.s32 s12, s29;
	s9 =	sshll.u32 s9, $0x3  }
0xc: {  	s10 =	smul.u32 $0x188, s2;
	s13 =	sadd.s32 s9, s8;
	s9 =	sor.u32 $0x1C02, s31  }
0xd: {  	s15 =	sadd.s32 s30, s1;
	s8 =	sadd.s32 $0x140400, s13;
	s12 =	sadd.s32 $0x2AF400, s13  }
0xe: {  	s13 =	smax.u32 s14, $0x1;
	s14 =	sshrl.u32 s15, $0x3;
	s15 =	simm.s32 $0x2  }
.LBB2_1:
0xf: {  	[spmem:s14], [sflag:s9] =	dma.local [hbm:s8], $0x3100  }
0x10: {  	_ =	swait.ge [sflag:s15], $0x3100  }
0x11: {  	[sflag:s15] =	ssyncset.done $0x0  }
0x12: {  	[sflag:s15] =	ssyncadd.s32 $0xFFFFCF00  }
0x13: {  	s20 =	simm.s32 $0x0;
	[bflag:$0x0] =	sbarrier.arrive $0xFFFF  }
.LBB2_2:
0x14: {  	s22 =	sadd.s32 s10, s20  }
0x15: {  	s23 =	sshll.u32 s22, $0x4  }
0x16: {  	s21 =	simm.s32 $0x0;
	s22 =	sshll.u32 s22, $0x7;
	s24 =	sadd.s32 s5, s23  }
0x17: {  	[tilespmem:s21], [sflag:$0x2] =	stream.linear.gather [hbm4b:s24+s21], $0x80, $0x38;
	[tilespmem:$0x1A980] =	vst v63  }
0x18: {  	s22 =	sadd.s32 s11, s22;
	_ =	swait.ge [sflag:s15], $0x80  }
0x19: {  	s22 =	sshrl.u32 s22, $0x3;
	[sflag:s15] =	ssyncset.done $0x0  }
0x1a: {  	s22 =	sadd.s32 s6, s22;
	[sflag:s15] =	ssyncadd.s32 $0xFFFFFF80  }
0x1b: {  	[tilespmem:s16], [sflag:$0x2] =	stream.linear.gather [hbm4b:s22+s21], $0x80, $0x38;
	[tilespmem:$0x1A980] =	vst v63  }
0x1c: {  	_ =	swait.ge [sflag:s15], $0x80  }
0x1d: {  	[sflag:s15] =	ssyncset.done $0x0  }
0x1e: {  	s31 =	sadd.s32 s7, s23;
	[sflag:s15] =	ssyncadd.s32 $0xFFFFFF80  }
0x1f: {  	[tilespmem:s17], [sflag:$0x2] =	stream.linear.gather [hbm4b:s31+s21], $0x80, $0x38;
	[tilespmem:$0x1A980] =	vst v63  }
0x20: {  	_ =	swait.ge [sflag:s15], $0x80  }
0x21: {  	[sflag:s15] =	ssyncset.done $0x0  }
0x22: {  	[sflag:s15] =	ssyncadd.s32 $0xFFFFFF80  }
0x23: {  	[tilespmem:s18], [sflag:$0x1] =	stream.indirect.gather [hbm4b:s4+s16], $0x40, s21, s16, $0xb8;
	[tilespmem:$0x1A980] =	vst v63  }
0x24: {  	_ =	swait.ge [sflag:s19], $0x2000  }
0x25: {  	[sflag:s19] =	ssyncset.done $0x0  }
0x26: {  	s22 =	simm.s32 $0x380;
	[sflag:s19] =	ssyncadd.s32 $0xFFFFE000  }
.LBB2_3:
0x27: {  	s23 =	sshra.s32 s21, $0x2  }
0x28: {  	v0 =	vld [tilespmem:s23+$0x100];
	_ =	sdelay $0x1  }
0x29: {  	v1 =	vld [tilespmem:s22+$0xFFFFFE00];
	_ =	sdelay $0x1  }
0x2a: {  	v47 =	vld [tilespmem:s22+$0xFFFFFE10]  }
0x2b: {  	v2 =	vbroadcast v0, $0x0  }
0x2c: {  	v48 =	vld [tilespmem:s22+$0xFFFFFE20]  }
0x2d: {  	v1 =	vmul.f32 v2, v1  }
0x2e: {  	v49 =	vld [tilespmem:s22+$0xFFFFFE30]  }
0x2f: {  	[tilespmem:s22+$0xFFFFFE00] =	vst v1;
	v1 =	vmul.f32 v47, v2  }
0x30: {  	v50 =	vld [tilespmem:s22+$0xFFFFFE40]  }
0x31: {  	[tilespmem:s22+$0xFFFFFE10] =	vst v1;
	v1 =	vmul.f32 v48, v2  }
0x32: {  	v52 =	vld [tilespmem:s22+$0xFFFFFE50]  }
0x33: {  	v51 =	vbroadcast v0, $0x1;
	[tilespmem:s22+$0xFFFFFE20] =	vst v1;
	v1 =	vmul.f32 v49, v2  }
0x34: {  	v53 =	vld [tilespmem:s22+$0xFFFFFE60]  }
0x35: {  	[tilespmem:s22+$0xFFFFFE30] =	vst v1;
	v1 =	vmul.f32 v50, v51  }
0x36: {  	v54 =	vld [tilespmem:s22+$0xFFFFFE70]  }
0x37: {  	[tilespmem:s22+$0xFFFFFE40] =	vst v1;
	v1 =	vmul.f32 v52, v51  }
0x38: {  	v55 =	vld [tilespmem:s22+$0xFFFFFE80]  }
0x39: {  	[tilespmem:s22+$0xFFFFFE50] =	vst v1;
	v1 =	vmul.f32 v53, v51  }
0x3a: {  	v57 =	vld [tilespmem:s22+$0xFFFFFE90]  }
0x3b: {  	v56 =	vbroadcast v0, $0x2;
	[tilespmem:s22+$0xFFFFFE60] =	vst v1;
	v1 =	vmul.f32 v54, v51  }
0x3c: {  	v58 =	vld [tilespmem:s22+$0xFFFFFEA0]  }
0x3d: {  	[tilespmem:s22+$0xFFFFFE70] =	vst v1;
	v1 =	vmul.f32 v55, v56  }
0x3e: {  	v59 =	vld [tilespmem:s22+$0xFFFFFEB0]  }
0x3f: {  	[tilespmem:s22+$0xFFFFFE80] =	vst v1;
	v1 =	vmul.f32 v57, v56  }
0x40: {  	v60 =	vld [tilespmem:s22+$0xFFFFFEC0]  }
0x41: {  	[tilespmem:s22+$0xFFFFFE90] =	vst v1;
	v1 =	vmul.f32 v58, v56  }
0x42: {  	v62 =	vld [tilespmem:s22+$0xFFFFFED0]  }
0x43: {  	v61 =	vbroadcast v0, $0x3;
	[tilespmem:s22+$0xFFFFFEA0] =	vst v1;
	v1 =	vmul.f32 v59, v56  }
0x44: {  	v63 =	vld [tilespmem:s22+$0xFFFFFEE0]  }
0x45: {  	[tilespmem:s22+$0xFFFFFEB0] =	vst v1;
	v1 =	vmul.f32 v60, v61  }
0x46: {  	v4 =	vld [tilespmem:s22+$0xFFFFFEF0]  }
0x47: {  	[tilespmem:s22+$0xFFFFFEC0] =	vst v1;
	v1 =	vmul.f32 v62, v61  }
0x48: {  	v5 =	vld [tilespmem:s22+$0xFFFFFF00]  }
0x49: {  	[tilespmem:s22+$0xFFFFFED0] =	vst v1;
	v1 =	vmul.f32 v63, v61  }
0x4a: {  	v7 =	vld [tilespmem:s22+$0xFFFFFF10]  }
0x4b: {  	v6 =	vbroadcast v0, $0x4;
	[tilespmem:s22+$0xFFFFFEE0] =	vst v1;
	v1 =	vmul.f32 v4, v61  }
0x4c: {  	v8 =	vld [tilespmem:s22+$0xFFFFFF20]  }
0x4d: {  	[tilespmem:s22+$0xFFFFFEF0] =	vst v1;
	v1 =	vmul.f32 v5, v6  }
0x4e: {  	v9 =	vld [tilespmem:s22+$0xFFFFFF30]  }
0x4f: {  	[tilespmem:s22+$0xFFFFFF00] =	vst v1;
	v1 =	vmul.f32 v7, v6  }
0x50: {  	v10 =	vld [tilespmem:s22+$0xFFFFFF40]  }
0x51: {  	[tilespmem:s22+$0xFFFFFF10] =	vst v1;
	v1 =	vmul.f32 v8, v6  }
0x52: {  	v12 =	vld [tilespmem:s22+$0xFFFFFF50]  }
0x53: {  	v11 =	vbroadcast v0, $0x5;
	[tilespmem:s22+$0xFFFFFF20] =	vst v1;
	v1 =	vmul.f32 v9, v6  }
0x54: {  	v13 =	vld [tilespmem:s22+$0xFFFFFF60]  }
0x55: {  	[tilespmem:s22+$0xFFFFFF30] =	vst v1;
	v1 =	vmul.f32 v10, v11  }
0x56: {  	v14 =	vld [tilespmem:s22+$0xFFFFFF70]  }
0x57: {  	[tilespmem:s22+$0xFFFFFF40] =	vst v1;
	v1 =	vmul.f32 v12, v11  }
0x58: {  	v15 =	vld [tilespmem:s22+$0xFFFFFF80]  }
0x59: {  	[tilespmem:s22+$0xFFFFFF50] =	vst v1;
	v1 =	vmul.f32 v13, v11  }
0x5a: {  	v17 =	vld [tilespmem:s22+$0xFFFFFF90]  }
0x5b: {  	v16 =	vbroadcast v0, $0x6;
	[tilespmem:s22+$0xFFFFFF60] =	vst v1;
	v1 =	vmul.f32 v14, v11  }
0x5c: {  	v18 =	vld [tilespmem:s22+$0xFFFFFFA0]  }
0x5d: {  	[tilespmem:s22+$0xFFFFFF70] =	vst v1;
	v1 =	vmul.f32 v15, v16  }
0x5e: {  	v19 =	vld [tilespmem:s22+$0xFFFFFFB0]  }
0x5f: {  	[tilespmem:s22+$0xFFFFFF80] =	vst v1;
	v1 =	vmul.f32 v17, v16  }
0x60: {  	v20 =	vld [tilespmem:s22+$0xFFFFFFC0]  }
0x61: {  	[tilespmem:s22+$0xFFFFFF90] =	vst v1;
	v1 =	vmul.f32 v18, v16  }
0x62: {  	v22 =	vld [tilespmem:s22+$0xFFFFFFD0]  }
0x63: {  	v21 =	vbroadcast v0, $0x7;
	[tilespmem:s22+$0xFFFFFFA0] =	vst v1;
	v1 =	vmul.f32 v19, v16  }
0x64: {  	v23 =	vld [tilespmem:s22+$0xFFFFFFE0]  }
0x65: {  	[tilespmem:s22+$0xFFFFFFB0] =	vst v1;
	v1 =	vmul.f32 v20, v21  }
0x66: {  	v24 =	vld [tilespmem:s22+$0xFFFFFFF0]  }
0x67: {  	[tilespmem:s22+$0xFFFFFFC0] =	vst v1;
	v1 =	vmul.f32 v22, v21  }
0x68: {  	v25 =	vld [tilespmem:s22+$0x0]  }
0x69: {  	[tilespmem:s22+$0xFFFFFFD0] =	vst v1;
	v1 =	vmul.f32 v23, v21  }
0x6a: {  	v27 =	vld [tilespmem:s22+$0x10]  }
0x6b: {  	v26 =	vbroadcast v0, $0x8;
	[tilespmem:s22+$0xFFFFFFE0] =	vst v1;
	v1 =	vmul.f32 v24, v21  }
0x6c: {  	v28 =	vld [tilespmem:s22+$0x20]  }
0x6d: {  	[tilespmem:s22+$0xFFFFFFF0] =	vst v1;
	v1 =	vmul.f32 v25, v26  }
0x6e: {  	v29 =	vld [tilespmem:s22+$0x30]  }
0x6f: {  	[tilespmem:s22+$0x0] =	vst v1;
	v1 =	vmul.f32 v27, v26  }
0x70: {  	v30 =	vld [tilespmem:s22+$0x40]  }
0x71: {  	[tilespmem:s22+$0x10] =	vst v1;
	v1 =	vmul.f32 v28, v26  }
0x72: {  	v32 =	vld [tilespmem:s22+$0x50]  }
0x73: {  	v31 =	vbroadcast v0, $0x9;
	[tilespmem:s22+$0x20] =	vst v1;
	v1 =	vmul.f32 v29, v26  }
0x74: {  	v33 =	vld [tilespmem:s22+$0x60]  }
0x75: {  	[tilespmem:s22+$0x30] =	vst v1;
	v1 =	vmul.f32 v30, v31  }
0x76: {  	v34 =	vld [tilespmem:s22+$0x70]  }
0x77: {  	[tilespmem:s22+$0x40] =	vst v1;
	v1 =	vmul.f32 v32, v31  }
0x78: {  	v35 =	vld [tilespmem:s22+$0x80]  }
0x79: {  	[tilespmem:s22+$0x50] =	vst v1;
	v1 =	vmul.f32 v33, v31  }
0x7a: {  	v37 =	vld [tilespmem:s22+$0x90]  }
0x7b: {  	v36 =	vbroadcast v0, $0xA;
	[tilespmem:s22+$0x60] =	vst v1;
	v1 =	vmul.f32 v34, v31  }
0x7c: {  	v38 =	vld [tilespmem:s22+$0xA0]  }
0x7d: {  	[tilespmem:s22+$0x70] =	vst v1;
	v1 =	vmul.f32 v35, v36  }
0x7e: {  	v39 =	vld [tilespmem:s22+$0xB0]  }
0x7f: {  	[tilespmem:s22+$0x80] =	vst v1;
	v1 =	vmul.f32 v37, v36  }
0x80: {  	v40 =	vld [tilespmem:s22+$0xC0]  }
0x81: {  	[tilespmem:s22+$0x90] =	vst v1;
	v1 =	vmul.f32 v38, v36  }
0x82: {  	v42 =	vld [tilespmem:s22+$0xD0]  }
0x83: {  	v41 =	vbroadcast v0, $0xB;
	[tilespmem:s22+$0xA0] =	vst v1;
	v1 =	vmul.f32 v39, v36  }
0x84: {  	v43 =	vld [tilespmem:s22+$0xE0]  }
0x85: {  	[tilespmem:s22+$0xB0] =	vst v1;
	v1 =	vmul.f32 v40, v41  }
0x86: {  	v44 =	vld [tilespmem:s22+$0xF0]  }
0x87: {  	[tilespmem:s22+$0xC0] =	vst v1;
	v1 =	vmul.f32 v42, v41  }
0x88: {  	v45 =	vld [tilespmem:s22+$0x100]  }
0x89: {  	[tilespmem:s22+$0xD0] =	vst v1;
	v1 =	vmul.f32 v43, v41  }
0x8a: {  	v47 =	vld [tilespmem:s22+$0x110]  }
0x8b: {  	v46 =	vbroadcast v0, $0xC;
	[tilespmem:s22+$0xE0] =	vst v1;
	v1 =	vmul.f32 v44, v41  }
0x8c: {  	v48 =	vld [tilespmem:s22+$0x120]  }
0x8d: {  	[tilespmem:s22+$0xF0] =	vst v1;
	v1 =	vmul.f32 v45, v46  }
0x8e: {  	v49 =	vld [tilespmem:s22+$0x130]  }
0x8f: {  	[tilespmem:s22+$0x100] =	vst v1;
	v1 =	vmul.f32 v47, v46  }
0x90: {  	v50 =	vld [tilespmem:s22+$0x140]  }
0x91: {  	[tilespmem:s22+$0x110] =	vst v1;
	v1 =	vmul.f32 v48, v46  }
0x92: {  	v52 =	vld [tilespmem:s22+$0x150]  }
0x93: {  	v51 =	vbroadcast v0, $0xD;
	[tilespmem:s22+$0x120] =	vst v1;
	v1 =	vmul.f32 v49, v46  }
0x94: {  	v53 =	vld [tilespmem:s22+$0x160]  }
0x95: {  	[tilespmem:s22+$0x130] =	vst v1;
	v1 =	vmul.f32 v50, v51  }
0x96: {  	v54 =	vld [tilespmem:s22+$0x170]  }
0x97: {  	[tilespmem:s22+$0x140] =	vst v1;
	v1 =	vmul.f32 v52, v51  }
0x98: {  	v55 =	vld [tilespmem:s22+$0x180]  }
0x99: {  	[tilespmem:s22+$0x150] =	vst v1;
	v1 =	vmul.f32 v53, v51  }
0x9a: {  	v57 =	vld [tilespmem:s22+$0x190]  }
0x9b: {  	v56 =	vbroadcast v0, $0xE;
	[tilespmem:s22+$0x160] =	vst v1;
	v1 =	vmul.f32 v54, v51  }
0x9c: {  	v58 =	vld [tilespmem:s22+$0x1A0]  }
0x9d: {  	[tilespmem:s22+$0x170] =	vst v1;
	v1 =	vmul.f32 v55, v56  }
0x9e: {  	v59 =	vld [tilespmem:s22+$0x1B0]  }
0x9f: {  	[tilespmem:s22+$0x180] =	vst v1;
	v1 =	vmul.f32 v57, v56  }
0xa0: {  	v60 =	vld [tilespmem:s22+$0x1C0]  }
0xa1: {  	[tilespmem:s22+$0x190] =	vst v1;
	v1 =	vmul.f32 v58, v56  }
0xa2: {  	v61 =	vld [tilespmem:s22+$0x1D0]  }
0xa3: {  	v0 =	vbroadcast v0, $0xF;
	[tilespmem:s22+$0x1A0] =	vst v1;
	v1 =	vmul.f32 v59, v56  }
0xa4: {  	v62 =	vld [tilespmem:s22+$0x1E0]  }
0xa5: {  	v63 =	vld [tilespmem:s22+$0x1F0];
	[tilespmem:s22+$0x1B0] =	vst v1;
	v1 =	vmul.f32 v60, v0;
	_ =	sdelay $0x1  }
0xa6: {  	p0 =	sne.s32 s21, $0x1C0;
	[tilespmem:s22+$0x1C0] =	vst v1;
	v1 =	vmul.f32 v61, v0  }
.Ltmp0:
0xa7: {  	_ = 	snop;
	(pc) =	sbr.rel @p0 .LBB2_3-.Ltmp0, $4  }
0xa8: {  	[tilespmem:s22+$0x1D0] =	vst v1;
	v1 =	vmul.f32 v62, v0  }
0xa9: {  	v0 =	vmul.f32 v63, v0  }
0xaa: {  	[tilespmem:s22+$0x1E0] =	vst v1  }
0xab: {  	s21 =	sadd.s32 $0x40, s21;
	[tilespmem:s22+$0x1F0] =	vst v0;
	s22 =	sadd.s32 $0x400, s22  }
0xac: {  	s20 =	sadd.s32 $0x1, s20  }
0xad: {  	p0 =	sne.s32 s20, $0x188  }
.Ltmp1:
0xae: {  	_ = 	snop;
	(pc) =	sbr.rel @p0 .LBB2_2-.Ltmp1, $4  }
0xaf: {  	[spmem:s1] =	stream.indirect.scatter.add.f32 [tilespmem:s18], [sflag:$0x2], $0x40, s16, s16, $0xb8;
	[tilespmem:$0x1A980] =	vst v63  }
0xb0: {  	_ =	swait.ge [sflag:s15], $0x2000  }
0xb1: {  	[sflag:s15] =	ssyncset.done $0x0  }
0xb2: {  	[sflag:s15] =	ssyncadd.s32 $0xFFFFE000  }
0xb3: {  	s3 =	sadd.s32 $0x1, s3  }
0xb4: {  	p0 =	sne.s32 s3, s13  }
.Ltmp2:
0xb5: {  	[bflag:$0x0] =	sbarrier.arrive $0xFFFF;
	(pc) =	sbr.rel @p0 .LBB2_1-.Ltmp2, $4  }
0xb6: {  	[hbm:s12], [sflag:s9] =	dma.local [spmem:s14], $0x3100  }
0xb7: {  	_ =	swait.ge [sflag:s15], $0x3100  }
0xb8: {  	[sflag:s15] =	ssyncset.done $0x0  }
0xb9: {  	[sflag:s15] =	ssyncadd.s32 $0xFFFFCF00  }
0xba: {  	_ =	sfence.sel $0x180000  }
0xbb: {  	[bflag:$0x0] =	sbarrier.arrive $0xFFFF  }
0xbc: {  	p0 =	sne.s32 s2, $0x0;
	_ =	strace $0x9000004D  }
0xbd: {  	s0 =	sadd.s32 @!p0 $0x100000, s0;
	[bflag:$0x2] =	sbarrier.arrive $0xFFFF  }
0xbe: {  	[sflag:s0] =	ssyncadd.tile.s32 @!p0 $0x1;
	_ =	shalt  }
.Lfunc_end2:
_tile_overlayer_lowered:
.L_overlay_start_2:
0xbf: {  	(tag) =	ssettag $0x2  }
0xc0: {  	s0 =	rddreg [dreg:$0x0];
	s2 =	stileid.u32  }
0xc1: {  	s1 =	rddreg [dreg:$0x1];
	p0 =	sne.s32 s2, $0x0  }
0xc2: {  	s3 =	rddreg [dreg:$0x2];
	[bflag:$0x3] =	sbarrier.arrive $0xFFFF;
	s2 =	simm.s32 @!p0 $0x1C02  }
0xc3: {  	[timem:s3], [sflag:s2] =	dma.local @!p0 [hbm:s0], s1  }
0xc4: {  	s0 =	simm.s32 @!p0 $0x2  }
0xc5: {  	_ =	swait.ge @!p0 [sflag:s0], s1  }
0xc6: {  	s1 =	ssub.s32 @!p0 $0x0, s1;
	[sflag:s0] =	ssyncset.done @!p0 $0x0  }
0xc7: {  	[sflag:s0] =	ssyncadd.s32 @!p0 s1  }
0xc8: {  	[bflag:$0x3] =	sbarrier.arrive $0xFFFF  }
0xc9: {  	_ =	shalt  }

// kernel: kernel.8.cloned.1.call-start
scs
__scs_entry_jumppad:
0x0: {  	(pc) =	sbr.rel $0x88, $3  }
0x1: {  	(tag) =	ssettag $0x0;
	lr =	simm.s32 $0x1  }
0x2: {  	[smem:$0x3F9C] =	sst lr;
	_ =	strace $0xD0000000  }
0x3: {  	_ = 	snop  }
0x4: {  	_ = 	snop  }
0x5: {  	_ = 	snop  }
0x6: {  	_ = 	snop  }
0x7: {  	_ = 	snop  }
__scs_overlays_trampoline_lowered:
0x8: {  	[smem:$0x3FAB] =	sst s0  }
0x9: {  	[smem:$0x3FAC] =	sst s1  }
0xa: {  	[smem:$0x3FAD] =	sst s2  }
0xb: {  	[smem:$0x3FAE] =	sst s3  }
0xc: {  	[smem:$0x3FAF] =	sst s4  }
0xd: {  	[smem:$0x3FB0] =	sst s5  }
0xe: {  	[smem:$0x3FB1] =	sst s6  }
0xf: {  	[smem:$0x3FB2] =	sst s7  }
0x10: {  	[smem:$0x3FB3] =	sst s8  }
0x11: {  	[smem:$0x3FB4] =	sst s9;
	s0 =	simm.s32 @!p0 $0x0  }
0x12: {  	s1 =	sld [smem:$0x3F9A];
	s0 =	simm.s32 @p0 $0x1  }
0x13: {  	[smem:$0x3FB5] =	sst s0;
	s0 =	simm.s32 @!p1 $0x0  }
0x14: {  	s2 =	sld [smem:$0x3F99];
	s0 =	simm.s32 @p1 $0x1  }
0x15: {  	[smem:$0x3FB6] =	sst s0;
	s0 =	simm.s32 @!p2 $0x0  }
0x16: {  	s3 =	sld [smem:$0x3FDB];
	s0 =	simm.s32 @p2 $0x1  }
0x17: {  	s4 =	simm.s32 $0x1BF5;
	[smem:$0x3FB8] =	sst s0  }
0x18: {  	s0 =	sld [smem:$0x3F9B];
	_ =	swait.ge [sflag:s4], $0x0  }
0x19: {  	s7 =	sld [smem:$0x3F9C]  }
0x1a: {  	s8 =	sadd.s32 $0xFFFFE003, lr  }
0x1b: {  	s9 =	sadd.s32 $0xFFFFFEF7, lr;
	s5 =	simm.s32 $0xFFFFFFFF;
	p2 =	slt.u32 s8, $0xFFFFF086  }
0x1c: {  	p1 =	slt.u32 s9, $0xF7A;
	s5 =	simm.s32 @!p2 $0x0  }
0x1d: {  	s5 =	simm.s32 @p1 $0x1;
	p0 =	seq.s32 s7, s2  }
0x1e: {  	s7 =	smul.u32 @!p0 $0xF7A, s2;
	p2 =	seq.s32 @!p0 s5, $0x0  }
0x1f: {  	s9 =	smul.u32 $0xF7A, s1;
	s8 =	simm.s32 @!p0 $0x1BF5;
	p2 =	por !p2, p0  }
0x20: {  	[sflag:s8] =	ssyncset.s32 @!p0 $0xFFFFF086;
	s6 =	sadd.s32 @!p0 s3, s7;
	s7 =	simm.s32 @!p0 $0x108  }
0x21: {  	s3 =	sadd.s32 s3, s9;
	s6 =	sadd.s32 @!p0 $0x88, s6;
	s7 =	simm.s32 @p2 $0x1082  }
0x22: {  	[simem:s7], [sflag:s8] =	dma.local @!p0 [hbm:s6], $0xF7A  }
0x23: {  	s9 =	sor.u32 $0xD0000000, s2;
	s6 =	simm.s32 $0x108;
	_ =	swait.ge @!p0 [sflag:s8], $0x0  }
0x24: {  	s3 =	sadd.s32 $0x88, s3;
	s6 =	simm.s32 @!p1 $0x1082;
	[sflag:s4] =	ssyncset.s32 $0xFFFFF086  }
0x25: {  	[simem:s6], [sflag:s4] =	dma.local [hbm:s3], $0xF7A  }
0x26: {  	[smem:$0x3F9C] =	sst s1;
	(tag) =	ssettag s2;
	_ =	strace s9  }
0x27: {  	s1 =	sld [smem:$0x3FAC]  }
0x28: {  	s2 =	sld [smem:$0x3FAD]  }
0x29: {  	s4 =	sld [smem:$0x3FAF]  }
0x2a: {  	p0 =	seq.s32 s5, $0x0;
	s5 =	sld [smem:$0x3FB0]  }
0x2b: {  	s6 =	sld [smem:$0x3FB1]  }
0x2c: {  	s7 =	sld [smem:$0x3FB2]  }
0x2d: {  	s3 =	simm.s32 $0x108;
	s8 =	sld [smem:$0x3FB3]  }
0x2e: {  	s3 =	simm.s32 @!p0 $0x1082;
	s9 =	sld [smem:$0x3FB4]  }
0x2f: {  	lr =	sadd.s32 s0, s3;
	s0 =	sld [smem:$0x3FAB]  }
0x30: {  	s3 =	sld [smem:$0x3FAE]  }
0x31: {  	[smem:$0x3FB7] =	sst s10  }
0x32: {  	s10 =	sld [smem:$0x3FB5];
	_ =	sdelay $0x3  }
0x33: {  	p0 =	seq.s32 s10, $0x1;
	s10 =	sld [smem:$0x3FB7];
	_ =	sdelay $0x3  }
0x34: {  	[smem:$0x3FB7] =	sst s10  }
0x35: {  	s10 =	sld [smem:$0x3FB6];
	_ =	sdelay $0x3  }
0x36: {  	p1 =	seq.s32 s10, $0x1;
	s10 =	sld [smem:$0x3FB7];
	_ =	sdelay $0x3  }
0x37: {  	[smem:$0x3FB7] =	sst s10  }
0x38: {  	s10 =	sld [smem:$0x3FB8]  }
0x39: {  	_ = 	snop;
	(pc) =	sbr.ind lr, $3  }
0x3a: {  	_ = 	snop  }
0x3b: {  	_ = 	snop  }
0x3c: {  	p2 =	seq.s32 s10, $0x1;
	s10 =	sld [smem:$0x3FB7]  }
0x3d: {  	_ =	shalt  }
0x3e: {  	_ =	shalt  }
0x3f: {  	_ =	shalt  }
0x40: {  	_ =	shalt  }
0x41: {  	_ =	shalt  }
0x42: {  	_ =	shalt  }
0x43: {  	_ =	shalt  }
0x44: {  	_ =	shalt  }
0x45: {  	_ =	shalt  }
0x46: {  	_ =	shalt  }
0x47: {  	_ =	shalt  }
0x48: {  	_ =	shalt  }
0x49: {  	_ =	shalt  }
0x4a: {  	_ =	shalt  }
0x4b: {  	_ =	shalt  }
0x4c: {  	_ =	shalt  }
0x4d: {  	_ =	shalt  }
0x4e: {  	_ =	shalt  }
0x4f: {  	_ =	shalt  }
0x50: {  	_ =	shalt  }
0x51: {  	_ =	shalt  }
0x52: {  	_ =	shalt  }
0x53: {  	_ =	shalt  }
0x54: {  	_ =	shalt  }
0x55: {  	_ =	shalt  }
0x56: {  	_ =	shalt  }
0x57: {  	_ =	shalt  }
0x58: {  	_ =	shalt  }
0x59: {  	_ =	shalt  }
0x5a: {  	_ =	shalt  }
0x5b: {  	_ =	shalt  }
0x5c: {  	_ =	shalt  }
0x5d: {  	_ =	shalt  }
0x5e: {  	_ =	shalt  }
0x5f: {  	_ =	shalt  }
0x60: {  	_ =	shalt  }
0x61: {  	_ =	shalt  }
0x62: {  	_ =	shalt  }
0x63: {  	_ =	shalt  }
0x64: {  	_ =	shalt  }
0x65: {  	_ =	shalt  }
0x66: {  	_ =	shalt  }
0x67: {  	_ =	shalt  }
0x68: {  	_ =	shalt  }
0x69: {  	_ =	shalt  }
0x6a: {  	_ =	shalt  }
0x6b: {  	_ =	shalt  }
0x6c: {  	_ =	shalt  }
0x6d: {  	_ =	shalt  }
0x6e: {  	_ =	shalt  }
0x6f: {  	_ =	shalt  }
0x70: {  	_ =	shalt  }
0x71: {  	_ =	shalt  }
0x72: {  	_ =	shalt  }
0x73: {  	_ =	shalt  }
0x74: {  	_ =	shalt  }
0x75: {  	_ =	shalt  }
0x76: {  	_ =	shalt  }
0x77: {  	_ =	shalt  }
0x78: {  	_ =	shalt  }
0x79: {  	_ =	shalt  }
0x7a: {  	_ =	shalt  }
0x7b: {  	_ =	shalt  }
0x7c: {  	_ =	shalt  }
0x7d: {  	_ =	shalt  }
0x7e: {  	_ =	shalt  }
0x7f: {  	_ =	shalt  }
0x80: {  	_ =	shalt  }
0x81: {  	_ =	shalt  }
0x82: {  	_ =	shalt  }
0x83: {  	_ =	shalt  }
0x84: {  	_ =	shalt  }
0x85: {  	_ =	shalt  }
0x86: {  	_ =	shalt  }
0x87: {  	_ =	shalt  }
.Lfunc_end0:
.L_simem_size_0:
called_computation.3_lowered:
.L_overlay_start_0:
0x88: {  	s2 =	sld [smem:$0x3FD9]  }
0x89: {  	s3 =	sld [smem:$0x3FFE];
	_ =	sdelay $0x1  }
0x8a: {  	s1 =	srdreg.scid  }
0x8b: {  	s0 =	sand.u32 $0x1, s1  }
0x8c: {  	s16 =	sshll.u32 s0, $0xA;
	s2 =	sadd.s32 s3, s2  }
0x8d: {  	s2 =	sadd.s32 s2, s16  }
0x8e: {  	[smem:$0x3FC3] =	sst s2  }
0x8f: {  	_ = 	snop  }
0x90: {  	(tm) =	ssettm $0x1  }
0x91: {  	s17 =	sld [smem:$0x3FFB];
	_ =	sdelay $0x3  }
0x92: {  	_ =	strace s17  }
0x93: {  	s2 =	sld [smem:$0x3FFC];
	_ =	sdelay $0x3  }
0x94: {  	_ =	strace s2  }
0x95: {  	s2 =	sld [smem:$0x3FFD];
	_ =	sdelay $0x3  }
0x96: {  	_ =	strace s2  }
0x97: {  	_ =	strace $0x8FFFFFFF  }
0x98: {  	s18 =	sld [smem:$0x3FDB];
	_ =	sdelay $0x1  }
0x99: {  	s19 =	simm.s32 $_scs_section_size  }
0x9a: {  	s4 =	simm.s32 $_size__tile_overlayer_lowered;
	s5 =	simm.s32 $_tile_overlayer_lowered  }
0x9b: {  	s22 =	simm.s32 $0x1BFF;
	s21 =	sshll.u32 s5, $0x1;
	s2 =	sadd.s32 s19, s18  }
0x9c: {  	s6 =	simm.s32 $0x0;
	s20 =	sshll.u32 s4, $0x1;
	s4 =	sadd.s32 s21, s2  }
0x9d: {  	[timem:s6], [sflag:s22] =	dma.local [hbm:s4], s20  }
0x9e: {  	_ =	swait.ge [sflag:s22], s20  }
0x9f: {  	s3 =	ssub.s32 $0x0, s20;
	[sflag:s22] =	ssyncset.done $0x0  }
0xa0: {  	[sflag:s22] =	ssyncadd.s32 s3;
	_ =	sdelay $0x1  }
0xa1: {  	s23 =	simm.s32 $0x1B8B  }
0xa2: {  	_ =	swait.ge [sflag:s23], $0x1  }
0xa3: {  	[sflag:s23] =	ssyncset.done $0x0  }
0xa4: {  	s25 =	simm.s32 $0x1B8E;
	s24 =	sld [smem:$0x3FFE];
	[sflag:s23] =	ssyncadd.s32 $0xFFFFFFFF  }
0xa5: {  	s26 =	simm.s32 $execute0_lowered;
	[smem:$0x3FD2] =	sst s25  }
0xa6: {  	s4 =	sshll.u32 s26, $0x1;
	_ =	strace $0x8000004F;
	[dreg:$0x1] =	wrdreg $0xFFFFFFFF  }
0xa7: {  	s28 =	simm.s32 $_size_execute0_lowered;
	s2 =	sadd.s32 s2, s4;
	[dreg:$0x0] =	wrdreg $0x0  }
0xa8: {  	s4 =	sshll.u32 s28, $0x1;
	[dreg:$0x2] =	wrdreg s2  }
0xa9: {  	[dreg:$0x3] =	wrdreg s4  }
0xaa: {  	[dreg:$0x4] =	wrdreg $0xC0  }
0xab: {  	_ =	task [dreg:s6], $0x5FFFF  }
0xac: {  	[dreg:$0x1] =	wrdreg $0xFFFFFFFF  }
0xad: {  	[dreg:$0x0] =	wrdreg $0x60  }
0xae: {  	[dreg:$0x2] =	wrdreg s24  }
0xaf: {  	[dreg:$0x3] =	wrdreg $0x21800  }
0xb0: {  	[dreg:$0x4] =	wrdreg $0x9  }
0xb1: {  	_ =	task.clear_ibuf [dreg:s6], $0x5FFFF;
	_ =	strace $0x9000004F  }
0xb2: {  	s29 =	simm.s32 $0x9;
	_ =	strace $0x80000051  }
0xb3: {  	_ =	swait.ge [sflag:s29], $0x1  }
0xb4: {  	[sflag:s29] =	ssyncadd.s32 $0xFFFFFFFF  }
0xb5: {  	_ =	strace $0x90000051  }
0xb6: {  	_ =	sfence  }
0xb7: {  	s30 =	sld [smem:$0x0];
	_ =	sdelay $0x2  }
0xb8: {  	s31 =	sshll.u32 s1, $0xD;
	s1 =	sshrl.u32 s1, $0x2  }
0xb9: {  	s3 =	sand.u32 $0x4000, s31;
	s1 =	sadd.s32 s1, s30  }
0xba: {  	s0 =	sor.u32 s3, s0;
	s1 =	sshll.u32 s1, $0x11  }
0xbb: {  	s0 =	sor.u32 s1, s0  }
0xbc: {  	s0 =	sadd.s32 $0x8F2B, s0  }
0xbd: {  	[sflag:s0] =	ssyncadd.remote.s32 $0x1  }
0xbe: {  	_ =	sfence.sel $0xFFFF  }
0xbf: {  	[dreg:$0x0] =	wrdreg $0xFFFFFFFF;
	(pc) =	sbr.abs _section_cstart, $3  }
0xc0: {  	[dreg:$0x1] =	wrdreg $0xFFFFFFFF  }
0xc1: {  	_ =	task.clear_ibuf [dreg:s6], $0x2FFFF;
	_ =	strace $0x9FFFFFFF  }
0xc2: {  	(tm) =	ssettm $0x7FFFFFFF  }
0xc3: {  	_ =	shalt  }
tec
execute0_lowered:
.L_overlay_start_1:
0x0: {  	(tag) =	ssettag $0x1  }
0x1: {  	s8 =	rddreg [dreg:$0x0]  }
0x2: {  	s1 =	rddreg [dreg:$0x1]  }
0x3: {  	s0 =	rddreg [dreg:$0x2];
	s3 =	simm.s32 $0x0  }
0x4: {  	s2 =	srdreg.scid;
	s16 =	simm.s32 $0x80;
	s17 =	simm.s32 $0x100  }
0x5: {  	s18 =	simm.s32 $0x180;
	s11 =	sand.u32 $0x1, s2;
	s4 =	sadd.s32 $0x2AF400, s8  }
0x6: {  	s2 =	stileid.u32;
	s5 =	sadd.s32 $0x234C00, s8;
	s7 =	smul.u32 $0x6200, s11  }
0x7: {  	[smem:$0x7FF] =	sst s3;
	s6 =	sadd.s32 $0x203C00, s8;
	s9 =	smul.u32 $0x620, s2  }
0x8: {  	s19 =	simm.s32 $0x1;
	_ =	strace $0x80000050;
	s10 =	smul.u32 $0x62000, s2  }
0x9: {  	s12 =	ssub.s32 $0x2, s11;
	s31 =	sshll.u32 s2, $0x6;
	s11 =	smul.u32 $0xC4000, s11  }
0xa: {  	s29 =	sshrl.u32 s12, $0x1;
	s9 =	sadd.s32 s9, s7;
	s7 =	sadd.s32 $0x2600, s8  }
0xb: {  	s30 =	sshrl.u32 s10, $0x2;
	s14 =	ssub.s32 s12, s29;
	s9 =	sshll.u32 s9, $0x3  }
0xc: {  	s10 =	smul.u32 $0x188, s2;
	s13 =	sadd.s32 s9, s8;
	s9 =	sor.u32 $0x1C02, s31  }
0xd: {  	s15 =	sadd.s32 s30, s1;
	s8 =	sadd.s32 $0x140400, s13;
	s12 =	sadd.s32 $0x24D400, s13  }
0xe: {  	s13 =	smax.u32 s14, $0x1;
	s14 =	sshrl.u32 s15, $0x3;
	s15 =	simm.s32 $0x2  }
.LBB2_1:
0xf: {  	[spmem:s14], [sflag:s9] =	dma.local [hbm:s8], $0x3100  }
0x10: {  	_ =	swait.ge [sflag:s15], $0x3100  }
0x11: {  	[sflag:s15] =	ssyncset.done $0x0  }
0x12: {  	[sflag:s15] =	ssyncadd.s32 $0xFFFFCF00  }
0x13: {  	s20 =	simm.s32 $0x0;
	[bflag:$0x0] =	sbarrier.arrive $0xFFFF  }
.LBB2_2:
0x14: {  	s22 =	sadd.s32 s10, s20  }
0x15: {  	s23 =	sshll.u32 s22, $0x4  }
0x16: {  	s21 =	simm.s32 $0x0;
	s22 =	sshll.u32 s22, $0x7;
	s24 =	sadd.s32 s5, s23  }
0x17: {  	[tilespmem:s21], [sflag:$0x2] =	stream.linear.gather [hbm4b:s24+s21], $0x80, $0x38;
	[tilespmem:$0x1A980] =	vst v63  }
0x18: {  	s22 =	sadd.s32 s11, s22;
	_ =	swait.ge [sflag:s15], $0x80  }
0x19: {  	s22 =	sshrl.u32 s22, $0x3;
	[sflag:s15] =	ssyncset.done $0x0  }
0x1a: {  	s22 =	sadd.s32 s6, s22;
	[sflag:s15] =	ssyncadd.s32 $0xFFFFFF80  }
0x1b: {  	[tilespmem:s16], [sflag:$0x2] =	stream.linear.gather [hbm4b:s22+s21], $0x80, $0x38;
	[tilespmem:$0x1A980] =	vst v63  }
0x1c: {  	_ =	swait.ge [sflag:s15], $0x80  }
0x1d: {  	[sflag:s15] =	ssyncset.done $0x0  }
0x1e: {  	s31 =	sadd.s32 s7, s23;
	[sflag:s15] =	ssyncadd.s32 $0xFFFFFF80  }
0x1f: {  	[tilespmem:s17], [sflag:$0x2] =	stream.linear.gather [hbm4b:s31+s21], $0x80, $0x38;
	[tilespmem:$0x1A980] =	vst v63  }
0x20: {  	_ =	swait.ge [sflag:s15], $0x80  }
0x21: {  	[sflag:s15] =	ssyncset.done $0x0  }
0x22: {  	[sflag:s15] =	ssyncadd.s32 $0xFFFFFF80  }
0x23: {  	[tilespmem:s18], [sflag:$0x1] =	stream.indirect.gather [hbm4b:s4+s16], $0x40, s21, s16, $0xb8;
	[tilespmem:$0x1A980] =	vst v63  }
0x24: {  	_ =	swait.ge [sflag:s19], $0x2000  }
0x25: {  	[sflag:s19] =	ssyncset.done $0x0  }
0x26: {  	s22 =	simm.s32 $0x380;
	[sflag:s19] =	ssyncadd.s32 $0xFFFFE000  }
.LBB2_3:
0x27: {  	s23 =	sshra.s32 s21, $0x2  }
0x28: {  	v0 =	vld [tilespmem:s23+$0x100];
	_ =	sdelay $0x1  }
0x29: {  	v1 =	vld [tilespmem:s22+$0xFFFFFE00];
	_ =	sdelay $0x1  }
0x2a: {  	v47 =	vld [tilespmem:s22+$0xFFFFFE10]  }
0x2b: {  	v2 =	vbroadcast v0, $0x0  }
0x2c: {  	v48 =	vld [tilespmem:s22+$0xFFFFFE20]  }
0x2d: {  	v1 =	vmul.f32 v2, v1  }
0x2e: {  	v49 =	vld [tilespmem:s22+$0xFFFFFE30]  }
0x2f: {  	[tilespmem:s22+$0xFFFFFE00] =	vst v1;
	v1 =	vmul.f32 v47, v2  }
0x30: {  	v50 =	vld [tilespmem:s22+$0xFFFFFE40]  }
0x31: {  	[tilespmem:s22+$0xFFFFFE10] =	vst v1;
	v1 =	vmul.f32 v48, v2  }
0x32: {  	v52 =	vld [tilespmem:s22+$0xFFFFFE50]  }
0x33: {  	v51 =	vbroadcast v0, $0x1;
	[tilespmem:s22+$0xFFFFFE20] =	vst v1;
	v1 =	vmul.f32 v49, v2  }
0x34: {  	v53 =	vld [tilespmem:s22+$0xFFFFFE60]  }
0x35: {  	[tilespmem:s22+$0xFFFFFE30] =	vst v1;
	v1 =	vmul.f32 v50, v51  }
0x36: {  	v54 =	vld [tilespmem:s22+$0xFFFFFE70]  }
0x37: {  	[tilespmem:s22+$0xFFFFFE40] =	vst v1;
	v1 =	vmul.f32 v52, v51  }
0x38: {  	v55 =	vld [tilespmem:s22+$0xFFFFFE80]  }
0x39: {  	[tilespmem:s22+$0xFFFFFE50] =	vst v1;
	v1 =	vmul.f32 v53, v51  }
0x3a: {  	v57 =	vld [tilespmem:s22+$0xFFFFFE90]  }
0x3b: {  	v56 =	vbroadcast v0, $0x2;
	[tilespmem:s22+$0xFFFFFE60] =	vst v1;
	v1 =	vmul.f32 v54, v51  }
0x3c: {  	v58 =	vld [tilespmem:s22+$0xFFFFFEA0]  }
0x3d: {  	[tilespmem:s22+$0xFFFFFE70] =	vst v1;
	v1 =	vmul.f32 v55, v56  }
0x3e: {  	v59 =	vld [tilespmem:s22+$0xFFFFFEB0]  }
0x3f: {  	[tilespmem:s22+$0xFFFFFE80] =	vst v1;
	v1 =	vmul.f32 v57, v56  }
0x40: {  	v60 =	vld [tilespmem:s22+$0xFFFFFEC0]  }
0x41: {  	[tilespmem:s22+$0xFFFFFE90] =	vst v1;
	v1 =	vmul.f32 v58, v56  }
0x42: {  	v62 =	vld [tilespmem:s22+$0xFFFFFED0]  }
0x43: {  	v61 =	vbroadcast v0, $0x3;
	[tilespmem:s22+$0xFFFFFEA0] =	vst v1;
	v1 =	vmul.f32 v59, v56  }
0x44: {  	v63 =	vld [tilespmem:s22+$0xFFFFFEE0]  }
0x45: {  	[tilespmem:s22+$0xFFFFFEB0] =	vst v1;
	v1 =	vmul.f32 v60, v61  }
0x46: {  	v4 =	vld [tilespmem:s22+$0xFFFFFEF0]  }
0x47: {  	[tilespmem:s22+$0xFFFFFEC0] =	vst v1;
	v1 =	vmul.f32 v62, v61  }
0x48: {  	v5 =	vld [tilespmem:s22+$0xFFFFFF00]  }
0x49: {  	[tilespmem:s22+$0xFFFFFED0] =	vst v1;
	v1 =	vmul.f32 v63, v61  }
0x4a: {  	v7 =	vld [tilespmem:s22+$0xFFFFFF10]  }
0x4b: {  	v6 =	vbroadcast v0, $0x4;
	[tilespmem:s22+$0xFFFFFEE0] =	vst v1;
	v1 =	vmul.f32 v4, v61  }
0x4c: {  	v8 =	vld [tilespmem:s22+$0xFFFFFF20]  }
0x4d: {  	[tilespmem:s22+$0xFFFFFEF0] =	vst v1;
	v1 =	vmul.f32 v5, v6  }
0x4e: {  	v9 =	vld [tilespmem:s22+$0xFFFFFF30]  }
0x4f: {  	[tilespmem:s22+$0xFFFFFF00] =	vst v1;
	v1 =	vmul.f32 v7, v6  }
0x50: {  	v10 =	vld [tilespmem:s22+$0xFFFFFF40]  }
0x51: {  	[tilespmem:s22+$0xFFFFFF10] =	vst v1;
	v1 =	vmul.f32 v8, v6  }
0x52: {  	v12 =	vld [tilespmem:s22+$0xFFFFFF50]  }
0x53: {  	v11 =	vbroadcast v0, $0x5;
	[tilespmem:s22+$0xFFFFFF20] =	vst v1;
	v1 =	vmul.f32 v9, v6  }
0x54: {  	v13 =	vld [tilespmem:s22+$0xFFFFFF60]  }
0x55: {  	[tilespmem:s22+$0xFFFFFF30] =	vst v1;
	v1 =	vmul.f32 v10, v11  }
0x56: {  	v14 =	vld [tilespmem:s22+$0xFFFFFF70]  }
0x57: {  	[tilespmem:s22+$0xFFFFFF40] =	vst v1;
	v1 =	vmul.f32 v12, v11  }
0x58: {  	v15 =	vld [tilespmem:s22+$0xFFFFFF80]  }
0x59: {  	[tilespmem:s22+$0xFFFFFF50] =	vst v1;
	v1 =	vmul.f32 v13, v11  }
0x5a: {  	v17 =	vld [tilespmem:s22+$0xFFFFFF90]  }
0x5b: {  	v16 =	vbroadcast v0, $0x6;
	[tilespmem:s22+$0xFFFFFF60] =	vst v1;
	v1 =	vmul.f32 v14, v11  }
0x5c: {  	v18 =	vld [tilespmem:s22+$0xFFFFFFA0]  }
0x5d: {  	[tilespmem:s22+$0xFFFFFF70] =	vst v1;
	v1 =	vmul.f32 v15, v16  }
0x5e: {  	v19 =	vld [tilespmem:s22+$0xFFFFFFB0]  }
0x5f: {  	[tilespmem:s22+$0xFFFFFF80] =	vst v1;
	v1 =	vmul.f32 v17, v16  }
0x60: {  	v20 =	vld [tilespmem:s22+$0xFFFFFFC0]  }
0x61: {  	[tilespmem:s22+$0xFFFFFF90] =	vst v1;
	v1 =	vmul.f32 v18, v16  }
0x62: {  	v22 =	vld [tilespmem:s22+$0xFFFFFFD0]  }
0x63: {  	v21 =	vbroadcast v0, $0x7;
	[tilespmem:s22+$0xFFFFFFA0] =	vst v1;
	v1 =	vmul.f32 v19, v16  }
0x64: {  	v23 =	vld [tilespmem:s22+$0xFFFFFFE0]  }
0x65: {  	[tilespmem:s22+$0xFFFFFFB0] =	vst v1;
	v1 =	vmul.f32 v20, v21  }
0x66: {  	v24 =	vld [tilespmem:s22+$0xFFFFFFF0]  }
0x67: {  	[tilespmem:s22+$0xFFFFFFC0] =	vst v1;
	v1 =	vmul.f32 v22, v21  }
0x68: {  	v25 =	vld [tilespmem:s22+$0x0]  }
0x69: {  	[tilespmem:s22+$0xFFFFFFD0] =	vst v1;
	v1 =	vmul.f32 v23, v21  }
0x6a: {  	v27 =	vld [tilespmem:s22+$0x10]  }
0x6b: {  	v26 =	vbroadcast v0, $0x8;
	[tilespmem:s22+$0xFFFFFFE0] =	vst v1;
	v1 =	vmul.f32 v24, v21  }
0x6c: {  	v28 =	vld [tilespmem:s22+$0x20]  }
0x6d: {  	[tilespmem:s22+$0xFFFFFFF0] =	vst v1;
	v1 =	vmul.f32 v25, v26  }
0x6e: {  	v29 =	vld [tilespmem:s22+$0x30]  }
0x6f: {  	[tilespmem:s22+$0x0] =	vst v1;
	v1 =	vmul.f32 v27, v26  }
0x70: {  	v30 =	vld [tilespmem:s22+$0x40]  }
0x71: {  	[tilespmem:s22+$0x10] =	vst v1;
	v1 =	vmul.f32 v28, v26  }
0x72: {  	v32 =	vld [tilespmem:s22+$0x50]  }
0x73: {  	v31 =	vbroadcast v0, $0x9;
	[tilespmem:s22+$0x20] =	vst v1;
	v1 =	vmul.f32 v29, v26  }
0x74: {  	v33 =	vld [tilespmem:s22+$0x60]  }
0x75: {  	[tilespmem:s22+$0x30] =	vst v1;
	v1 =	vmul.f32 v30, v31  }
0x76: {  	v34 =	vld [tilespmem:s22+$0x70]  }
0x77: {  	[tilespmem:s22+$0x40] =	vst v1;
	v1 =	vmul.f32 v32, v31  }
0x78: {  	v35 =	vld [tilespmem:s22+$0x80]  }
0x79: {  	[tilespmem:s22+$0x50] =	vst v1;
	v1 =	vmul.f32 v33, v31  }
0x7a: {  	v37 =	vld [tilespmem:s22+$0x90]  }
0x7b: {  	v36 =	vbroadcast v0, $0xA;
	[tilespmem:s22+$0x60] =	vst v1;
	v1 =	vmul.f32 v34, v31  }
0x7c: {  	v38 =	vld [tilespmem:s22+$0xA0]  }
0x7d: {  	[tilespmem:s22+$0x70] =	vst v1;
	v1 =	vmul.f32 v35, v36  }
0x7e: {  	v39 =	vld [tilespmem:s22+$0xB0]  }
0x7f: {  	[tilespmem:s22+$0x80] =	vst v1;
	v1 =	vmul.f32 v37, v36  }
0x80: {  	v40 =	vld [tilespmem:s22+$0xC0]  }
0x81: {  	[tilespmem:s22+$0x90] =	vst v1;
	v1 =	vmul.f32 v38, v36  }
0x82: {  	v42 =	vld [tilespmem:s22+$0xD0]  }
0x83: {  	v41 =	vbroadcast v0, $0xB;
	[tilespmem:s22+$0xA0] =	vst v1;
	v1 =	vmul.f32 v39, v36  }
0x84: {  	v43 =	vld [tilespmem:s22+$0xE0]  }
0x85: {  	[tilespmem:s22+$0xB0] =	vst v1;
	v1 =	vmul.f32 v40, v41  }
0x86: {  	v44 =	vld [tilespmem:s22+$0xF0]  }
0x87: {  	[tilespmem:s22+$0xC0] =	vst v1;
	v1 =	vmul.f32 v42, v41  }
0x88: {  	v45 =	vld [tilespmem:s22+$0x100]  }
0x89: {  	[tilespmem:s22+$0xD0] =	vst v1;
	v1 =	vmul.f32 v43, v41  }
0x8a: {  	v47 =	vld [tilespmem:s22+$0x110]  }
0x8b: {  	v46 =	vbroadcast v0, $0xC;
	[tilespmem:s22+$0xE0] =	vst v1;
	v1 =	vmul.f32 v44, v41  }
0x8c: {  	v48 =	vld [tilespmem:s22+$0x120]  }
0x8d: {  	[tilespmem:s22+$0xF0] =	vst v1;
	v1 =	vmul.f32 v45, v46  }
0x8e: {  	v49 =	vld [tilespmem:s22+$0x130]  }
0x8f: {  	[tilespmem:s22+$0x100] =	vst v1;
	v1 =	vmul.f32 v47, v46  }
0x90: {  	v50 =	vld [tilespmem:s22+$0x140]  }
0x91: {  	[tilespmem:s22+$0x110] =	vst v1;
	v1 =	vmul.f32 v48, v46  }
0x92: {  	v52 =	vld [tilespmem:s22+$0x150]  }
0x93: {  	v51 =	vbroadcast v0, $0xD;
	[tilespmem:s22+$0x120] =	vst v1;
	v1 =	vmul.f32 v49, v46  }
0x94: {  	v53 =	vld [tilespmem:s22+$0x160]  }
0x95: {  	[tilespmem:s22+$0x130] =	vst v1;
	v1 =	vmul.f32 v50, v51  }
0x96: {  	v54 =	vld [tilespmem:s22+$0x170]  }
0x97: {  	[tilespmem:s22+$0x140] =	vst v1;
	v1 =	vmul.f32 v52, v51  }
0x98: {  	v55 =	vld [tilespmem:s22+$0x180]  }
0x99: {  	[tilespmem:s22+$0x150] =	vst v1;
	v1 =	vmul.f32 v53, v51  }
0x9a: {  	v57 =	vld [tilespmem:s22+$0x190]  }
0x9b: {  	v56 =	vbroadcast v0, $0xE;
	[tilespmem:s22+$0x160] =	vst v1;
	v1 =	vmul.f32 v54, v51  }
0x9c: {  	v58 =	vld [tilespmem:s22+$0x1A0]  }
0x9d: {  	[tilespmem:s22+$0x170] =	vst v1;
	v1 =	vmul.f32 v55, v56  }
0x9e: {  	v59 =	vld [tilespmem:s22+$0x1B0]  }
0x9f: {  	[tilespmem:s22+$0x180] =	vst v1;
	v1 =	vmul.f32 v57, v56  }
0xa0: {  	v60 =	vld [tilespmem:s22+$0x1C0]  }
0xa1: {  	[tilespmem:s22+$0x190] =	vst v1;
	v1 =	vmul.f32 v58, v56  }
0xa2: {  	v61 =	vld [tilespmem:s22+$0x1D0]  }
0xa3: {  	v0 =	vbroadcast v0, $0xF;
	[tilespmem:s22+$0x1A0] =	vst v1;
	v1 =	vmul.f32 v59, v56  }
0xa4: {  	v62 =	vld [tilespmem:s22+$0x1E0]  }
0xa5: {  	v63 =	vld [tilespmem:s22+$0x1F0];
	[tilespmem:s22+$0x1B0] =	vst v1;
	v1 =	vmul.f32 v60, v0;
	_ =	sdelay $0x1  }
0xa6: {  	p0 =	sne.s32 s21, $0x1C0;
	[tilespmem:s22+$0x1C0] =	vst v1;
	v1 =	vmul.f32 v61, v0  }
.Ltmp0:
0xa7: {  	_ = 	snop;
	(pc) =	sbr.rel @p0 .LBB2_3-.Ltmp0, $4  }
0xa8: {  	[tilespmem:s22+$0x1D0] =	vst v1;
	v1 =	vmul.f32 v62, v0  }
0xa9: {  	v0 =	vmul.f32 v63, v0  }
0xaa: {  	[tilespmem:s22+$0x1E0] =	vst v1  }
0xab: {  	s21 =	sadd.s32 $0x40, s21;
	[tilespmem:s22+$0x1F0] =	vst v0;
	s22 =	sadd.s32 $0x400, s22  }
0xac: {  	s20 =	sadd.s32 $0x1, s20  }
0xad: {  	p0 =	sne.s32 s20, $0x188  }
.Ltmp1:
0xae: {  	_ = 	snop;
	(pc) =	sbr.rel @p0 .LBB2_2-.Ltmp1, $4  }
0xaf: {  	[spmem:s1] =	stream.indirect.scatter.add.f32 [tilespmem:s18], [sflag:$0x2], $0x40, s16, s16, $0xb8;
	[tilespmem:$0x1A980] =	vst v63  }
0xb0: {  	_ =	swait.ge [sflag:s15], $0x2000  }
0xb1: {  	[sflag:s15] =	ssyncset.done $0x0  }
0xb2: {  	[sflag:s15] =	ssyncadd.s32 $0xFFFFE000  }
0xb3: {  	s3 =	sadd.s32 $0x1, s3  }
0xb4: {  	p0 =	sne.s32 s3, s13  }
.Ltmp2:
0xb5: {  	[bflag:$0x0] =	sbarrier.arrive $0xFFFF;
	(pc) =	sbr.rel @p0 .LBB2_1-.Ltmp2, $4  }
0xb6: {  	[hbm:s12], [sflag:s9] =	dma.local [spmem:s14], $0x3100  }
0xb7: {  	_ =	swait.ge [sflag:s15], $0x3100  }
0xb8: {  	[sflag:s15] =	ssyncset.done $0x0  }
0xb9: {  	[sflag:s15] =	ssyncadd.s32 $0xFFFFCF00  }
0xba: {  	_ =	sfence.sel $0x180000  }
0xbb: {  	[bflag:$0x0] =	sbarrier.arrive $0xFFFF  }
0xbc: {  	p0 =	sne.s32 s2, $0x0;
	_ =	strace $0x90000050  }
0xbd: {  	s0 =	sadd.s32 @!p0 $0x100000, s0;
	[bflag:$0x2] =	sbarrier.arrive $0xFFFF  }
0xbe: {  	[sflag:s0] =	ssyncadd.tile.s32 @!p0 $0x1;
	_ =	shalt  }
.Lfunc_end2:
_tile_overlayer_lowered:
.L_overlay_start_2:
0xbf: {  	(tag) =	ssettag $0x2  }
0xc0: {  	s0 =	rddreg [dreg:$0x0];
	s2 =	stileid.u32  }
0xc1: {  	s1 =	rddreg [dreg:$0x1];
	p0 =	sne.s32 s2, $0x0  }
0xc2: {  	s3 =	rddreg [dreg:$0x2];
	[bflag:$0x3] =	sbarrier.arrive $0xFFFF;
	s2 =	simm.s32 @!p0 $0x1C02  }
0xc3: {  	[timem:s3], [sflag:s2] =	dma.local @!p0 [hbm:s0], s1  }
0xc4: {  	s0 =	simm.s32 @!p0 $0x2  }
0xc5: {  	_ =	swait.ge @!p0 [sflag:s0], s1  }
0xc6: {  	s1 =	ssub.s32 @!p0 $0x0, s1;
	[sflag:s0] =	ssyncset.done @!p0 $0x0  }
0xc7: {  	[sflag:s0] =	ssyncadd.s32 @!p0 s1  }
0xc8: {  	[bflag:$0x3] =	sbarrier.arrive $0xFFFF  }
0xc9: {  	_ =	shalt  }

// kernel: scatter_offload_async_start.1
scs
__scs_entry_jumppad:
0x0: {  	(pc) =	sbr.rel $0x88, $3  }
0x1: {  	(tag) =	ssettag $0x0;
	lr =	simm.s32 $0x1  }
0x2: {  	[smem:$0x3F9C] =	sst lr;
	_ =	strace $0xD0000000  }
0x3: {  	_ = 	snop  }
0x4: {  	_ = 	snop  }
0x5: {  	_ = 	snop  }
0x6: {  	_ = 	snop  }
0x7: {  	_ = 	snop  }
__scs_overlays_trampoline_lowered:
0x8: {  	[smem:$0x3FAB] =	sst s0  }
0x9: {  	[smem:$0x3FAC] =	sst s1  }
0xa: {  	[smem:$0x3FAD] =	sst s2  }
0xb: {  	[smem:$0x3FAE] =	sst s3  }
0xc: {  	[smem:$0x3FAF] =	sst s4  }
0xd: {  	[smem:$0x3FB0] =	sst s5  }
0xe: {  	[smem:$0x3FB1] =	sst s6  }
0xf: {  	[smem:$0x3FB2] =	sst s7  }
0x10: {  	[smem:$0x3FB3] =	sst s8  }
0x11: {  	[smem:$0x3FB4] =	sst s9;
	s0 =	simm.s32 @!p0 $0x0  }
0x12: {  	s1 =	sld [smem:$0x3F9A];
	s0 =	simm.s32 @p0 $0x1  }
0x13: {  	[smem:$0x3FB5] =	sst s0;
	s0 =	simm.s32 @!p1 $0x0  }
0x14: {  	s2 =	sld [smem:$0x3F99];
	s0 =	simm.s32 @p1 $0x1  }
0x15: {  	[smem:$0x3FB6] =	sst s0;
	s0 =	simm.s32 @!p2 $0x0  }
0x16: {  	s3 =	sld [smem:$0x3FDB];
	s0 =	simm.s32 @p2 $0x1  }
0x17: {  	s4 =	simm.s32 $0x1BF5;
	[smem:$0x3FB8] =	sst s0  }
0x18: {  	s0 =	sld [smem:$0x3F9B];
	_ =	swait.ge [sflag:s4], $0x0  }
0x19: {  	s7 =	sld [smem:$0x3F9C]  }
0x1a: {  	s8 =	sadd.s32 $0xFFFFE003, lr  }
0x1b: {  	s9 =	sadd.s32 $0xFFFFFEF7, lr;
	s5 =	simm.s32 $0xFFFFFFFF;
	p2 =	slt.u32 s8, $0xFFFFF086  }
0x1c: {  	p1 =	slt.u32 s9, $0xF7A;
	s5 =	simm.s32 @!p2 $0x0  }
0x1d: {  	s5 =	simm.s32 @p1 $0x1;
	p0 =	seq.s32 s7, s2  }
0x1e: {  	s7 =	smul.u32 @!p0 $0xF7A, s2;
	p2 =	seq.s32 @!p0 s5, $0x0  }
0x1f: {  	s9 =	smul.u32 $0xF7A, s1;
	s8 =	simm.s32 @!p0 $0x1BF5;
	p2 =	por !p2, p0  }
0x20: {  	[sflag:s8] =	ssyncset.s32 @!p0 $0xFFFFF086;
	s6 =	sadd.s32 @!p0 s3, s7;
	s7 =	simm.s32 @!p0 $0x108  }
0x21: {  	s3 =	sadd.s32 s3, s9;
	s6 =	sadd.s32 @!p0 $0x88, s6;
	s7 =	simm.s32 @p2 $0x1082  }
0x22: {  	[simem:s7], [sflag:s8] =	dma.local @!p0 [hbm:s6], $0xF7A  }
0x23: {  	s9 =	sor.u32 $0xD0000000, s2;
	s6 =	simm.s32 $0x108;
	_ =	swait.ge @!p0 [sflag:s8], $0x0  }
0x24: {  	s3 =	sadd.s32 $0x88, s3;
	s6 =	simm.s32 @!p1 $0x1082;
	[sflag:s4] =	ssyncset.s32 $0xFFFFF086  }
0x25: {  	[simem:s6], [sflag:s4] =	dma.local [hbm:s3], $0xF7A  }
0x26: {  	[smem:$0x3F9C] =	sst s1;
	(tag) =	ssettag s2;
	_ =	strace s9  }
0x27: {  	s1 =	sld [smem:$0x3FAC]  }
0x28: {  	s2 =	sld [smem:$0x3FAD]  }
0x29: {  	s4 =	sld [smem:$0x3FAF]  }
0x2a: {  	p0 =	seq.s32 s5, $0x0;
	s5 =	sld [smem:$0x3FB0]  }
0x2b: {  	s6 =	sld [smem:$0x3FB1]  }
0x2c: {  	s7 =	sld [smem:$0x3FB2]  }
0x2d: {  	s3 =	simm.s32 $0x108;
	s8 =	sld [smem:$0x3FB3]  }
0x2e: {  	s3 =	simm.s32 @!p0 $0x1082;
	s9 =	sld [smem:$0x3FB4]  }
0x2f: {  	lr =	sadd.s32 s0, s3;
	s0 =	sld [smem:$0x3FAB]  }
0x30: {  	s3 =	sld [smem:$0x3FAE]  }
0x31: {  	[smem:$0x3FB7] =	sst s10  }
0x32: {  	s10 =	sld [smem:$0x3FB5];
	_ =	sdelay $0x3  }
0x33: {  	p0 =	seq.s32 s10, $0x1;
	s10 =	sld [smem:$0x3FB7];
	_ =	sdelay $0x3  }
0x34: {  	[smem:$0x3FB7] =	sst s10  }
0x35: {  	s10 =	sld [smem:$0x3FB6];
	_ =	sdelay $0x3  }
0x36: {  	p1 =	seq.s32 s10, $0x1;
	s10 =	sld [smem:$0x3FB7];
	_ =	sdelay $0x3  }
0x37: {  	[smem:$0x3FB7] =	sst s10  }
0x38: {  	s10 =	sld [smem:$0x3FB8]  }
0x39: {  	_ = 	snop;
	(pc) =	sbr.ind lr, $3  }
0x3a: {  	_ = 	snop  }
0x3b: {  	_ = 	snop  }
0x3c: {  	p2 =	seq.s32 s10, $0x1;
	s10 =	sld [smem:$0x3FB7]  }
0x3d: {  	_ =	shalt  }
0x3e: {  	_ =	shalt  }
0x3f: {  	_ =	shalt  }
0x40: {  	_ =	shalt  }
0x41: {  	_ =	shalt  }
0x42: {  	_ =	shalt  }
0x43: {  	_ =	shalt  }
0x44: {  	_ =	shalt  }
0x45: {  	_ =	shalt  }
0x46: {  	_ =	shalt  }
0x47: {  	_ =	shalt  }
0x48: {  	_ =	shalt  }
0x49: {  	_ =	shalt  }
0x4a: {  	_ =	shalt  }
0x4b: {  	_ =	shalt  }
0x4c: {  	_ =	shalt  }
0x4d: {  	_ =	shalt  }
0x4e: {  	_ =	shalt  }
0x4f: {  	_ =	shalt  }
0x50: {  	_ =	shalt  }
0x51: {  	_ =	shalt  }
0x52: {  	_ =	shalt  }
0x53: {  	_ =	shalt  }
0x54: {  	_ =	shalt  }
0x55: {  	_ =	shalt  }
0x56: {  	_ =	shalt  }
0x57: {  	_ =	shalt  }
0x58: {  	_ =	shalt  }
0x59: {  	_ =	shalt  }
0x5a: {  	_ =	shalt  }
0x5b: {  	_ =	shalt  }
0x5c: {  	_ =	shalt  }
0x5d: {  	_ =	shalt  }
0x5e: {  	_ =	shalt  }
0x5f: {  	_ =	shalt  }
0x60: {  	_ =	shalt  }
0x61: {  	_ =	shalt  }
0x62: {  	_ =	shalt  }
0x63: {  	_ =	shalt  }
0x64: {  	_ =	shalt  }
0x65: {  	_ =	shalt  }
0x66: {  	_ =	shalt  }
0x67: {  	_ =	shalt  }
0x68: {  	_ =	shalt  }
0x69: {  	_ =	shalt  }
0x6a: {  	_ =	shalt  }
0x6b: {  	_ =	shalt  }
0x6c: {  	_ =	shalt  }
0x6d: {  	_ =	shalt  }
0x6e: {  	_ =	shalt  }
0x6f: {  	_ =	shalt  }
0x70: {  	_ =	shalt  }
0x71: {  	_ =	shalt  }
0x72: {  	_ =	shalt  }
0x73: {  	_ =	shalt  }
0x74: {  	_ =	shalt  }
0x75: {  	_ =	shalt  }
0x76: {  	_ =	shalt  }
0x77: {  	_ =	shalt  }
0x78: {  	_ =	shalt  }
0x79: {  	_ =	shalt  }
0x7a: {  	_ =	shalt  }
0x7b: {  	_ =	shalt  }
0x7c: {  	_ =	shalt  }
0x7d: {  	_ =	shalt  }
0x7e: {  	_ =	shalt  }
0x7f: {  	_ =	shalt  }
0x80: {  	_ =	shalt  }
0x81: {  	_ =	shalt  }
0x82: {  	_ =	shalt  }
0x83: {  	_ =	shalt  }
0x84: {  	_ =	shalt  }
0x85: {  	_ =	shalt  }
0x86: {  	_ =	shalt  }
0x87: {  	_ =	shalt  }
.Lfunc_end0:
.L_simem_size_0:
called_computation.1_lowered:
.L_overlay_start_0:
0x88: {  	s0 =	sld [smem:$0x3FD9]  }
0x89: {  	s1 =	sld [smem:$0x3FFE];
	_ =	sdelay $0x3  }
0x8a: {  	s0 =	sadd.s32 s1, s0  }
0x8b: {  	[smem:$0x3FC3] =	sst s0  }
0x8c: {  	_ = 	snop  }
0x8d: {  	s0 =	sld [smem:$0x3FD0];
	(tm) =	ssettm $0x1  }
0x8e: {  	s16 =	sld [smem:$0x3FFB];
	_ =	sdelay $0x3  }
0x8f: {  	_ =	strace s16  }
0x90: {  	s1 =	sld [smem:$0x3FFC];
	_ =	sdelay $0x3  }
0x91: {  	_ =	strace s1  }
0x92: {  	s1 =	sld [smem:$0x3FFD];
	_ =	sdelay $0x3  }
0x93: {  	_ =	strace s1  }
0x94: {  	_ =	strace $0x8FFFFFFF  }
0x95: {  	s17 =	sld [smem:$0x3FDB];
	_ =	sdelay $0x1  }
0x96: {  	s2 =	simm.s32 $_scs_section_size  }
0x97: {  	s3 =	simm.s32 $_size__tile_overlayer_lowered;
	s4 =	simm.s32 $_tile_overlayer_lowered  }
0x98: {  	s20 =	simm.s32 $0x1BFF;
	s19 =	sshll.u32 s4, $0x1;
	s1 =	sadd.s32 s2, s17  }
0x99: {  	s5 =	simm.s32 $0x0;
	s18 =	sshll.u32 s3, $0x1;
	s3 =	sadd.s32 s19, s1  }
0x9a: {  	[timem:s5], [sflag:s20] =	dma.local [hbm:s3], s18  }
0x9b: {  	_ =	swait.ge [sflag:s20], s18  }
0x9c: {  	s2 =	ssub.s32 $0x0, s18;
	[sflag:s20] =	ssyncset.done $0x0  }
0x9d: {  	[sflag:s20] =	ssyncadd.s32 s2;
	_ =	sdelay $0x1  }
0x9e: {  	s21 =	simm.s32 $0x1B8B  }
0x9f: {  	_ =	swait.ge [sflag:s21], $0x1  }
0xa0: {  	[sflag:s21] =	ssyncset.done $0x0  }
0xa1: {  	s23 =	simm.s32 $0x1B8E;
	s22 =	sld [smem:$0x3FFE];
	[sflag:s21] =	ssyncadd.s32 $0xFFFFFFFF  }
0xa2: {  	s24 =	simm.s32 $execute0_lowered;
	[smem:$0x3FD2] =	sst s23  }
0xa3: {  	s3 =	sshll.u32 s24, $0x1;
	_ =	strace $0x80000049;
	[dreg:$0x1] =	wrdreg $0xFFFFFFFF  }
0xa4: {  	s25 =	simm.s32 $_size_execute0_lowered;
	s1 =	sadd.s32 s1, s3;
	[dreg:$0x0] =	wrdreg $0x0  }
0xa5: {  	s3 =	sshll.u32 s25, $0x1;
	[dreg:$0x2] =	wrdreg s1  }
0xa6: {  	[dreg:$0x3] =	wrdreg s3  }
0xa7: {  	[dreg:$0x4] =	wrdreg $0xC0  }
0xa8: {  	_ =	task [dreg:s5], $0x5FFFF  }
0xa9: {  	[dreg:$0x1] =	wrdreg $0xFFFFFFFF  }
0xaa: {  	[dreg:$0x0] =	wrdreg $0x60  }
0xab: {  	[dreg:$0x2] =	wrdreg s22  }
0xac: {  	[dreg:$0x3] =	wrdreg s0  }
0xad: {  	[dreg:$0x4] =	wrdreg $0x9  }
0xae: {  	_ =	task.clear_ibuf [dreg:s5], $0x5FFFF;
	_ =	strace $0x90000049  }
0xaf: {  	s26 =	simm.s32 $0x9;
	_ =	strace $0x8000004B  }
0xb0: {  	_ =	swait.ge [sflag:s26], $0x1  }
0xb1: {  	[sflag:s26] =	ssyncadd.s32 $0xFFFFFFFF  }
0xb2: {  	_ =	strace $0x9000004B  }
0xb3: {  	_ =	sfence  }
0xb4: {  	s28 =	sld [smem:$0x0];
	_ =	sdelay $0x1  }
0xb5: {  	s29 =	srdreg.scid  }
0xb6: {  	s30 =	sshll.u32 s29, $0xD;
	s31 =	sshrl.u32 s29, $0x2  }
0xb7: {  	s2 =	sand.u32 $0x4000, s30;
	s1 =	sand.u32 $0x1, s29;
	s0 =	sadd.s32 s31, s28  }
0xb8: {  	s1 =	sor.u32 s2, s1;
	s0 =	sshll.u32 s0, $0x11  }
0xb9: {  	s0 =	sor.u32 s0, s1  }
0xba: {  	s0 =	sadd.s32 $0x8F2B, s0  }
0xbb: {  	[sflag:s0] =	ssyncadd.remote.s32 $0x1  }
0xbc: {  	_ =	sfence.sel $0xFFFF  }
0xbd: {  	[dreg:$0x0] =	wrdreg $0xFFFFFFFF;
	(pc) =	sbr.abs _section_cstart, $3  }
0xbe: {  	[dreg:$0x1] =	wrdreg $0xFFFFFFFF  }
0xbf: {  	_ =	task.clear_ibuf [dreg:s5], $0x2FFFF;
	_ =	strace $0x9FFFFFFF  }
0xc0: {  	(tm) =	ssettm $0x7FFFFFFF  }
0xc1: {  	_ =	shalt  }
tec
execute0_lowered:
.L_overlay_start_1:
0x0: {  	(tag) =	ssettag $0x1  }
0x1: {  	s0 =	rddreg [dreg:$0x0];
	s14 =	stileid.u32  }
0x2: {  	s3 =	rddreg [dreg:$0x1];
	s1 =	smul.u32 $0x6, s14  }
0x3: {  	_ =	strace $0x8000004A;
	s2 =	simm.s32 $0x1;
	s4 =	smin.u32 s14, $0x4  }
0x4: {  	v1 =	vimm.s32 $0xFFFFFFFF;
	[sflag:s2] =	ssyncpa.u1 $0x0;
	s1 =	sadd.s32 s4, s1  }
0x5: {  	p0 =	slt.u32 s14, $0x4;
	[tilespmem:$0x10] =	vst v1;
	s4 =	smul.u32 $0x1F40, s1;
	s1 =	simm.s32 $0xDAC0  }
0x6: {  	v0 =	vimm.f32 $0.0e+00;
	[tilespmem:$0x20] =	vst v1;
	s1 =	simm.s32 @!p0 $0xBB80  }
0x7: {  	[tilespmem:$0x30] =	vst v0;
	s1 =	sadd.s32 s1, s4  }
0x8: {  	[tilespmem:$0x40] =	vst v0;
	s5 =	smin.u32 s1, $0xC3500  }
0x9: {  	[tilespmem:$0x50] =	vst v0;
	s9 =	ssub.s32 s5, s4  }
0xa: {  	s7 =	simm.s32 $0x2;
	[tilespmem:$0x60] =	vst v1;
	p0 =	sgt.s32 s9, $0x0  }
0xb: {  	s8 =	simm.s32 $0x8;
	s31 =	simm.s32 $0x9;
	[tilespmem:$0x70] =	vst v1;
	s9 =	simm.s32 @!p0 $0x0  }
0xc: {  	s16 =	simm.s32 $0x0;
	s17 =	simm.s32 $0xF0;
	[tilespmem:$0x80] =	vst v1;
	s30 =	smulhi.u32 $0x10624DD3, s9  }
0xd: {  	s18 =	simm.s32 $0xFFFFFFFF;
	s19 =	simm.s32 $0xFFFFC280;
	s20 =	simm.s32 $0xFFFFFFFE;
	v1 =	vimm.s32 $0x0;
	[tilespmem:$0xB0] =	vst v0  }
0xe: {  	s21 =	simm.s32 $0xF;
	s25 =	simm.s32 $0x0;
	[tilespmem:$0x90] =	vst v1;
	s10 =	sshrl.u32 s30, $0x9  }
0xf: {  	[tilespmem:$0xA0] =	vst v1;
	[sflag:s7] =	ssyncpa.u1 $0x0;
	s7 =	simm.s32 $0x7;
	s11 =	smul.u32 $0x1F40, s10  }
0x10: {  	s24 =	simm.s32 $0x0;
	s6 =	sadd.s32 $0x1AE00, s0;
	[sflag:s7] =	ssyncpa.u1 $0x0  }
.Ltmp0:
0x11: {  	[sflag:s8] =	ssyncpa.u1 $0x0;
	p0 =	sne.s32 s9, s11;
	(pc) =	sbr.rel .LBB2_1-.Ltmp0, $4  }
0x12: {  	[sflag:s31] =	ssyncpa.u1 $0x0;
	s23 =	smov.u32 s4;
	s2 =	simm.s32 @!p0 $0x0  }
0x13: {  	s1 =	sadd.s32 $0x33600, s0;
	p0 =	por $0x0, $0x0;
	s9 =	sadd.s32 s2, s10  }
0x14: {  	vm0 =	vmmov $0xffff;
	v2 =	vlaneseq.u32;
	s10 =	sshll.u32 s14, $0x1;
	s14 =	sshllo.u32 s14, $0x1;
	s11 =	sadd.s32 $0x1, s9  }
0x15: {  	vm1 =	vmxor vm1, vm1;
	vm2 =	vmmov $0x1;
	vm3 =	vcmask $0x3F3C;
	s12 =	sadd.s32 $0x2, s9;
	s13 =	sor.u32 $0x81, s10;
	s15 =	sor.u32 $0x80, s10  }
.LBB2_9:
0x16: {  	p1 =	slt.u32 s24, $0x3  }
0x17: {  	s0 =	simm.s32 @!p1 $0x2  }
0x18: {  	_ =	swait.ge @!p1 [sflag:s0], $0x1F40  }
0x19: {  	[sflag:s0] =	ssyncset.done @!p1 $0x0  }
0x1a: {  	[sflag:s0] =	ssyncadd.s32 @!p1 $0xFFFFE0C0;
	s0 =	simm.s32 @!p1 $0x9  }
0x1b: {  	_ =	swait.ge @!p1 [sflag:s0], $0x10  }
0x1c: {  	[sflag:s0] =	ssyncset.done @!p1 $0x0  }
0x1d: {  	[sflag:s0] =	ssyncadd.s32 @!p1 $0xFFFFFFF0;
	p1 =	sne.s32 s24, s12  }
.Ltmp1:
0x1e: {  	s2 =	sadd.s32 $0x1F40, s23;
	(pc) =	sbr.rel @!p1 .LBB2_10-.Ltmp1, $4  }
0x1f: {  	s22 =	smov.u32 s4;
	s31 =	sadd.s32 $0x1, s24;
	s17 =	sadd.s32 $0x1F40, s17  }
0x20: {  	s18 =	sadd.s32 $0x1, s18;
	s25 =	smov.u32 s23;
	p2 =	slt.s32 s2, s5  }
0x21: {  	p0 =	por !p0, !p0;
	s19 =	sadd.s32 $0x1F40, s19;
	s22 =	smov.u32 @p2 s2  }
0x22: {  	s20 =	sadd.s32 $0x1, s20;
	s23 =	smov.u32 s22;
	s24 =	smov.u32 s31  }
.LBB2_1:
0x23: {  	p1 =	sge.u32 s24, s9  }
0x24: {  	s0 =	smulhi.u32 @!p1 $0xAAAAAAAB, s24;
	_ =	sdelay $0x1  }
0x25: {  	s0 =	sshrl.u32 @!p1 s0, $0x1  }
0x26: {  	s0 =	smul.u32 @!p1 $0x3, s0;
	_ =	sdelay $0x1  }
0x27: {  	s0 =	ssub.s32 @!p1 s24, s0  }
0x28: {  	s0 =	smul.u32 @!p1 $0x7D00, s0;
	_ =	sdelay $0x1  }
0x29: {  	s2 =	sshrl.u32 @!p1 s23, $0x3;
	s0 =	sshrl.u32 @!p1 s0, $0x2  }
0x2a: {  	s22 =	sand.u32 @!p1 $0x7, s23;
	s2 =	sadd.s32 @!p1 s3, s2;
	s0 =	sadd.s32 @!p1 $0x100, s0  }
0x2b: {  	[tilespmem:s0], [sflag:$0x7] =	stream.linear.gather @!p1 [hbm4b:s2+s22], $0x1F40, $0x38;
	[tilespmem:$0x11A60] =	vst v63  }
0x2c: {  	s0 =	sadd.s32 $0xFFFFFFFF, s24  }
0x2d: {  	p1 =	sge.u32 s0, s9  }
.Ltmp2:
0x2e: {  	_ = 	snop;
	(pc) =	sbr.rel @p1 .LBB2_5-.Ltmp2, $1  }
0x2f: {  	_ =	sdelay $0x3  }
0x30: {  	s2 =	smulhi.u32 $0xAAAAAAAB, s0;
	_ =	sdelay $0x1  }
0x31: {  	s2 =	sshrl.u32 s2, $0x1  }
0x32: {  	s2 =	smul.u32 $0x3, s2;
	_ =	sdelay $0x1  }
0x33: {  	s2 =	ssub.s32 s0, s2  }
0x34: {  	s2 =	smul.u32 $0x7D00, s2  }
0x35: {  	_ =	swait.ge [sflag:s7], $0x1F40  }
0x36: {  	[sflag:s7] =	ssyncset.done $0x0;
	s2 =	sshrl.u32 s2, $0x2  }
0x37: {  	[sflag:s7] =	ssyncadd.s32 $0xFFFFE0C0;
	(ifvalue) =	ssetifvalue $0xFFFFFFFF;
	v3 =	vld.msk [tilespmem:s2+$0x100 ss:$0x1], $0xffff;
	_ =	sdelay $0x2  }
0x38: {  	s30 =	smulhi.u32 $0xAAAAAAAB, s18;
	p1 =	sne.s32 s24, $0x1  }
0x39: {  	v4 =	vimm.s32 @!p1 $0x0  }
0x3a: {  	s2 =	sshrl.u32 s30, $0x1;
	v4 =	vperm.xlane @!p1 v3, v4  }
0x3b: {  	s22 =	sshll.u32 s24, $0x4;
	s2 =	smul.u32 $0xFFFE8900, s2;
	vm4 =	vlt.u32 v3, $0x24C00  }
0x3c: {  	s22 =	sand.u32 $0x10, s22;
	v3 =	vnsel vm4, $0xFFFFFFFE, v3;
	vm4 =	vlt.u32 @!p1 v4, $0x24C00  }
0x3d: {  	s2 =	sshra.s32 s2, $0x2;
	[tilespmem:s22+$0x60] =	vst v3;
	v3 =	vnsel @!p1 vm4, $0xFFFFFFFE, v4  }
0x3e: {  	s28 =	sadd.s32 s2, s17;
	[tilespmem:$0x80] =	vst @!p1 v3  }
0x3f: {  	v3 =	vld.msk [tilespmem:s28+$0x0 ss:$0x1], $0xffff;
	_ =	sdelay $0x4  }
0x40: {  	(xrf1) =	vunique.msk.u32 $0xffff, v3;
	_ =	sdelay $0xd  }
0x41: {  	v4 =	vimm.s32 $0xFFFFFFFF;
	v5, _, _ =	vpop (xrf1)  }
0x42: {  	vm5 =	vne.s32 v3, v4;
	vm4 =	veq.s32 v5, v2  }
0x43: {  	vm6 =	vlt.u32 v3, $0x24C00;
	vm4 =	vmand vm5, vm4  }
0x44: {  	vm4 =	vmand vm6, vm4  }
0x45: {  	v4 =	vnsel vm4, $0xFFFFFFFF, v3  }
0x46: {  	s31 =	sand.u32 $0x1, s0  }
0x47: {  	s0 =	simm.s32 $0x1F40;
	p1 =	seq.s32 s31, $0x1  }
0x48: {  	s0 =	simm.s32 @!p1 $0x0  }
0x49: {  	s26 =	sadd.s32 $0x7DF0, s0;
	(ifvalue) =	ssetifvalue $0xFFFFFFFF  }
0x4a: {  	v3 =	vperm.xlane v3, v1;
	[tilespmem:s26], [sflag:$0x8] =	stream.indirect_vreg.gather [hbm4b:s1+s16], $0x1, v4, vm0, $0x4038;
	v4 =	vnsel vm6, $0xFFFFFFFE, v4;
	[tilespmem:$0x11A60] =	vst v63  }
0x4b: {  	s2 =	simm.s32 $0x0;
	s22 =	sadd.s32 $0xFFFFFFF0, s28;
	[tilespmem:s28+$0x0] =	vst v4  }
.LBB2_3:
0x4c: {  	v4 =	vld.msk [tilespmem:s22+$0x0 ss:$0x1], $0xffff;
	s2 =	sadd.s32 $0x10, s2;
	v5 =	vmov v3;
	s28 =	smov.u32 s22  }
0x4d: {  	p1 =	slt.u32 s2, $0x1F30;
	_ =	sdelay $0x4  }
0x4e: {  	v3 =	vperm.xlane v4, v1;
	(xrf1) =	vunique.msk.u32 $0xffff, v4;
	_ =	sdelay $0xd  }
0x4f: {  	v6, _, _ =	vpop (xrf1)  }
0x50: {  	vm5 =	vne.s32 v4, v5;
	vm4 =	veq.s32 v6, v2  }
0x51: {  	vm6 =	vlt.u32 v4, $0x24C00;
	vm4 =	vmand vm5, vm4  }
0x52: {  	vm4 =	vmand vm6, vm4  }
0x53: {  	v4 =	vnsel vm4, $0xFFFFFFFF, v4  }
.Ltmp3:
0x54: {  	v5 =	vnsel vm6, $0xFFFFFFFE, v4;
	(pc) =	sbr.rel @p1 .LBB2_3-.Ltmp3, $3  }
0x55: {  	_ =	sdelay $0x1  }
0x56: {  	s22 =	sadd.s32 $0xFFFFFFF0, s22;
	s26 =	sadd.s32 $0xFFFFFFF0, s26;
	(ifvalue) =	ssetifvalue $0xFFFFFFFF  }
0x57: {  	[tilespmem:s26], [sflag:$0x8] =	stream.indirect_vreg.gather [hbm4b:s1+s16], $0x1, v4, vm0, $0x4038;
	[tilespmem:s28+$0x0] =	vst v5  }
0x58: {  	s2 =	sshrl.u32 s25, $0x3  }
0x59: {  	s0 =	sadd.s32 $0x9D40, s0;
	s2 =	sadd.s32 s6, s2  }
0x5a: {  	[tilespmem:s0], [sflag:$0x8] =	stream.linear.gather [hbm:s2], $0x1F40, $0x38;
	[tilespmem:$0x11A60] =	vst v63  }
.LBB2_5:
0x5b: {  	p1 =	slt.u32 s24, $0x2  }
0x5c: {  	p2 =	sge.u32 @!p1 s24, s12  }
0x5d: {  	p1 =	por p1, p2  }
.Ltmp4:
0x5e: {  	_ = 	snop;
	(pc) =	sbr.rel @p1 .LBB2_9-.Ltmp4, $1  }
0x5f: {  	_ =	sdelay $0x3  }
0x60: {  	s0 =	sadd.s32 $0xFFFFFFFE, s24  }
0x61: {  	s2 =	smulhi.u32 $0xAAAAAAAB, s0;
	_ =	sdelay $0x1  }
0x62: {  	s2 =	sshrl.u32 s2, $0x1  }
0x63: {  	s2 =	smul.u32 $0x3, s2;
	_ =	sdelay $0x1  }
0x64: {  	s0 =	ssub.s32 s0, s2  }
0x65: {  	_ =	swait.ge [sflag:s8], $0x3E80;
	s0 =	smul.u32 $0x1F40, s0  }
0x66: {  	p1 =	sne.s32 s24, s11;
	[sflag:s8] =	ssyncset.done $0x0  }
0x67: {  	[sflag:s8] =	ssyncadd.s32 $0xFFFFC180;
	s2 =	sadd.s32 @!p1 $0x203F, s0  }
0x68: {  	[spmem:s13] =	stream.linear.scatter @!p1 [tilespmem:s2], [sflag:$0x1], $0x1, $0x38;
	[tilespmem:$0x11A60] =	vst v63  }
0x69: {  	s2 =	simm.s32 @!p1 $0x1  }
0x6a: {  	_ =	swait.ge @!p1 [sflag:s2], $0x1  }
0x6b: {  	s22 =	sshll.u32 s24, $0x4;
	[sflag:s2] =	ssyncset.done @!p1 $0x0  }
0x6c: {  	s25 =	sand.u32 $0x10, s22;
	[sflag:s2] =	ssyncadd.s32 @!p1 $0xFFFFFFFF  }
0x6d: {  	s2 =	sxor.u32 $0x10, s25;
	v4 =	vld [tilespmem:s25+$0x10]  }
0x6e: {  	v5 =	vld [tilespmem:s2+$0x60]  }
0x6f: {  	v3 =	vld [tilespmem:$0x80];
	_ =	sdelay $0x2  }
0x70: {  	(v2sf) =	vpush v4, $0x0  }
0x71: {  	(v2sf) =	vpush v5, $0x0  }
0x72: {  	(v2sf) =	vpush v3, $0x0;
	_ =	sdelay $0xc  }
0x73: {  	s22 =	spop (v2sf)  }
0x74: {  	s26 =	spop (v2sf)  }
0x75: {  	s28 =	spop (v2sf)  }
0x76: {  	p2 =	seq.s32 s22, s26;
	p3 =	seq.s32 s28, s22  }
0x77: {  	p3 =	por p2, p3  }
0x78: {  	s26 =	sand.u32 $0x1, s24;
	v4 =	vpsel p3, $0xFFFFFFFF, v4  }
0x79: {  	s29 =	smul.u32 $0x1F40, s26;
	[tilespmem:s25+$0x10] =	vst.msk $0x1, v4  }
0x7a: {  	v4 =	vld [tilespmem:$0x30]  }
0x7b: {  	v5 =	vld [tilespmem:s29+$0x9D40]  }
0x7c: {  	v6 =	vld [tilespmem:s25+$0x40];
	_ =	sdelay $0x3  }
0x7d: {  	vm4 =	vmmov vm1;
	v5 =	vadd.f32 v5, v4  }
0x7e: {  	vm5 =	vmmov vm2;
	vm4 =	vmmov @p2 vm2;
	s22 =	sshll.u32 s26, $0x4;
	v4 =	vadd.f32 v6, v4  }
0x7f: {  	s26 =	sor.u32 $0x11A40, s22;
	vm5 =	vmmov @p3 vm1;
	[tilespmem:s29+$0x9D40] =	vst.msk vm4, v5  }
0x80: {  	[tilespmem:s26+$0x0] =	vst.msk vm5, v4  }
0x81: {  	v4 =	vld [tilespmem:s29+$0x7DF0];
	_ =	sdelay $0x3  }
0x82: {  	v5 =	vimm.f32 $0.0e+00  }
0x83: {  	v4 =	vshift.insert v4, v5, s21  }
0x84: {  	s22 =	sor.u32 $0x40, s2  }
0x85: {  	[tilespmem:s22+$0x0] =	vst.msk $0x1, v4  }
0x86: {  	[tilespmem:s29+$0x7DFF] =	vst.msk $0x1, v5  }
0x87: {  	v4 =	vld [tilespmem:s0+$0x2030];
	_ =	sdelay $0x1  }
0x88: {  	s22 =	smulhi.u32 $0xAAAAAAAB, s20;
	s0 =	simm.s32 $0x1  }
0x89: {  	s0 =	simm.s32 @!p0 $0x0  }
0x8a: {  	s22 =	sshrl.u32 s22, $0x1;
	s0 =	smul.u32 $0x7D00, s0  }
0x8b: {  	s22 =	smul.u32 $0xFFFE8900, s22;
	v4 =	vshift.insert v4, v1, s21  }
0x8c: {  	s0 =	sshrl.u32 s0, $0x2  }
0x8d: {  	s22 =	sshra.s32 s22, $0x2;
	s30 =	sadd.s32 $0x9D40, s0;
	[tilespmem:s2+$0x10] =	vst.msk $0x1, v4  }
0x8e: {  	s22 =	sadd.s32 s22, s19;
	v6 =	vld [tilespmem:s30+$0x0]  }
0x8f: {  	v7 =	vld [tilespmem:s22+$0x0];
	_ =	sdelay $0x3  }
0x90: {  	v5 =	vadd.f32 v6, v5  }
0x91: {  	vm4 =	vne.s32 v7, $0xFFFFFFFF  }
0x92: {  	(xrf2) =	vadd.seg.scan.f32 vm4, v5;
	_ =	sdelay $0x3  }
0x93: {  	s31 =	sadd.s32 $0x5EC0, s0;
	v5 =	vperm.xlane v4, v1  }
0x94: {  	v6 =	vld [tilespmem:s31+$0x0]  }
0x95: {  	vm5 =	veq.s32 v7, v3;
	vm6 =	veq.s32 v7, v5  }
0x96: {  	vm7 =	vgt.u32 v7, $0xFFFFFFFD;
	vm6 =	vmor vm6, vm5  }
0x97: {  	vm6 =	vmor vm6, vm7  }
0x98: {  	v9 =	vld [tilespmem:$0xA0];
	v7 =	vsel vm6, $0xFFFFFFFF, v7  }
0x99: {  	v10 =	vld [tilespmem:$0x90];
	v6 =	vsel vm5, $0x0, v6;
	v8, _, _ =	vpop (xrf2)  }
0x9a: {  	v6 =	vadd.f32 v8, v6  }
0x9b: {  	s0 =	sadd.s32 $0xDBC0, s0  }
0x9c: {  	vm4 =	vmand vm4, vm3;
	[tilespmem:s0+$0x0] =	vst v6;
	(ifvalue) =	ssetifvalue $0xFFFFFFFF  }
0x9d: {  	vm6 =	veq.s32 v9, $0x1;
	[hbm4b:s1+s16] =	stream.indirect_vreg.scatter [tilespmem:s0], [sflag:$0x2], $0x1, v7, vm0, $0x4038;
	v7 =	vsel vm4, $0x0, v8;
	[tilespmem:$0x11A60] =	vst v63  }
0x9e: {  	s2 =	simm.s32 $0x0;
	s22 =	sadd.s32 $0x10, s22;
	vm4 =	vmor vm6, vm5;
	v6 =	vsel vm5, v8, v10;
	v7 =	vshift.insert v7, v0, s21  }
.LBB2_7:
0x9f: {  	v8 =	vld [tilespmem:s22+$0x0];
	s30 =	sadd.s32 $0x10, s30  }
0xa0: {  	s31 =	sadd.s32 $0x10, s31;
	v9 =	vld [tilespmem:s30+$0x0]  }
0xa1: {  	s2 =	sadd.s32 $0x10, s2;
	v10 =	vld [tilespmem:s31+$0x0]  }
0xa2: {  	p2 =	slt.u32 s2, $0x1F30;
	_ =	sdelay $0x2  }
0xa3: {  	v7 =	vadd.f32 v9, v7  }
0xa4: {  	vm5 =	vne.s32 v8, $0xFFFFFFFF  }
0xa5: {  	vm6 =	vmand vm5, vm3;
	(xrf2) =	vadd.seg.scan.f32 vm5, v7;
	_ =	sdelay $0x5  }
0xa6: {  	vm7 =	veq.s32 v8, v5;
	vm5 =	veq.s32 v8, v3  }
0xa7: {  	vm8 =	vgt.u32 v8, $0xFFFFFFFD;
	vm4 =	vmor vm4, vm5;
	vm7 =	vmor vm7, vm5  }
0xa8: {  	vm7 =	vmor vm7, vm8  }
0xa9: {  	v8 =	vsel vm7, $0xFFFFFFFF, v8  }
.Ltmp5:
0xaa: {  	v7 =	vsel vm5, $0x0, v10;
	v9, _, _ =	vpop (xrf2);
	(pc) =	sbr.rel @p2 .LBB2_7-.Ltmp5, $4  }
0xab: {  	v6 =	vsel vm5, v9, v6;
	v10 =	vadd.f32 v9, v7;
	v7 =	vsel vm6, $0x0, v9  }
0xac: {  	s0 =	sadd.s32 $0x10, s0;
	v7 =	vshift.insert v7, v0, s21  }
0xad: {  	s22 =	sadd.s32 $0x10, s22;
	[tilespmem:s0+$0x0] =	vst v10;
	(ifvalue) =	ssetifvalue $0xFFFFFFFF  }
0xae: {  	[hbm4b:s1+s16] =	stream.indirect_vreg.scatter [tilespmem:s0], [sflag:$0x2], $0x1, v8, vm0, $0x4038;
	[tilespmem:$0x11A60] =	vst v63  }
0xaf: {  	v3 =	vld [tilespmem:s29+$0xFAF0];
	_ =	sdelay $0x4  }
0xb0: {  	v3 =	vshift.insert v3, v0, s21  }
0xb1: {  	s0 =	simm.s32 $0x30  }
0xb2: {  	[tilespmem:s0+$0x0] =	vst.msk $0x1, v3  }
0xb3: {  	v3 =	vsel vm4, $0x1, v1;
	[tilespmem:$0x90] =	vst v6  }
0xb4: {  	s0 =	sadd.s32 @!p1 $0xFAFF, s29;
	[tilespmem:$0xA0] =	vst v3  }
0xb5: {  	[spmem:s14] =	stream.linear.scatter @!p1 [tilespmem:s0], [sflag:$0x1], $0x1, $0x38;
	[tilespmem:$0x11A60] =	vst v63  }
0xb6: {  	s0 =	simm.s32 @!p1 $0x1  }
0xb7: {  	v3 =	vmctz.xlane @!p1 vm4;
	_ =	swait.ge @!p1 [sflag:s0], $0x1  }
0xb8: {  	(v2sf) =	vpush @!p1 v4, $0x0  }
0xb9: {  	(v2sf) =	vpush @!p1 v3, $0x0;
	_ =	sdelay $0xd  }
0xba: {  	s2 =	spop @!p1 (v2sf)  }
0xbb: {  	s22 =	spop @!p1 (v2sf)  }
0xbc: {  	p2 =	sne.s32 @!p1 s28, s2;
	p3 =	slt.s32 @!p1 s22, $0xF  }
0xbd: {  	[sflag:s0] =	ssyncset.done @!p1 $0x0;
	p2 =	por p2, p1;
	p3 =	por !p3, p1  }
0xbe: {  	[sflag:s0] =	ssyncadd.s32 @!p1 $0xFFFFFFFF;
	v3 =	vimm.s32 @!p2 $0xFFFFFFFF;
	s22 =	simm.s32 @p3 $0xF  }
0xbf: {  	[tilespmem:$0x80] =	vst @!p2 v3;
	s2 =	sadd.s32 @!p1 $0x90, s22  }
0xc0: {  	[spmem:s10] =	stream.linear.scatter @!p1 [tilespmem:s2], [sflag:$0x1], $0x1, $0x38;
	[tilespmem:$0x11A60] =	vst v63  }
0xc1: {  	_ =	swait.ge @!p1 [sflag:s0], $0x1  }
0xc2: {  	[sflag:s0] =	ssyncset.done @!p1 $0x0  }
0xc3: {  	s2 =	simm.s32 @!p1 $0x80;
	[sflag:s0] =	ssyncadd.s32 @!p1 $0xFFFFFFFF  }
0xc4: {  	[spmem:s15] =	stream.linear.scatter @!p1 [tilespmem:s2], [sflag:$0x1], $0x1, $0x38;
	[tilespmem:$0x11A60] =	vst v63  }
0xc5: {  	_ =	swait.ge @!p1 [sflag:s0], $0x1  }
0xc6: {  	[sflag:s0] =	ssyncset.done @!p1 $0x0  }
0xc7: {  	[sflag:s0] =	ssyncadd.s32 @!p1 $0xFFFFFFFF;
	(ifvalue) =	ssetifvalue $0xFFFFFFFF;
	v3 =	vld [tilespmem:s25+$0x10];
	_ =	sdelay $0x3  }
.Ltmp6:
0xc8: {  	_ = 	snop;
	(pc) =	sbr.rel .LBB2_9-.Ltmp6, $3  }
0xc9: {  	_ =	sdelay $0x1  }
0xca: {  	(ifvalue) =	ssetifvalue $0xFFFFFFFF  }
0xcb: {  	[hbm4b:s1+s16] =	stream.indirect_vreg.scatter [tilespmem:s26], [sflag:$0x9], $0x1, v3, vm0, $0x4038;
	[tilespmem:$0x11A60] =	vst v63  }
.LBB2_10:
0xcc: {  	_ =	sfence.sel $0x180000  }
0xcd: {  	s0 =	simm.s32 $0x7;
	[bflag:$0x0] =	sbarrier.arrive $0xFFFF  }
0xce: {  	s26 =	simm.s32 $0x8;
	[sflag:s0] =	ssyncpa.u1 $0x1  }
0xcf: {  	s28 =	simm.s32 $0x9;
	[sflag:s26] =	ssyncpa.u1 $0x1  }
0xd0: {  	[sflag:s28] =	ssyncpa.u1 $0x1  }
0xd1: {  	_ =	sfence.stream.spmem  }
0xd2: {  	s29 =	simm.s32 $0x3;
	[bflag:$0x0] =	sbarrier.arrive $0xFFFF  }
0xd3: {  	s30 =	simm.s32 $0x4;
	[sflag:s29] =	ssyncpa.u1 $0x1  }
0xd4: {  	s31 =	simm.s32 $0x3C;
	s2 =	stileid.u32;
	[sflag:s30] =	ssyncpa.u1 $0x1  }
0xd5: {  	p0 =	sne.s32 s2, $0x0;
	[sflag:s31] =	ssyncpa.u1 $0x1  }
0xd6: {  	s0 =	simm.s32 @p0 $0x1;
	_ =	sfence @p0  }
0xd7: {  	[sflag:s0] =	ssyncpa.u1 @p0 $0x1;
	s0 =	simm.s32 @p0 $0x2  }
0xd8: {  	[sflag:s0] =	ssyncpa.u1 @p0 $0x1  }
0xd9: {  	_ =	strace @p0 $0x9000004A  }
0xda: {  	[bflag:$0x2] =	sbarrier.arrive @p0 $0xFFFF  }
0xdb: {  	_ =	shalt @p0  }
.LBB2_11:
0xdc: {  	_ =	sfence.stream.spmem;
	s0 =	simm.s32 $0x5  }
0xdd: {  	s2 =	simm.s32 $0x80;
	s3 =	simm.s32 $0xC0;
	[sflag:s0] =	ssyncpa.u1 $0x0  }
0xde: {  	[tilespmem:s3], [sflag:$0x5] =	stream.linear.gather [spmem:s2], $0x20, $0x38;
	[tilespmem:$0x11A60] =	vst v63  }
0xdf: {  	s2 =	simm.s32 $0x0;
	s3 =	simm.s32 $0xE0  }
0xe0: {  	[tilespmem:s3], [sflag:$0x5] =	stream.linear.gather [spmem:s2], $0x20, $0x38;
	[tilespmem:$0x11A60] =	vst v63  }
.Ltmp7:
0xe1: {  	_ = 	snop;
	(pc) =	sbr.rel .LBB2_12-.Ltmp7, $4  }
0xe2: {  	_ =	swait.ge [sflag:s0], $0x40  }
0xe3: {  	[sflag:s0] =	ssyncset.done $0x0  }
0xe4: {  	s31 =	simm.s32 $0x6;
	[sflag:s0] =	ssyncadd.s32 $0xFFFFFFC0  }
0xe5: {  	s4 =	simm.s32 $0x0;
	[sflag:s31] =	ssyncpa.u1 $0x0  }
.LBB2_17:
0xe6: {  	p0 =	sgt.u32 s5, $0x24BFF  }
0xe7: {  	s0 =	sshrl.u32 @!p0 s5, $0x3  }
0xe8: {  	s5 =	sand.u32 @!p0 $0x7, s5;
	s6 =	simm.s32 @!p0 $0xB0;
	s0 =	sadd.s32 @!p0 s1, s0  }
0xe9: {  	[tilespmem:s6], [sflag:$0x6] =	stream.linear.gather @!p0 [hbm4b:s0+s5], $0x1, $0x38;
	[tilespmem:$0x11A60] =	vst v63  }
0xea: {  	s0 =	simm.s32 @!p0 $0x6  }
0xeb: {  	_ =	swait.ge @!p0 [sflag:s0], $0x1  }
0xec: {  	[sflag:s0] =	ssyncset.done @!p0 $0x0  }
0xed: {  	[sflag:s0] =	ssyncadd.s32 @!p0 $0xFFFFFFFF  }
0xee: {  	v2 =	vmov @!p0 s4;
	v1 =	vld.msk @!p0 [tilespmem:$0xB0], $0x1;
	_ =	sdelay $0x3  }
0xef: {  	s0 =	simm.s32 @!p0 $0xE0  }
0xf0: {  	[tilespmem:v2+s0+$0x0], v1 =	vst.idx.ret.add.f32.msk @!p0 $0x1, v1  }
0xf1: {  	[tilespmem:s2+$0xC0] =	vst.msk $0x1, v0  }
0xf2: {  	v0 =	vld.msk [tilespmem:s4+$0xE0], $0x1;
	_ =	sdelay $0x4  }
0xf3: {  	[tilespmem:s2+$0xE0] =	vst.msk $0x1, v0;
	s2 =	sadd.s32 $0x1, s2  }
.LBB2_19:
0xf4: {  	s4 =	sadd.s32 $0x1, s4  }
0xf5: {  	p0 =	sne.s32 s4, $0x20  }
.Ltmp8:
0xf6: {  	_ = 	snop;
	(pc) =	sbr.rel @!p0 .LBB2_20-.Ltmp8, $1  }
0xf7: {  	_ =	sdelay $0x3  }
.LBB2_12:
0xf8: {  	v0 =	vld.msk [tilespmem:s4+$0xC0], $0x1;
	_ =	sdelay $0x4  }
0xf9: {  	(v2sf) =	vpush v0, $0x0;
	_ =	sdelay $0xe  }
0xfa: {  	s5 =	spop (v2sf)  }
0xfb: {  	p0 =	seq.s32 s5, $0xFFFFFFFF  }
.Ltmp9:
0xfc: {  	_ = 	snop;
	(pc) =	sbr.rel @p0 .LBB2_19-.Ltmp9, $1  }
0xfd: {  	_ =	sdelay $0x3  }
0xfe: {  	p0 =	slt.s32 s2, $0x1  }
.Ltmp10:
0xff: {  	_ = 	snop;
	(pc) =	sbr.rel @p0 .LBB2_17-.Ltmp10, $1  }
0x100: {  	_ =	sdelay $0x3  }
0x101: {  	s0 =	simm.s32 $0xC0;
	p0 =	por $0x0, $0x0  }
0x102: {  	v1 =	vld.msk @!p0 [tilespmem:s0+$0x0], $0x1;
	_ =	sdelay $0x4  }
0x103: {  	(v2sf) =	vpush @!p0 v1, $0x0;
	_ =	sdelay $0xd  }
0x104: {  	p2 =	sne.s32 s2, $0x1  }
.Ltmp11:
0x105: {  	s6 =	spop @!p0 (v2sf);
	(pc) =	sbr.rel @!p2 .LBB2_16-.Ltmp11, $4  }
0x106: {  	p1 =	seq.s32 @!p0 s5, s6  }
0x107: {  	s6 =	simm.s32 $0x0;
	p1 =	por !p1, p0  }
0x108: {  	s8 =	simm.s32 $0xFFFFFFFF;
	s6 =	simm.s32 @p1 $0xFFFFFFFF  }
0x109: {  	s7 =	simm.s32 $0x1;
	s6 =	smov.u32 @p0 s8  }
.LBB2_15:
0x10a: {  	s8 =	smov.u32 s6;
	p0 =	sne.s32 s6, $0xFFFFFFFF  }
0x10b: {  	s0 =	sadd.s32 $0x1, s0;
	s6 =	smov.u32 s7;
	s7 =	sadd.s32 $0x1, s7  }
0x10c: {  	p1 =	sne.s32 s2, s7;
	v1 =	vld.msk @!p0 [tilespmem:s0+$0x0], $0x1;
	_ =	sdelay $0x4  }
0x10d: {  	(v2sf) =	vpush @!p0 v1, $0x0;
	_ =	sdelay $0xe  }
.Ltmp12:
0x10e: {  	s9 =	spop @!p0 (v2sf);
	(pc) =	sbr.rel @p1 .LBB2_15-.Ltmp12, $4  }
0x10f: {  	p2 =	seq.s32 @!p0 s5, s9  }
0x110: {  	p2 =	por !p2, p0  }
0x111: {  	s6 =	simm.s32 @p2 $0xFFFFFFFF  }
0x112: {  	s6 =	smov.u32 @p0 s8  }
.LBB2_16:
0x113: {  	p0 =	sne.s32 s6, $0xFFFFFFFF  }
.Ltmp13:
0x114: {  	_ = 	snop;
	(pc) =	sbr.rel @!p0 .LBB2_17-.Ltmp13, $1  }
0x115: {  	_ =	sdelay $0x3  }
0x116: {  	v0 =	vld.msk [tilespmem:s4+$0xE0], $0x1;
	v1 =	vmov s6  }
.Ltmp14:
0x117: {  	_ = 	snop;
	(pc) =	sbr.rel .LBB2_19-.Ltmp14, $2  }
0x118: {  	_ =	sdelay $0x2  }
0x119: {  	[tilespmem:v1+s3+$0x0], v0 =	vst.idx.ret.add.f32.msk $0x1, v0  }
.LBB2_20:
0x11a: {  	p0 =	slt.s32 s2, $0x1  }
.Ltmp15:
0x11b: {  	_ = 	snop;
	(pc) =	sbr.rel @p0 .LBB2_24-.Ltmp15, $3  }
0x11c: {  	_ =	sdelay $0x1  }
0x11d: {  	s0 =	simm.s32 $0x6  }
0x11e: {  	s3 =	simm.s32 $0x0;
	[sflag:s0] =	ssyncpa.u1 $0x1  }
0x11f: {  	s0 =	simm.s32 $0xC0  }
0x120: {  	v0 =	vld.msk [tilespmem:s0+$0x0], $0x1;
	_ =	sdelay $0x4  }
0x121: {  	(v2sf) =	vpush v0, $0x0;
	_ =	sdelay $0xe  }
0x122: {  	s2 =	sadd.s32 $0xFFFFFFFF, s2;
	s4 =	spop (v2sf)  }
0x123: {  	p1 =	sne.s32 s2, $0x0;
	p0 =	sgt.u32 s4, $0x24BFF  }
.Ltmp16:
0x124: {  	s5 =	sshrl.u32 @!p0 s4, $0x3;
	(pc) =	sbr.rel @!p1 .LBB2_23-.Ltmp16, $4  }
0x125: {  	s0 =	simm.s32 $0xE0;
	s4 =	sand.u32 @!p0 $0x7, s4;
	s5 =	sadd.s32 @!p0 s1, s5  }
0x126: {  	[hbm4b:s5+s4] =	stream.linear.scatter @!p0 [tilespmem:s0], [sflag:$0x5], $0x1, $0x38;
	[tilespmem:$0x11A60] =	vst v63  }
0x127: {  	s5 =	simm.s32 $0x0  }
0x128: {  	s4 =	simm.s32 $0xC1;
	s5 =	simm.s32 @!p0 $0x4  }
.LBB2_22:
0x129: {  	v0 =	vld.msk [tilespmem:s4+$0x0], $0x1;
	s2 =	sadd.s32 $0xFFFFFFFF, s2;
	s3 =	sadd.s32 s3, s5  }
0x12a: {  	p0 =	sne.s32 s2, $0x0;
	_ =	sdelay $0x3  }
0x12b: {  	(v2sf) =	vpush v0, $0x0;
	_ =	sdelay $0xe  }
.Ltmp17:
0x12c: {  	s6 =	spop (v2sf);
	(pc) =	sbr.rel @p0 .LBB2_22-.Ltmp17, $4  }
0x12d: {  	s5 =	simm.s32 $0x0;
	p1 =	sgt.u32 s6, $0x24BFF  }
0x12e: {  	s0 =	sadd.s32 $0x1, s0;
	s5 =	simm.s32 @!p1 $0x4;
	s7 =	sshrl.u32 @!p1 s6, $0x3  }
0x12f: {  	s4 =	sadd.s32 $0x1, s4;
	s6 =	sand.u32 @!p1 $0x7, s6;
	s7 =	sadd.s32 @!p1 s1, s7  }
0x130: {  	[hbm4b:s7+s6] =	stream.linear.scatter @!p1 [tilespmem:s0], [sflag:$0x5], $0x1, $0x38;
	[tilespmem:$0x11A60] =	vst v63  }
.LBB2_23:
0x131: {  	s0 =	sadd.s32 s3, s5  }
0x132: {  	s3 =	sshrl.u32 s0, $0x2  }
.LBB2_24:
0x133: {  	s0 =	simm.s32 $0x5  }
0x134: {  	_ =	swait.ge [sflag:s0], s3  }
0x135: {  	s1 =	ssub.s32 $0x0, s3;
	[sflag:s0] =	ssyncset.done $0x0  }
0x136: {  	[sflag:s0] =	ssyncadd.s32 s1  }
0x137: {  	[sflag:s0] =	ssyncpa.u1 $0x1  }
0x138: {  	s29 =	simm.s32 $0x1;
	_ =	sfence  }
0x139: {  	s30 =	simm.s32 $0x2;
	[sflag:s29] =	ssyncpa.u1 $0x1  }
0x13a: {  	[sflag:s30] =	ssyncpa.u1 $0x1  }
0x13b: {  	_ =	strace $0x9000004A  }
0x13c: {  	[bflag:$0x2] =	sbarrier.arrive $0xFFFF  }
0x13d: {  	s31 =	rddreg [dreg:$0x2]  }
0x13e: {  	s0 =	sadd.s32 $0x100000, s31  }
0x13f: {  	[sflag:s0] =	ssyncadd.tile.s32 $0x1;
	_ =	shalt  }
.Lfunc_end2:
_tile_overlayer_lowered:
.L_overlay_start_2:
0x140: {  	(tag) =	ssettag $0x2  }
0x141: {  	s0 =	rddreg [dreg:$0x0];
	s2 =	stileid.u32  }
0x142: {  	s1 =	rddreg [dreg:$0x1];
	p0 =	sne.s32 s2, $0x0  }
0x143: {  	s3 =	rddreg [dreg:$0x2];
	[bflag:$0x3] =	sbarrier.arrive $0xFFFF;
	s2 =	simm.s32 @!p0 $0x1C01  }
0x144: {  	[timem:s3], [sflag:s2] =	dma.local @!p0 [hbm:s0], s1  }
0x145: {  	s0 =	simm.s32 @!p0 $0x1  }
0x146: {  	_ =	swait.ge @!p0 [sflag:s0], s1  }
0x147: {  	s1 =	ssub.s32 @!p0 $0x0, s1;
	[sflag:s0] =	ssyncset.done @!p0 $0x0  }
0x148: {  	[sflag:s0] =	ssyncadd.s32 @!p0 s1  }
0x149: {  	[bflag:$0x3] =	sbarrier.arrive $0xFFFF  }
0x14a: {  	_ =	shalt  }

// kernel: scatter_offload_async_start
scs
__scs_entry_jumppad:
0x0: {  	(pc) =	sbr.rel $0x88, $3  }
0x1: {  	(tag) =	ssettag $0x0;
	lr =	simm.s32 $0x1  }
0x2: {  	[smem:$0x3F9C] =	sst lr;
	_ =	strace $0xD0000000  }
0x3: {  	_ = 	snop  }
0x4: {  	_ = 	snop  }
0x5: {  	_ = 	snop  }
0x6: {  	_ = 	snop  }
0x7: {  	_ = 	snop  }
__scs_overlays_trampoline_lowered:
0x8: {  	[smem:$0x3FAB] =	sst s0  }
0x9: {  	[smem:$0x3FAC] =	sst s1  }
0xa: {  	[smem:$0x3FAD] =	sst s2  }
0xb: {  	[smem:$0x3FAE] =	sst s3  }
0xc: {  	[smem:$0x3FAF] =	sst s4  }
0xd: {  	[smem:$0x3FB0] =	sst s5  }
0xe: {  	[smem:$0x3FB1] =	sst s6  }
0xf: {  	[smem:$0x3FB2] =	sst s7  }
0x10: {  	[smem:$0x3FB3] =	sst s8  }
0x11: {  	[smem:$0x3FB4] =	sst s9;
	s0 =	simm.s32 @!p0 $0x0  }
0x12: {  	s1 =	sld [smem:$0x3F9A];
	s0 =	simm.s32 @p0 $0x1  }
0x13: {  	[smem:$0x3FB5] =	sst s0;
	s0 =	simm.s32 @!p1 $0x0  }
0x14: {  	s2 =	sld [smem:$0x3F99];
	s0 =	simm.s32 @p1 $0x1  }
0x15: {  	[smem:$0x3FB6] =	sst s0;
	s0 =	simm.s32 @!p2 $0x0  }
0x16: {  	s3 =	sld [smem:$0x3FDB];
	s0 =	simm.s32 @p2 $0x1  }
0x17: {  	s4 =	simm.s32 $0x1BF5;
	[smem:$0x3FB8] =	sst s0  }
0x18: {  	s0 =	sld [smem:$0x3F9B];
	_ =	swait.ge [sflag:s4], $0x0  }
0x19: {  	s7 =	sld [smem:$0x3F9C]  }
0x1a: {  	s8 =	sadd.s32 $0xFFFFE003, lr  }
0x1b: {  	s9 =	sadd.s32 $0xFFFFFEF7, lr;
	s5 =	simm.s32 $0xFFFFFFFF;
	p2 =	slt.u32 s8, $0xFFFFF086  }
0x1c: {  	p1 =	slt.u32 s9, $0xF7A;
	s5 =	simm.s32 @!p2 $0x0  }
0x1d: {  	s5 =	simm.s32 @p1 $0x1;
	p0 =	seq.s32 s7, s2  }
0x1e: {  	s7 =	smul.u32 @!p0 $0xF7A, s2;
	p2 =	seq.s32 @!p0 s5, $0x0  }
0x1f: {  	s9 =	smul.u32 $0xF7A, s1;
	s8 =	simm.s32 @!p0 $0x1BF5;
	p2 =	por !p2, p0  }
0x20: {  	[sflag:s8] =	ssyncset.s32 @!p0 $0xFFFFF086;
	s6 =	sadd.s32 @!p0 s3, s7;
	s7 =	simm.s32 @!p0 $0x108  }
0x21: {  	s3 =	sadd.s32 s3, s9;
	s6 =	sadd.s32 @!p0 $0x88, s6;
	s7 =	simm.s32 @p2 $0x1082  }
0x22: {  	[simem:s7], [sflag:s8] =	dma.local @!p0 [hbm:s6], $0xF7A  }
0x23: {  	s9 =	sor.u32 $0xD0000000, s2;
	s6 =	simm.s32 $0x108;
	_ =	swait.ge @!p0 [sflag:s8], $0x0  }
0x24: {  	s3 =	sadd.s32 $0x88, s3;
	s6 =	simm.s32 @!p1 $0x1082;
	[sflag:s4] =	ssyncset.s32 $0xFFFFF086  }
0x25: {  	[simem:s6], [sflag:s4] =	dma.local [hbm:s3], $0xF7A  }
0x26: {  	[smem:$0x3F9C] =	sst s1;
	(tag) =	ssettag s2;
	_ =	strace s9  }
0x27: {  	s1 =	sld [smem:$0x3FAC]  }
0x28: {  	s2 =	sld [smem:$0x3FAD]  }
0x29: {  	s4 =	sld [smem:$0x3FAF]  }
0x2a: {  	p0 =	seq.s32 s5, $0x0;
	s5 =	sld [smem:$0x3FB0]  }
0x2b: {  	s6 =	sld [smem:$0x3FB1]  }
0x2c: {  	s7 =	sld [smem:$0x3FB2]  }
0x2d: {  	s3 =	simm.s32 $0x108;
	s8 =	sld [smem:$0x3FB3]  }
0x2e: {  	s3 =	simm.s32 @!p0 $0x1082;
	s9 =	sld [smem:$0x3FB4]  }
0x2f: {  	lr =	sadd.s32 s0, s3;
	s0 =	sld [smem:$0x3FAB]  }
0x30: {  	s3 =	sld [smem:$0x3FAE]  }
0x31: {  	[smem:$0x3FB7] =	sst s10  }
0x32: {  	s10 =	sld [smem:$0x3FB5];
	_ =	sdelay $0x3  }
0x33: {  	p0 =	seq.s32 s10, $0x1;
	s10 =	sld [smem:$0x3FB7];
	_ =	sdelay $0x3  }
0x34: {  	[smem:$0x3FB7] =	sst s10  }
0x35: {  	s10 =	sld [smem:$0x3FB6];
	_ =	sdelay $0x3  }
0x36: {  	p1 =	seq.s32 s10, $0x1;
	s10 =	sld [smem:$0x3FB7];
	_ =	sdelay $0x3  }
0x37: {  	[smem:$0x3FB7] =	sst s10  }
0x38: {  	s10 =	sld [smem:$0x3FB8]  }
0x39: {  	_ = 	snop;
	(pc) =	sbr.ind lr, $3  }
0x3a: {  	_ = 	snop  }
0x3b: {  	_ = 	snop  }
0x3c: {  	p2 =	seq.s32 s10, $0x1;
	s10 =	sld [smem:$0x3FB7]  }
0x3d: {  	_ =	shalt  }
0x3e: {  	_ =	shalt  }
0x3f: {  	_ =	shalt  }
0x40: {  	_ =	shalt  }
0x41: {  	_ =	shalt  }
0x42: {  	_ =	shalt  }
0x43: {  	_ =	shalt  }
0x44: {  	_ =	shalt  }
0x45: {  	_ =	shalt  }
0x46: {  	_ =	shalt  }
0x47: {  	_ =	shalt  }
0x48: {  	_ =	shalt  }
0x49: {  	_ =	shalt  }
0x4a: {  	_ =	shalt  }
0x4b: {  	_ =	shalt  }
0x4c: {  	_ =	shalt  }
0x4d: {  	_ =	shalt  }
0x4e: {  	_ =	shalt  }
0x4f: {  	_ =	shalt  }
0x50: {  	_ =	shalt  }
0x51: {  	_ =	shalt  }
0x52: {  	_ =	shalt  }
0x53: {  	_ =	shalt  }
0x54: {  	_ =	shalt  }
0x55: {  	_ =	shalt  }
0x56: {  	_ =	shalt  }
0x57: {  	_ =	shalt  }
0x58: {  	_ =	shalt  }
0x59: {  	_ =	shalt  }
0x5a: {  	_ =	shalt  }
0x5b: {  	_ =	shalt  }
0x5c: {  	_ =	shalt  }
0x5d: {  	_ =	shalt  }
0x5e: {  	_ =	shalt  }
0x5f: {  	_ =	shalt  }
0x60: {  	_ =	shalt  }
0x61: {  	_ =	shalt  }
0x62: {  	_ =	shalt  }
0x63: {  	_ =	shalt  }
0x64: {  	_ =	shalt  }
0x65: {  	_ =	shalt  }
0x66: {  	_ =	shalt  }
0x67: {  	_ =	shalt  }
0x68: {  	_ =	shalt  }
0x69: {  	_ =	shalt  }
0x6a: {  	_ =	shalt  }
0x6b: {  	_ =	shalt  }
0x6c: {  	_ =	shalt  }
0x6d: {  	_ =	shalt  }
0x6e: {  	_ =	shalt  }
0x6f: {  	_ =	shalt  }
0x70: {  	_ =	shalt  }
0x71: {  	_ =	shalt  }
0x72: {  	_ =	shalt  }
0x73: {  	_ =	shalt  }
0x74: {  	_ =	shalt  }
0x75: {  	_ =	shalt  }
0x76: {  	_ =	shalt  }
0x77: {  	_ =	shalt  }
0x78: {  	_ =	shalt  }
0x79: {  	_ =	shalt  }
0x7a: {  	_ =	shalt  }
0x7b: {  	_ =	shalt  }
0x7c: {  	_ =	shalt  }
0x7d: {  	_ =	shalt  }
0x7e: {  	_ =	shalt  }
0x7f: {  	_ =	shalt  }
0x80: {  	_ =	shalt  }
0x81: {  	_ =	shalt  }
0x82: {  	_ =	shalt  }
0x83: {  	_ =	shalt  }
0x84: {  	_ =	shalt  }
0x85: {  	_ =	shalt  }
0x86: {  	_ =	shalt  }
0x87: {  	_ =	shalt  }
.Lfunc_end0:
.L_simem_size_0:
called_computation_lowered:
.L_overlay_start_0:
0x88: {  	s0 =	sld [smem:$0x3FD9]  }
0x89: {  	s1 =	sld [smem:$0x3FFE];
	_ =	sdelay $0x3  }
0x8a: {  	s0 =	sadd.s32 s1, s0  }
0x8b: {  	[smem:$0x3FC3] =	sst s0  }
0x8c: {  	_ = 	snop  }
0x8d: {  	(tm) =	ssettm $0x1  }
0x8e: {  	s15 =	sld [smem:$0x3FFB];
	_ =	sdelay $0x3  }
0x8f: {  	_ =	strace s15  }
0x90: {  	s0 =	sld [smem:$0x3FFC];
	_ =	sdelay $0x3  }
0x91: {  	_ =	strace s0  }
0x92: {  	s0 =	sld [smem:$0x3FFD];
	_ =	sdelay $0x3  }
0x93: {  	_ =	strace s0  }
0x94: {  	_ =	strace $0x8FFFFFFF  }
0x95: {  	s16 =	sld [smem:$0x3FDB];
	_ =	sdelay $0x1  }
0x96: {  	s17 =	simm.s32 $_scs_section_size  }
0x97: {  	s2 =	simm.s32 $_size__tile_overlayer_lowered;
	s3 =	simm.s32 $_tile_overlayer_lowered  }
0x98: {  	s20 =	simm.s32 $0x1BFF;
	s19 =	sshll.u32 s3, $0x1;
	s0 =	sadd.s32 s17, s16  }
0x99: {  	s4 =	simm.s32 $0x0;
	s18 =	sshll.u32 s2, $0x1;
	s2 =	sadd.s32 s19, s0  }
0x9a: {  	[timem:s4], [sflag:s20] =	dma.local [hbm:s2], s18  }
0x9b: {  	_ =	swait.ge [sflag:s20], s18  }
0x9c: {  	s1 =	ssub.s32 $0x0, s18;
	[sflag:s20] =	ssyncset.done $0x0  }
0x9d: {  	[sflag:s20] =	ssyncadd.s32 s1;
	_ =	sdelay $0x1  }
0x9e: {  	s21 =	simm.s32 $0x1B8B  }
0x9f: {  	_ =	swait.ge [sflag:s21], $0x1  }
0xa0: {  	[sflag:s21] =	ssyncset.done $0x0  }
0xa1: {  	s23 =	simm.s32 $0x1B8E;
	s22 =	sld [smem:$0x3FFE];
	[sflag:s21] =	ssyncadd.s32 $0xFFFFFFFF  }
0xa2: {  	s24 =	simm.s32 $execute0_lowered;
	[smem:$0x3FD2] =	sst s23  }
0xa3: {  	s2 =	sshll.u32 s24, $0x1;
	_ =	strace $0x80000046;
	[dreg:$0x1] =	wrdreg $0xFFFFFFFF  }
0xa4: {  	s25 =	simm.s32 $_size_execute0_lowered;
	s0 =	sadd.s32 s0, s2;
	[dreg:$0x0] =	wrdreg $0x0  }
0xa5: {  	s2 =	sshll.u32 s25, $0x1;
	[dreg:$0x2] =	wrdreg s0  }
0xa6: {  	[dreg:$0x3] =	wrdreg s2  }
0xa7: {  	[dreg:$0x4] =	wrdreg $0xC0  }
0xa8: {  	_ =	task [dreg:s4], $0x5FFFF  }
0xa9: {  	[dreg:$0x1] =	wrdreg $0xFFFFFFFF  }
0xaa: {  	[dreg:$0x0] =	wrdreg $0x60  }
0xab: {  	[dreg:$0x2] =	wrdreg s22  }
0xac: {  	[dreg:$0x3] =	wrdreg $0x9  }
0xad: {  	_ =	task.clear_ibuf [dreg:s4], $0x4FFFF;
	_ =	strace $0x90000046  }
0xae: {  	s26 =	simm.s32 $0x9;
	_ =	strace $0x80000048  }
0xaf: {  	_ =	swait.ge [sflag:s26], $0x1  }
0xb0: {  	[sflag:s26] =	ssyncadd.s32 $0xFFFFFFFF  }
0xb1: {  	_ =	strace $0x90000048  }
0xb2: {  	_ =	sfence  }
0xb3: {  	s28 =	sld [smem:$0x0];
	_ =	sdelay $0x1  }
0xb4: {  	s29 =	srdreg.scid  }
0xb5: {  	s30 =	sshll.u32 s29, $0xD;
	s31 =	sshrl.u32 s29, $0x2  }
0xb6: {  	s1 =	sand.u32 $0x1, s29;
	s2 =	sand.u32 $0x4000, s30;
	s0 =	sadd.s32 s31, s28  }
0xb7: {  	s1 =	sor.u32 s2, s1;
	s0 =	sshll.u32 s0, $0x11  }
0xb8: {  	s0 =	sor.u32 s0, s1  }
0xb9: {  	s0 =	sadd.s32 $0x8F2B, s0  }
0xba: {  	[sflag:s0] =	ssyncadd.remote.s32 $0x1  }
0xbb: {  	_ =	sfence.sel $0xFFFF  }
0xbc: {  	[dreg:$0x0] =	wrdreg $0xFFFFFFFF;
	(pc) =	sbr.abs _section_cstart, $3  }
0xbd: {  	[dreg:$0x1] =	wrdreg $0xFFFFFFFF  }
0xbe: {  	_ =	task.clear_ibuf [dreg:s4], $0x2FFFF;
	_ =	strace $0x9FFFFFFF  }
0xbf: {  	(tm) =	ssettm $0x7FFFFFFF  }
tec
execute0_lowered:
.L_overlay_start_1:
0x0: {  	(tag) =	ssettag $0x1  }
0x1: {  	s0 =	rddreg [dreg:$0x0];
	s14 =	stileid.u32  }
0x2: {  	_ =	strace $0x80000047;
	s2 =	simm.s32 $0x1;
	s1 =	smul.u32 $0x6, s14  }
0x3: {  	v1 =	vimm.s32 $0xFFFFFFFF;
	s3 =	smin.u32 s14, $0x4;
	[sflag:s2] =	ssyncpa.u1 $0x0  }
0x4: {  	[tilespmem:$0x10] =	vst v1;
	s1 =	sadd.s32 s3, s1  }
0x5: {  	v0 =	vimm.f32 $0.0e+00;
	p0 =	slt.u32 s14, $0x4;
	[tilespmem:$0x20] =	vst v1;
	s3 =	smul.u32 $0x1F40, s1;
	s1 =	simm.s32 $0xDAC0  }
0x6: {  	[tilespmem:$0x30] =	vst v0;
	s1 =	simm.s32 @!p0 $0xBB80  }
0x7: {  	[tilespmem:$0x40] =	vst v0;
	s1 =	sadd.s32 s1, s3  }
0x8: {  	[tilespmem:$0x50] =	vst v0;
	s4 =	smin.u32 s1, $0xC3500  }
0x9: {  	[tilespmem:$0x60] =	vst v1;
	s9 =	ssub.s32 s4, s3  }
0xa: {  	s7 =	simm.s32 $0x2;
	s8 =	simm.s32 $0x8;
	[tilespmem:$0x70] =	vst v1;
	p0 =	sgt.s32 s9, $0x0  }
0xb: {  	s31 =	simm.s32 $0x9;
	s16 =	simm.s32 $0x0;
	[tilespmem:$0x80] =	vst v1;
	s9 =	simm.s32 @!p0 $0x0  }
0xc: {  	s17 =	simm.s32 $0xF0;
	s18 =	simm.s32 $0xFFFFFFFF;
	v1 =	vimm.s32 $0x0;
	[tilespmem:$0xB0] =	vst v0;
	s5 =	smulhi.u32 $0x10624DD3, s9  }
0xd: {  	s19 =	simm.s32 $0xFFFFC280;
	s20 =	simm.s32 $0xFFFFFFFE;
	s21 =	simm.s32 $0xF;
	[tilespmem:$0x90] =	vst v1  }
0xe: {  	[tilespmem:$0xA0] =	vst v1;
	[sflag:s7] =	ssyncpa.u1 $0x0;
	s7 =	simm.s32 $0x7;
	s10 =	sshrl.u32 s5, $0x9  }
0xf: {  	s25 =	simm.s32 $0x0;
	[sflag:s7] =	ssyncpa.u1 $0x0;
	s11 =	smul.u32 $0x1F40, s10  }
0x10: {  	s24 =	simm.s32 $0x0;
	s6 =	sadd.s32 $0x33600, s0;
	[sflag:s8] =	ssyncpa.u1 $0x0  }
.Ltmp0:
0x11: {  	[sflag:s31] =	ssyncpa.u1 $0x0;
	p0 =	sne.s32 s9, s11;
	(pc) =	sbr.rel .LBB2_1-.Ltmp0, $4  }
0x12: {  	s23 =	smov.u32 s3;
	s1 =	sadd.s32 $0x2600, s0;
	s2 =	simm.s32 @!p0 $0x0  }
0x13: {  	s5 =	sadd.s32 $0x1AE00, s0;
	p0 =	por $0x0, $0x0;
	s9 =	sadd.s32 s2, s10  }
0x14: {  	vm0 =	vmmov $0xffff;
	v2 =	vlaneseq.u32;
	s10 =	sshll.u32 s14, $0x1;
	s14 =	sshllo.u32 s14, $0x1;
	s11 =	sadd.s32 $0x1, s9  }
0x15: {  	vm1 =	vmxor vm1, vm1;
	vm2 =	vmmov $0x1;
	vm3 =	vcmask $0x3F3C;
	s12 =	sadd.s32 $0x2, s9;
	s13 =	sor.u32 $0x81, s10;
	s15 =	sor.u32 $0x80, s10  }
.LBB2_9:
0x16: {  	p1 =	slt.u32 s24, $0x3  }
0x17: {  	s0 =	simm.s32 @!p1 $0x2  }
0x18: {  	_ =	swait.ge @!p1 [sflag:s0], $0x1F40  }
0x19: {  	[sflag:s0] =	ssyncset.done @!p1 $0x0  }
0x1a: {  	[sflag:s0] =	ssyncadd.s32 @!p1 $0xFFFFE0C0;
	s0 =	simm.s32 @!p1 $0x9  }
0x1b: {  	_ =	swait.ge @!p1 [sflag:s0], $0x10  }
0x1c: {  	[sflag:s0] =	ssyncset.done @!p1 $0x0  }
0x1d: {  	[sflag:s0] =	ssyncadd.s32 @!p1 $0xFFFFFFF0;
	p1 =	sne.s32 s24, s12  }
.Ltmp1:
0x1e: {  	s2 =	sadd.s32 $0x1F40, s23;
	(pc) =	sbr.rel @!p1 .LBB2_10-.Ltmp1, $4  }
0x1f: {  	s22 =	smov.u32 s3;
	s31 =	sadd.s32 $0x1, s24;
	s17 =	sadd.s32 $0x1F40, s17  }
0x20: {  	s18 =	sadd.s32 $0x1, s18;
	s25 =	smov.u32 s23;
	p2 =	slt.s32 s2, s4  }
0x21: {  	p0 =	por !p0, !p0;
	s19 =	sadd.s32 $0x1F40, s19;
	s22 =	smov.u32 @p2 s2  }
0x22: {  	s20 =	sadd.s32 $0x1, s20;
	s23 =	smov.u32 s22;
	s24 =	smov.u32 s31  }
.LBB2_1:
0x23: {  	p1 =	sge.u32 s24, s9  }
0x24: {  	s0 =	smulhi.u32 @!p1 $0xAAAAAAAB, s24;
	_ =	sdelay $0x1  }
0x25: {  	s0 =	sshrl.u32 @!p1 s0, $0x1  }
0x26: {  	s0 =	smul.u32 @!p1 $0x3, s0;
	_ =	sdelay $0x1  }
0x27: {  	s0 =	ssub.s32 @!p1 s24, s0  }
0x28: {  	s0 =	smul.u32 @!p1 $0x7D00, s0;
	_ =	sdelay $0x1  }
0x29: {  	s2 =	sshrl.u32 @!p1 s23, $0x3;
	s0 =	sshrl.u32 @!p1 s0, $0x2  }
0x2a: {  	s22 =	sand.u32 @!p1 $0x7, s23;
	s2 =	sadd.s32 @!p1 s5, s2;
	s0 =	sadd.s32 @!p1 $0x100, s0  }
0x2b: {  	[tilespmem:s0], [sflag:$0x7] =	stream.linear.gather @!p1 [hbm4b:s2+s22], $0x1F40, $0x38;
	[tilespmem:$0x11A60] =	vst v63  }
0x2c: {  	s0 =	sadd.s32 $0xFFFFFFFF, s24  }
0x2d: {  	p1 =	sge.u32 s0, s9  }
.Ltmp2:
0x2e: {  	_ = 	snop;
	(pc) =	sbr.rel @p1 .LBB2_5-.Ltmp2, $1  }
0x2f: {  	_ =	sdelay $0x3  }
0x30: {  	s2 =	smulhi.u32 $0xAAAAAAAB, s0;
	_ =	sdelay $0x1  }
0x31: {  	s2 =	sshrl.u32 s2, $0x1  }
0x32: {  	s2 =	smul.u32 $0x3, s2;
	_ =	sdelay $0x1  }
0x33: {  	s2 =	ssub.s32 s0, s2  }
0x34: {  	s2 =	smul.u32 $0x7D00, s2  }
0x35: {  	_ =	swait.ge [sflag:s7], $0x1F40  }
0x36: {  	[sflag:s7] =	ssyncset.done $0x0;
	s2 =	sshrl.u32 s2, $0x2  }
0x37: {  	[sflag:s7] =	ssyncadd.s32 $0xFFFFE0C0;
	(ifvalue) =	ssetifvalue $0xFFFFFFFF;
	v3 =	vld.msk [tilespmem:s2+$0x100 ss:$0x1], $0xffff;
	_ =	sdelay $0x2  }
0x38: {  	s30 =	smulhi.u32 $0xAAAAAAAB, s18;
	p1 =	sne.s32 s24, $0x1  }
0x39: {  	v4 =	vimm.s32 @!p1 $0x0  }
0x3a: {  	s2 =	sshrl.u32 s30, $0x1;
	v4 =	vperm.xlane @!p1 v3, v4  }
0x3b: {  	s22 =	sshll.u32 s24, $0x4;
	s2 =	smul.u32 $0xFFFE8900, s2;
	vm4 =	vlt.u32 v3, $0xC400  }
0x3c: {  	s22 =	sand.u32 $0x10, s22;
	v3 =	vnsel vm4, $0xFFFFFFFE, v3;
	vm4 =	vlt.u32 @!p1 v4, $0xC400  }
0x3d: {  	s2 =	sshra.s32 s2, $0x2;
	[tilespmem:s22+$0x60] =	vst v3;
	v3 =	vnsel @!p1 vm4, $0xFFFFFFFE, v4  }
0x3e: {  	s28 =	sadd.s32 s2, s17;
	[tilespmem:$0x80] =	vst @!p1 v3  }
0x3f: {  	v3 =	vld.msk [tilespmem:s28+$0x0 ss:$0x1], $0xffff;
	_ =	sdelay $0x4  }
0x40: {  	(xrf1) =	vunique.msk.u32 $0xffff, v3;
	_ =	sdelay $0xd  }
0x41: {  	v4 =	vimm.s32 $0xFFFFFFFF;
	v5, _, _ =	vpop (xrf1)  }
0x42: {  	vm5 =	vne.s32 v3, v4;
	vm4 =	veq.s32 v5, v2  }
0x43: {  	vm6 =	vlt.u32 v3, $0xC400;
	vm4 =	vmand vm5, vm4  }
0x44: {  	vm4 =	vmand vm6, vm4  }
0x45: {  	v4 =	vnsel vm4, $0xFFFFFFFF, v3  }
0x46: {  	s31 =	sand.u32 $0x1, s0  }
0x47: {  	s0 =	simm.s32 $0x1F40;
	p1 =	seq.s32 s31, $0x1  }
0x48: {  	s0 =	simm.s32 @!p1 $0x0  }
0x49: {  	s26 =	sadd.s32 $0x7DF0, s0;
	(ifvalue) =	ssetifvalue $0xFFFFFFFF  }
0x4a: {  	v3 =	vperm.xlane v3, v1;
	[tilespmem:s26], [sflag:$0x8] =	stream.indirect_vreg.gather [hbm4b:s1+s16], $0x1, v4, vm0, $0x4038;
	v4 =	vnsel vm6, $0xFFFFFFFE, v4;
	[tilespmem:$0x11A60] =	vst v63  }
0x4b: {  	s2 =	simm.s32 $0x0;
	s22 =	sadd.s32 $0xFFFFFFF0, s28;
	[tilespmem:s28+$0x0] =	vst v4  }
.LBB2_3:
0x4c: {  	v4 =	vld.msk [tilespmem:s22+$0x0 ss:$0x1], $0xffff;
	s2 =	sadd.s32 $0x10, s2;
	v5 =	vmov v3;
	s28 =	smov.u32 s22  }
0x4d: {  	p1 =	slt.u32 s2, $0x1F30;
	_ =	sdelay $0x4  }
0x4e: {  	v3 =	vperm.xlane v4, v1;
	(xrf1) =	vunique.msk.u32 $0xffff, v4;
	_ =	sdelay $0xd  }
0x4f: {  	v6, _, _ =	vpop (xrf1)  }
0x50: {  	vm5 =	vne.s32 v4, v5;
	vm4 =	veq.s32 v6, v2  }
0x51: {  	vm6 =	vlt.u32 v4, $0xC400;
	vm4 =	vmand vm5, vm4  }
0x52: {  	vm4 =	vmand vm6, vm4  }
0x53: {  	v4 =	vnsel vm4, $0xFFFFFFFF, v4  }
.Ltmp3:
0x54: {  	v5 =	vnsel vm6, $0xFFFFFFFE, v4;
	(pc) =	sbr.rel @p1 .LBB2_3-.Ltmp3, $3  }
0x55: {  	_ =	sdelay $0x1  }
0x56: {  	s22 =	sadd.s32 $0xFFFFFFF0, s22;
	s26 =	sadd.s32 $0xFFFFFFF0, s26;
	(ifvalue) =	ssetifvalue $0xFFFFFFFF  }
0x57: {  	[tilespmem:s26], [sflag:$0x8] =	stream.indirect_vreg.gather [hbm4b:s1+s16], $0x1, v4, vm0, $0x4038;
	[tilespmem:s28+$0x0] =	vst v5  }
0x58: {  	s2 =	sshrl.u32 s25, $0x3  }
0x59: {  	s0 =	sadd.s32 $0x9D40, s0;
	s2 =	sadd.s32 s6, s2  }
0x5a: {  	[tilespmem:s0], [sflag:$0x8] =	stream.linear.gather [hbm:s2], $0x1F40, $0x38;
	[tilespmem:$0x11A60] =	vst v63  }
.LBB2_5:
0x5b: {  	p1 =	slt.u32 s24, $0x2  }
0x5c: {  	p2 =	sge.u32 @!p1 s24, s12  }
0x5d: {  	p1 =	por p1, p2  }
.Ltmp4:
0x5e: {  	_ = 	snop;
	(pc) =	sbr.rel @p1 .LBB2_9-.Ltmp4, $1  }
0x5f: {  	_ =	sdelay $0x3  }
0x60: {  	s0 =	sadd.s32 $0xFFFFFFFE, s24  }
0x61: {  	s2 =	smulhi.u32 $0xAAAAAAAB, s0;
	_ =	sdelay $0x1  }
0x62: {  	s2 =	sshrl.u32 s2, $0x1  }
0x63: {  	s2 =	smul.u32 $0x3, s2;
	_ =	sdelay $0x1  }
0x64: {  	s0 =	ssub.s32 s0, s2  }
0x65: {  	_ =	swait.ge [sflag:s8], $0x3E80;
	s0 =	smul.u32 $0x1F40, s0  }
0x66: {  	p1 =	sne.s32 s24, s11;
	[sflag:s8] =	ssyncset.done $0x0  }
0x67: {  	[sflag:s8] =	ssyncadd.s32 $0xFFFFC180;
	s2 =	sadd.s32 @!p1 $0x203F, s0  }
0x68: {  	[spmem:s13] =	stream.linear.scatter @!p1 [tilespmem:s2], [sflag:$0x1], $0x1, $0x38;
	[tilespmem:$0x11A60] =	vst v63  }
0x69: {  	s2 =	simm.s32 @!p1 $0x1  }
0x6a: {  	_ =	swait.ge @!p1 [sflag:s2], $0x1  }
0x6b: {  	s22 =	sshll.u32 s24, $0x4;
	[sflag:s2] =	ssyncset.done @!p1 $0x0  }
0x6c: {  	s25 =	sand.u32 $0x10, s22;
	[sflag:s2] =	ssyncadd.s32 @!p1 $0xFFFFFFFF  }
0x6d: {  	s2 =	sxor.u32 $0x10, s25;
	v4 =	vld [tilespmem:s25+$0x10]  }
0x6e: {  	v5 =	vld [tilespmem:s2+$0x60]  }
0x6f: {  	v3 =	vld [tilespmem:$0x80];
	_ =	sdelay $0x2  }
0x70: {  	(v2sf) =	vpush v4, $0x0  }
0x71: {  	(v2sf) =	vpush v5, $0x0  }
0x72: {  	(v2sf) =	vpush v3, $0x0;
	_ =	sdelay $0xc  }
0x73: {  	s22 =	spop (v2sf)  }
0x74: {  	s26 =	spop (v2sf)  }
0x75: {  	s28 =	spop (v2sf)  }
0x76: {  	p2 =	seq.s32 s22, s26;
	p3 =	seq.s32 s28, s22  }
0x77: {  	p3 =	por p2, p3  }
0x78: {  	s26 =	sand.u32 $0x1, s24;
	v4 =	vpsel p3, $0xFFFFFFFF, v4  }
0x79: {  	s29 =	smul.u32 $0x1F40, s26;
	[tilespmem:s25+$0x10] =	vst.msk $0x1, v4  }
0x7a: {  	v4 =	vld [tilespmem:$0x30]  }
0x7b: {  	v5 =	vld [tilespmem:s29+$0x9D40]  }
0x7c: {  	v6 =	vld [tilespmem:s25+$0x40];
	_ =	sdelay $0x3  }
0x7d: {  	vm4 =	vmmov vm1;
	v5 =	vadd.f32 v5, v4  }
0x7e: {  	vm5 =	vmmov vm2;
	vm4 =	vmmov @p2 vm2;
	s22 =	sshll.u32 s26, $0x4;
	v4 =	vadd.f32 v6, v4  }
0x7f: {  	s26 =	sor.u32 $0x11A40, s22;
	vm5 =	vmmov @p3 vm1;
	[tilespmem:s29+$0x9D40] =	vst.msk vm4, v5  }
0x80: {  	[tilespmem:s26+$0x0] =	vst.msk vm5, v4  }
0x81: {  	v4 =	vld [tilespmem:s29+$0x7DF0];
	_ =	sdelay $0x3  }
0x82: {  	v5 =	vimm.f32 $0.0e+00  }
0x83: {  	v4 =	vshift.insert v4, v5, s21  }
0x84: {  	s22 =	sor.u32 $0x40, s2  }
0x85: {  	[tilespmem:s22+$0x0] =	vst.msk $0x1, v4  }
0x86: {  	[tilespmem:s29+$0x7DFF] =	vst.msk $0x1, v5  }
0x87: {  	v4 =	vld [tilespmem:s0+$0x2030];
	_ =	sdelay $0x1  }
0x88: {  	s22 =	smulhi.u32 $0xAAAAAAAB, s20;
	s0 =	simm.s32 $0x1  }
0x89: {  	s0 =	simm.s32 @!p0 $0x0  }
0x8a: {  	s22 =	sshrl.u32 s22, $0x1;
	s0 =	smul.u32 $0x7D00, s0  }
0x8b: {  	s22 =	smul.u32 $0xFFFE8900, s22;
	v4 =	vshift.insert v4, v1, s21  }
0x8c: {  	s0 =	sshrl.u32 s0, $0x2  }
0x8d: {  	s22 =	sshra.s32 s22, $0x2;
	s30 =	sadd.s32 $0x9D40, s0;
	[tilespmem:s2+$0x10] =	vst.msk $0x1, v4  }
0x8e: {  	s22 =	sadd.s32 s22, s19;
	v6 =	vld [tilespmem:s30+$0x0]  }
0x8f: {  	v7 =	vld [tilespmem:s22+$0x0];
	_ =	sdelay $0x3  }
0x90: {  	v5 =	vadd.f32 v6, v5  }
0x91: {  	vm4 =	vne.s32 v7, $0xFFFFFFFF  }
0x92: {  	(xrf2) =	vadd.seg.scan.f32 vm4, v5;
	_ =	sdelay $0x3  }
0x93: {  	s31 =	sadd.s32 $0x5EC0, s0;
	v5 =	vperm.xlane v4, v1  }
0x94: {  	v6 =	vld [tilespmem:s31+$0x0]  }
0x95: {  	vm5 =	veq.s32 v7, v3;
	vm6 =	veq.s32 v7, v5  }
0x96: {  	vm7 =	vgt.u32 v7, $0xFFFFFFFD;
	vm6 =	vmor vm6, vm5  }
0x97: {  	vm6 =	vmor vm6, vm7  }
0x98: {  	v9 =	vld [tilespmem:$0xA0];
	v7 =	vsel vm6, $0xFFFFFFFF, v7  }
0x99: {  	v10 =	vld [tilespmem:$0x90];
	v6 =	vsel vm5, $0x0, v6;
	v8, _, _ =	vpop (xrf2)  }
0x9a: {  	v6 =	vadd.f32 v8, v6  }
0x9b: {  	s0 =	sadd.s32 $0xDBC0, s0  }
0x9c: {  	vm4 =	vmand vm4, vm3;
	[tilespmem:s0+$0x0] =	vst v6;
	(ifvalue) =	ssetifvalue $0xFFFFFFFF  }
0x9d: {  	vm6 =	veq.s32 v9, $0x1;
	[hbm4b:s1+s16] =	stream.indirect_vreg.scatter [tilespmem:s0], [sflag:$0x2], $0x1, v7, vm0, $0x4038;
	v7 =	vsel vm4, $0x0, v8;
	[tilespmem:$0x11A60] =	vst v63  }
0x9e: {  	s2 =	simm.s32 $0x0;
	s22 =	sadd.s32 $0x10, s22;
	vm4 =	vmor vm6, vm5;
	v6 =	vsel vm5, v8, v10;
	v7 =	vshift.insert v7, v0, s21  }
.LBB2_7:
0x9f: {  	v8 =	vld [tilespmem:s22+$0x0];
	s30 =	sadd.s32 $0x10, s30  }
0xa0: {  	s31 =	sadd.s32 $0x10, s31;
	v9 =	vld [tilespmem:s30+$0x0]  }
0xa1: {  	s2 =	sadd.s32 $0x10, s2;
	v10 =	vld [tilespmem:s31+$0x0]  }
0xa2: {  	p2 =	slt.u32 s2, $0x1F30;
	_ =	sdelay $0x2  }
0xa3: {  	v7 =	vadd.f32 v9, v7  }
0xa4: {  	vm5 =	vne.s32 v8, $0xFFFFFFFF  }
0xa5: {  	vm6 =	vmand vm5, vm3;
	(xrf2) =	vadd.seg.scan.f32 vm5, v7;
	_ =	sdelay $0x5  }
0xa6: {  	vm7 =	veq.s32 v8, v5;
	vm5 =	veq.s32 v8, v3  }
0xa7: {  	vm8 =	vgt.u32 v8, $0xFFFFFFFD;
	vm4 =	vmor vm4, vm5;
	vm7 =	vmor vm7, vm5  }
0xa8: {  	vm7 =	vmor vm7, vm8  }
0xa9: {  	v8 =	vsel vm7, $0xFFFFFFFF, v8  }
.Ltmp5:
0xaa: {  	v7 =	vsel vm5, $0x0, v10;
	v9, _, _ =	vpop (xrf2);
	(pc) =	sbr.rel @p2 .LBB2_7-.Ltmp5, $4  }
0xab: {  	v6 =	vsel vm5, v9, v6;
	v10 =	vadd.f32 v9, v7;
	v7 =	vsel vm6, $0x0, v9  }
0xac: {  	s0 =	sadd.s32 $0x10, s0;
	v7 =	vshift.insert v7, v0, s21  }
0xad: {  	s22 =	sadd.s32 $0x10, s22;
	[tilespmem:s0+$0x0] =	vst v10;
	(ifvalue) =	ssetifvalue $0xFFFFFFFF  }
0xae: {  	[hbm4b:s1+s16] =	stream.indirect_vreg.scatter [tilespmem:s0], [sflag:$0x2], $0x1, v8, vm0, $0x4038;
	[tilespmem:$0x11A60] =	vst v63  }
0xaf: {  	v3 =	vld [tilespmem:s29+$0xFAF0];
	_ =	sdelay $0x4  }
0xb0: {  	v3 =	vshift.insert v3, v0, s21  }
0xb1: {  	s0 =	simm.s32 $0x30  }
0xb2: {  	[tilespmem:s0+$0x0] =	vst.msk $0x1, v3  }
0xb3: {  	v3 =	vsel vm4, $0x1, v1;
	[tilespmem:$0x90] =	vst v6  }
0xb4: {  	s0 =	sadd.s32 @!p1 $0xFAFF, s29;
	[tilespmem:$0xA0] =	vst v3  }
0xb5: {  	[spmem:s14] =	stream.linear.scatter @!p1 [tilespmem:s0], [sflag:$0x1], $0x1, $0x38;
	[tilespmem:$0x11A60] =	vst v63  }
0xb6: {  	s0 =	simm.s32 @!p1 $0x1  }
0xb7: {  	v3 =	vmctz.xlane @!p1 vm4;
	_ =	swait.ge @!p1 [sflag:s0], $0x1  }
0xb8: {  	(v2sf) =	vpush @!p1 v4, $0x0  }
0xb9: {  	(v2sf) =	vpush @!p1 v3, $0x0;
	_ =	sdelay $0xd  }
0xba: {  	s2 =	spop @!p1 (v2sf)  }
0xbb: {  	s22 =	spop @!p1 (v2sf)  }
0xbc: {  	p2 =	sne.s32 @!p1 s28, s2;
	p3 =	slt.s32 @!p1 s22, $0xF  }
0xbd: {  	[sflag:s0] =	ssyncset.done @!p1 $0x0;
	p2 =	por p2, p1;
	p3 =	por !p3, p1  }
0xbe: {  	[sflag:s0] =	ssyncadd.s32 @!p1 $0xFFFFFFFF;
	v3 =	vimm.s32 @!p2 $0xFFFFFFFF;
	s22 =	simm.s32 @p3 $0xF  }
0xbf: {  	[tilespmem:$0x80] =	vst @!p2 v3;
	s2 =	sadd.s32 @!p1 $0x90, s22  }
0xc0: {  	[spmem:s10] =	stream.linear.scatter @!p1 [tilespmem:s2], [sflag:$0x1], $0x1, $0x38;
	[tilespmem:$0x11A60] =	vst v63  }
0xc1: {  	_ =	swait.ge @!p1 [sflag:s0], $0x1  }
0xc2: {  	[sflag:s0] =	ssyncset.done @!p1 $0x0  }
0xc3: {  	s2 =	simm.s32 @!p1 $0x80;
	[sflag:s0] =	ssyncadd.s32 @!p1 $0xFFFFFFFF  }
0xc4: {  	[spmem:s15] =	stream.linear.scatter @!p1 [tilespmem:s2], [sflag:$0x1], $0x1, $0x38;
	[tilespmem:$0x11A60] =	vst v63  }
0xc5: {  	_ =	swait.ge @!p1 [sflag:s0], $0x1  }
0xc6: {  	[sflag:s0] =	ssyncset.done @!p1 $0x0  }
0xc7: {  	[sflag:s0] =	ssyncadd.s32 @!p1 $0xFFFFFFFF;
	(ifvalue) =	ssetifvalue $0xFFFFFFFF;
	v3 =	vld [tilespmem:s25+$0x10];
	_ =	sdelay $0x3  }
.Ltmp6:
0xc8: {  	_ = 	snop;
	(pc) =	sbr.rel .LBB2_9-.Ltmp6, $3  }
0xc9: {  	_ =	sdelay $0x1  }
0xca: {  	(ifvalue) =	ssetifvalue $0xFFFFFFFF  }
0xcb: {  	[hbm4b:s1+s16] =	stream.indirect_vreg.scatter [tilespmem:s26], [sflag:$0x9], $0x1, v3, vm0, $0x4038;
	[tilespmem:$0x11A60] =	vst v63  }
.LBB2_10:
0xcc: {  	_ =	sfence.sel $0x180000  }
0xcd: {  	s0 =	simm.s32 $0x7;
	[bflag:$0x0] =	sbarrier.arrive $0xFFFF  }
0xce: {  	s26 =	simm.s32 $0x8;
	[sflag:s0] =	ssyncpa.u1 $0x1  }
0xcf: {  	s28 =	simm.s32 $0x9;
	[sflag:s26] =	ssyncpa.u1 $0x1  }
0xd0: {  	[sflag:s28] =	ssyncpa.u1 $0x1  }
0xd1: {  	_ =	sfence.stream.spmem  }
0xd2: {  	s29 =	simm.s32 $0x3;
	[bflag:$0x0] =	sbarrier.arrive $0xFFFF  }
0xd3: {  	s30 =	simm.s32 $0x4;
	[sflag:s29] =	ssyncpa.u1 $0x1  }
0xd4: {  	s31 =	simm.s32 $0x3C;
	s2 =	stileid.u32;
	[sflag:s30] =	ssyncpa.u1 $0x1  }
0xd5: {  	p0 =	sne.s32 s2, $0x0;
	[sflag:s31] =	ssyncpa.u1 $0x1  }
0xd6: {  	s0 =	simm.s32 @p0 $0x1;
	_ =	sfence @p0  }
0xd7: {  	[sflag:s0] =	ssyncpa.u1 @p0 $0x1;
	s0 =	simm.s32 @p0 $0x2  }
0xd8: {  	[sflag:s0] =	ssyncpa.u1 @p0 $0x1  }
0xd9: {  	_ =	strace @p0 $0x90000047  }
0xda: {  	[bflag:$0x2] =	sbarrier.arrive @p0 $0xFFFF  }
0xdb: {  	_ =	shalt @p0  }
.LBB2_11:
0xdc: {  	_ =	sfence.stream.spmem;
	s0 =	simm.s32 $0x5  }
0xdd: {  	s2 =	simm.s32 $0x80;
	s3 =	simm.s32 $0xC0;
	[sflag:s0] =	ssyncpa.u1 $0x0  }
0xde: {  	[tilespmem:s3], [sflag:$0x5] =	stream.linear.gather [spmem:s2], $0x20, $0x38;
	[tilespmem:$0x11A60] =	vst v63  }
0xdf: {  	s2 =	simm.s32 $0x0;
	s3 =	simm.s32 $0xE0  }
0xe0: {  	[tilespmem:s3], [sflag:$0x5] =	stream.linear.gather [spmem:s2], $0x20, $0x38;
	[tilespmem:$0x11A60] =	vst v63  }
.Ltmp7:
0xe1: {  	_ = 	snop;
	(pc) =	sbr.rel .LBB2_12-.Ltmp7, $4  }
0xe2: {  	_ =	swait.ge [sflag:s0], $0x40  }
0xe3: {  	[sflag:s0] =	ssyncset.done $0x0  }
0xe4: {  	s31 =	simm.s32 $0x6;
	[sflag:s0] =	ssyncadd.s32 $0xFFFFFFC0  }
0xe5: {  	s4 =	simm.s32 $0x0;
	[sflag:s31] =	ssyncpa.u1 $0x0  }
.LBB2_17:
0xe6: {  	p0 =	sgt.u32 s5, $0xC3FF  }
0xe7: {  	s0 =	sshrl.u32 @!p0 s5, $0x3  }
0xe8: {  	s5 =	sand.u32 @!p0 $0x7, s5;
	s6 =	simm.s32 @!p0 $0xB0;
	s0 =	sadd.s32 @!p0 s1, s0  }
0xe9: {  	[tilespmem:s6], [sflag:$0x6] =	stream.linear.gather @!p0 [hbm4b:s0+s5], $0x1, $0x38;
	[tilespmem:$0x11A60] =	vst v63  }
0xea: {  	s0 =	simm.s32 @!p0 $0x6  }
0xeb: {  	_ =	swait.ge @!p0 [sflag:s0], $0x1  }
0xec: {  	[sflag:s0] =	ssyncset.done @!p0 $0x0  }
0xed: {  	[sflag:s0] =	ssyncadd.s32 @!p0 $0xFFFFFFFF  }
0xee: {  	v2 =	vmov @!p0 s4;
	v1 =	vld.msk @!p0 [tilespmem:$0xB0], $0x1;
	_ =	sdelay $0x3  }
0xef: {  	s0 =	simm.s32 @!p0 $0xE0  }
0xf0: {  	[tilespmem:v2+s0+$0x0], v1 =	vst.idx.ret.add.f32.msk @!p0 $0x1, v1  }
0xf1: {  	[tilespmem:s2+$0xC0] =	vst.msk $0x1, v0  }
0xf2: {  	v0 =	vld.msk [tilespmem:s4+$0xE0], $0x1;
	_ =	sdelay $0x4  }
0xf3: {  	[tilespmem:s2+$0xE0] =	vst.msk $0x1, v0;
	s2 =	sadd.s32 $0x1, s2  }
.LBB2_19:
0xf4: {  	s4 =	sadd.s32 $0x1, s4  }
0xf5: {  	p0 =	sne.s32 s4, $0x20  }
.Ltmp8:
0xf6: {  	_ = 	snop;
	(pc) =	sbr.rel @!p0 .LBB2_20-.Ltmp8, $1  }
0xf7: {  	_ =	sdelay $0x3  }
.LBB2_12:
0xf8: {  	v0 =	vld.msk [tilespmem:s4+$0xC0], $0x1;
	_ =	sdelay $0x4  }
0xf9: {  	(v2sf) =	vpush v0, $0x0;
	_ =	sdelay $0xe  }
0xfa: {  	s5 =	spop (v2sf)  }
0xfb: {  	p0 =	seq.s32 s5, $0xFFFFFFFF  }
.Ltmp9:
0xfc: {  	_ = 	snop;
	(pc) =	sbr.rel @p0 .LBB2_19-.Ltmp9, $1  }
0xfd: {  	_ =	sdelay $0x3  }
0xfe: {  	p0 =	slt.s32 s2, $0x1  }
.Ltmp10:
0xff: {  	_ = 	snop;
	(pc) =	sbr.rel @p0 .LBB2_17-.Ltmp10, $1  }
0x100: {  	_ =	sdelay $0x3  }
0x101: {  	s0 =	simm.s32 $0xC0;
	p0 =	por $0x0, $0x0  }
0x102: {  	v1 =	vld.msk @!p0 [tilespmem:s0+$0x0], $0x1;
	_ =	sdelay $0x4  }
0x103: {  	(v2sf) =	vpush @!p0 v1, $0x0;
	_ =	sdelay $0xd  }
0x104: {  	p2 =	sne.s32 s2, $0x1  }
.Ltmp11:
0x105: {  	s6 =	spop @!p0 (v2sf);
	(pc) =	sbr.rel @!p2 .LBB2_16-.Ltmp11, $4  }
0x106: {  	p1 =	seq.s32 @!p0 s5, s6  }
0x107: {  	s6 =	simm.s32 $0x0;
	p1 =	por !p1, p0  }
0x108: {  	s8 =	simm.s32 $0xFFFFFFFF;
	s6 =	simm.s32 @p1 $0xFFFFFFFF  }
0x109: {  	s7 =	simm.s32 $0x1;
	s6 =	smov.u32 @p0 s8  }
.LBB2_15:
0x10a: {  	s8 =	smov.u32 s6;
	p0 =	sne.s32 s6, $0xFFFFFFFF  }
0x10b: {  	s0 =	sadd.s32 $0x1, s0;
	s6 =	smov.u32 s7;
	s7 =	sadd.s32 $0x1, s7  }
0x10c: {  	p1 =	sne.s32 s2, s7;
	v1 =	vld.msk @!p0 [tilespmem:s0+$0x0], $0x1;
	_ =	sdelay $0x4  }
0x10d: {  	(v2sf) =	vpush @!p0 v1, $0x0;
	_ =	sdelay $0xe  }
.Ltmp12:
0x10e: {  	s9 =	spop @!p0 (v2sf);
	(pc) =	sbr.rel @p1 .LBB2_15-.Ltmp12, $4  }
0x10f: {  	p2 =	seq.s32 @!p0 s5, s9  }
0x110: {  	p2 =	por !p2, p0  }
0x111: {  	s6 =	simm.s32 @p2 $0xFFFFFFFF  }
0x112: {  	s6 =	smov.u32 @p0 s8  }
.LBB2_16:
0x113: {  	p0 =	sne.s32 s6, $0xFFFFFFFF  }
.Ltmp13:
0x114: {  	_ = 	snop;
	(pc) =	sbr.rel @!p0 .LBB2_17-.Ltmp13, $1  }
0x115: {  	_ =	sdelay $0x3  }
0x116: {  	v0 =	vld.msk [tilespmem:s4+$0xE0], $0x1;
	v1 =	vmov s6  }
.Ltmp14:
0x117: {  	_ = 	snop;
	(pc) =	sbr.rel .LBB2_19-.Ltmp14, $2  }
0x118: {  	_ =	sdelay $0x2  }
0x119: {  	[tilespmem:v1+s3+$0x0], v0 =	vst.idx.ret.add.f32.msk $0x1, v0  }
.LBB2_20:
0x11a: {  	p0 =	slt.s32 s2, $0x1  }
.Ltmp15:
0x11b: {  	_ = 	snop;
	(pc) =	sbr.rel @p0 .LBB2_24-.Ltmp15, $3  }
0x11c: {  	_ =	sdelay $0x1  }
0x11d: {  	s0 =	simm.s32 $0x6  }
0x11e: {  	s3 =	simm.s32 $0x0;
	[sflag:s0] =	ssyncpa.u1 $0x1  }
0x11f: {  	s0 =	simm.s32 $0xC0  }
0x120: {  	v0 =	vld.msk [tilespmem:s0+$0x0], $0x1;
	_ =	sdelay $0x4  }
0x121: {  	(v2sf) =	vpush v0, $0x0;
	_ =	sdelay $0xe  }
0x122: {  	s2 =	sadd.s32 $0xFFFFFFFF, s2;
	s4 =	spop (v2sf)  }
0x123: {  	p1 =	sne.s32 s2, $0x0;
	p0 =	sgt.u32 s4, $0xC3FF  }
.Ltmp16:
0x124: {  	s5 =	sshrl.u32 @!p0 s4, $0x3;
	(pc) =	sbr.rel @!p1 .LBB2_23-.Ltmp16, $4  }
0x125: {  	s0 =	simm.s32 $0xE0;
	s4 =	sand.u32 @!p0 $0x7, s4;
	s5 =	sadd.s32 @!p0 s1, s5  }
0x126: {  	[hbm4b:s5+s4] =	stream.linear.scatter @!p0 [tilespmem:s0], [sflag:$0x5], $0x1, $0x38;
	[tilespmem:$0x11A60] =	vst v63  }
0x127: {  	s5 =	simm.s32 $0x0  }
0x128: {  	s4 =	simm.s32 $0xC1;
	s5 =	simm.s32 @!p0 $0x4  }
.LBB2_22:
0x129: {  	v0 =	vld.msk [tilespmem:s4+$0x0], $0x1;
	s2 =	sadd.s32 $0xFFFFFFFF, s2;
	s3 =	sadd.s32 s3, s5  }
0x12a: {  	p0 =	sne.s32 s2, $0x0;
	_ =	sdelay $0x3  }
0x12b: {  	(v2sf) =	vpush v0, $0x0;
	_ =	sdelay $0xe  }
.Ltmp17:
0x12c: {  	s6 =	spop (v2sf);
	(pc) =	sbr.rel @p0 .LBB2_22-.Ltmp17, $4  }
0x12d: {  	s5 =	simm.s32 $0x0;
	p1 =	sgt.u32 s6, $0xC3FF  }
0x12e: {  	s0 =	sadd.s32 $0x1, s0;
	s5 =	simm.s32 @!p1 $0x4;
	s7 =	sshrl.u32 @!p1 s6, $0x3  }
0x12f: {  	s4 =	sadd.s32 $0x1, s4;
	s6 =	sand.u32 @!p1 $0x7, s6;
	s7 =	sadd.s32 @!p1 s1, s7  }
0x130: {  	[hbm4b:s7+s6] =	stream.linear.scatter @!p1 [tilespmem:s0], [sflag:$0x5], $0x1, $0x38;
	[tilespmem:$0x11A60] =	vst v63  }
.LBB2_23:
0x131: {  	s0 =	sadd.s32 s3, s5  }
0x132: {  	s3 =	sshrl.u32 s0, $0x2  }
.LBB2_24:
0x133: {  	s0 =	simm.s32 $0x5  }
0x134: {  	_ =	swait.ge [sflag:s0], s3  }
0x135: {  	s1 =	ssub.s32 $0x0, s3;
	[sflag:s0] =	ssyncset.done $0x0  }
0x136: {  	[sflag:s0] =	ssyncadd.s32 s1  }
0x137: {  	[sflag:s0] =	ssyncpa.u1 $0x1  }
0x138: {  	s29 =	simm.s32 $0x1;
	_ =	sfence  }
0x139: {  	s30 =	simm.s32 $0x2;
	[sflag:s29] =	ssyncpa.u1 $0x1  }
0x13a: {  	[sflag:s30] =	ssyncpa.u1 $0x1  }
0x13b: {  	_ =	strace $0x90000047  }
0x13c: {  	[bflag:$0x2] =	sbarrier.arrive $0xFFFF  }
0x13d: {  	s31 =	rddreg [dreg:$0x1]  }
0x13e: {  	s0 =	sadd.s32 $0x100000, s31  }
0x13f: {  	[sflag:s0] =	ssyncadd.tile.s32 $0x1;
	_ =	shalt  }
.Lfunc_end2:
_tile_overlayer_lowered:
.L_overlay_start_2:
0x140: {  	(tag) =	ssettag $0x2  }
0x141: {  	s0 =	rddreg [dreg:$0x0];
	s2 =	stileid.u32  }
0x142: {  	s1 =	rddreg [dreg:$0x1];
	p0 =	sne.s32 s2, $0x0  }
0x143: {  	s3 =	rddreg [dreg:$0x2];
	[bflag:$0x3] =	sbarrier.arrive $0xFFFF;
	s2 =	simm.s32 @!p0 $0x1C01  }
0x144: {  	[timem:s3], [sflag:s2] =	dma.local @!p0 [hbm:s0], s1  }
0x145: {  	s0 =	simm.s32 @!p0 $0x1  }
0x146: {  	_ =	swait.ge @!p0 [sflag:s0], s1  }
0x147: {  	s1 =	ssub.s32 @!p0 $0x0, s1;
	[sflag:s0] =	ssyncset.done @!p0 $0x0  }
0x148: {  	[sflag:s0] =	ssyncadd.s32 @!p0 s1  }
0x149: {  	[bflag:$0x3] =	sbarrier.arrive $0xFFFF  }
0x14a: {  	_ =	shalt  }

</sc_bundles>
